<compile_context>
chip_gen: v7x
topology: tpu7x:2x2x1
jax: 0.10.2.dev20260603
libtpu: 0.0.44.dev20260713+nightly
codegen_flags: <defaults>
</compile_context>

<pallas_src>
import functools

import jax
import jax.numpy as jnp
from jax import lax
from jax.experimental import pallas as pl
from jax.experimental.pallas import tpu as pltpu
from jax.experimental.pallas import tpu_sc as plsc

DIM = 512
MEM = 100000
NCH = DIM // 16
NWORKERS = 32
PATROWS = 1024
PROWS_PW = PATROWS // 16

SC_ROWS = 24576
NPW = SC_ROWS // NWORKERS
CHUNK = 48
NBUF = 2
NCHUNKS = NPW // CHUNK
GROUPS = CHUNK // 16
TC_BLOCK = 4000
TC_BLOCK0 = SC_ROWS // TC_BLOCK
TC_NB = (MEM - TC_BLOCK0 * TC_BLOCK) // TC_BLOCK


def _tc_scan_body(pattern_ref, sp_ref, mean_ref, var_ref, w1_ref, b1_ref,
                  w2_ref, b2_ref, part_ref, min_ref, pmean_ref):
    i = pl.program_id(0)

    @pl.when(i == 0)
    def _init():
        pmean = jnp.mean(pattern_ref[...], axis=0, keepdims=True)
        pmean_ref[...] = pmean
        z = jnp.mean(jnp.abs((pmean - mean_ref[...]) /
                             (jnp.sqrt(var_ref[...]) + 1e-6)))
        stat_sim = jnp.exp(-z * 0.5)
        h = (lax.dot_general(pmean, w1_ref[:, :DIM], (((1,), (1,)), ((), ())))
             + lax.dot_general(mean_ref[...], w1_ref[:, DIM:],
                               (((1,), (1,)), ((), ())))
             + b1_ref[...])
        h = jnp.maximum(h, 0.0)
        neural = jax.nn.sigmoid(jnp.sum(h * w2_ref[...]) + b2_ref[0])
        part_ref[0] = stat_sim * 0.4 + neural * 0.3
        min_ref[0] = jnp.inf

    diff = sp_ref[...] - pmean_ref[...]
    d2 = jnp.min(jnp.sum(diff * diff, axis=1))
    min_ref[0] = jnp.minimum(min_ref[0], d2)


def _combine_body(sc_min_ref, tc_min_ref, part_ref, out_ref):
    m = jnp.minimum(jnp.min(sc_min_ref[...]), tc_min_ref[0])
    out_ref[0] = part_ref[0] + 0.3 * jnp.exp(-jnp.sqrt(m))


def _sc_scan_body(sp_hbm, pat_hbm, out_hbm, pbuf, psum_v, zbuf, pat_v,
                  idx_v, bufs, a_v, stage_v, shared, sems, psem):
    cid = lax.axis_index("c")
    sid = lax.axis_index("s")
    wid = sid * 2 + cid
    base = wid * NPW
    lane = jax.lax.iota(jnp.int32, 16)

    def start(i, buf, sem):
        row0 = pl.multiple_of(base + i * CHUNK, 8)
        pltpu.make_async_copy(sp_hbm.at[pl.ds(row0, CHUNK)], buf, sem).start()

    def wait(buf, sem):
        pltpu.make_async_copy(sp_hbm.at[pl.ds(base, CHUNK)], buf, sem).wait()

    for b in range(NBUF):
        start(b, bufs[b], sems[b])

    prow0 = pl.multiple_of(sid * PROWS_PW, 8)
    pcopy = pltpu.make_async_copy(pat_hbm.at[pl.ds(prow0, PROWS_PW)], pbuf,
                                  psem)
    pcopy.start()
    for c in range(NCH):
        zbuf[c] = jnp.zeros((16,), jnp.float32)
    idx_v[pl.ds(0, 16)] = lane
    idx_v[pl.ds(16, 16)] = lane + 16

    @pl.when(sid == 0)
    def _zero():
        pltpu.sync_copy(zbuf, shared)

    pcopy.wait()
    plsc.subcore_barrier()
    for c in range(NCH):
        def psum_body(r, acc, c=c):
            return acc + pbuf[r, pl.ds(16 * c, 16)]

        acc = lax.fori_loop(1, PROWS_PW, psum_body,
                            pbuf[0, pl.ds(16 * c, 16)])
        psum_v[c] = acc
    pltpu.sync_copy(psum_v, shared.at[idx_v], add=True)
    plsc.subcore_barrier()
    pltpu.sync_copy(shared, pat_v)
    scale = jnp.float32(1.0 / PATROWS)
    pats = [pat_v[c] * scale for c in range(NCH)]

    def compute(buf, mins):
        def group_body(g, mins):
            def row_body(q, carry):
                for u in range(4):
                    r = q * 4 + u
                    row = g * 16 + r
                    d = buf[row, pl.ds(0, 16)] - pats[0]
                    acc = d * d
                    for c in range(1, NCH):
                        d = buf[row, pl.ds(16 * c, 16)] - pats[c]
                        acc = acc + d * d
                    a_v[r] = acc
                return carry

            lax.fori_loop(0, 4, row_body, 0)
            tot = plsc.load_gather(
                a_v, [lane, jnp.full((16,), 0, jnp.int32)])
            for c in range(1, 16):
                tot = tot + plsc.load_gather(
                    a_v, [lane, jnp.full((16,), c, jnp.int32)])
            return jnp.minimum(mins, tot)

        return lax.fori_loop(0, GROUPS, group_body, mins)

    mins0 = jnp.full((16,), jnp.inf, dtype=jnp.float32)

    def ring_body(jb, mins):
        for b in range(NBUF):
            i = jb * NBUF + b
            wait(bufs[b], sems[b])
            mins = compute(bufs[b], mins)

            @pl.when(i + NBUF < NCHUNKS)
            def _(i=i, b=b):
                start(i + NBUF, bufs[b], sems[b])

        return mins

    mins = lax.fori_loop(0, NCHUNKS // NBUF, ring_body, mins0)

    stage_v[...] = mins
    pltpu.sync_copy(stage_v, out_hbm.at[wid])


@functools.partial(
    pl.kernel,
    mesh=plsc.VectorSubcoreMesh(core_axis_name="c", subcore_axis_name="s"),
    out_type=jax.ShapeDtypeStruct((NWORKERS, 16), jnp.float32),
    compiler_params=pltpu.CompilerParams(needs_layout_passes=False),
    scratch_types=(
        [pltpu.VMEM((PROWS_PW, DIM), jnp.float32),
         pltpu.VMEM((NCH, 16), jnp.float32),
         pltpu.VMEM((NCH, 16), jnp.float32),
         pltpu.VMEM((NCH, 16), jnp.float32),
         pltpu.VMEM((NCH,), jnp.int32)]
        + [pltpu.VMEM((CHUNK, DIM), jnp.float32) for _ in range(NBUF)]
        + [pltpu.VMEM((16, 16), jnp.float32),
           pltpu.VMEM((16,), jnp.float32),
           pltpu.VMEM_SHARED((NCH, 16), jnp.float32)]
        + [pltpu.SemaphoreType.DMA for _ in range(NBUF + 1)]
    ),
)
def _sc_scan(sp_hbm, pat_hbm, out_hbm, pbuf, psum_v, zbuf, pat_v, idx_v,
             *rest):
    bufs = rest[:NBUF]
    a_v, stage_v, shared = rest[NBUF], rest[NBUF + 1], rest[NBUF + 2]
    sems = rest[NBUF + 3:NBUF + 3 + NBUF]
    psem = rest[NBUF + 3 + NBUF]
    _sc_scan_body(sp_hbm, pat_hbm, out_hbm, pbuf, psum_v, zbuf, pat_v,
                  idx_v, bufs, a_v, stage_v, shared, sems, psem)


def kernel(pattern, self_patterns, self_mean, self_var, W1, b1, W2, b2):
    sc_min = _sc_scan(self_patterns, pattern)

    part, tc_min = pl.pallas_call(
        _tc_scan_body,
        grid=(TC_NB,),
        in_specs=[
            pl.BlockSpec((PATROWS, DIM), lambda i: (0, 0)),
            pl.BlockSpec((TC_BLOCK, DIM), lambda i: (TC_BLOCK0 + i, 0)),
            pl.BlockSpec((1, DIM), lambda i: (0, 0)),
            pl.BlockSpec((1, DIM), lambda i: (0, 0)),
            pl.BlockSpec((DIM, 2 * DIM), lambda i: (0, 0)),
            pl.BlockSpec((1, DIM), lambda i: (0, 0)),
            pl.BlockSpec((1, DIM), lambda i: (0, 0)),
            pl.BlockSpec(memory_space=pltpu.SMEM),
        ],
        out_specs=[pl.BlockSpec(memory_space=pltpu.SMEM),
                   pl.BlockSpec(memory_space=pltpu.SMEM)],
        out_shape=[jax.ShapeDtypeStruct((1,), jnp.float32),
                   jax.ShapeDtypeStruct((1,), jnp.float32)],
        scratch_shapes=[pltpu.VMEM((1, DIM), jnp.float32)],
    )(pattern, self_patterns, self_mean.reshape(1, DIM),
      self_var.reshape(1, DIM), W1, b1.reshape(1, DIM), W2, b2)

    out = pl.pallas_call(
        _combine_body,
        in_specs=[
            pl.BlockSpec((NWORKERS, 16), lambda: (0, 0)),
            pl.BlockSpec(memory_space=pltpu.SMEM),
            pl.BlockSpec(memory_space=pltpu.SMEM),
        ],
        out_specs=pl.BlockSpec(memory_space=pltpu.SMEM),
        out_shape=jax.ShapeDtypeStruct((1,), jnp.float32),
    )(sc_min, tc_min, part)
    return out[0]

# --- scband reference (transcript-rebuilt; emitter-appended) ---
"""Pipeline reference for scband-immunological-layer-24215025615201 (READ-ONLY COPY).

The authoritative reference and input builder live on the scoring server;
editing this copy changes nothing except your own understanding.
"""

import jax, jax.numpy as jnp
import numpy as np

DIM = 512
MEMORY_SIZE = 100000

def setup_inputs(seed: int = 0) -> dict:
    key = jax.random.key(seed)
    ks = jax.random.split(key, 8)
    pattern = jax.random.normal(ks[0], (1024, DIM), dtype=jnp.float32)
    self_patterns = jax.random.normal(ks[1], (MEMORY_SIZE, DIM), dtype=jnp.float32)
    self_mean = jax.random.normal(ks[2], (DIM,), dtype=jnp.float32) * 0.1
    self_var = jax.random.uniform(ks[3], (DIM,), dtype=jnp.float32, minval=0.5, maxval=1.5)
    W1 = jax.random.normal(ks[4], (DIM, 2 * DIM), dtype=jnp.float32) * (1.0 / np.sqrt(2 * DIM))
    b1 = jnp.zeros((DIM,), dtype=jnp.float32)
    W2 = jax.random.normal(ks[5], (1, DIM), dtype=jnp.float32) * (1.0 / np.sqrt(DIM))
    b2 = jnp.zeros((1,), dtype=jnp.float32)
    return {"pattern": pattern, "self_patterns": self_patterns, "self_mean": self_mean,
            "self_var": self_var, "W1": W1, "b1": b1, "W2": W2, "b2": b2}

def reference(pattern, self_patterns, self_mean, self_var, W1, b1, W2, b2):
    # ImmunologicalLayer.recognize, assuming immune memory is filled
    if pattern.ndim > 1:
        pattern = pattern.mean(axis=0)
    # statistical z-score similarity
    z_score = jnp.mean(jnp.abs((pattern - self_mean) / (jnp.sqrt(self_var) + 1e-6)))
    statistical_similarity = jnp.exp(-z_score * 0.5)
    # nearest-neighbor retrieval against self_patterns (torch.cdist + min)
    diff = pattern[None, :] - self_patterns
    distances = jnp.sqrt(jnp.sum(diff * diff, axis=-1))
    min_distance = jnp.min(distances)
    nn_similarity = jnp.exp(-min_distance)
    # learned recognizer MLP: Linear(2d->d) -> ReLU -> Linear(d->1) -> Sigmoid
    combined = jnp.concatenate([pattern, self_mean])
    h = jnp.maximum(combined @ W1.T + b1, 0.0)
    neural_similarity = jax.nn.sigmoid(h @ W2.T + b2)
    similarity = statistical_similarity * 0.4 + nn_similarity * 0.3 + jnp.squeeze(neural_similarity) * 0.3
    return similarity

if __name__ == "__main__":
    import jax
    _d = setup_inputs()
    print(jax.jit(kernel)(*tuple(_d.values())))

</pallas_src>

<mosaic_0001>
#map = affine_map<(d0, d1) -> (0, 0)>
module attributes {stable_mosaic.version = 14 : i64} {
  func.func @_sc_scan(%arg0: i32, %arg1: i32, %arg2: memref<100000x512xf32, #tpu.memory_space<hbm>>, %arg3: memref<1024x512xf32, #tpu.memory_space<hbm>>, %arg4: memref<32x16xf32, #tpu.memory_space<hbm>>, %arg5: memref<64x512xf32, #tpu.memory_space<vmem>>, %arg6: memref<32x16xf32, #tpu.memory_space<vmem>>, %arg7: memref<32x16xf32, #tpu.memory_space<vmem>>, %arg8: memref<32x16xf32, #tpu.memory_space<vmem>>, %arg9: memref<32xi32, #tpu.memory_space<vmem>>, %arg10: memref<48x512xf32, #tpu.memory_space<vmem>>, %arg11: memref<48x512xf32, #tpu.memory_space<vmem>>, %arg12: memref<16x16xf32, #tpu.memory_space<vmem>>, %arg13: memref<16xf32, #tpu.memory_space<vmem>>, %arg14: memref<32x16xf32, #tpu.memory_space<vmem_shared>>, %arg15: memref<!tpu.dma_semaphore, #tpu.memory_space<semaphore_mem>>, %arg16: memref<!tpu.dma_semaphore, #tpu.memory_space<semaphore_mem>>, %arg17: memref<!tpu.dma_semaphore, #tpu.memory_space<semaphore_mem>>) attributes {dimension_semantics = [#tpu.dimension_semantics<core_parallel>, #tpu.dimension_semantics<subcore_parallel>], iteration_bounds = array<i64: 2, 16>, scalar_prefetch = 0 : i64, scratch_operands = 13 : i64, tpu.core_type = #tpu.core_type<sc_vector_subcore>, window_params = [{transform_indices = #map}, {transform_indices = #map}, {transform_indices = #map}]} {
    %mul3A = arith.constant 2 : i32
    %mul3A_0 = arith.muli %arg1, %mul3A : i32
    %add3A = arith.addi %mul3A_0, %arg0 : i32
    %mul3A_1 = arith.constant 768 : i32
    %mul3A_2 = arith.muli %add3A, %mul3A_1 : i32
    %iota3A = tpu.iota {dimensions = array<i32: 0>} : vector<16xi32>
    %add3A_3 = arith.constant 0 : i32
    %add3A_4 = arith.addi %mul3A_2, %add3A_3 : i32
    %multiple_of3A = tpu.assume_multiple %add3A_4, 8 : i32
    %dma_start3A = arith.constant 0 : i32
    %dma_start3A_5 = tpu.memref_slice %arg2[%multiple_of3A, %dma_start3A] : memref<100000x512xf32, #tpu.memory_space<hbm>> -> memref<48x512xf32, #tpu.memory_space<hbm>>
    %dma_start3A_6 = arith.constant 0 : i32
    %dma_start3A_7 = tpu.memref_slice %arg2[%multiple_of3A, %dma_start3A_6] : memref<100000x512xf32, #tpu.memory_space<hbm>> -> memref<48x512xf32, #tpu.memory_space<hbm>>
    tpu.enqueue_dma source(%dma_start3A_7 : memref<48x512xf32, #tpu.memory_space<hbm>>) target(%arg10 : memref<48x512xf32, #tpu.memory_space<vmem>>) target_semaphore(%arg15 : memref<!tpu.dma_semaphore, #tpu.memory_space<semaphore_mem>>)
    %add3A_8 = arith.constant 48 : i32
    %add3A_9 = arith.addi %mul3A_2, %add3A_8 : i32
    %multiple_of3A_10 = tpu.assume_multiple %add3A_9, 8 : i32
    %dma_start3A_11 = arith.constant 0 : i32
    %dma_start3A_12 = tpu.memref_slice %arg2[%multiple_of3A_10, %dma_start3A_11] : memref<100000x512xf32, #tpu.memory_space<hbm>> -> memref<48x512xf32, #tpu.memory_space<hbm>>
    %dma_start3A_13 = arith.constant 0 : i32
    %dma_start3A_14 = tpu.memref_slice %arg2[%multiple_of3A_10, %dma_start3A_13] : memref<100000x512xf32, #tpu.memory_space<hbm>> -> memref<48x512xf32, #tpu.memory_space<hbm>>
    tpu.enqueue_dma source(%dma_start3A_14 : memref<48x512xf32, #tpu.memory_space<hbm>>) target(%arg11 : memref<48x512xf32, #tpu.memory_space<vmem>>) target_semaphore(%arg16 : memref<!tpu.dma_semaphore, #tpu.memory_space<semaphore_mem>>)
    %mul3A_15 = arith.constant 64 : i32
    %mul3A_16 = arith.muli %arg1, %mul3A_15 : i32
    %multiple_of3A_17 = tpu.assume_multiple %mul3A_16, 8 : i32
    %dma_start3A_18 = arith.constant 0 : i32
    %dma_start3A_19 = tpu.memref_slice %arg3[%multiple_of3A_17, %dma_start3A_18] : memref<1024x512xf32, #tpu.memory_space<hbm>> -> memref<64x512xf32, #tpu.memory_space<hbm>>
    %dma_start3A_20 = arith.constant 0 : i32
    %dma_start3A_21 = tpu.memref_slice %arg3[%multiple_of3A_17, %dma_start3A_20] : memref<1024x512xf32, #tpu.memory_space<hbm>> -> memref<64x512xf32, #tpu.memory_space<hbm>>
    tpu.enqueue_dma source(%dma_start3A_21 : memref<64x512xf32, #tpu.memory_space<hbm>>) target(%arg5 : memref<64x512xf32, #tpu.memory_space<vmem>>) target_semaphore(%arg17 : memref<!tpu.dma_semaphore, #tpu.memory_space<semaphore_mem>>)
    %broadcast_in_dim3A = arith.constant 0.000000e+00 : f32
    %broadcast_in_dim3A_22 = vector.broadcast %broadcast_in_dim3A : f32 to vector<16xf32>
    %swap3A = arith.constant 0 : i32
    %swap3A_23 = arith.index_cast %swap3A : i32 to index
    %swap3A_24 = arith.constant 0 : index
    %swap3A_25 = tpu.vector_load %arg7[%swap3A_23, %swap3A_24] {strides = array<i32>} : memref<32x16xf32, #tpu.memory_space<vmem>>, vector<16xf32>,
    tpu.vector_store %arg7[%swap3A_23, %swap3A_24], %broadcast_in_dim3A_22 {strides = array<i32>} : memref<32x16xf32, #tpu.memory_space<vmem>>, vector<16xf32>,
    %broadcast_in_dim3A_26 = arith.constant 0.000000e+00 : f32
    %broadcast_in_dim3A_27 = vector.broadcast %broadcast_in_dim3A_26 : f32 to vector<16xf32>
    %swap3A_28 = arith.constant 1 : i32
    %swap3A_29 = arith.index_cast %swap3A_28 : i32 to index
    %swap3A_30 = arith.constant 0 : index
    %swap3A_31 = tpu.vector_load %arg7[%swap3A_29, %swap3A_30] {strides = array<i32>} : memref<32x16xf32, #tpu.memory_space<vmem>>, vector<16xf32>,
    tpu.vector_store %arg7[%swap3A_29, %swap3A_30], %broadcast_in_dim3A_27 {strides = array<i32>} : memref<32x16xf32, #tpu.memory_space<vmem>>, vector<16xf32>,
    %broadcast_in_dim3A_32 = arith.constant 0.000000e+00 : f32
    %broadcast_in_dim3A_33 = vector.broadcast %broadcast_in_dim3A_32 : f32 to vector<16xf32>
    %swap3A_34 = arith.constant 2 : i32
    %swap3A_35 = arith.index_cast %swap3A_34 : i32 to index
    %swap3A_36 = arith.constant 0 : index
    %swap3A_37 = tpu.vector_load %arg7[%swap3A_35, %swap3A_36] {strides = array<i32>} : memref<32x16xf32, #tpu.memory_space<vmem>>, vector<16xf32>,
    tpu.vector_store %arg7[%swap3A_35, %swap3A_36], %broadcast_in_dim3A_33 {strides = array<i32>} : memref<32x16xf32, #tpu.memory_space<vmem>>, vector<16xf32>,
    %broadcast_in_dim3A_38 = arith.constant 0.000000e+00 : f32
    %broadcast_in_dim3A_39 = vector.broadcast %broadcast_in_dim3A_38 : f32 to vector<16xf32>
    %swap3A_40 = arith.constant 3 : i32
    %swap3A_41 = arith.index_cast %swap3A_40 : i32 to index
    %swap3A_42 = arith.constant 0 : index
    %swap3A_43 = tpu.vector_load %arg7[%swap3A_41, %swap3A_42] {strides = array<i32>} : memref<32x16xf32, #tpu.memory_space<vmem>>, vector<16xf32>,
    tpu.vector_store %arg7[%swap3A_41, %swap3A_42], %broadcast_in_dim3A_39 {strides = array<i32>} : memref<32x16xf32, #tpu.memory_space<vmem>>, vector<16xf32>,
    %broadcast_in_dim3A_44 = arith.constant 0.000000e+00 : f32
    %broadcast_in_dim3A_45 = vector.broadcast %broadcast_in_dim3A_44 : f32 to vector<16xf32>
    %swap3A_46 = arith.constant 4 : i32
    %swap3A_47 = arith.index_cast %swap3A_46 : i32 to index
    %swap3A_48 = arith.constant 0 : index
    %swap3A_49 = tpu.vector_load %arg7[%swap3A_47, %swap3A_48] {strides = array<i32>} : memref<32x16xf32, #tpu.memory_space<vmem>>, vector<16xf32>,
    tpu.vector_store %arg7[%swap3A_47, %swap3A_48], %broadcast_in_dim3A_45 {strides = array<i32>} : memref<32x16xf32, #tpu.memory_space<vmem>>, vector<16xf32>,
    %broadcast_in_dim3A_50 = arith.constant 0.000000e+00 : f32
    %broadcast_in_dim3A_51 = vector.broadcast %broadcast_in_dim3A_50 : f32 to vector<16xf32>
    %swap3A_52 = arith.constant 5 : i32
    %swap3A_53 = arith.index_cast %swap3A_52 : i32 to index
    %swap3A_54 = arith.constant 0 : index
    %swap3A_55 = tpu.vector_load %arg7[%swap3A_53, %swap3A_54] {strides = array<i32>} : memref<32x16xf32, #tpu.memory_space<vmem>>, vector<16xf32>,
    tpu.vector_store %arg7[%swap3A_53, %swap3A_54], %broadcast_in_dim3A_51 {strides = array<i32>} : memref<32x16xf32, #tpu.memory_space<vmem>>, vector<16xf32>,
    %broadcast_in_dim3A_56 = arith.constant 0.000000e+00 : f32
    %broadcast_in_dim3A_57 = vector.broadcast %broadcast_in_dim3A_56 : f32 to vector<16xf32>
    %swap3A_58 = arith.constant 6 : i32
    %swap3A_59 = arith.index_cast %swap3A_58 : i32 to index
    %swap3A_60 = arith.constant 0 : index
    %swap3A_61 = tpu.vector_load %arg7[%swap3A_59, %swap3A_60] {strides = array<i32>} : memref<32x16xf32, #tpu.memory_space<vmem>>, vector<16xf32>,
    tpu.vector_store %arg7[%swap3A_59, %swap3A_60], %broadcast_in_dim3A_57 {strides = array<i32>} : memref<32x16xf32, #tpu.memory_space<vmem>>, vector<16xf32>,
    %broadcast_in_dim3A_62 = arith.constant 0.000000e+00 : f32
    %broadcast_in_dim3A_63 = vector.broadcast %broadcast_in_dim3A_62 : f32 to vector<16xf32>
    %swap3A_64 = arith.constant 7 : i32
    %swap3A_65 = arith.index_cast %swap3A_64 : i32 to index
    %swap3A_66 = arith.constant 0 : index
    %swap3A_67 = tpu.vector_load %arg7[%swap3A_65, %swap3A_66] {strides = array<i32>} : memref<32x16xf32, #tpu.memory_space<vmem>>, vector<16xf32>,
    tpu.vector_store %arg7[%swap3A_65, %swap3A_66], %broadcast_in_dim3A_63 {strides = array<i32>} : memref<32x16xf32, #tpu.memory_space<vmem>>, vector<16xf32>,
    %broadcast_in_dim3A_68 = arith.constant 0.000000e+00 : f32
    %broadcast_in_dim3A_69 = vector.broadcast %broadcast_in_dim3A_68 : f32 to vector<16xf32>
    %swap3A_70 = arith.constant 8 : i32
    %swap3A_71 = arith.index_cast %swap3A_70 : i32 to index
    %swap3A_72 = arith.constant 0 : index
    %swap3A_73 = tpu.vector_load %arg7[%swap3A_71, %swap3A_72] {strides = array<i32>} : memref<32x16xf32, #tpu.memory_space<vmem>>, vector<16xf32>,
    tpu.vector_store %arg7[%swap3A_71, %swap3A_72], %broadcast_in_dim3A_69 {strides = array<i32>} : memref<32x16xf32, #tpu.memory_space<vmem>>, vector<16xf32>,
    %broadcast_in_dim3A_74 = arith.constant 0.000000e+00 : f32
    %broadcast_in_dim3A_75 = vector.broadcast %broadcast_in_dim3A_74 : f32 to vector<16xf32>
    %swap3A_76 = arith.constant 9 : i32
    %swap3A_77 = arith.index_cast %swap3A_76 : i32 to index
    %swap3A_78 = arith.constant 0 : index
    %swap3A_79 = tpu.vector_load %arg7[%swap3A_77, %swap3A_78] {strides = array<i32>} : memref<32x16xf32, #tpu.memory_space<vmem>>, vector<16xf32>,
    tpu.vector_store %arg7[%swap3A_77, %swap3A_78], %broadcast_in_dim3A_75 {strides = array<i32>} : memref<32x16xf32, #tpu.memory_space<vmem>>, vector<16xf32>,
    %broadcast_in_dim3A_80 = arith.constant 0.000000e+00 : f32
    %broadcast_in_dim3A_81 = vector.broadcast %broadcast_in_dim3A_80 : f32 to vector<16xf32>
    %swap3A_82 = arith.constant 10 : i32
    %swap3A_83 = arith.index_cast %swap3A_82 : i32 to index
    %swap3A_84 = arith.constant 0 : index
    %swap3A_85 = tpu.vector_load %arg7[%swap3A_83, %swap3A_84] {strides = array<i32>} : memref<32x16xf32, #tpu.memory_space<vmem>>, vector<16xf32>,
    tpu.vector_store %arg7[%swap3A_83, %swap3A_84], %broadcast_in_dim3A_81 {strides = array<i32>} : memref<32x16xf32, #tpu.memory_space<vmem>>, vector<16xf32>,
    %broadcast_in_dim3A_86 = arith.constant 0.000000e+00 : f32
    %broadcast_in_dim3A_87 = vector.broadcast %broadcast_in_dim3A_86 : f32 to vector<16xf32>
    %swap3A_88 = arith.constant 11 : i32
    %swap3A_89 = arith.index_cast %swap3A_88 : i32 to index
    %swap3A_90 = arith.constant 0 : index
    %swap3A_91 = tpu.vector_load %arg7[%swap3A_89, %swap3A_90] {strides = array<i32>} : memref<32x16xf32, #tpu.memory_space<vmem>>, vector<16xf32>,
    tpu.vector_store %arg7[%swap3A_89, %swap3A_90], %broadcast_in_dim3A_87 {strides = array<i32>} : memref<32x16xf32, #tpu.memory_space<vmem>>, vector<16xf32>,
    %broadcast_in_dim3A_92 = arith.constant 0.000000e+00 : f32
    %broadcast_in_dim3A_93 = vector.broadcast %broadcast_in_dim3A_92 : f32 to vector<16xf32>
    %swap3A_94 = arith.constant 12 : i32
    %swap3A_95 = arith.index_cast %swap3A_94 : i32 to index
    %swap3A_96 = arith.constant 0 : index
    %swap3A_97 = tpu.vector_load %arg7[%swap3A_95, %swap3A_96] {strides = array<i32>} : memref<32x16xf32, #tpu.memory_space<vmem>>, vector<16xf32>,
    tpu.vector_store %arg7[%swap3A_95, %swap3A_96], %broadcast_in_dim3A_93 {strides = array<i32>} : memref<32x16xf32, #tpu.memory_space<vmem>>, vector<16xf32>,
    %broadcast_in_dim3A_98 = arith.constant 0.000000e+00 : f32
    %broadcast_in_dim3A_99 = vector.broadcast %broadcast_in_dim3A_98 : f32 to vector<16xf32>
    %swap3A_100 = arith.constant 13 : i32
    %swap3A_101 = arith.index_cast %swap3A_100 : i32 to index
    %swap3A_102 = arith.constant 0 : index
    %swap3A_103 = tpu.vector_load %arg7[%swap3A_101, %swap3A_102] {strides = array<i32>} : memref<32x16xf32, #tpu.memory_space<vmem>>, vector<16xf32>,
    tpu.vector_store %arg7[%swap3A_101, %swap3A_102], %broadcast_in_dim3A_99 {strides = array<i32>} : memref<32x16xf32, #tpu.memory_space<vmem>>, vector<16xf32>,
    %broadcast_in_dim3A_104 = arith.constant 0.000000e+00 : f32
    %broadcast_in_dim3A_105 = vector.broadcast %broadcast_in_dim3A_104 : f32 to vector<16xf32>
    %swap3A_106 = arith.constant 14 : i32
    %swap3A_107 = arith.index_cast %swap3A_106 : i32 to index
    %swap3A_108 = arith.constant 0 : index
    %swap3A_109 = tpu.vector_load %arg7[%swap3A_107, %swap3A_108] {strides = array<i32>} : memref<32x16xf32, #tpu.memory_space<vmem>>, vector<16xf32>,
    tpu.vector_store %arg7[%swap3A_107, %swap3A_108], %broadcast_in_dim3A_105 {strides = array<i32>} : memref<32x16xf32, #tpu.memory_space<vmem>>, vector<16xf32>,
    %broadcast_in_dim3A_110 = arith.constant 0.000000e+00 : f32
    %broadcast_in_dim3A_111 = vector.broadcast %broadcast_in_dim3A_110 : f32 to vector<16xf32>
    %swap3A_112 = arith.constant 15 : i32
    %swap3A_113 = arith.index_cast %swap3A_112 : i32 to index
    %swap3A_114 = arith.constant 0 : index
    %swap3A_115 = tpu.vector_load %arg7[%swap3A_113, %swap3A_114] {strides = array<i32>} : memref<32x16xf32, #tpu.memory_space<vmem>>, vector<16xf32>,
    tpu.vector_store %arg7[%swap3A_113, %swap3A_114], %broadcast_in_dim3A_111 {strides = array<i32>} : memref<32x16xf32, #tpu.memory_space<vmem>>, vector<16xf32>,
    %broadcast_in_dim3A_116 = arith.constant 0.000000e+00 : f32
    %broadcast_in_dim3A_117 = vector.broadcast %broadcast_in_dim3A_116 : f32 to vector<16xf32>
    %swap3A_118 = arith.constant 16 : i32
    %swap3A_119 = arith.index_cast %swap3A_118 : i32 to index
    %swap3A_120 = arith.constant 0 : index
    %swap3A_121 = tpu.vector_load %arg7[%swap3A_119, %swap3A_120] {strides = array<i32>} : memref<32x16xf32, #tpu.memory_space<vmem>>, vector<16xf32>,
    tpu.vector_store %arg7[%swap3A_119, %swap3A_120], %broadcast_in_dim3A_117 {strides = array<i32>} : memref<32x16xf32, #tpu.memory_space<vmem>>, vector<16xf32>,
    %broadcast_in_dim3A_122 = arith.constant 0.000000e+00 : f32
    %broadcast_in_dim3A_123 = vector.broadcast %broadcast_in_dim3A_122 : f32 to vector<16xf32>
    %swap3A_124 = arith.constant 17 : i32
    %swap3A_125 = arith.index_cast %swap3A_124 : i32 to index
    %swap3A_126 = arith.constant 0 : index
    %swap3A_127 = tpu.vector_load %arg7[%swap3A_125, %swap3A_126] {strides = array<i32>} : memref<32x16xf32, #tpu.memory_space<vmem>>, vector<16xf32>,
    tpu.vector_store %arg7[%swap3A_125, %swap3A_126], %broadcast_in_dim3A_123 {strides = array<i32>} : memref<32x16xf32, #tpu.memory_space<vmem>>, vector<16xf32>,
    %broadcast_in_dim3A_128 = arith.constant 0.000000e+00 : f32
    %broadcast_in_dim3A_129 = vector.broadcast %broadcast_in_dim3A_128 : f32 to vector<16xf32>
    %swap3A_130 = arith.constant 18 : i32
    %swap3A_131 = arith.index_cast %swap3A_130 : i32 to index
    %swap3A_132 = arith.constant 0 : index
    %swap3A_133 = tpu.vector_load %arg7[%swap3A_131, %swap3A_132] {strides = array<i32>} : memref<32x16xf32, #tpu.memory_space<vmem>>, vector<16xf32>,
    tpu.vector_store %arg7[%swap3A_131, %swap3A_132], %broadcast_in_dim3A_129 {strides = array<i32>} : memref<32x16xf32, #tpu.memory_space<vmem>>, vector<16xf32>,
    %broadcast_in_dim3A_134 = arith.constant 0.000000e+00 : f32
    %broadcast_in_dim3A_135 = vector.broadcast %broadcast_in_dim3A_134 : f32 to vector<16xf32>
    %swap3A_136 = arith.constant 19 : i32
    %swap3A_137 = arith.index_cast %swap3A_136 : i32 to index
    %swap3A_138 = arith.constant 0 : index
    %swap3A_139 = tpu.vector_load %arg7[%swap3A_137, %swap3A_138] {strides = array<i32>} : memref<32x16xf32, #tpu.memory_space<vmem>>, vector<16xf32>,
    tpu.vector_store %arg7[%swap3A_137, %swap3A_138], %broadcast_in_dim3A_135 {strides = array<i32>} : memref<32x16xf32, #tpu.memory_space<vmem>>, vector<16xf32>,
    %broadcast_in_dim3A_140 = arith.constant 0.000000e+00 : f32
    %broadcast_in_dim3A_141 = vector.broadcast %broadcast_in_dim3A_140 : f32 to vector<16xf32>
    %swap3A_142 = arith.constant 20 : i32
    %swap3A_143 = arith.index_cast %swap3A_142 : i32 to index
    %swap3A_144 = arith.constant 0 : index
    %swap3A_145 = tpu.vector_load %arg7[%swap3A_143, %swap3A_144] {strides = array<i32>} : memref<32x16xf32, #tpu.memory_space<vmem>>, vector<16xf32>,
    tpu.vector_store %arg7[%swap3A_143, %swap3A_144], %broadcast_in_dim3A_141 {strides = array<i32>} : memref<32x16xf32, #tpu.memory_space<vmem>>, vector<16xf32>,
    %broadcast_in_dim3A_146 = arith.constant 0.000000e+00 : f32
    %broadcast_in_dim3A_147 = vector.broadcast %broadcast_in_dim3A_146 : f32 to vector<16xf32>
    %swap3A_148 = arith.constant 21 : i32
    %swap3A_149 = arith.index_cast %swap3A_148 : i32 to index
    %swap3A_150 = arith.constant 0 : index
    %swap3A_151 = tpu.vector_load %arg7[%swap3A_149, %swap3A_150] {strides = array<i32>} : memref<32x16xf32, #tpu.memory_space<vmem>>, vector<16xf32>,
    tpu.vector_store %arg7[%swap3A_149, %swap3A_150], %broadcast_in_dim3A_147 {strides = array<i32>} : memref<32x16xf32, #tpu.memory_space<vmem>>, vector<16xf32>,
    %broadcast_in_dim3A_152 = arith.constant 0.000000e+00 : f32
    %broadcast_in_dim3A_153 = vector.broadcast %broadcast_in_dim3A_152 : f32 to vector<16xf32>
    %swap3A_154 = arith.constant 22 : i32
    %swap3A_155 = arith.index_cast %swap3A_154 : i32 to index
    %swap3A_156 = arith.constant 0 : index
    %swap3A_157 = tpu.vector_load %arg7[%swap3A_155, %swap3A_156] {strides = array<i32>} : memref<32x16xf32, #tpu.memory_space<vmem>>, vector<16xf32>,
    tpu.vector_store %arg7[%swap3A_155, %swap3A_156], %broadcast_in_dim3A_153 {strides = array<i32>} : memref<32x16xf32, #tpu.memory_space<vmem>>, vector<16xf32>,
    %broadcast_in_dim3A_158 = arith.constant 0.000000e+00 : f32
    %broadcast_in_dim3A_159 = vector.broadcast %broadcast_in_dim3A_158 : f32 to vector<16xf32>
    %swap3A_160 = arith.constant 23 : i32
    %swap3A_161 = arith.index_cast %swap3A_160 : i32 to index
    %swap3A_162 = arith.constant 0 : index
    %swap3A_163 = tpu.vector_load %arg7[%swap3A_161, %swap3A_162] {strides = array<i32>} : memref<32x16xf32, #tpu.memory_space<vmem>>, vector<16xf32>,
    tpu.vector_store %arg7[%swap3A_161, %swap3A_162], %broadcast_in_dim3A_159 {strides = array<i32>} : memref<32x16xf32, #tpu.memory_space<vmem>>, vector<16xf32>,
    %broadcast_in_dim3A_164 = arith.constant 0.000000e+00 : f32
    %broadcast_in_dim3A_165 = vector.broadcast %broadcast_in_dim3A_164 : f32 to vector<16xf32>
    %swap3A_166 = arith.constant 24 : i32
    %swap3A_167 = arith.index_cast %swap3A_166 : i32 to index
    %swap3A_168 = arith.constant 0 : index
    %swap3A_169 = tpu.vector_load %arg7[%swap3A_167, %swap3A_168] {strides = array<i32>} : memref<32x16xf32, #tpu.memory_space<vmem>>, vector<16xf32>,
    tpu.vector_store %arg7[%swap3A_167, %swap3A_168], %broadcast_in_dim3A_165 {strides = array<i32>} : memref<32x16xf32, #tpu.memory_space<vmem>>, vector<16xf32>,
    %broadcast_in_dim3A_170 = arith.constant 0.000000e+00 : f32
    %broadcast_in_dim3A_171 = vector.broadcast %broadcast_in_dim3A_170 : f32 to vector<16xf32>
    %swap3A_172 = arith.constant 25 : i32
    %swap3A_173 = arith.index_cast %swap3A_172 : i32 to index
    %swap3A_174 = arith.constant 0 : index
    %swap3A_175 = tpu.vector_load %arg7[%swap3A_173, %swap3A_174] {strides = array<i32>} : memref<32x16xf32, #tpu.memory_space<vmem>>, vector<16xf32>,
    tpu.vector_store %arg7[%swap3A_173, %swap3A_174], %broadcast_in_dim3A_171 {strides = array<i32>} : memref<32x16xf32, #tpu.memory_space<vmem>>, vector<16xf32>,
    %broadcast_in_dim3A_176 = arith.constant 0.000000e+00 : f32
    %broadcast_in_dim3A_177 = vector.broadcast %broadcast_in_dim3A_176 : f32 to vector<16xf32>
    %swap3A_178 = arith.constant 26 : i32
    %swap3A_179 = arith.index_cast %swap3A_178 : i32 to index
    %swap3A_180 = arith.constant 0 : index
    %swap3A_181 = tpu.vector_load %arg7[%swap3A_179, %swap3A_180] {strides = array<i32>} : memref<32x16xf32, #tpu.memory_space<vmem>>, vector<16xf32>,
    tpu.vector_store %arg7[%swap3A_179, %swap3A_180], %broadcast_in_dim3A_177 {strides = array<i32>} : memref<32x16xf32, #tpu.memory_space<vmem>>, vector<16xf32>,
    %broadcast_in_dim3A_182 = arith.constant 0.000000e+00 : f32
    %broadcast_in_dim3A_183 = vector.broadcast %broadcast_in_dim3A_182 : f32 to vector<16xf32>
    %swap3A_184 = arith.constant 27 : i32
    %swap3A_185 = arith.index_cast %swap3A_184 : i32 to index
    %swap3A_186 = arith.constant 0 : index
    %swap3A_187 = tpu.vector_load %arg7[%swap3A_185, %swap3A_186] {strides = array<i32>} : memref<32x16xf32, #tpu.memory_space<vmem>>, vector<16xf32>,
    tpu.vector_store %arg7[%swap3A_185, %swap3A_186], %broadcast_in_dim3A_183 {strides = array<i32>} : memref<32x16xf32, #tpu.memory_space<vmem>>, vector<16xf32>,
    %broadcast_in_dim3A_188 = arith.constant 0.000000e+00 : f32
    %broadcast_in_dim3A_189 = vector.broadcast %broadcast_in_dim3A_188 : f32 to vector<16xf32>
    %swap3A_190 = arith.constant 28 : i32
    %swap3A_191 = arith.index_cast %swap3A_190 : i32 to index
    %swap3A_192 = arith.constant 0 : index
    %swap3A_193 = tpu.vector_load %arg7[%swap3A_191, %swap3A_192] {strides = array<i32>} : memref<32x16xf32, #tpu.memory_space<vmem>>, vector<16xf32>,
    tpu.vector_store %arg7[%swap3A_191, %swap3A_192], %broadcast_in_dim3A_189 {strides = array<i32>} : memref<32x16xf32, #tpu.memory_space<vmem>>, vector<16xf32>,
    %broadcast_in_dim3A_194 = arith.constant 0.000000e+00 : f32
    %broadcast_in_dim3A_195 = vector.broadcast %broadcast_in_dim3A_194 : f32 to vector<16xf32>
    %swap3A_196 = arith.constant 29 : i32
    %swap3A_197 = arith.index_cast %swap3A_196 : i32 to index
    %swap3A_198 = arith.constant 0 : index
    %swap3A_199 = tpu.vector_load %arg7[%swap3A_197, %swap3A_198] {strides = array<i32>} : memref<32x16xf32, #tpu.memory_space<vmem>>, vector<16xf32>,
    tpu.vector_store %arg7[%swap3A_197, %swap3A_198], %broadcast_in_dim3A_195 {strides = array<i32>} : memref<32x16xf32, #tpu.memory_space<vmem>>, vector<16xf32>,
    %broadcast_in_dim3A_200 = arith.constant 0.000000e+00 : f32
    %broadcast_in_dim3A_201 = vector.broadcast %broadcast_in_dim3A_200 : f32 to vector<16xf32>
    %swap3A_202 = arith.constant 30 : i32
    %swap3A_203 = arith.index_cast %swap3A_202 : i32 to index
    %swap3A_204 = arith.constant 0 : index
    %swap3A_205 = tpu.vector_load %arg7[%swap3A_203, %swap3A_204] {strides = array<i32>} : memref<32x16xf32, #tpu.memory_space<vmem>>, vector<16xf32>,
    tpu.vector_store %arg7[%swap3A_203, %swap3A_204], %broadcast_in_dim3A_201 {strides = array<i32>} : memref<32x16xf32, #tpu.memory_space<vmem>>, vector<16xf32>,
    %broadcast_in_dim3A_206 = arith.constant 0.000000e+00 : f32
    %broadcast_in_dim3A_207 = vector.broadcast %broadcast_in_dim3A_206 : f32 to vector<16xf32>
    %swap3A_208 = arith.constant 31 : i32
    %swap3A_209 = arith.index_cast %swap3A_208 : i32 to index
    %swap3A_210 = arith.constant 0 : index
    %swap3A_211 = tpu.vector_load %arg7[%swap3A_209, %swap3A_210] {strides = array<i32>} : memref<32x16xf32, #tpu.memory_space<vmem>>, vector<16xf32>,
    tpu.vector_store %arg7[%swap3A_209, %swap3A_210], %broadcast_in_dim3A_207 {strides = array<i32>} : memref<32x16xf32, #tpu.memory_space<vmem>>, vector<16xf32>,
    %swap3A_212 = arith.constant 0 : index
    %swap3A_213 = tpu.vector_load %arg9[%swap3A_212] {strides = array<i32>} : memref<32xi32, #tpu.memory_space<vmem>>, vector<16xi32>,
    tpu.vector_store %arg9[%swap3A_212], %iota3A {strides = array<i32>} : memref<32xi32, #tpu.memory_space<vmem>>, vector<16xi32>,
    %add3A_214 = arith.constant 16 : i32
    %add3A_215 = vector.broadcast %add3A_214 : i32 to vector<16xi32>
    %add3A_216 = arith.addi %iota3A, %add3A_215 : vector<16xi32>
    %swap3A_217 = arith.constant 16 : index
    %swap3A_218 = tpu.vector_load %arg9[%swap3A_217] {strides = array<i32>} : memref<32xi32, #tpu.memory_space<vmem>>, vector<16xi32>,
    tpu.vector_store %arg9[%swap3A_217], %add3A_216 {strides = array<i32>} : memref<32xi32, #tpu.memory_space<vmem>>, vector<16xi32>,
    %eq3A = arith.constant 0 : i32
    %eq3A_219 = arith.cmpi eq, %arg1, %eq3A : i32
    %convert_element_type3A = arith.extui %eq3A_219 : i1 to i32
    %cond3A = arith.constant 0 : i32
    %cond3A_220 = arith.cmpi ne, %convert_element_type3A, %cond3A : i32
    scf.if %cond3A_220 {
      "tpu.region"() ({
        %run_scoped3A = tpu.sem_alloc : memref<!tpu.dma_semaphore, #tpu.memory_space<semaphore_mem>>
        tpu.enqueue_dma source(%arg7 : memref<32x16xf32, #tpu.memory_space<vmem>>) target(%arg14 : memref<32x16xf32, #tpu.memory_space<vmem_shared>>) target_semaphore(%run_scoped3A : memref<!tpu.dma_semaphore, #tpu.memory_space<semaphore_mem>>)
        tpu.wait_dma2 semaphore(%run_scoped3A : memref<!tpu.dma_semaphore, #tpu.memory_space<semaphore_mem>>) src(%arg7 : memref<32x16xf32, #tpu.memory_space<vmem>>) dst(%arg14 : memref<32x16xf32, #tpu.memory_space<vmem_shared>>)
        tpu.yield
      }) : () -> ()
    } else {
    }
    %dma_wait3A = arith.constant 0 : i32
    %dma_wait3A_221 = tpu.memref_slice %arg3[%multiple_of3A_17, %dma_wait3A] : memref<1024x512xf32, #tpu.memory_space<hbm>> -> memref<64x512xf32, #tpu.memory_space<hbm>>
    %dma_wait3A_222 = arith.constant 0 : i32
    %dma_wait3A_223 = tpu.memref_slice %arg3[%multiple_of3A_17, %dma_wait3A_222] : memref<1024x512xf32, #tpu.memory_space<hbm>> -> memref<64x512xf32, #tpu.memory_space<hbm>>
    tpu.wait_dma2 semaphore(%arg17 : memref<!tpu.dma_semaphore, #tpu.memory_space<semaphore_mem>>) src(%dma_wait3A_223 : memref<64x512xf32, #tpu.memory_space<hbm>>) dst(%arg5 : memref<64x512xf32, #tpu.memory_space<vmem>>)
    %barrier3A = arith.constant 0 : index
    tpu.barrier barrier_id(%barrier3A)
    %get3A = arith.constant 0 : i32
    %get3A_224 = arith.index_cast %get3A : i32 to index
    %get3A_225 = arith.constant 0 : index
    %get3A_226 = tpu.vector_load %arg5[%get3A_224, %get3A_225] {strides = array<i32>} : memref<64x512xf32, #tpu.memory_space<vmem>>, vector<16xf32>,
    %scan3A = arith.constant 1 : i32
    %scan3A_227 = arith.constant 63 : i32
    %scan3A_228 = arith.addi %scan3A, %scan3A_227 : i32
    %scan3A_229 = arith.constant 1 : i32
    %scan3A_230 = scf.for %scan3A_905 = %scan3A to %scan3A_228 step %scan3A_229 iter_args(%scan3A_906 = %get3A_226) -> (vector<16xf32>)  : i32 {
      %get3A_907 = arith.index_cast %scan3A_905 : i32 to index
      %get3A_908 = arith.constant 0 : index
      %get3A_909 = tpu.vector_load %arg5[%get3A_907, %get3A_908] {strides = array<i32>} : memref<64x512xf32, #tpu.memory_space<vmem>>, vector<16xf32>,
      %add3A_910 = arith.addf %scan3A_906, %get3A_909 : vector<16xf32>
      scf.yield %add3A_910 : vector<16xf32>
    }
    %scan3A_231 = arith.constant 63 : i32
    %swap3A_232 = arith.constant 0 : i32
    %swap3A_233 = arith.index_cast %swap3A_232 : i32 to index
    %swap3A_234 = arith.constant 0 : index
    %swap3A_235 = tpu.vector_load %arg6[%swap3A_233, %swap3A_234] {strides = array<i32>} : memref<32x16xf32, #tpu.memory_space<vmem>>, vector<16xf32>,
    tpu.vector_store %arg6[%swap3A_233, %swap3A_234], %scan3A_230 {strides = array<i32>} : memref<32x16xf32, #tpu.memory_space<vmem>>, vector<16xf32>,
    %get3A_236 = arith.constant 0 : i32
    %get3A_237 = arith.index_cast %get3A_236 : i32 to index
    %get3A_238 = arith.constant 16 : index
    %get3A_239 = tpu.vector_load %arg5[%get3A_237, %get3A_238] {strides = array<i32>} : memref<64x512xf32, #tpu.memory_space<vmem>>, vector<16xf32>,
    %scan3A_240 = arith.constant 1 : i32
    %scan3A_241 = arith.constant 63 : i32
    %scan3A_242 = arith.addi %scan3A_240, %scan3A_241 : i32
    %scan3A_243 = arith.constant 1 : i32
    %scan3A_244 = scf.for %scan3A_905 = %scan3A_240 to %scan3A_242 step %scan3A_243 iter_args(%scan3A_906 = %get3A_239) -> (vector<16xf32>)  : i32 {
      %get3A_907 = arith.index_cast %scan3A_905 : i32 to index
      %get3A_908 = arith.constant 16 : index
      %get3A_909 = tpu.vector_load %arg5[%get3A_907, %get3A_908] {strides = array<i32>} : memref<64x512xf32, #tpu.memory_space<vmem>>, vector<16xf32>,
      %add3A_910 = arith.addf %scan3A_906, %get3A_909 : vector<16xf32>
      scf.yield %add3A_910 : vector<16xf32>
    }
    %scan3A_245 = arith.constant 63 : i32
    %swap3A_246 = arith.constant 1 : i32
    %swap3A_247 = arith.index_cast %swap3A_246 : i32 to index
    %swap3A_248 = arith.constant 0 : index
    %swap3A_249 = tpu.vector_load %arg6[%swap3A_247, %swap3A_248] {strides = array<i32>} : memref<32x16xf32, #tpu.memory_space<vmem>>, vector<16xf32>,
    tpu.vector_store %arg6[%swap3A_247, %swap3A_248], %scan3A_244 {strides = array<i32>} : memref<32x16xf32, #tpu.memory_space<vmem>>, vector<16xf32>,
    %get3A_250 = arith.constant 0 : i32
    %get3A_251 = arith.index_cast %get3A_250 : i32 to index
    %get3A_252 = arith.constant 32 : index
    %get3A_253 = tpu.vector_load %arg5[%get3A_251, %get3A_252] {strides = array<i32>} : memref<64x512xf32, #tpu.memory_space<vmem>>, vector<16xf32>,
    %scan3A_254 = arith.constant 1 : i32
    %scan3A_255 = arith.constant 63 : i32
    %scan3A_256 = arith.addi %scan3A_254, %scan3A_255 : i32
    %scan3A_257 = arith.constant 1 : i32
    %scan3A_258 = scf.for %scan3A_905 = %scan3A_254 to %scan3A_256 step %scan3A_257 iter_args(%scan3A_906 = %get3A_253) -> (vector<16xf32>)  : i32 {
      %get3A_907 = arith.index_cast %scan3A_905 : i32 to index
      %get3A_908 = arith.constant 32 : index
      %get3A_909 = tpu.vector_load %arg5[%get3A_907, %get3A_908] {strides = array<i32>} : memref<64x512xf32, #tpu.memory_space<vmem>>, vector<16xf32>,
      %add3A_910 = arith.addf %scan3A_906, %get3A_909 : vector<16xf32>
      scf.yield %add3A_910 : vector<16xf32>
    }
    %scan3A_259 = arith.constant 63 : i32
    %swap3A_260 = arith.constant 2 : i32
    %swap3A_261 = arith.index_cast %swap3A_260 : i32 to index
    %swap3A_262 = arith.constant 0 : index
    %swap3A_263 = tpu.vector_load %arg6[%swap3A_261, %swap3A_262] {strides = array<i32>} : memref<32x16xf32, #tpu.memory_space<vmem>>, vector<16xf32>,
    tpu.vector_store %arg6[%swap3A_261, %swap3A_262], %scan3A_258 {strides = array<i32>} : memref<32x16xf32, #tpu.memory_space<vmem>>, vector<16xf32>,
    %get3A_264 = arith.constant 0 : i32
    %get3A_265 = arith.index_cast %get3A_264 : i32 to index
    %get3A_266 = arith.constant 48 : index
    %get3A_267 = tpu.vector_load %arg5[%get3A_265, %get3A_266] {strides = array<i32>} : memref<64x512xf32, #tpu.memory_space<vmem>>, vector<16xf32>,
    %scan3A_268 = arith.constant 1 : i32
    %scan3A_269 = arith.constant 63 : i32
    %scan3A_270 = arith.addi %scan3A_268, %scan3A_269 : i32
    %scan3A_271 = arith.constant 1 : i32
    %scan3A_272 = scf.for %scan3A_905 = %scan3A_268 to %scan3A_270 step %scan3A_271 iter_args(%scan3A_906 = %get3A_267) -> (vector<16xf32>)  : i32 {
      %get3A_907 = arith.index_cast %scan3A_905 : i32 to index
      %get3A_908 = arith.constant 48 : index
      %get3A_909 = tpu.vector_load %arg5[%get3A_907, %get3A_908] {strides = array<i32>} : memref<64x512xf32, #tpu.memory_space<vmem>>, vector<16xf32>,
      %add3A_910 = arith.addf %scan3A_906, %get3A_909 : vector<16xf32>
      scf.yield %add3A_910 : vector<16xf32>
    }
    %scan3A_273 = arith.constant 63 : i32
    %swap3A_274 = arith.constant 3 : i32
    %swap3A_275 = arith.index_cast %swap3A_274 : i32 to index
    %swap3A_276 = arith.constant 0 : index
    %swap3A_277 = tpu.vector_load %arg6[%swap3A_275, %swap3A_276] {strides = array<i32>} : memref<32x16xf32, #tpu.memory_space<vmem>>, vector<16xf32>,
    tpu.vector_store %arg6[%swap3A_275, %swap3A_276], %scan3A_272 {strides = array<i32>} : memref<32x16xf32, #tpu.memory_space<vmem>>, vector<16xf32>,
    %get3A_278 = arith.constant 0 : i32
    %get3A_279 = arith.index_cast %get3A_278 : i32 to index
    %get3A_280 = arith.constant 64 : index
    %get3A_281 = tpu.vector_load %arg5[%get3A_279, %get3A_280] {strides = array<i32>} : memref<64x512xf32, #tpu.memory_space<vmem>>, vector<16xf32>,
    %scan3A_282 = arith.constant 1 : i32
    %scan3A_283 = arith.constant 63 : i32
    %scan3A_284 = arith.addi %scan3A_282, %scan3A_283 : i32
    %scan3A_285 = arith.constant 1 : i32
    %scan3A_286 = scf.for %scan3A_905 = %scan3A_282 to %scan3A_284 step %scan3A_285 iter_args(%scan3A_906 = %get3A_281) -> (vector<16xf32>)  : i32 {
      %get3A_907 = arith.index_cast %scan3A_905 : i32 to index
      %get3A_908 = arith.constant 64 : index
      %get3A_909 = tpu.vector_load %arg5[%get3A_907, %get3A_908] {strides = array<i32>} : memref<64x512xf32, #tpu.memory_space<vmem>>, vector<16xf32>,
      %add3A_910 = arith.addf %scan3A_906, %get3A_909 : vector<16xf32>
      scf.yield %add3A_910 : vector<16xf32>
    }
    %scan3A_287 = arith.constant 63 : i32
    %swap3A_288 = arith.constant 4 : i32
    %swap3A_289 = arith.index_cast %swap3A_288 : i32 to index
    %swap3A_290 = arith.constant 0 : index
    %swap3A_291 = tpu.vector_load %arg6[%swap3A_289, %swap3A_290] {strides = array<i32>} : memref<32x16xf32, #tpu.memory_space<vmem>>, vector<16xf32>,
    tpu.vector_store %arg6[%swap3A_289, %swap3A_290], %scan3A_286 {strides = array<i32>} : memref<32x16xf32, #tpu.memory_space<vmem>>, vector<16xf32>,
    %get3A_292 = arith.constant 0 : i32
    %get3A_293 = arith.index_cast %get3A_292 : i32 to index
    %get3A_294 = arith.constant 80 : index
    %get3A_295 = tpu.vector_load %arg5[%get3A_293, %get3A_294] {strides = array<i32>} : memref<64x512xf32, #tpu.memory_space<vmem>>, vector<16xf32>,
    %scan3A_296 = arith.constant 1 : i32
    %scan3A_297 = arith.constant 63 : i32
    %scan3A_298 = arith.addi %scan3A_296, %scan3A_297 : i32
    %scan3A_299 = arith.constant 1 : i32
    %scan3A_300 = scf.for %scan3A_905 = %scan3A_296 to %scan3A_298 step %scan3A_299 iter_args(%scan3A_906 = %get3A_295) -> (vector<16xf32>)  : i32 {
      %get3A_907 = arith.index_cast %scan3A_905 : i32 to index
      %get3A_908 = arith.constant 80 : index
      %get3A_909 = tpu.vector_load %arg5[%get3A_907, %get3A_908] {strides = array<i32>} : memref<64x512xf32, #tpu.memory_space<vmem>>, vector<16xf32>,
      %add3A_910 = arith.addf %scan3A_906, %get3A_909 : vector<16xf32>
      scf.yield %add3A_910 : vector<16xf32>
    }
    %scan3A_301 = arith.constant 63 : i32
    %swap3A_302 = arith.constant 5 : i32
    %swap3A_303 = arith.index_cast %swap3A_302 : i32 to index
    %swap3A_304 = arith.constant 0 : index
    %swap3A_305 = tpu.vector_load %arg6[%swap3A_303, %swap3A_304] {strides = array<i32>} : memref<32x16xf32, #tpu.memory_space<vmem>>, vector<16xf32>,
    tpu.vector_store %arg6[%swap3A_303, %swap3A_304], %scan3A_300 {strides = array<i32>} : memref<32x16xf32, #tpu.memory_space<vmem>>, vector<16xf32>,
    %get3A_306 = arith.constant 0 : i32
    %get3A_307 = arith.index_cast %get3A_306 : i32 to index
    %get3A_308 = arith.constant 96 : index
    %get3A_309 = tpu.vector_load %arg5[%get3A_307, %get3A_308] {strides = array<i32>} : memref<64x512xf32, #tpu.memory_space<vmem>>, vector<16xf32>,
    %scan3A_310 = arith.constant 1 : i32
    %scan3A_311 = arith.constant 63 : i32
    %scan3A_312 = arith.addi %scan3A_310, %scan3A_311 : i32
    %scan3A_313 = arith.constant 1 : i32
    %scan3A_314 = scf.for %scan3A_905 = %scan3A_310 to %scan3A_312 step %scan3A_313 iter_args(%scan3A_906 = %get3A_309) -> (vector<16xf32>)  : i32 {
      %get3A_907 = arith.index_cast %scan3A_905 : i32 to index
      %get3A_908 = arith.constant 96 : index
      %get3A_909 = tpu.vector_load %arg5[%get3A_907, %get3A_908] {strides = array<i32>} : memref<64x512xf32, #tpu.memory_space<vmem>>, vector<16xf32>,
      %add3A_910 = arith.addf %scan3A_906, %get3A_909 : vector<16xf32>
      scf.yield %add3A_910 : vector<16xf32>
    }
    %scan3A_315 = arith.constant 63 : i32
    %swap3A_316 = arith.constant 6 : i32
    %swap3A_317 = arith.index_cast %swap3A_316 : i32 to index
    %swap3A_318 = arith.constant 0 : index
    %swap3A_319 = tpu.vector_load %arg6[%swap3A_317, %swap3A_318] {strides = array<i32>} : memref<32x16xf32, #tpu.memory_space<vmem>>, vector<16xf32>,
    tpu.vector_store %arg6[%swap3A_317, %swap3A_318], %scan3A_314 {strides = array<i32>} : memref<32x16xf32, #tpu.memory_space<vmem>>, vector<16xf32>,
    %get3A_320 = arith.constant 0 : i32
    %get3A_321 = arith.index_cast %get3A_320 : i32 to index
    %get3A_322 = arith.constant 112 : index
    %get3A_323 = tpu.vector_load %arg5[%get3A_321, %get3A_322] {strides = array<i32>} : memref<64x512xf32, #tpu.memory_space<vmem>>, vector<16xf32>,
    %scan3A_324 = arith.constant 1 : i32
    %scan3A_325 = arith.constant 63 : i32
    %scan3A_326 = arith.addi %scan3A_324, %scan3A_325 : i32
    %scan3A_327 = arith.constant 1 : i32
    %scan3A_328 = scf.for %scan3A_905 = %scan3A_324 to %scan3A_326 step %scan3A_327 iter_args(%scan3A_906 = %get3A_323) -> (vector<16xf32>)  : i32 {
      %get3A_907 = arith.index_cast %scan3A_905 : i32 to index
      %get3A_908 = arith.constant 112 : index
      %get3A_909 = tpu.vector_load %arg5[%get3A_907, %get3A_908] {strides = array<i32>} : memref<64x512xf32, #tpu.memory_space<vmem>>, vector<16xf32>,
      %add3A_910 = arith.addf %scan3A_906, %get3A_909 : vector<16xf32>
      scf.yield %add3A_910 : vector<16xf32>
    }
    %scan3A_329 = arith.constant 63 : i32
    %swap3A_330 = arith.constant 7 : i32
    %swap3A_331 = arith.index_cast %swap3A_330 : i32 to index
    %swap3A_332 = arith.constant 0 : index
    %swap3A_333 = tpu.vector_load %arg6[%swap3A_331, %swap3A_332] {strides = array<i32>} : memref<32x16xf32, #tpu.memory_space<vmem>>, vector<16xf32>,
    tpu.vector_store %arg6[%swap3A_331, %swap3A_332], %scan3A_328 {strides = array<i32>} : memref<32x16xf32, #tpu.memory_space<vmem>>, vector<16xf32>,
    %get3A_334 = arith.constant 0 : i32
    %get3A_335 = arith.index_cast %get3A_334 : i32 to index
    %get3A_336 = arith.constant 128 : index
    %get3A_337 = tpu.vector_load %arg5[%get3A_335, %get3A_336] {strides = array<i32>} : memref<64x512xf32, #tpu.memory_space<vmem>>, vector<16xf32>,
    %scan3A_338 = arith.constant 1 : i32
    %scan3A_339 = arith.constant 63 : i32
    %scan3A_340 = arith.addi %scan3A_338, %scan3A_339 : i32
    %scan3A_341 = arith.constant 1 : i32
    %scan3A_342 = scf.for %scan3A_905 = %scan3A_338 to %scan3A_340 step %scan3A_341 iter_args(%scan3A_906 = %get3A_337) -> (vector<16xf32>)  : i32 {
      %get3A_907 = arith.index_cast %scan3A_905 : i32 to index
      %get3A_908 = arith.constant 128 : index
      %get3A_909 = tpu.vector_load %arg5[%get3A_907, %get3A_908] {strides = array<i32>} : memref<64x512xf32, #tpu.memory_space<vmem>>, vector<16xf32>,
      %add3A_910 = arith.addf %scan3A_906, %get3A_909 : vector<16xf32>
      scf.yield %add3A_910 : vector<16xf32>
    }
    %scan3A_343 = arith.constant 63 : i32
    %swap3A_344 = arith.constant 8 : i32
    %swap3A_345 = arith.index_cast %swap3A_344 : i32 to index
    %swap3A_346 = arith.constant 0 : index
    %swap3A_347 = tpu.vector_load %arg6[%swap3A_345, %swap3A_346] {strides = array<i32>} : memref<32x16xf32, #tpu.memory_space<vmem>>, vector<16xf32>,
    tpu.vector_store %arg6[%swap3A_345, %swap3A_346], %scan3A_342 {strides = array<i32>} : memref<32x16xf32, #tpu.memory_space<vmem>>, vector<16xf32>,
    %get3A_348 = arith.constant 0 : i32
    %get3A_349 = arith.index_cast %get3A_348 : i32 to index
    %get3A_350 = arith.constant 144 : index
    %get3A_351 = tpu.vector_load %arg5[%get3A_349, %get3A_350] {strides = array<i32>} : memref<64x512xf32, #tpu.memory_space<vmem>>, vector<16xf32>,
    %scan3A_352 = arith.constant 1 : i32
    %scan3A_353 = arith.constant 63 : i32
    %scan3A_354 = arith.addi %scan3A_352, %scan3A_353 : i32
    %scan3A_355 = arith.constant 1 : i32
    %scan3A_356 = scf.for %scan3A_905 = %scan3A_352 to %scan3A_354 step %scan3A_355 iter_args(%scan3A_906 = %get3A_351) -> (vector<16xf32>)  : i32 {
      %get3A_907 = arith.index_cast %scan3A_905 : i32 to index
      %get3A_908 = arith.constant 144 : index
      %get3A_909 = tpu.vector_load %arg5[%get3A_907, %get3A_908] {strides = array<i32>} : memref<64x512xf32, #tpu.memory_space<vmem>>, vector<16xf32>,
      %add3A_910 = arith.addf %scan3A_906, %get3A_909 : vector<16xf32>
      scf.yield %add3A_910 : vector<16xf32>
    }
    %scan3A_357 = arith.constant 63 : i32
    %swap3A_358 = arith.constant 9 : i32
    %swap3A_359 = arith.index_cast %swap3A_358 : i32 to index
    %swap3A_360 = arith.constant 0 : index
    %swap3A_361 = tpu.vector_load %arg6[%swap3A_359, %swap3A_360] {strides = array<i32>} : memref<32x16xf32, #tpu.memory_space<vmem>>, vector<16xf32>,
    tpu.vector_store %arg6[%swap3A_359, %swap3A_360], %scan3A_356 {strides = array<i32>} : memref<32x16xf32, #tpu.memory_space<vmem>>, vector<16xf32>,
    %get3A_362 = arith.constant 0 : i32
    %get3A_363 = arith.index_cast %get3A_362 : i32 to index
    %get3A_364 = arith.constant 160 : index
    %get3A_365 = tpu.vector_load %arg5[%get3A_363, %get3A_364] {strides = array<i32>} : memref<64x512xf32, #tpu.memory_space<vmem>>, vector<16xf32>,
    %scan3A_366 = arith.constant 1 : i32
    %scan3A_367 = arith.constant 63 : i32
    %scan3A_368 = arith.addi %scan3A_366, %scan3A_367 : i32
    %scan3A_369 = arith.constant 1 : i32
    %scan3A_370 = scf.for %scan3A_905 = %scan3A_366 to %scan3A_368 step %scan3A_369 iter_args(%scan3A_906 = %get3A_365) -> (vector<16xf32>)  : i32 {
      %get3A_907 = arith.index_cast %scan3A_905 : i32 to index
      %get3A_908 = arith.constant 160 : index
      %get3A_909 = tpu.vector_load %arg5[%get3A_907, %get3A_908] {strides = array<i32>} : memref<64x512xf32, #tpu.memory_space<vmem>>, vector<16xf32>,
      %add3A_910 = arith.addf %scan3A_906, %get3A_909 : vector<16xf32>
      scf.yield %add3A_910 : vector<16xf32>
    }
    %scan3A_371 = arith.constant 63 : i32
    %swap3A_372 = arith.constant 10 : i32
    %swap3A_373 = arith.index_cast %swap3A_372 : i32 to index
    %swap3A_374 = arith.constant 0 : index
    %swap3A_375 = tpu.vector_load %arg6[%swap3A_373, %swap3A_374] {strides = array<i32>} : memref<32x16xf32, #tpu.memory_space<vmem>>, vector<16xf32>,
    tpu.vector_store %arg6[%swap3A_373, %swap3A_374], %scan3A_370 {strides = array<i32>} : memref<32x16xf32, #tpu.memory_space<vmem>>, vector<16xf32>,
    %get3A_376 = arith.constant 0 : i32
    %get3A_377 = arith.index_cast %get3A_376 : i32 to index
    %get3A_378 = arith.constant 176 : index
    %get3A_379 = tpu.vector_load %arg5[%get3A_377, %get3A_378] {strides = array<i32>} : memref<64x512xf32, #tpu.memory_space<vmem>>, vector<16xf32>,
    %scan3A_380 = arith.constant 1 : i32
    %scan3A_381 = arith.constant 63 : i32
    %scan3A_382 = arith.addi %scan3A_380, %scan3A_381 : i32
    %scan3A_383 = arith.constant 1 : i32
    %scan3A_384 = scf.for %scan3A_905 = %scan3A_380 to %scan3A_382 step %scan3A_383 iter_args(%scan3A_906 = %get3A_379) -> (vector<16xf32>)  : i32 {
      %get3A_907 = arith.index_cast %scan3A_905 : i32 to index
      %get3A_908 = arith.constant 176 : index
      %get3A_909 = tpu.vector_load %arg5[%get3A_907, %get3A_908] {strides = array<i32>} : memref<64x512xf32, #tpu.memory_space<vmem>>, vector<16xf32>,
      %add3A_910 = arith.addf %scan3A_906, %get3A_909 : vector<16xf32>
      scf.yield %add3A_910 : vector<16xf32>
    }
    %scan3A_385 = arith.constant 63 : i32
    %swap3A_386 = arith.constant 11 : i32
    %swap3A_387 = arith.index_cast %swap3A_386 : i32 to index
    %swap3A_388 = arith.constant 0 : index
    %swap3A_389 = tpu.vector_load %arg6[%swap3A_387, %swap3A_388] {strides = array<i32>} : memref<32x16xf32, #tpu.memory_space<vmem>>, vector<16xf32>,
    tpu.vector_store %arg6[%swap3A_387, %swap3A_388], %scan3A_384 {strides = array<i32>} : memref<32x16xf32, #tpu.memory_space<vmem>>, vector<16xf32>,
    %get3A_390 = arith.constant 0 : i32
    %get3A_391 = arith.index_cast %get3A_390 : i32 to index
    %get3A_392 = arith.constant 192 : index
    %get3A_393 = tpu.vector_load %arg5[%get3A_391, %get3A_392] {strides = array<i32>} : memref<64x512xf32, #tpu.memory_space<vmem>>, vector<16xf32>,
    %scan3A_394 = arith.constant 1 : i32
    %scan3A_395 = arith.constant 63 : i32
    %scan3A_396 = arith.addi %scan3A_394, %scan3A_395 : i32
    %scan3A_397 = arith.constant 1 : i32
    %scan3A_398 = scf.for %scan3A_905 = %scan3A_394 to %scan3A_396 step %scan3A_397 iter_args(%scan3A_906 = %get3A_393) -> (vector<16xf32>)  : i32 {
      %get3A_907 = arith.index_cast %scan3A_905 : i32 to index
      %get3A_908 = arith.constant 192 : index
      %get3A_909 = tpu.vector_load %arg5[%get3A_907, %get3A_908] {strides = array<i32>} : memref<64x512xf32, #tpu.memory_space<vmem>>, vector<16xf32>,
      %add3A_910 = arith.addf %scan3A_906, %get3A_909 : vector<16xf32>
      scf.yield %add3A_910 : vector<16xf32>
    }
    %scan3A_399 = arith.constant 63 : i32
    %swap3A_400 = arith.constant 12 : i32
    %swap3A_401 = arith.index_cast %swap3A_400 : i32 to index
    %swap3A_402 = arith.constant 0 : index
    %swap3A_403 = tpu.vector_load %arg6[%swap3A_401, %swap3A_402] {strides = array<i32>} : memref<32x16xf32, #tpu.memory_space<vmem>>, vector<16xf32>,
    tpu.vector_store %arg6[%swap3A_401, %swap3A_402], %scan3A_398 {strides = array<i32>} : memref<32x16xf32, #tpu.memory_space<vmem>>, vector<16xf32>,
    %get3A_404 = arith.constant 0 : i32
    %get3A_405 = arith.index_cast %get3A_404 : i32 to index
    %get3A_406 = arith.constant 208 : index
    %get3A_407 = tpu.vector_load %arg5[%get3A_405, %get3A_406] {strides = array<i32>} : memref<64x512xf32, #tpu.memory_space<vmem>>, vector<16xf32>,
    %scan3A_408 = arith.constant 1 : i32
    %scan3A_409 = arith.constant 63 : i32
    %scan3A_410 = arith.addi %scan3A_408, %scan3A_409 : i32
    %scan3A_411 = arith.constant 1 : i32
    %scan3A_412 = scf.for %scan3A_905 = %scan3A_408 to %scan3A_410 step %scan3A_411 iter_args(%scan3A_906 = %get3A_407) -> (vector<16xf32>)  : i32 {
      %get3A_907 = arith.index_cast %scan3A_905 : i32 to index
      %get3A_908 = arith.constant 208 : index
      %get3A_909 = tpu.vector_load %arg5[%get3A_907, %get3A_908] {strides = array<i32>} : memref<64x512xf32, #tpu.memory_space<vmem>>, vector<16xf32>,
      %add3A_910 = arith.addf %scan3A_906, %get3A_909 : vector<16xf32>
      scf.yield %add3A_910 : vector<16xf32>
    }
    %scan3A_413 = arith.constant 63 : i32
    %swap3A_414 = arith.constant 13 : i32
    %swap3A_415 = arith.index_cast %swap3A_414 : i32 to index
    %swap3A_416 = arith.constant 0 : index
    %swap3A_417 = tpu.vector_load %arg6[%swap3A_415, %swap3A_416] {strides = array<i32>} : memref<32x16xf32, #tpu.memory_space<vmem>>, vector<16xf32>,
    tpu.vector_store %arg6[%swap3A_415, %swap3A_416], %scan3A_412 {strides = array<i32>} : memref<32x16xf32, #tpu.memory_space<vmem>>, vector<16xf32>,
    %get3A_418 = arith.constant 0 : i32
    %get3A_419 = arith.index_cast %get3A_418 : i32 to index
    %get3A_420 = arith.constant 224 : index
    %get3A_421 = tpu.vector_load %arg5[%get3A_419, %get3A_420] {strides = array<i32>} : memref<64x512xf32, #tpu.memory_space<vmem>>, vector<16xf32>,
    %scan3A_422 = arith.constant 1 : i32
    %scan3A_423 = arith.constant 63 : i32
    %scan3A_424 = arith.addi %scan3A_422, %scan3A_423 : i32
    %scan3A_425 = arith.constant 1 : i32
    %scan3A_426 = scf.for %scan3A_905 = %scan3A_422 to %scan3A_424 step %scan3A_425 iter_args(%scan3A_906 = %get3A_421) -> (vector<16xf32>)  : i32 {
      %get3A_907 = arith.index_cast %scan3A_905 : i32 to index
      %get3A_908 = arith.constant 224 : index
      %get3A_909 = tpu.vector_load %arg5[%get3A_907, %get3A_908] {strides = array<i32>} : memref<64x512xf32, #tpu.memory_space<vmem>>, vector<16xf32>,
      %add3A_910 = arith.addf %scan3A_906, %get3A_909 : vector<16xf32>
      scf.yield %add3A_910 : vector<16xf32>
    }
    %scan3A_427 = arith.constant 63 : i32
    %swap3A_428 = arith.constant 14 : i32
    %swap3A_429 = arith.index_cast %swap3A_428 : i32 to index
    %swap3A_430 = arith.constant 0 : index
    %swap3A_431 = tpu.vector_load %arg6[%swap3A_429, %swap3A_430] {strides = array<i32>} : memref<32x16xf32, #tpu.memory_space<vmem>>, vector<16xf32>,
    tpu.vector_store %arg6[%swap3A_429, %swap3A_430], %scan3A_426 {strides = array<i32>} : memref<32x16xf32, #tpu.memory_space<vmem>>, vector<16xf32>,
    %get3A_432 = arith.constant 0 : i32
    %get3A_433 = arith.index_cast %get3A_432 : i32 to index
    %get3A_434 = arith.constant 240 : index
    %get3A_435 = tpu.vector_load %arg5[%get3A_433, %get3A_434] {strides = array<i32>} : memref<64x512xf32, #tpu.memory_space<vmem>>, vector<16xf32>,
    %scan3A_436 = arith.constant 1 : i32
    %scan3A_437 = arith.constant 63 : i32
    %scan3A_438 = arith.addi %scan3A_436, %scan3A_437 : i32
    %scan3A_439 = arith.constant 1 : i32
    %scan3A_440 = scf.for %scan3A_905 = %scan3A_436 to %scan3A_438 step %scan3A_439 iter_args(%scan3A_906 = %get3A_435) -> (vector<16xf32>)  : i32 {
      %get3A_907 = arith.index_cast %scan3A_905 : i32 to index
      %get3A_908 = arith.constant 240 : index
      %get3A_909 = tpu.vector_load %arg5[%get3A_907, %get3A_908] {strides = array<i32>} : memref<64x512xf32, #tpu.memory_space<vmem>>, vector<16xf32>,
      %add3A_910 = arith.addf %scan3A_906, %get3A_909 : vector<16xf32>
      scf.yield %add3A_910 : vector<16xf32>
    }
    %scan3A_441 = arith.constant 63 : i32
    %swap3A_442 = arith.constant 15 : i32
    %swap3A_443 = arith.index_cast %swap3A_442 : i32 to index
    %swap3A_444 = arith.constant 0 : index
    %swap3A_445 = tpu.vector_load %arg6[%swap3A_443, %swap3A_444] {strides = array<i32>} : memref<32x16xf32, #tpu.memory_space<vmem>>, vector<16xf32>,
    tpu.vector_store %arg6[%swap3A_443, %swap3A_444], %scan3A_440 {strides = array<i32>} : memref<32x16xf32, #tpu.memory_space<vmem>>, vector<16xf32>,
    %get3A_446 = arith.constant 0 : i32
    %get3A_447 = arith.index_cast %get3A_446 : i32 to index
    %get3A_448 = arith.constant 256 : index
    %get3A_449 = tpu.vector_load %arg5[%get3A_447, %get3A_448] {strides = array<i32>} : memref<64x512xf32, #tpu.memory_space<vmem>>, vector<16xf32>,
    %scan3A_450 = arith.constant 1 : i32
    %scan3A_451 = arith.constant 63 : i32
    %scan3A_452 = arith.addi %scan3A_450, %scan3A_451 : i32
    %scan3A_453 = arith.constant 1 : i32
    %scan3A_454 = scf.for %scan3A_905 = %scan3A_450 to %scan3A_452 step %scan3A_453 iter_args(%scan3A_906 = %get3A_449) -> (vector<16xf32>)  : i32 {
      %get3A_907 = arith.index_cast %scan3A_905 : i32 to index
      %get3A_908 = arith.constant 256 : index
      %get3A_909 = tpu.vector_load %arg5[%get3A_907, %get3A_908] {strides = array<i32>} : memref<64x512xf32, #tpu.memory_space<vmem>>, vector<16xf32>,
      %add3A_910 = arith.addf %scan3A_906, %get3A_909 : vector<16xf32>
      scf.yield %add3A_910 : vector<16xf32>
    }
    %scan3A_455 = arith.constant 63 : i32
    %swap3A_456 = arith.constant 16 : i32
    %swap3A_457 = arith.index_cast %swap3A_456 : i32 to index
    %swap3A_458 = arith.constant 0 : index
    %swap3A_459 = tpu.vector_load %arg6[%swap3A_457, %swap3A_458] {strides = array<i32>} : memref<32x16xf32, #tpu.memory_space<vmem>>, vector<16xf32>,
    tpu.vector_store %arg6[%swap3A_457, %swap3A_458], %scan3A_454 {strides = array<i32>} : memref<32x16xf32, #tpu.memory_space<vmem>>, vector<16xf32>,
    %get3A_460 = arith.constant 0 : i32
    %get3A_461 = arith.index_cast %get3A_460 : i32 to index
    %get3A_462 = arith.constant 272 : index
    %get3A_463 = tpu.vector_load %arg5[%get3A_461, %get3A_462] {strides = array<i32>} : memref<64x512xf32, #tpu.memory_space<vmem>>, vector<16xf32>,
    %scan3A_464 = arith.constant 1 : i32
    %scan3A_465 = arith.constant 63 : i32
    %scan3A_466 = arith.addi %scan3A_464, %scan3A_465 : i32
    %scan3A_467 = arith.constant 1 : i32
    %scan3A_468 = scf.for %scan3A_905 = %scan3A_464 to %scan3A_466 step %scan3A_467 iter_args(%scan3A_906 = %get3A_463) -> (vector<16xf32>)  : i32 {
      %get3A_907 = arith.index_cast %scan3A_905 : i32 to index
      %get3A_908 = arith.constant 272 : index
      %get3A_909 = tpu.vector_load %arg5[%get3A_907, %get3A_908] {strides = array<i32>} : memref<64x512xf32, #tpu.memory_space<vmem>>, vector<16xf32>,
      %add3A_910 = arith.addf %scan3A_906, %get3A_909 : vector<16xf32>
      scf.yield %add3A_910 : vector<16xf32>
    }
    %scan3A_469 = arith.constant 63 : i32
    %swap3A_470 = arith.constant 17 : i32
    %swap3A_471 = arith.index_cast %swap3A_470 : i32 to index
    %swap3A_472 = arith.constant 0 : index
    %swap3A_473 = tpu.vector_load %arg6[%swap3A_471, %swap3A_472] {strides = array<i32>} : memref<32x16xf32, #tpu.memory_space<vmem>>, vector<16xf32>,
    tpu.vector_store %arg6[%swap3A_471, %swap3A_472], %scan3A_468 {strides = array<i32>} : memref<32x16xf32, #tpu.memory_space<vmem>>, vector<16xf32>,
    %get3A_474 = arith.constant 0 : i32
    %get3A_475 = arith.index_cast %get3A_474 : i32 to index
    %get3A_476 = arith.constant 288 : index
    %get3A_477 = tpu.vector_load %arg5[%get3A_475, %get3A_476] {strides = array<i32>} : memref<64x512xf32, #tpu.memory_space<vmem>>, vector<16xf32>,
    %scan3A_478 = arith.constant 1 : i32
    %scan3A_479 = arith.constant 63 : i32
    %scan3A_480 = arith.addi %scan3A_478, %scan3A_479 : i32
    %scan3A_481 = arith.constant 1 : i32
    %scan3A_482 = scf.for %scan3A_905 = %scan3A_478 to %scan3A_480 step %scan3A_481 iter_args(%scan3A_906 = %get3A_477) -> (vector<16xf32>)  : i32 {
      %get3A_907 = arith.index_cast %scan3A_905 : i32 to index
      %get3A_908 = arith.constant 288 : index
      %get3A_909 = tpu.vector_load %arg5[%get3A_907, %get3A_908] {strides = array<i32>} : memref<64x512xf32, #tpu.memory_space<vmem>>, vector<16xf32>,
      %add3A_910 = arith.addf %scan3A_906, %get3A_909 : vector<16xf32>
      scf.yield %add3A_910 : vector<16xf32>
    }
    %scan3A_483 = arith.constant 63 : i32
    %swap3A_484 = arith.constant 18 : i32
    %swap3A_485 = arith.index_cast %swap3A_484 : i32 to index
    %swap3A_486 = arith.constant 0 : index
    %swap3A_487 = tpu.vector_load %arg6[%swap3A_485, %swap3A_486] {strides = array<i32>} : memref<32x16xf32, #tpu.memory_space<vmem>>, vector<16xf32>,
    tpu.vector_store %arg6[%swap3A_485, %swap3A_486], %scan3A_482 {strides = array<i32>} : memref<32x16xf32, #tpu.memory_space<vmem>>, vector<16xf32>,
    %get3A_488 = arith.constant 0 : i32
    %get3A_489 = arith.index_cast %get3A_488 : i32 to index
    %get3A_490 = arith.constant 304 : index
    %get3A_491 = tpu.vector_load %arg5[%get3A_489, %get3A_490] {strides = array<i32>} : memref<64x512xf32, #tpu.memory_space<vmem>>, vector<16xf32>,
    %scan3A_492 = arith.constant 1 : i32
    %scan3A_493 = arith.constant 63 : i32
    %scan3A_494 = arith.addi %scan3A_492, %scan3A_493 : i32
    %scan3A_495 = arith.constant 1 : i32
    %scan3A_496 = scf.for %scan3A_905 = %scan3A_492 to %scan3A_494 step %scan3A_495 iter_args(%scan3A_906 = %get3A_491) -> (vector<16xf32>)  : i32 {
      %get3A_907 = arith.index_cast %scan3A_905 : i32 to index
      %get3A_908 = arith.constant 304 : index
      %get3A_909 = tpu.vector_load %arg5[%get3A_907, %get3A_908] {strides = array<i32>} : memref<64x512xf32, #tpu.memory_space<vmem>>, vector<16xf32>,
      %add3A_910 = arith.addf %scan3A_906, %get3A_909 : vector<16xf32>
      scf.yield %add3A_910 : vector<16xf32>
    }
    %scan3A_497 = arith.constant 63 : i32
    %swap3A_498 = arith.constant 19 : i32
    %swap3A_499 = arith.index_cast %swap3A_498 : i32 to index
    %swap3A_500 = arith.constant 0 : index
    %swap3A_501 = tpu.vector_load %arg6[%swap3A_499, %swap3A_500] {strides = array<i32>} : memref<32x16xf32, #tpu.memory_space<vmem>>, vector<16xf32>,
    tpu.vector_store %arg6[%swap3A_499, %swap3A_500], %scan3A_496 {strides = array<i32>} : memref<32x16xf32, #tpu.memory_space<vmem>>, vector<16xf32>,
    %get3A_502 = arith.constant 0 : i32
    %get3A_503 = arith.index_cast %get3A_502 : i32 to index
    %get3A_504 = arith.constant 320 : index
    %get3A_505 = tpu.vector_load %arg5[%get3A_503, %get3A_504] {strides = array<i32>} : memref<64x512xf32, #tpu.memory_space<vmem>>, vector<16xf32>,
    %scan3A_506 = arith.constant 1 : i32
    %scan3A_507 = arith.constant 63 : i32
    %scan3A_508 = arith.addi %scan3A_506, %scan3A_507 : i32
    %scan3A_509 = arith.constant 1 : i32
    %scan3A_510 = scf.for %scan3A_905 = %scan3A_506 to %scan3A_508 step %scan3A_509 iter_args(%scan3A_906 = %get3A_505) -> (vector<16xf32>)  : i32 {
      %get3A_907 = arith.index_cast %scan3A_905 : i32 to index
      %get3A_908 = arith.constant 320 : index
      %get3A_909 = tpu.vector_load %arg5[%get3A_907, %get3A_908] {strides = array<i32>} : memref<64x512xf32, #tpu.memory_space<vmem>>, vector<16xf32>,
      %add3A_910 = arith.addf %scan3A_906, %get3A_909 : vector<16xf32>
      scf.yield %add3A_910 : vector<16xf32>
    }
    %scan3A_511 = arith.constant 63 : i32
    %swap3A_512 = arith.constant 20 : i32
    %swap3A_513 = arith.index_cast %swap3A_512 : i32 to index
    %swap3A_514 = arith.constant 0 : index
    %swap3A_515 = tpu.vector_load %arg6[%swap3A_513, %swap3A_514] {strides = array<i32>} : memref<32x16xf32, #tpu.memory_space<vmem>>, vector<16xf32>,
    tpu.vector_store %arg6[%swap3A_513, %swap3A_514], %scan3A_510 {strides = array<i32>} : memref<32x16xf32, #tpu.memory_space<vmem>>, vector<16xf32>,
    %get3A_516 = arith.constant 0 : i32
    %get3A_517 = arith.index_cast %get3A_516 : i32 to index
    %get3A_518 = arith.constant 336 : index
    %get3A_519 = tpu.vector_load %arg5[%get3A_517, %get3A_518] {strides = array<i32>} : memref<64x512xf32, #tpu.memory_space<vmem>>, vector<16xf32>,
    %scan3A_520 = arith.constant 1 : i32
    %scan3A_521 = arith.constant 63 : i32
    %scan3A_522 = arith.addi %scan3A_520, %scan3A_521 : i32
    %scan3A_523 = arith.constant 1 : i32
    %scan3A_524 = scf.for %scan3A_905 = %scan3A_520 to %scan3A_522 step %scan3A_523 iter_args(%scan3A_906 = %get3A_519) -> (vector<16xf32>)  : i32 {
      %get3A_907 = arith.index_cast %scan3A_905 : i32 to index
      %get3A_908 = arith.constant 336 : index
      %get3A_909 = tpu.vector_load %arg5[%get3A_907, %get3A_908] {strides = array<i32>} : memref<64x512xf32, #tpu.memory_space<vmem>>, vector<16xf32>,
      %add3A_910 = arith.addf %scan3A_906, %get3A_909 : vector<16xf32>
      scf.yield %add3A_910 : vector<16xf32>
    }
    %scan3A_525 = arith.constant 63 : i32
    %swap3A_526 = arith.constant 21 : i32
    %swap3A_527 = arith.index_cast %swap3A_526 : i32 to index
    %swap3A_528 = arith.constant 0 : index
    %swap3A_529 = tpu.vector_load %arg6[%swap3A_527, %swap3A_528] {strides = array<i32>} : memref<32x16xf32, #tpu.memory_space<vmem>>, vector<16xf32>,
    tpu.vector_store %arg6[%swap3A_527, %swap3A_528], %scan3A_524 {strides = array<i32>} : memref<32x16xf32, #tpu.memory_space<vmem>>, vector<16xf32>,
    %get3A_530 = arith.constant 0 : i32
    %get3A_531 = arith.index_cast %get3A_530 : i32 to index
    %get3A_532 = arith.constant 352 : index
    %get3A_533 = tpu.vector_load %arg5[%get3A_531, %get3A_532] {strides = array<i32>} : memref<64x512xf32, #tpu.memory_space<vmem>>, vector<16xf32>,
    %scan3A_534 = arith.constant 1 : i32
    %scan3A_535 = arith.constant 63 : i32
    %scan3A_536 = arith.addi %scan3A_534, %scan3A_535 : i32
    %scan3A_537 = arith.constant 1 : i32
    %scan3A_538 = scf.for %scan3A_905 = %scan3A_534 to %scan3A_536 step %scan3A_537 iter_args(%scan3A_906 = %get3A_533) -> (vector<16xf32>)  : i32 {
      %get3A_907 = arith.index_cast %scan3A_905 : i32 to index
      %get3A_908 = arith.constant 352 : index
      %get3A_909 = tpu.vector_load %arg5[%get3A_907, %get3A_908] {strides = array<i32>} : memref<64x512xf32, #tpu.memory_space<vmem>>, vector<16xf32>,
      %add3A_910 = arith.addf %scan3A_906, %get3A_909 : vector<16xf32>
      scf.yield %add3A_910 : vector<16xf32>
    }
    %scan3A_539 = arith.constant 63 : i32
    %swap3A_540 = arith.constant 22 : i32
    %swap3A_541 = arith.index_cast %swap3A_540 : i32 to index
    %swap3A_542 = arith.constant 0 : index
    %swap3A_543 = tpu.vector_load %arg6[%swap3A_541, %swap3A_542] {strides = array<i32>} : memref<32x16xf32, #tpu.memory_space<vmem>>, vector<16xf32>,
    tpu.vector_store %arg6[%swap3A_541, %swap3A_542], %scan3A_538 {strides = array<i32>} : memref<32x16xf32, #tpu.memory_space<vmem>>, vector<16xf32>,
    %get3A_544 = arith.constant 0 : i32
    %get3A_545 = arith.index_cast %get3A_544 : i32 to index
    %get3A_546 = arith.constant 368 : index
    %get3A_547 = tpu.vector_load %arg5[%get3A_545, %get3A_546] {strides = array<i32>} : memref<64x512xf32, #tpu.memory_space<vmem>>, vector<16xf32>,
    %scan3A_548 = arith.constant 1 : i32
    %scan3A_549 = arith.constant 63 : i32
    %scan3A_550 = arith.addi %scan3A_548, %scan3A_549 : i32
    %scan3A_551 = arith.constant 1 : i32
    %scan3A_552 = scf.for %scan3A_905 = %scan3A_548 to %scan3A_550 step %scan3A_551 iter_args(%scan3A_906 = %get3A_547) -> (vector<16xf32>)  : i32 {
      %get3A_907 = arith.index_cast %scan3A_905 : i32 to index
      %get3A_908 = arith.constant 368 : index
      %get3A_909 = tpu.vector_load %arg5[%get3A_907, %get3A_908] {strides = array<i32>} : memref<64x512xf32, #tpu.memory_space<vmem>>, vector<16xf32>,
      %add3A_910 = arith.addf %scan3A_906, %get3A_909 : vector<16xf32>
      scf.yield %add3A_910 : vector<16xf32>
    }
    %scan3A_553 = arith.constant 63 : i32
    %swap3A_554 = arith.constant 23 : i32
    %swap3A_555 = arith.index_cast %swap3A_554 : i32 to index
    %swap3A_556 = arith.constant 0 : index
    %swap3A_557 = tpu.vector_load %arg6[%swap3A_555, %swap3A_556] {strides = array<i32>} : memref<32x16xf32, #tpu.memory_space<vmem>>, vector<16xf32>,
    tpu.vector_store %arg6[%swap3A_555, %swap3A_556], %scan3A_552 {strides = array<i32>} : memref<32x16xf32, #tpu.memory_space<vmem>>, vector<16xf32>,
    %get3A_558 = arith.constant 0 : i32
    %get3A_559 = arith.index_cast %get3A_558 : i32 to index
    %get3A_560 = arith.constant 384 : index
    %get3A_561 = tpu.vector_load %arg5[%get3A_559, %get3A_560] {strides = array<i32>} : memref<64x512xf32, #tpu.memory_space<vmem>>, vector<16xf32>,
    %scan3A_562 = arith.constant 1 : i32
    %scan3A_563 = arith.constant 63 : i32
    %scan3A_564 = arith.addi %scan3A_562, %scan3A_563 : i32
    %scan3A_565 = arith.constant 1 : i32
    %scan3A_566 = scf.for %scan3A_905 = %scan3A_562 to %scan3A_564 step %scan3A_565 iter_args(%scan3A_906 = %get3A_561) -> (vector<16xf32>)  : i32 {
      %get3A_907 = arith.index_cast %scan3A_905 : i32 to index
      %get3A_908 = arith.constant 384 : index
      %get3A_909 = tpu.vector_load %arg5[%get3A_907, %get3A_908] {strides = array<i32>} : memref<64x512xf32, #tpu.memory_space<vmem>>, vector<16xf32>,
      %add3A_910 = arith.addf %scan3A_906, %get3A_909 : vector<16xf32>
      scf.yield %add3A_910 : vector<16xf32>
    }
    %scan3A_567 = arith.constant 63 : i32
    %swap3A_568 = arith.constant 24 : i32
    %swap3A_569 = arith.index_cast %swap3A_568 : i32 to index
    %swap3A_570 = arith.constant 0 : index
    %swap3A_571 = tpu.vector_load %arg6[%swap3A_569, %swap3A_570] {strides = array<i32>} : memref<32x16xf32, #tpu.memory_space<vmem>>, vector<16xf32>,
    tpu.vector_store %arg6[%swap3A_569, %swap3A_570], %scan3A_566 {strides = array<i32>} : memref<32x16xf32, #tpu.memory_space<vmem>>, vector<16xf32>,
    %get3A_572 = arith.constant 0 : i32
    %get3A_573 = arith.index_cast %get3A_572 : i32 to index
    %get3A_574 = arith.constant 400 : index
    %get3A_575 = tpu.vector_load %arg5[%get3A_573, %get3A_574] {strides = array<i32>} : memref<64x512xf32, #tpu.memory_space<vmem>>, vector<16xf32>,
    %scan3A_576 = arith.constant 1 : i32
    %scan3A_577 = arith.constant 63 : i32
    %scan3A_578 = arith.addi %scan3A_576, %scan3A_577 : i32
    %scan3A_579 = arith.constant 1 : i32
    %scan3A_580 = scf.for %scan3A_905 = %scan3A_576 to %scan3A_578 step %scan3A_579 iter_args(%scan3A_906 = %get3A_575) -> (vector<16xf32>)  : i32 {
      %get3A_907 = arith.index_cast %scan3A_905 : i32 to index
      %get3A_908 = arith.constant 400 : index
      %get3A_909 = tpu.vector_load %arg5[%get3A_907, %get3A_908] {strides = array<i32>} : memref<64x512xf32, #tpu.memory_space<vmem>>, vector<16xf32>,
      %add3A_910 = arith.addf %scan3A_906, %get3A_909 : vector<16xf32>
      scf.yield %add3A_910 : vector<16xf32>
    }
    %scan3A_581 = arith.constant 63 : i32
    %swap3A_582 = arith.constant 25 : i32
    %swap3A_583 = arith.index_cast %swap3A_582 : i32 to index
    %swap3A_584 = arith.constant 0 : index
    %swap3A_585 = tpu.vector_load %arg6[%swap3A_583, %swap3A_584] {strides = array<i32>} : memref<32x16xf32, #tpu.memory_space<vmem>>, vector<16xf32>,
    tpu.vector_store %arg6[%swap3A_583, %swap3A_584], %scan3A_580 {strides = array<i32>} : memref<32x16xf32, #tpu.memory_space<vmem>>, vector<16xf32>,
    %get3A_586 = arith.constant 0 : i32
    %get3A_587 = arith.index_cast %get3A_586 : i32 to index
    %get3A_588 = arith.constant 416 : index
    %get3A_589 = tpu.vector_load %arg5[%get3A_587, %get3A_588] {strides = array<i32>} : memref<64x512xf32, #tpu.memory_space<vmem>>, vector<16xf32>,
    %scan3A_590 = arith.constant 1 : i32
    %scan3A_591 = arith.constant 63 : i32
    %scan3A_592 = arith.addi %scan3A_590, %scan3A_591 : i32
    %scan3A_593 = arith.constant 1 : i32
    %scan3A_594 = scf.for %scan3A_905 = %scan3A_590 to %scan3A_592 step %scan3A_593 iter_args(%scan3A_906 = %get3A_589) -> (vector<16xf32>)  : i32 {
      %get3A_907 = arith.index_cast %scan3A_905 : i32 to index
      %get3A_908 = arith.constant 416 : index
      %get3A_909 = tpu.vector_load %arg5[%get3A_907, %get3A_908] {strides = array<i32>} : memref<64x512xf32, #tpu.memory_space<vmem>>, vector<16xf32>,
      %add3A_910 = arith.addf %scan3A_906, %get3A_909 : vector<16xf32>
      scf.yield %add3A_910 : vector<16xf32>
    }
    %scan3A_595 = arith.constant 63 : i32
    %swap3A_596 = arith.constant 26 : i32
    %swap3A_597 = arith.index_cast %swap3A_596 : i32 to index
    %swap3A_598 = arith.constant 0 : index
    %swap3A_599 = tpu.vector_load %arg6[%swap3A_597, %swap3A_598] {strides = array<i32>} : memref<32x16xf32, #tpu.memory_space<vmem>>, vector<16xf32>,
    tpu.vector_store %arg6[%swap3A_597, %swap3A_598], %scan3A_594 {strides = array<i32>} : memref<32x16xf32, #tpu.memory_space<vmem>>, vector<16xf32>,
    %get3A_600 = arith.constant 0 : i32
    %get3A_601 = arith.index_cast %get3A_600 : i32 to index
    %get3A_602 = arith.constant 432 : index
    %get3A_603 = tpu.vector_load %arg5[%get3A_601, %get3A_602] {strides = array<i32>} : memref<64x512xf32, #tpu.memory_space<vmem>>, vector<16xf32>,
    %scan3A_604 = arith.constant 1 : i32
    %scan3A_605 = arith.constant 63 : i32
    %scan3A_606 = arith.addi %scan3A_604, %scan3A_605 : i32
    %scan3A_607 = arith.constant 1 : i32
    %scan3A_608 = scf.for %scan3A_905 = %scan3A_604 to %scan3A_606 step %scan3A_607 iter_args(%scan3A_906 = %get3A_603) -> (vector<16xf32>)  : i32 {
      %get3A_907 = arith.index_cast %scan3A_905 : i32 to index
      %get3A_908 = arith.constant 432 : index
      %get3A_909 = tpu.vector_load %arg5[%get3A_907, %get3A_908] {strides = array<i32>} : memref<64x512xf32, #tpu.memory_space<vmem>>, vector<16xf32>,
      %add3A_910 = arith.addf %scan3A_906, %get3A_909 : vector<16xf32>
      scf.yield %add3A_910 : vector<16xf32>
    }
    %scan3A_609 = arith.constant 63 : i32
    %swap3A_610 = arith.constant 27 : i32
    %swap3A_611 = arith.index_cast %swap3A_610 : i32 to index
    %swap3A_612 = arith.constant 0 : index
    %swap3A_613 = tpu.vector_load %arg6[%swap3A_611, %swap3A_612] {strides = array<i32>} : memref<32x16xf32, #tpu.memory_space<vmem>>, vector<16xf32>,
    tpu.vector_store %arg6[%swap3A_611, %swap3A_612], %scan3A_608 {strides = array<i32>} : memref<32x16xf32, #tpu.memory_space<vmem>>, vector<16xf32>,
    %get3A_614 = arith.constant 0 : i32
    %get3A_615 = arith.index_cast %get3A_614 : i32 to index
    %get3A_616 = arith.constant 448 : index
    %get3A_617 = tpu.vector_load %arg5[%get3A_615, %get3A_616] {strides = array<i32>} : memref<64x512xf32, #tpu.memory_space<vmem>>, vector<16xf32>,
    %scan3A_618 = arith.constant 1 : i32
    %scan3A_619 = arith.constant 63 : i32
    %scan3A_620 = arith.addi %scan3A_618, %scan3A_619 : i32
    %scan3A_621 = arith.constant 1 : i32
    %scan3A_622 = scf.for %scan3A_905 = %scan3A_618 to %scan3A_620 step %scan3A_621 iter_args(%scan3A_906 = %get3A_617) -> (vector<16xf32>)  : i32 {
      %get3A_907 = arith.index_cast %scan3A_905 : i32 to index
      %get3A_908 = arith.constant 448 : index
      %get3A_909 = tpu.vector_load %arg5[%get3A_907, %get3A_908] {strides = array<i32>} : memref<64x512xf32, #tpu.memory_space<vmem>>, vector<16xf32>,
      %add3A_910 = arith.addf %scan3A_906, %get3A_909 : vector<16xf32>
      scf.yield %add3A_910 : vector<16xf32>
    }
    %scan3A_623 = arith.constant 63 : i32
    %swap3A_624 = arith.constant 28 : i32
    %swap3A_625 = arith.index_cast %swap3A_624 : i32 to index
    %swap3A_626 = arith.constant 0 : index
    %swap3A_627 = tpu.vector_load %arg6[%swap3A_625, %swap3A_626] {strides = array<i32>} : memref<32x16xf32, #tpu.memory_space<vmem>>, vector<16xf32>,
    tpu.vector_store %arg6[%swap3A_625, %swap3A_626], %scan3A_622 {strides = array<i32>} : memref<32x16xf32, #tpu.memory_space<vmem>>, vector<16xf32>,
    %get3A_628 = arith.constant 0 : i32
    %get3A_629 = arith.index_cast %get3A_628 : i32 to index
    %get3A_630 = arith.constant 464 : index
    %get3A_631 = tpu.vector_load %arg5[%get3A_629, %get3A_630] {strides = array<i32>} : memref<64x512xf32, #tpu.memory_space<vmem>>, vector<16xf32>,
    %scan3A_632 = arith.constant 1 : i32
    %scan3A_633 = arith.constant 63 : i32
    %scan3A_634 = arith.addi %scan3A_632, %scan3A_633 : i32
    %scan3A_635 = arith.constant 1 : i32
    %scan3A_636 = scf.for %scan3A_905 = %scan3A_632 to %scan3A_634 step %scan3A_635 iter_args(%scan3A_906 = %get3A_631) -> (vector<16xf32>)  : i32 {
      %get3A_907 = arith.index_cast %scan3A_905 : i32 to index
      %get3A_908 = arith.constant 464 : index
      %get3A_909 = tpu.vector_load %arg5[%get3A_907, %get3A_908] {strides = array<i32>} : memref<64x512xf32, #tpu.memory_space<vmem>>, vector<16xf32>,
      %add3A_910 = arith.addf %scan3A_906, %get3A_909 : vector<16xf32>
      scf.yield %add3A_910 : vector<16xf32>
    }
    %scan3A_637 = arith.constant 63 : i32
    %swap3A_638 = arith.constant 29 : i32
    %swap3A_639 = arith.index_cast %swap3A_638 : i32 to index
    %swap3A_640 = arith.constant 0 : index
    %swap3A_641 = tpu.vector_load %arg6[%swap3A_639, %swap3A_640] {strides = array<i32>} : memref<32x16xf32, #tpu.memory_space<vmem>>, vector<16xf32>,
    tpu.vector_store %arg6[%swap3A_639, %swap3A_640], %scan3A_636 {strides = array<i32>} : memref<32x16xf32, #tpu.memory_space<vmem>>, vector<16xf32>,
    %get3A_642 = arith.constant 0 : i32
    %get3A_643 = arith.index_cast %get3A_642 : i32 to index
    %get3A_644 = arith.constant 480 : index
    %get3A_645 = tpu.vector_load %arg5[%get3A_643, %get3A_644] {strides = array<i32>} : memref<64x512xf32, #tpu.memory_space<vmem>>, vector<16xf32>,
    %scan3A_646 = arith.constant 1 : i32
    %scan3A_647 = arith.constant 63 : i32
    %scan3A_648 = arith.addi %scan3A_646, %scan3A_647 : i32
    %scan3A_649 = arith.constant 1 : i32
    %scan3A_650 = scf.for %scan3A_905 = %scan3A_646 to %scan3A_648 step %scan3A_649 iter_args(%scan3A_906 = %get3A_645) -> (vector<16xf32>)  : i32 {
      %get3A_907 = arith.index_cast %scan3A_905 : i32 to index
      %get3A_908 = arith.constant 480 : index
      %get3A_909 = tpu.vector_load %arg5[%get3A_907, %get3A_908] {strides = array<i32>} : memref<64x512xf32, #tpu.memory_space<vmem>>, vector<16xf32>,
      %add3A_910 = arith.addf %scan3A_906, %get3A_909 : vector<16xf32>
      scf.yield %add3A_910 : vector<16xf32>
    }
    %scan3A_651 = arith.constant 63 : i32
    %swap3A_652 = arith.constant 30 : i32
    %swap3A_653 = arith.index_cast %swap3A_652 : i32 to index
    %swap3A_654 = arith.constant 0 : index
    %swap3A_655 = tpu.vector_load %arg6[%swap3A_653, %swap3A_654] {strides = array<i32>} : memref<32x16xf32, #tpu.memory_space<vmem>>, vector<16xf32>,
    tpu.vector_store %arg6[%swap3A_653, %swap3A_654], %scan3A_650 {strides = array<i32>} : memref<32x16xf32, #tpu.memory_space<vmem>>, vector<16xf32>,
    %get3A_656 = arith.constant 0 : i32
    %get3A_657 = arith.index_cast %get3A_656 : i32 to index
    %get3A_658 = arith.constant 496 : index
    %get3A_659 = tpu.vector_load %arg5[%get3A_657, %get3A_658] {strides = array<i32>} : memref<64x512xf32, #tpu.memory_space<vmem>>, vector<16xf32>,
    %scan3A_660 = arith.constant 1 : i32
    %scan3A_661 = arith.constant 63 : i32
    %scan3A_662 = arith.addi %scan3A_660, %scan3A_661 : i32
    %scan3A_663 = arith.constant 1 : i32
    %scan3A_664 = scf.for %scan3A_905 = %scan3A_660 to %scan3A_662 step %scan3A_663 iter_args(%scan3A_906 = %get3A_659) -> (vector<16xf32>)  : i32 {
      %get3A_907 = arith.index_cast %scan3A_905 : i32 to index
      %get3A_908 = arith.constant 496 : index
      %get3A_909 = tpu.vector_load %arg5[%get3A_907, %get3A_908] {strides = array<i32>} : memref<64x512xf32, #tpu.memory_space<vmem>>, vector<16xf32>,
      %add3A_910 = arith.addf %scan3A_906, %get3A_909 : vector<16xf32>
      scf.yield %add3A_910 : vector<16xf32>
    }
    %scan3A_665 = arith.constant 63 : i32
    %swap3A_666 = arith.constant 31 : i32
    %swap3A_667 = arith.index_cast %swap3A_666 : i32 to index
    %swap3A_668 = arith.constant 0 : index
    %swap3A_669 = tpu.vector_load %arg6[%swap3A_667, %swap3A_668] {strides = array<i32>} : memref<32x16xf32, #tpu.memory_space<vmem>>, vector<16xf32>,
    tpu.vector_store %arg6[%swap3A_667, %swap3A_668], %scan3A_664 {strides = array<i32>} : memref<32x16xf32, #tpu.memory_space<vmem>>, vector<16xf32>,
    "tpu.region"() ({
      %run_scoped3A = tpu.sem_alloc : memref<!tpu.dma_semaphore, #tpu.memory_space<semaphore_mem>>
      %dma_start3A_905 = arith.constant 0 : i32
      %dma_start3A_906 = arith.constant 0 : i32
      %dma_start3A_907 = tpu.memref_slice %arg14[%dma_start3A_905, %dma_start3A_906] : memref<32x16xf32, #tpu.memory_space<vmem_shared>> -> memref<32x16xf32, #tpu.memory_space<vmem_shared>>
      tpu.enqueue_indirect_dma source(%arg6 : memref<32x16xf32, #tpu.memory_space<vmem>>) target(%dma_start3A_907 : memref<32x16xf32, #tpu.memory_space<vmem_shared>>) offsets(%arg9 : memref<32xi32, #tpu.memory_space<vmem>>) semaphore(%run_scoped3A : memref<!tpu.dma_semaphore, #tpu.memory_space<semaphore_mem>>) {add = true}
      %dma_wait3A_908 = arith.constant 0 : i32
      %dma_wait3A_909 = arith.constant 0 : i32
      %dma_wait3A_910 = tpu.memref_slice %arg14[%dma_wait3A_908, %dma_wait3A_909] : memref<32x16xf32, #tpu.memory_space<vmem_shared>> -> memref<32x16xf32, #tpu.memory_space<vmem_shared>>
      tpu.wait_indirect_dma semaphore(%run_scoped3A : memref<!tpu.dma_semaphore, #tpu.memory_space<semaphore_mem>>) src(%arg6 : memref<32x16xf32, #tpu.memory_space<vmem>>) dst(%dma_wait3A_910 : memref<32x16xf32, #tpu.memory_space<vmem_shared>>)
      tpu.yield
    }) : () -> ()
    %barrier3A_670 = arith.constant 0 : index
    tpu.barrier barrier_id(%barrier3A_670)
    "tpu.region"() ({
      %run_scoped3A = tpu.sem_alloc : memref<!tpu.dma_semaphore, #tpu.memory_space<semaphore_mem>>
      tpu.enqueue_dma source(%arg14 : memref<32x16xf32, #tpu.memory_space<vmem_shared>>) target(%arg8 : memref<32x16xf32, #tpu.memory_space<vmem>>) target_semaphore(%run_scoped3A : memref<!tpu.dma_semaphore, #tpu.memory_space<semaphore_mem>>)
      tpu.wait_dma2 semaphore(%run_scoped3A : memref<!tpu.dma_semaphore, #tpu.memory_space<semaphore_mem>>) src(%arg14 : memref<32x16xf32, #tpu.memory_space<vmem_shared>>) dst(%arg8 : memref<32x16xf32, #tpu.memory_space<vmem>>)
      tpu.yield
    }) : () -> ()
    %get3A_671 = arith.constant 0 : i32
    %get3A_672 = arith.index_cast %get3A_671 : i32 to index
    %get3A_673 = arith.constant 0 : index
    %get3A_674 = tpu.vector_load %arg8[%get3A_672, %get3A_673] {strides = array<i32>} : memref<32x16xf32, #tpu.memory_space<vmem>>, vector<16xf32>,
    %mul3A_675 = arith.constant 9.765625E-4 : f32
    %mul3A_676 = vector.broadcast %mul3A_675 : f32 to vector<16xf32>
    %mul3A_677 = arith.mulf %get3A_674, %mul3A_676 : vector<16xf32>
    %get3A_678 = arith.constant 1 : i32
    %get3A_679 = arith.index_cast %get3A_678 : i32 to index
    %get3A_680 = arith.constant 0 : index
    %get3A_681 = tpu.vector_load %arg8[%get3A_679, %get3A_680] {strides = array<i32>} : memref<32x16xf32, #tpu.memory_space<vmem>>, vector<16xf32>,
    %mul3A_682 = arith.constant 9.765625E-4 : f32
    %mul3A_683 = vector.broadcast %mul3A_682 : f32 to vector<16xf32>
    %mul3A_684 = arith.mulf %get3A_681, %mul3A_683 : vector<16xf32>
    %get3A_685 = arith.constant 2 : i32
    %get3A_686 = arith.index_cast %get3A_685 : i32 to index
    %get3A_687 = arith.constant 0 : index
    %get3A_688 = tpu.vector_load %arg8[%get3A_686, %get3A_687] {strides = array<i32>} : memref<32x16xf32, #tpu.memory_space<vmem>>, vector<16xf32>,
    %mul3A_689 = arith.constant 9.765625E-4 : f32
    %mul3A_690 = vector.broadcast %mul3A_689 : f32 to vector<16xf32>
    %mul3A_691 = arith.mulf %get3A_688, %mul3A_690 : vector<16xf32>
    %get3A_692 = arith.constant 3 : i32
    %get3A_693 = arith.index_cast %get3A_692 : i32 to index
    %get3A_694 = arith.constant 0 : index
    %get3A_695 = tpu.vector_load %arg8[%get3A_693, %get3A_694] {strides = array<i32>} : memref<32x16xf32, #tpu.memory_space<vmem>>, vector<16xf32>,
    %mul3A_696 = arith.constant 9.765625E-4 : f32
    %mul3A_697 = vector.broadcast %mul3A_696 : f32 to vector<16xf32>
    %mul3A_698 = arith.mulf %get3A_695, %mul3A_697 : vector<16xf32>
    %get3A_699 = arith.constant 4 : i32
    %get3A_700 = arith.index_cast %get3A_699 : i32 to index
    %get3A_701 = arith.constant 0 : index
    %get3A_702 = tpu.vector_load %arg8[%get3A_700, %get3A_701] {strides = array<i32>} : memref<32x16xf32, #tpu.memory_space<vmem>>, vector<16xf32>,
    %mul3A_703 = arith.constant 9.765625E-4 : f32
    %mul3A_704 = vector.broadcast %mul3A_703 : f32 to vector<16xf32>
    %mul3A_705 = arith.mulf %get3A_702, %mul3A_704 : vector<16xf32>
    %get3A_706 = arith.constant 5 : i32
    %get3A_707 = arith.index_cast %get3A_706 : i32 to index
    %get3A_708 = arith.constant 0 : index
    %get3A_709 = tpu.vector_load %arg8[%get3A_707, %get3A_708] {strides = array<i32>} : memref<32x16xf32, #tpu.memory_space<vmem>>, vector<16xf32>,
    %mul3A_710 = arith.constant 9.765625E-4 : f32
    %mul3A_711 = vector.broadcast %mul3A_710 : f32 to vector<16xf32>
    %mul3A_712 = arith.mulf %get3A_709, %mul3A_711 : vector<16xf32>
    %get3A_713 = arith.constant 6 : i32
    %get3A_714 = arith.index_cast %get3A_713 : i32 to index
    %get3A_715 = arith.constant 0 : index
    %get3A_716 = tpu.vector_load %arg8[%get3A_714, %get3A_715] {strides = array<i32>} : memref<32x16xf32, #tpu.memory_space<vmem>>, vector<16xf32>,
    %mul3A_717 = arith.constant 9.765625E-4 : f32
    %mul3A_718 = vector.broadcast %mul3A_717 : f32 to vector<16xf32>
    %mul3A_719 = arith.mulf %get3A_716, %mul3A_718 : vector<16xf32>
    %get3A_720 = arith.constant 7 : i32
    %get3A_721 = arith.index_cast %get3A_720 : i32 to index
    %get3A_722 = arith.constant 0 : index
    %get3A_723 = tpu.vector_load %arg8[%get3A_721, %get3A_722] {strides = array<i32>} : memref<32x16xf32, #tpu.memory_space<vmem>>, vector<16xf32>,
    %mul3A_724 = arith.constant 9.765625E-4 : f32
    %mul3A_725 = vector.broadcast %mul3A_724 : f32 to vector<16xf32>
    %mul3A_726 = arith.mulf %get3A_723, %mul3A_725 : vector<16xf32>
    %get3A_727 = arith.constant 8 : i32
    %get3A_728 = arith.index_cast %get3A_727 : i32 to index
    %get3A_729 = arith.constant 0 : index
    %get3A_730 = tpu.vector_load %arg8[%get3A_728, %get3A_729] {strides = array<i32>} : memref<32x16xf32, #tpu.memory_space<vmem>>, vector<16xf32>,
    %mul3A_731 = arith.constant 9.765625E-4 : f32
    %mul3A_732 = vector.broadcast %mul3A_731 : f32 to vector<16xf32>
    %mul3A_733 = arith.mulf %get3A_730, %mul3A_732 : vector<16xf32>
    %get3A_734 = arith.constant 9 : i32
    %get3A_735 = arith.index_cast %get3A_734 : i32 to index
    %get3A_736 = arith.constant 0 : index
    %get3A_737 = tpu.vector_load %arg8[%get3A_735, %get3A_736] {strides = array<i32>} : memref<32x16xf32, #tpu.memory_space<vmem>>, vector<16xf32>,
    %mul3A_738 = arith.constant 9.765625E-4 : f32
    %mul3A_739 = vector.broadcast %mul3A_738 : f32 to vector<16xf32>
    %mul3A_740 = arith.mulf %get3A_737, %mul3A_739 : vector<16xf32>
    %get3A_741 = arith.constant 10 : i32
    %get3A_742 = arith.index_cast %get3A_741 : i32 to index
    %get3A_743 = arith.constant 0 : index
    %get3A_744 = tpu.vector_load %arg8[%get3A_742, %get3A_743] {strides = array<i32>} : memref<32x16xf32, #tpu.memory_space<vmem>>, vector<16xf32>,
    %mul3A_745 = arith.constant 9.765625E-4 : f32
    %mul3A_746 = vector.broadcast %mul3A_745 : f32 to vector<16xf32>
    %mul3A_747 = arith.mulf %get3A_744, %mul3A_746 : vector<16xf32>
    %get3A_748 = arith.constant 11 : i32
    %get3A_749 = arith.index_cast %get3A_748 : i32 to index
    %get3A_750 = arith.constant 0 : index
    %get3A_751 = tpu.vector_load %arg8[%get3A_749, %get3A_750] {strides = array<i32>} : memref<32x16xf32, #tpu.memory_space<vmem>>, vector<16xf32>,
    %mul3A_752 = arith.constant 9.765625E-4 : f32
    %mul3A_753 = vector.broadcast %mul3A_752 : f32 to vector<16xf32>
    %mul3A_754 = arith.mulf %get3A_751, %mul3A_753 : vector<16xf32>
    %get3A_755 = arith.constant 12 : i32
    %get3A_756 = arith.index_cast %get3A_755 : i32 to index
    %get3A_757 = arith.constant 0 : index
    %get3A_758 = tpu.vector_load %arg8[%get3A_756, %get3A_757] {strides = array<i32>} : memref<32x16xf32, #tpu.memory_space<vmem>>, vector<16xf32>,
    %mul3A_759 = arith.constant 9.765625E-4 : f32
    %mul3A_760 = vector.broadcast %mul3A_759 : f32 to vector<16xf32>
    %mul3A_761 = arith.mulf %get3A_758, %mul3A_760 : vector<16xf32>
    %get3A_762 = arith.constant 13 : i32
    %get3A_763 = arith.index_cast %get3A_762 : i32 to index
    %get3A_764 = arith.constant 0 : index
    %get3A_765 = tpu.vector_load %arg8[%get3A_763, %get3A_764] {strides = array<i32>} : memref<32x16xf32, #tpu.memory_space<vmem>>, vector<16xf32>,
    %mul3A_766 = arith.constant 9.765625E-4 : f32
    %mul3A_767 = vector.broadcast %mul3A_766 : f32 to vector<16xf32>
    %mul3A_768 = arith.mulf %get3A_765, %mul3A_767 : vector<16xf32>
    %get3A_769 = arith.constant 14 : i32
    %get3A_770 = arith.index_cast %get3A_769 : i32 to index
    %get3A_771 = arith.constant 0 : index
    %get3A_772 = tpu.vector_load %arg8[%get3A_770, %get3A_771] {strides = array<i32>} : memref<32x16xf32, #tpu.memory_space<vmem>>, vector<16xf32>,
    %mul3A_773 = arith.constant 9.765625E-4 : f32
    %mul3A_774 = vector.broadcast %mul3A_773 : f32 to vector<16xf32>
    %mul3A_775 = arith.mulf %get3A_772, %mul3A_774 : vector<16xf32>
    %get3A_776 = arith.constant 15 : i32
    %get3A_777 = arith.index_cast %get3A_776 : i32 to index
    %get3A_778 = arith.constant 0 : index
    %get3A_779 = tpu.vector_load %arg8[%get3A_777, %get3A_778] {strides = array<i32>} : memref<32x16xf32, #tpu.memory_space<vmem>>, vector<16xf32>,
    %mul3A_780 = arith.constant 9.765625E-4 : f32
    %mul3A_781 = vector.broadcast %mul3A_780 : f32 to vector<16xf32>
    %mul3A_782 = arith.mulf %get3A_779, %mul3A_781 : vector<16xf32>
    %get3A_783 = arith.constant 16 : i32
    %get3A_784 = arith.index_cast %get3A_783 : i32 to index
    %get3A_785 = arith.constant 0 : index
    %get3A_786 = tpu.vector_load %arg8[%get3A_784, %get3A_785] {strides = array<i32>} : memref<32x16xf32, #tpu.memory_space<vmem>>, vector<16xf32>,
    %mul3A_787 = arith.constant 9.765625E-4 : f32
    %mul3A_788 = vector.broadcast %mul3A_787 : f32 to vector<16xf32>
    %mul3A_789 = arith.mulf %get3A_786, %mul3A_788 : vector<16xf32>
    %get3A_790 = arith.constant 17 : i32
    %get3A_791 = arith.index_cast %get3A_790 : i32 to index
    %get3A_792 = arith.constant 0 : index
    %get3A_793 = tpu.vector_load %arg8[%get3A_791, %get3A_792] {strides = array<i32>} : memref<32x16xf32, #tpu.memory_space<vmem>>, vector<16xf32>,
    %mul3A_794 = arith.constant 9.765625E-4 : f32
    %mul3A_795 = vector.broadcast %mul3A_794 : f32 to vector<16xf32>
    %mul3A_796 = arith.mulf %get3A_793, %mul3A_795 : vector<16xf32>
    %get3A_797 = arith.constant 18 : i32
    %get3A_798 = arith.index_cast %get3A_797 : i32 to index
    %get3A_799 = arith.constant 0 : index
    %get3A_800 = tpu.vector_load %arg8[%get3A_798, %get3A_799] {strides = array<i32>} : memref<32x16xf32, #tpu.memory_space<vmem>>, vector<16xf32>,
    %mul3A_801 = arith.constant 9.765625E-4 : f32
    %mul3A_802 = vector.broadcast %mul3A_801 : f32 to vector<16xf32>
    %mul3A_803 = arith.mulf %get3A_800, %mul3A_802 : vector<16xf32>
    %get3A_804 = arith.constant 19 : i32
    %get3A_805 = arith.index_cast %get3A_804 : i32 to index
    %get3A_806 = arith.constant 0 : index
    %get3A_807 = tpu.vector_load %arg8[%get3A_805, %get3A_806] {strides = array<i32>} : memref<32x16xf32, #tpu.memory_space<vmem>>, vector<16xf32>,
    %mul3A_808 = arith.constant 9.765625E-4 : f32
    %mul3A_809 = vector.broadcast %mul3A_808 : f32 to vector<16xf32>
    %mul3A_810 = arith.mulf %get3A_807, %mul3A_809 : vector<16xf32>
    %get3A_811 = arith.constant 20 : i32
    %get3A_812 = arith.index_cast %get3A_811 : i32 to index
    %get3A_813 = arith.constant 0 : index
    %get3A_814 = tpu.vector_load %arg8[%get3A_812, %get3A_813] {strides = array<i32>} : memref<32x16xf32, #tpu.memory_space<vmem>>, vector<16xf32>,
    %mul3A_815 = arith.constant 9.765625E-4 : f32
    %mul3A_816 = vector.broadcast %mul3A_815 : f32 to vector<16xf32>
    %mul3A_817 = arith.mulf %get3A_814, %mul3A_816 : vector<16xf32>
    %get3A_818 = arith.constant 21 : i32
    %get3A_819 = arith.index_cast %get3A_818 : i32 to index
    %get3A_820 = arith.constant 0 : index
    %get3A_821 = tpu.vector_load %arg8[%get3A_819, %get3A_820] {strides = array<i32>} : memref<32x16xf32, #tpu.memory_space<vmem>>, vector<16xf32>,
    %mul3A_822 = arith.constant 9.765625E-4 : f32
    %mul3A_823 = vector.broadcast %mul3A_822 : f32 to vector<16xf32>
    %mul3A_824 = arith.mulf %get3A_821, %mul3A_823 : vector<16xf32>
    %get3A_825 = arith.constant 22 : i32
    %get3A_826 = arith.index_cast %get3A_825 : i32 to index
    %get3A_827 = arith.constant 0 : index
    %get3A_828 = tpu.vector_load %arg8[%get3A_826, %get3A_827] {strides = array<i32>} : memref<32x16xf32, #tpu.memory_space<vmem>>, vector<16xf32>,
    %mul3A_829 = arith.constant 9.765625E-4 : f32
    %mul3A_830 = vector.broadcast %mul3A_829 : f32 to vector<16xf32>
    %mul3A_831 = arith.mulf %get3A_828, %mul3A_830 : vector<16xf32>
    %get3A_832 = arith.constant 23 : i32
    %get3A_833 = arith.index_cast %get3A_832 : i32 to index
    %get3A_834 = arith.constant 0 : index
    %get3A_835 = tpu.vector_load %arg8[%get3A_833, %get3A_834] {strides = array<i32>} : memref<32x16xf32, #tpu.memory_space<vmem>>, vector<16xf32>,
    %mul3A_836 = arith.constant 9.765625E-4 : f32
    %mul3A_837 = vector.broadcast %mul3A_836 : f32 to vector<16xf32>
    %mul3A_838 = arith.mulf %get3A_835, %mul3A_837 : vector<16xf32>
    %get3A_839 = arith.constant 24 : i32
    %get3A_840 = arith.index_cast %get3A_839 : i32 to index
    %get3A_841 = arith.constant 0 : index
    %get3A_842 = tpu.vector_load %arg8[%get3A_840, %get3A_841] {strides = array<i32>} : memref<32x16xf32, #tpu.memory_space<vmem>>, vector<16xf32>,
    %mul3A_843 = arith.constant 9.765625E-4 : f32
    %mul3A_844 = vector.broadcast %mul3A_843 : f32 to vector<16xf32>
    %mul3A_845 = arith.mulf %get3A_842, %mul3A_844 : vector<16xf32>
    %get3A_846 = arith.constant 25 : i32
    %get3A_847 = arith.index_cast %get3A_846 : i32 to index
    %get3A_848 = arith.constant 0 : index
    %get3A_849 = tpu.vector_load %arg8[%get3A_847, %get3A_848] {strides = array<i32>} : memref<32x16xf32, #tpu.memory_space<vmem>>, vector<16xf32>,
    %mul3A_850 = arith.constant 9.765625E-4 : f32
    %mul3A_851 = vector.broadcast %mul3A_850 : f32 to vector<16xf32>
    %mul3A_852 = arith.mulf %get3A_849, %mul3A_851 : vector<16xf32>
    %get3A_853 = arith.constant 26 : i32
    %get3A_854 = arith.index_cast %get3A_853 : i32 to index
    %get3A_855 = arith.constant 0 : index
    %get3A_856 = tpu.vector_load %arg8[%get3A_854, %get3A_855] {strides = array<i32>} : memref<32x16xf32, #tpu.memory_space<vmem>>, vector<16xf32>,
    %mul3A_857 = arith.constant 9.765625E-4 : f32
    %mul3A_858 = vector.broadcast %mul3A_857 : f32 to vector<16xf32>
    %mul3A_859 = arith.mulf %get3A_856, %mul3A_858 : vector<16xf32>
    %get3A_860 = arith.constant 27 : i32
    %get3A_861 = arith.index_cast %get3A_860 : i32 to index
    %get3A_862 = arith.constant 0 : index
    %get3A_863 = tpu.vector_load %arg8[%get3A_861, %get3A_862] {strides = array<i32>} : memref<32x16xf32, #tpu.memory_space<vmem>>, vector<16xf32>,
    %mul3A_864 = arith.constant 9.765625E-4 : f32
    %mul3A_865 = vector.broadcast %mul3A_864 : f32 to vector<16xf32>
    %mul3A_866 = arith.mulf %get3A_863, %mul3A_865 : vector<16xf32>
    %get3A_867 = arith.constant 28 : i32
    %get3A_868 = arith.index_cast %get3A_867 : i32 to index
    %get3A_869 = arith.constant 0 : index
    %get3A_870 = tpu.vector_load %arg8[%get3A_868, %get3A_869] {strides = array<i32>} : memref<32x16xf32, #tpu.memory_space<vmem>>, vector<16xf32>,
    %mul3A_871 = arith.constant 9.765625E-4 : f32
    %mul3A_872 = vector.broadcast %mul3A_871 : f32 to vector<16xf32>
    %mul3A_873 = arith.mulf %get3A_870, %mul3A_872 : vector<16xf32>
    %get3A_874 = arith.constant 29 : i32
    %get3A_875 = arith.index_cast %get3A_874 : i32 to index
    %get3A_876 = arith.constant 0 : index
    %get3A_877 = tpu.vector_load %arg8[%get3A_875, %get3A_876] {strides = array<i32>} : memref<32x16xf32, #tpu.memory_space<vmem>>, vector<16xf32>,
    %mul3A_878 = arith.constant 9.765625E-4 : f32
    %mul3A_879 = vector.broadcast %mul3A_878 : f32 to vector<16xf32>
    %mul3A_880 = arith.mulf %get3A_877, %mul3A_879 : vector<16xf32>
    %get3A_881 = arith.constant 30 : i32
    %get3A_882 = arith.index_cast %get3A_881 : i32 to index
    %get3A_883 = arith.constant 0 : index
    %get3A_884 = tpu.vector_load %arg8[%get3A_882, %get3A_883] {strides = array<i32>} : memref<32x16xf32, #tpu.memory_space<vmem>>, vector<16xf32>,
    %mul3A_885 = arith.constant 9.765625E-4 : f32
    %mul3A_886 = vector.broadcast %mul3A_885 : f32 to vector<16xf32>
    %mul3A_887 = arith.mulf %get3A_884, %mul3A_886 : vector<16xf32>
    %get3A_888 = arith.constant 31 : i32
    %get3A_889 = arith.index_cast %get3A_888 : i32 to index
    %get3A_890 = arith.constant 0 : index
    %get3A_891 = tpu.vector_load %arg8[%get3A_889, %get3A_890] {strides = array<i32>} : memref<32x16xf32, #tpu.memory_space<vmem>>, vector<16xf32>,
    %mul3A_892 = arith.constant 9.765625E-4 : f32
    %mul3A_893 = vector.broadcast %mul3A_892 : f32 to vector<16xf32>
    %mul3A_894 = arith.mulf %get3A_891, %mul3A_893 : vector<16xf32>
    %broadcast_in_dim3A_895 = arith.constant 0x7F800000 : f32
    %broadcast_in_dim3A_896 = vector.broadcast %broadcast_in_dim3A_895 : f32 to vector<16xf32>
    %scan3A_897 = arith.constant 0 : i32
    %scan3A_898 = arith.constant 8 : i32
    %scan3A_899 = arith.addi %scan3A_897, %scan3A_898 : i32
    %scan3A_900 = arith.constant 1 : i32
    %scan3A_901 = scf.for %scan3A_905 = %scan3A_897 to %scan3A_899 step %scan3A_900 iter_args(%scan3A_906 = %broadcast_in_dim3A_896) -> (vector<16xf32>)  : i32 {
      %mul3A_907 = arith.constant 2 : i32
      %mul3A_908 = arith.muli %scan3A_905, %mul3A_907 : i32
      %add3A_909 = arith.constant 0 : i32
      %add3A_910 = arith.addi %mul3A_908, %add3A_909 : i32
      %dma_wait3A_911 = arith.constant 0 : i32
      %dma_wait3A_912 = tpu.memref_slice %arg2[%mul3A_2, %dma_wait3A_911] : memref<100000x512xf32, #tpu.memory_space<hbm>> -> memref<48x512xf32, #tpu.memory_space<hbm>>
      %dma_wait3A_913 = arith.constant 0 : i32
      %dma_wait3A_914 = tpu.memref_slice %arg2[%mul3A_2, %dma_wait3A_913] : memref<100000x512xf32, #tpu.memory_space<hbm>> -> memref<48x512xf32, #tpu.memory_space<hbm>>
      tpu.wait_dma2 semaphore(%arg15 : memref<!tpu.dma_semaphore, #tpu.memory_space<semaphore_mem>>) src(%dma_wait3A_914 : memref<48x512xf32, #tpu.memory_space<hbm>>) dst(%arg10 : memref<48x512xf32, #tpu.memory_space<vmem>>)
      %scan3A_915 = arith.constant 0 : i32
      %scan3A_916 = arith.constant 3 : i32
      %scan3A_917 = arith.addi %scan3A_915, %scan3A_916 : i32
      %scan3A_918 = arith.constant 1 : i32
      %scan3A_919 = scf.for %scan3A_948 = %scan3A_915 to %scan3A_917 step %scan3A_918 iter_args(%scan3A_949 = %scan3A_906) -> (vector<16xf32>)  : i32 {
        %scan3A_950 = arith.constant 0 : i32
        %scan3A_951 = arith.constant 0 : i32
        %scan3A_952 = arith.constant 4 : i32
        %scan3A_953 = arith.addi %scan3A_951, %scan3A_952 : i32
        %scan3A_954 = arith.constant 1 : i32
        scf.for %scan3A_1018 = %scan3A_951 to %scan3A_953 step %scan3A_954  : i32 {
          %mul3A_1019 = arith.constant 4 : i32
          %mul3A_1020 = arith.muli %scan3A_1018, %mul3A_1019 : i32
          %add3A_1021 = arith.constant 0 : i32
          %add3A_1022 = arith.addi %mul3A_1020, %add3A_1021 : i32
          %mul3A_1023 = arith.constant 16 : i32
          %mul3A_1024 = arith.muli %scan3A_948, %mul3A_1023 : i32
          %add3A_1025 = arith.addi %mul3A_1024, %add3A_1022 : i32
          %get3A_1026 = arith.index_cast %add3A_1025 : i32 to index
          %get3A_1027 = arith.constant 0 : index
          %get3A_1028 = tpu.vector_load %arg10[%get3A_1026, %get3A_1027] {strides = array<i32>} : memref<48x512xf32, #tpu.memory_space<vmem>>, vector<16xf32>,
          %sub3A = arith.subf %get3A_1028, %mul3A_677 : vector<16xf32>
          %mul3A_1029 = arith.mulf %sub3A, %sub3A : vector<16xf32>
          %get3A_1030 = arith.index_cast %add3A_1025 : i32 to index
          %get3A_1031 = arith.constant 16 : index
          %get3A_1032 = tpu.vector_load %arg10[%get3A_1030, %get3A_1031] {strides = array<i32>} : memref<48x512xf32, #tpu.memory_space<vmem>>, vector<16xf32>,
          %sub3A_1033 = arith.subf %get3A_1032, %mul3A_684 : vector<16xf32>
          %mul3A_1034 = arith.mulf %sub3A_1033, %sub3A_1033 : vector<16xf32>
          %add3A_1035 = arith.addf %mul3A_1029, %mul3A_1034 : vector<16xf32>
          %get3A_1036 = arith.index_cast %add3A_1025 : i32 to index
          %get3A_1037 = arith.constant 32 : index
          %get3A_1038 = tpu.vector_load %arg10[%get3A_1036, %get3A_1037] {strides = array<i32>} : memref<48x512xf32, #tpu.memory_space<vmem>>, vector<16xf32>,
          %sub3A_1039 = arith.subf %get3A_1038, %mul3A_691 : vector<16xf32>
          %mul3A_1040 = arith.mulf %sub3A_1039, %sub3A_1039 : vector<16xf32>
          %add3A_1041 = arith.addf %add3A_1035, %mul3A_1040 : vector<16xf32>
          %get3A_1042 = arith.index_cast %add3A_1025 : i32 to index
          %get3A_1043 = arith.constant 48 : index
          %get3A_1044 = tpu.vector_load %arg10[%get3A_1042, %get3A_1043] {strides = array<i32>} : memref<48x512xf32, #tpu.memory_space<vmem>>, vector<16xf32>,
          %sub3A_1045 = arith.subf %get3A_1044, %mul3A_698 : vector<16xf32>
          %mul3A_1046 = arith.mulf %sub3A_1045, %sub3A_1045 : vector<16xf32>
          %add3A_1047 = arith.addf %add3A_1041, %mul3A_1046 : vector<16xf32>
          %get3A_1048 = arith.index_cast %add3A_1025 : i32 to index
          %get3A_1049 = arith.constant 64 : index
          %get3A_1050 = tpu.vector_load %arg10[%get3A_1048, %get3A_1049] {strides = array<i32>} : memref<48x512xf32, #tpu.memory_space<vmem>>, vector<16xf32>,
          %sub3A_1051 = arith.subf %get3A_1050, %mul3A_705 : vector<16xf32>
          %mul3A_1052 = arith.mulf %sub3A_1051, %sub3A_1051 : vector<16xf32>
          %add3A_1053 = arith.addf %add3A_1047, %mul3A_1052 : vector<16xf32>
          %get3A_1054 = arith.index_cast %add3A_1025 : i32 to index
          %get3A_1055 = arith.constant 80 : index
          %get3A_1056 = tpu.vector_load %arg10[%get3A_1054, %get3A_1055] {strides = array<i32>} : memref<48x512xf32, #tpu.memory_space<vmem>>, vector<16xf32>,
          %sub3A_1057 = arith.subf %get3A_1056, %mul3A_712 : vector<16xf32>
          %mul3A_1058 = arith.mulf %sub3A_1057, %sub3A_1057 : vector<16xf32>
          %add3A_1059 = arith.addf %add3A_1053, %mul3A_1058 : vector<16xf32>
          %get3A_1060 = arith.index_cast %add3A_1025 : i32 to index
          %get3A_1061 = arith.constant 96 : index
          %get3A_1062 = tpu.vector_load %arg10[%get3A_1060, %get3A_1061] {strides = array<i32>} : memref<48x512xf32, #tpu.memory_space<vmem>>, vector<16xf32>,
          %sub3A_1063 = arith.subf %get3A_1062, %mul3A_719 : vector<16xf32>
          %mul3A_1064 = arith.mulf %sub3A_1063, %sub3A_1063 : vector<16xf32>
          %add3A_1065 = arith.addf %add3A_1059, %mul3A_1064 : vector<16xf32>
          %get3A_1066 = arith.index_cast %add3A_1025 : i32 to index
          %get3A_1067 = arith.constant 112 : index
          %get3A_1068 = tpu.vector_load %arg10[%get3A_1066, %get3A_1067] {strides = array<i32>} : memref<48x512xf32, #tpu.memory_space<vmem>>, vector<16xf32>,
          %sub3A_1069 = arith.subf %get3A_1068, %mul3A_726 : vector<16xf32>
          %mul3A_1070 = arith.mulf %sub3A_1069, %sub3A_1069 : vector<16xf32>
          %add3A_1071 = arith.addf %add3A_1065, %mul3A_1070 : vector<16xf32>
          %get3A_1072 = arith.index_cast %add3A_1025 : i32 to index
          %get3A_1073 = arith.constant 128 : index
          %get3A_1074 = tpu.vector_load %arg10[%get3A_1072, %get3A_1073] {strides = array<i32>} : memref<48x512xf32, #tpu.memory_space<vmem>>, vector<16xf32>,
          %sub3A_1075 = arith.subf %get3A_1074, %mul3A_733 : vector<16xf32>
          %mul3A_1076 = arith.mulf %sub3A_1075, %sub3A_1075 : vector<16xf32>
          %add3A_1077 = arith.addf %add3A_1071, %mul3A_1076 : vector<16xf32>
          %get3A_1078 = arith.index_cast %add3A_1025 : i32 to index
          %get3A_1079 = arith.constant 144 : index
          %get3A_1080 = tpu.vector_load %arg10[%get3A_1078, %get3A_1079] {strides = array<i32>} : memref<48x512xf32, #tpu.memory_space<vmem>>, vector<16xf32>,
          %sub3A_1081 = arith.subf %get3A_1080, %mul3A_740 : vector<16xf32>
          %mul3A_1082 = arith.mulf %sub3A_1081, %sub3A_1081 : vector<16xf32>
          %add3A_1083 = arith.addf %add3A_1077, %mul3A_1082 : vector<16xf32>
          %get3A_1084 = arith.index_cast %add3A_1025 : i32 to index
          %get3A_1085 = arith.constant 160 : index
          %get3A_1086 = tpu.vector_load %arg10[%get3A_1084, %get3A_1085] {strides = array<i32>} : memref<48x512xf32, #tpu.memory_space<vmem>>, vector<16xf32>,
          %sub3A_1087 = arith.subf %get3A_1086, %mul3A_747 : vector<16xf32>
          %mul3A_1088 = arith.mulf %sub3A_1087, %sub3A_1087 : vector<16xf32>
          %add3A_1089 = arith.addf %add3A_1083, %mul3A_1088 : vector<16xf32>
          %get3A_1090 = arith.index_cast %add3A_1025 : i32 to index
          %get3A_1091 = arith.constant 176 : index
          %get3A_1092 = tpu.vector_load %arg10[%get3A_1090, %get3A_1091] {strides = array<i32>} : memref<48x512xf32, #tpu.memory_space<vmem>>, vector<16xf32>,
          %sub3A_1093 = arith.subf %get3A_1092, %mul3A_754 : vector<16xf32>
          %mul3A_1094 = arith.mulf %sub3A_1093, %sub3A_1093 : vector<16xf32>
          %add3A_1095 = arith.addf %add3A_1089, %mul3A_1094 : vector<16xf32>
          %get3A_1096 = arith.index_cast %add3A_1025 : i32 to index
          %get3A_1097 = arith.constant 192 : index
          %get3A_1098 = tpu.vector_load %arg10[%get3A_1096, %get3A_1097] {strides = array<i32>} : memref<48x512xf32, #tpu.memory_space<vmem>>, vector<16xf32>,
          %sub3A_1099 = arith.subf %get3A_1098, %mul3A_761 : vector<16xf32>
          %mul3A_1100 = arith.mulf %sub3A_1099, %sub3A_1099 : vector<16xf32>
          %add3A_1101 = arith.addf %add3A_1095, %mul3A_1100 : vector<16xf32>
          %get3A_1102 = arith.index_cast %add3A_1025 : i32 to index
          %get3A_1103 = arith.constant 208 : index
          %get3A_1104 = tpu.vector_load %arg10[%get3A_1102, %get3A_1103] {strides = array<i32>} : memref<48x512xf32, #tpu.memory_space<vmem>>, vector<16xf32>,
          %sub3A_1105 = arith.subf %get3A_1104, %mul3A_768 : vector<16xf32>
          %mul3A_1106 = arith.mulf %sub3A_1105, %sub3A_1105 : vector<16xf32>
          %add3A_1107 = arith.addf %add3A_1101, %mul3A_1106 : vector<16xf32>
          %get3A_1108 = arith.index_cast %add3A_1025 : i32 to index
          %get3A_1109 = arith.constant 224 : index
          %get3A_1110 = tpu.vector_load %arg10[%get3A_1108, %get3A_1109] {strides = array<i32>} : memref<48x512xf32, #tpu.memory_space<vmem>>, vector<16xf32>,
          %sub3A_1111 = arith.subf %get3A_1110, %mul3A_775 : vector<16xf32>
          %mul3A_1112 = arith.mulf %sub3A_1111, %sub3A_1111 : vector<16xf32>
          %add3A_1113 = arith.addf %add3A_1107, %mul3A_1112 : vector<16xf32>
          %get3A_1114 = arith.index_cast %add3A_1025 : i32 to index
          %get3A_1115 = arith.constant 240 : index
          %get3A_1116 = tpu.vector_load %arg10[%get3A_1114, %get3A_1115] {strides = array<i32>} : memref<48x512xf32, #tpu.memory_space<vmem>>, vector<16xf32>,
          %sub3A_1117 = arith.subf %get3A_1116, %mul3A_782 : vector<16xf32>
          %mul3A_1118 = arith.mulf %sub3A_1117, %sub3A_1117 : vector<16xf32>
          %add3A_1119 = arith.addf %add3A_1113, %mul3A_1118 : vector<16xf32>
          %get3A_1120 = arith.index_cast %add3A_1025 : i32 to index
          %get3A_1121 = arith.constant 256 : index
          %get3A_1122 = tpu.vector_load %arg10[%get3A_1120, %get3A_1121] {strides = array<i32>} : memref<48x512xf32, #tpu.memory_space<vmem>>, vector<16xf32>,
          %sub3A_1123 = arith.subf %get3A_1122, %mul3A_789 : vector<16xf32>
          %mul3A_1124 = arith.mulf %sub3A_1123, %sub3A_1123 : vector<16xf32>
          %add3A_1125 = arith.addf %add3A_1119, %mul3A_1124 : vector<16xf32>
          %get3A_1126 = arith.index_cast %add3A_1025 : i32 to index
          %get3A_1127 = arith.constant 272 : index
          %get3A_1128 = tpu.vector_load %arg10[%get3A_1126, %get3A_1127] {strides = array<i32>} : memref<48x512xf32, #tpu.memory_space<vmem>>, vector<16xf32>,
          %sub3A_1129 = arith.subf %get3A_1128, %mul3A_796 : vector<16xf32>
          %mul3A_1130 = arith.mulf %sub3A_1129, %sub3A_1129 : vector<16xf32>
          %add3A_1131 = arith.addf %add3A_1125, %mul3A_1130 : vector<16xf32>
          %get3A_1132 = arith.index_cast %add3A_1025 : i32 to index
          %get3A_1133 = arith.constant 288 : index
          %get3A_1134 = tpu.vector_load %arg10[%get3A_1132, %get3A_1133] {strides = array<i32>} : memref<48x512xf32, #tpu.memory_space<vmem>>, vector<16xf32>,
          %sub3A_1135 = arith.subf %get3A_1134, %mul3A_803 : vector<16xf32>
          %mul3A_1136 = arith.mulf %sub3A_1135, %sub3A_1135 : vector<16xf32>
          %add3A_1137 = arith.addf %add3A_1131, %mul3A_1136 : vector<16xf32>
          %get3A_1138 = arith.index_cast %add3A_1025 : i32 to index
          %get3A_1139 = arith.constant 304 : index
          %get3A_1140 = tpu.vector_load %arg10[%get3A_1138, %get3A_1139] {strides = array<i32>} : memref<48x512xf32, #tpu.memory_space<vmem>>, vector<16xf32>,
          %sub3A_1141 = arith.subf %get3A_1140, %mul3A_810 : vector<16xf32>
          %mul3A_1142 = arith.mulf %sub3A_1141, %sub3A_1141 : vector<16xf32>
          %add3A_1143 = arith.addf %add3A_1137, %mul3A_1142 : vector<16xf32>
          %get3A_1144 = arith.index_cast %add3A_1025 : i32 to index
          %get3A_1145 = arith.constant 320 : index
          %get3A_1146 = tpu.vector_load %arg10[%get3A_1144, %get3A_1145] {strides = array<i32>} : memref<48x512xf32, #tpu.memory_space<vmem>>, vector<16xf32>,
          %sub3A_1147 = arith.subf %get3A_1146, %mul3A_817 : vector<16xf32>
          %mul3A_1148 = arith.mulf %sub3A_1147, %sub3A_1147 : vector<16xf32>
          %add3A_1149 = arith.addf %add3A_1143, %mul3A_1148 : vector<16xf32>
          %get3A_1150 = arith.index_cast %add3A_1025 : i32 to index
          %get3A_1151 = arith.constant 336 : index
          %get3A_1152 = tpu.vector_load %arg10[%get3A_1150, %get3A_1151] {strides = array<i32>} : memref<48x512xf32, #tpu.memory_space<vmem>>, vector<16xf32>,
          %sub3A_1153 = arith.subf %get3A_1152, %mul3A_824 : vector<16xf32>
          %mul3A_1154 = arith.mulf %sub3A_1153, %sub3A_1153 : vector<16xf32>
          %add3A_1155 = arith.addf %add3A_1149, %mul3A_1154 : vector<16xf32>
          %get3A_1156 = arith.index_cast %add3A_1025 : i32 to index
          %get3A_1157 = arith.constant 352 : index
          %get3A_1158 = tpu.vector_load %arg10[%get3A_1156, %get3A_1157] {strides = array<i32>} : memref<48x512xf32, #tpu.memory_space<vmem>>, vector<16xf32>,
          %sub3A_1159 = arith.subf %get3A_1158, %mul3A_831 : vector<16xf32>
          %mul3A_1160 = arith.mulf %sub3A_1159, %sub3A_1159 : vector<16xf32>
          %add3A_1161 = arith.addf %add3A_1155, %mul3A_1160 : vector<16xf32>
          %get3A_1162 = arith.index_cast %add3A_1025 : i32 to index
          %get3A_1163 = arith.constant 368 : index
          %get3A_1164 = tpu.vector_load %arg10[%get3A_1162, %get3A_1163] {strides = array<i32>} : memref<48x512xf32, #tpu.memory_space<vmem>>, vector<16xf32>,
          %sub3A_1165 = arith.subf %get3A_1164, %mul3A_838 : vector<16xf32>
          %mul3A_1166 = arith.mulf %sub3A_1165, %sub3A_1165 : vector<16xf32>
          %add3A_1167 = arith.addf %add3A_1161, %mul3A_1166 : vector<16xf32>
          %get3A_1168 = arith.index_cast %add3A_1025 : i32 to index
          %get3A_1169 = arith.constant 384 : index
          %get3A_1170 = tpu.vector_load %arg10[%get3A_1168, %get3A_1169] {strides = array<i32>} : memref<48x512xf32, #tpu.memory_space<vmem>>, vector<16xf32>,
          %sub3A_1171 = arith.subf %get3A_1170, %mul3A_845 : vector<16xf32>
          %mul3A_1172 = arith.mulf %sub3A_1171, %sub3A_1171 : vector<16xf32>
          %add3A_1173 = arith.addf %add3A_1167, %mul3A_1172 : vector<16xf32>
          %get3A_1174 = arith.index_cast %add3A_1025 : i32 to index
          %get3A_1175 = arith.constant 400 : index
          %get3A_1176 = tpu.vector_load %arg10[%get3A_1174, %get3A_1175] {strides = array<i32>} : memref<48x512xf32, #tpu.memory_space<vmem>>, vector<16xf32>,
          %sub3A_1177 = arith.subf %get3A_1176, %mul3A_852 : vector<16xf32>
          %mul3A_1178 = arith.mulf %sub3A_1177, %sub3A_1177 : vector<16xf32>
          %add3A_1179 = arith.addf %add3A_1173, %mul3A_1178 : vector<16xf32>
          %get3A_1180 = arith.index_cast %add3A_1025 : i32 to index
          %get3A_1181 = arith.constant 416 : index
          %get3A_1182 = tpu.vector_load %arg10[%get3A_1180, %get3A_1181] {strides = array<i32>} : memref<48x512xf32, #tpu.memory_space<vmem>>, vector<16xf32>,
          %sub3A_1183 = arith.subf %get3A_1182, %mul3A_859 : vector<16xf32>
          %mul3A_1184 = arith.mulf %sub3A_1183, %sub3A_1183 : vector<16xf32>
          %add3A_1185 = arith.addf %add3A_1179, %mul3A_1184 : vector<16xf32>
          %get3A_1186 = arith.index_cast %add3A_1025 : i32 to index
          %get3A_1187 = arith.constant 432 : index
          %get3A_1188 = tpu.vector_load %arg10[%get3A_1186, %get3A_1187] {strides = array<i32>} : memref<48x512xf32, #tpu.memory_space<vmem>>, vector<16xf32>,
          %sub3A_1189 = arith.subf %get3A_1188, %mul3A_866 : vector<16xf32>
          %mul3A_1190 = arith.mulf %sub3A_1189, %sub3A_1189 : vector<16xf32>
          %add3A_1191 = arith.addf %add3A_1185, %mul3A_1190 : vector<16xf32>
          %get3A_1192 = arith.index_cast %add3A_1025 : i32 to index
          %get3A_1193 = arith.constant 448 : index
          %get3A_1194 = tpu.vector_load %arg10[%get3A_1192, %get3A_1193] {strides = array<i32>} : memref<48x512xf32, #tpu.memory_space<vmem>>, vector<16xf32>,
          %sub3A_1195 = arith.subf %get3A_1194, %mul3A_873 : vector<16xf32>
          %mul3A_1196 = arith.mulf %sub3A_1195, %sub3A_1195 : vector<16xf32>
          %add3A_1197 = arith.addf %add3A_1191, %mul3A_1196 : vector<16xf32>
          %get3A_1198 = arith.index_cast %add3A_1025 : i32 to index
          %get3A_1199 = arith.constant 464 : index
          %get3A_1200 = tpu.vector_load %arg10[%get3A_1198, %get3A_1199] {strides = array<i32>} : memref<48x512xf32, #tpu.memory_space<vmem>>, vector<16xf32>,
          %sub3A_1201 = arith.subf %get3A_1200, %mul3A_880 : vector<16xf32>
          %mul3A_1202 = arith.mulf %sub3A_1201, %sub3A_1201 : vector<16xf32>
          %add3A_1203 = arith.addf %add3A_1197, %mul3A_1202 : vector<16xf32>
          %get3A_1204 = arith.index_cast %add3A_1025 : i32 to index
          %get3A_1205 = arith.constant 480 : index
          %get3A_1206 = tpu.vector_load %arg10[%get3A_1204, %get3A_1205] {strides = array<i32>} : memref<48x512xf32, #tpu.memory_space<vmem>>, vector<16xf32>,
          %sub3A_1207 = arith.subf %get3A_1206, %mul3A_887 : vector<16xf32>
          %mul3A_1208 = arith.mulf %sub3A_1207, %sub3A_1207 : vector<16xf32>
          %add3A_1209 = arith.addf %add3A_1203, %mul3A_1208 : vector<16xf32>
          %get3A_1210 = arith.index_cast %add3A_1025 : i32 to index
          %get3A_1211 = arith.constant 496 : index
          %get3A_1212 = tpu.vector_load %arg10[%get3A_1210, %get3A_1211] {strides = array<i32>} : memref<48x512xf32, #tpu.memory_space<vmem>>, vector<16xf32>,
          %sub3A_1213 = arith.subf %get3A_1212, %mul3A_894 : vector<16xf32>
          %mul3A_1214 = arith.mulf %sub3A_1213, %sub3A_1213 : vector<16xf32>
          %add3A_1215 = arith.addf %add3A_1209, %mul3A_1214 : vector<16xf32>
          %swap3A_1216 = arith.index_cast %add3A_1022 : i32 to index
          %swap3A_1217 = arith.constant 0 : index
          %swap3A_1218 = tpu.vector_load %arg12[%swap3A_1216, %swap3A_1217] {strides = array<i32>} : memref<16x16xf32, #tpu.memory_space<vmem>>, vector<16xf32>,
          tpu.vector_store %arg12[%swap3A_1216, %swap3A_1217], %add3A_1215 {strides = array<i32>} : memref<16x16xf32, #tpu.memory_space<vmem>>, vector<16xf32>,
          %mul3A_1219 = arith.constant 4 : i32
          %mul3A_1220 = arith.muli %scan3A_1018, %mul3A_1219 : i32
          %add3A_1221 = arith.constant 1 : i32
          %add3A_1222 = arith.addi %mul3A_1220, %add3A_1221 : i32
          %mul3A_1223 = arith.constant 16 : i32
          %mul3A_1224 = arith.muli %scan3A_948, %mul3A_1223 : i32
          %add3A_1225 = arith.addi %mul3A_1224, %add3A_1222 : i32
          %get3A_1226 = arith.index_cast %add3A_1225 : i32 to index
          %get3A_1227 = arith.constant 0 : index
          %get3A_1228 = tpu.vector_load %arg10[%get3A_1226, %get3A_1227] {strides = array<i32>} : memref<48x512xf32, #tpu.memory_space<vmem>>, vector<16xf32>,
          %sub3A_1229 = arith.subf %get3A_1228, %mul3A_677 : vector<16xf32>
          %mul3A_1230 = arith.mulf %sub3A_1229, %sub3A_1229 : vector<16xf32>
          %get3A_1231 = arith.index_cast %add3A_1225 : i32 to index
          %get3A_1232 = arith.constant 16 : index
          %get3A_1233 = tpu.vector_load %arg10[%get3A_1231, %get3A_1232] {strides = array<i32>} : memref<48x512xf32, #tpu.memory_space<vmem>>, vector<16xf32>,
          %sub3A_1234 = arith.subf %get3A_1233, %mul3A_684 : vector<16xf32>
          %mul3A_1235 = arith.mulf %sub3A_1234, %sub3A_1234 : vector<16xf32>
          %add3A_1236 = arith.addf %mul3A_1230, %mul3A_1235 : vector<16xf32>
          %get3A_1237 = arith.index_cast %add3A_1225 : i32 to index
          %get3A_1238 = arith.constant 32 : index
          %get3A_1239 = tpu.vector_load %arg10[%get3A_1237, %get3A_1238] {strides = array<i32>} : memref<48x512xf32, #tpu.memory_space<vmem>>, vector<16xf32>,
          %sub3A_1240 = arith.subf %get3A_1239, %mul3A_691 : vector<16xf32>
          %mul3A_1241 = arith.mulf %sub3A_1240, %sub3A_1240 : vector<16xf32>
          %add3A_1242 = arith.addf %add3A_1236, %mul3A_1241 : vector<16xf32>
          %get3A_1243 = arith.index_cast %add3A_1225 : i32 to index
          %get3A_1244 = arith.constant 48 : index
          %get3A_1245 = tpu.vector_load %arg10[%get3A_1243, %get3A_1244] {strides = array<i32>} : memref<48x512xf32, #tpu.memory_space<vmem>>, vector<16xf32>,
          %sub3A_1246 = arith.subf %get3A_1245, %mul3A_698 : vector<16xf32>
          %mul3A_1247 = arith.mulf %sub3A_1246, %sub3A_1246 : vector<16xf32>
          %add3A_1248 = arith.addf %add3A_1242, %mul3A_1247 : vector<16xf32>
          %get3A_1249 = arith.index_cast %add3A_1225 : i32 to index
          %get3A_1250 = arith.constant 64 : index
          %get3A_1251 = tpu.vector_load %arg10[%get3A_1249, %get3A_1250] {strides = array<i32>} : memref<48x512xf32, #tpu.memory_space<vmem>>, vector<16xf32>,
          %sub3A_1252 = arith.subf %get3A_1251, %mul3A_705 : vector<16xf32>
          %mul3A_1253 = arith.mulf %sub3A_1252, %sub3A_1252 : vector<16xf32>
          %add3A_1254 = arith.addf %add3A_1248, %mul3A_1253 : vector<16xf32>
          %get3A_1255 = arith.index_cast %add3A_1225 : i32 to index
          %get3A_1256 = arith.constant 80 : index
          %get3A_1257 = tpu.vector_load %arg10[%get3A_1255, %get3A_1256] {strides = array<i32>} : memref<48x512xf32, #tpu.memory_space<vmem>>, vector<16xf32>,
          %sub3A_1258 = arith.subf %get3A_1257, %mul3A_712 : vector<16xf32>
          %mul3A_1259 = arith.mulf %sub3A_1258, %sub3A_1258 : vector<16xf32>
          %add3A_1260 = arith.addf %add3A_1254, %mul3A_1259 : vector<16xf32>
          %get3A_1261 = arith.index_cast %add3A_1225 : i32 to index
          %get3A_1262 = arith.constant 96 : index
          %get3A_1263 = tpu.vector_load %arg10[%get3A_1261, %get3A_1262] {strides = array<i32>} : memref<48x512xf32, #tpu.memory_space<vmem>>, vector<16xf32>,
          %sub3A_1264 = arith.subf %get3A_1263, %mul3A_719 : vector<16xf32>
          %mul3A_1265 = arith.mulf %sub3A_1264, %sub3A_1264 : vector<16xf32>
          %add3A_1266 = arith.addf %add3A_1260, %mul3A_1265 : vector<16xf32>
          %get3A_1267 = arith.index_cast %add3A_1225 : i32 to index
          %get3A_1268 = arith.constant 112 : index
          %get3A_1269 = tpu.vector_load %arg10[%get3A_1267, %get3A_1268] {strides = array<i32>} : memref<48x512xf32, #tpu.memory_space<vmem>>, vector<16xf32>,
          %sub3A_1270 = arith.subf %get3A_1269, %mul3A_726 : vector<16xf32>
          %mul3A_1271 = arith.mulf %sub3A_1270, %sub3A_1270 : vector<16xf32>
          %add3A_1272 = arith.addf %add3A_1266, %mul3A_1271 : vector<16xf32>
          %get3A_1273 = arith.index_cast %add3A_1225 : i32 to index
          %get3A_1274 = arith.constant 128 : index
          %get3A_1275 = tpu.vector_load %arg10[%get3A_1273, %get3A_1274] {strides = array<i32>} : memref<48x512xf32, #tpu.memory_space<vmem>>, vector<16xf32>,
          %sub3A_1276 = arith.subf %get3A_1275, %mul3A_733 : vector<16xf32>
          %mul3A_1277 = arith.mulf %sub3A_1276, %sub3A_1276 : vector<16xf32>
          %add3A_1278 = arith.addf %add3A_1272, %mul3A_1277 : vector<16xf32>
          %get3A_1279 = arith.index_cast %add3A_1225 : i32 to index
          %get3A_1280 = arith.constant 144 : index
          %get3A_1281 = tpu.vector_load %arg10[%get3A_1279, %get3A_1280] {strides = array<i32>} : memref<48x512xf32, #tpu.memory_space<vmem>>, vector<16xf32>,
          %sub3A_1282 = arith.subf %get3A_1281, %mul3A_740 : vector<16xf32>
          %mul3A_1283 = arith.mulf %sub3A_1282, %sub3A_1282 : vector<16xf32>
          %add3A_1284 = arith.addf %add3A_1278, %mul3A_1283 : vector<16xf32>
          %get3A_1285 = arith.index_cast %add3A_1225 : i32 to index
          %get3A_1286 = arith.constant 160 : index
          %get3A_1287 = tpu.vector_load %arg10[%get3A_1285, %get3A_1286] {strides = array<i32>} : memref<48x512xf32, #tpu.memory_space<vmem>>, vector<16xf32>,
          %sub3A_1288 = arith.subf %get3A_1287, %mul3A_747 : vector<16xf32>
          %mul3A_1289 = arith.mulf %sub3A_1288, %sub3A_1288 : vector<16xf32>
          %add3A_1290 = arith.addf %add3A_1284, %mul3A_1289 : vector<16xf32>
          %get3A_1291 = arith.index_cast %add3A_1225 : i32 to index
          %get3A_1292 = arith.constant 176 : index
          %get3A_1293 = tpu.vector_load %arg10[%get3A_1291, %get3A_1292] {strides = array<i32>} : memref<48x512xf32, #tpu.memory_space<vmem>>, vector<16xf32>,
          %sub3A_1294 = arith.subf %get3A_1293, %mul3A_754 : vector<16xf32>
          %mul3A_1295 = arith.mulf %sub3A_1294, %sub3A_1294 : vector<16xf32>
          %add3A_1296 = arith.addf %add3A_1290, %mul3A_1295 : vector<16xf32>
          %get3A_1297 = arith.index_cast %add3A_1225 : i32 to index
          %get3A_1298 = arith.constant 192 : index
          %get3A_1299 = tpu.vector_load %arg10[%get3A_1297, %get3A_1298] {strides = array<i32>} : memref<48x512xf32, #tpu.memory_space<vmem>>, vector<16xf32>,
          %sub3A_1300 = arith.subf %get3A_1299, %mul3A_761 : vector<16xf32>
          %mul3A_1301 = arith.mulf %sub3A_1300, %sub3A_1300 : vector<16xf32>
          %add3A_1302 = arith.addf %add3A_1296, %mul3A_1301 : vector<16xf32>
          %get3A_1303 = arith.index_cast %add3A_1225 : i32 to index
          %get3A_1304 = arith.constant 208 : index
          %get3A_1305 = tpu.vector_load %arg10[%get3A_1303, %get3A_1304] {strides = array<i32>} : memref<48x512xf32, #tpu.memory_space<vmem>>, vector<16xf32>,
          %sub3A_1306 = arith.subf %get3A_1305, %mul3A_768 : vector<16xf32>
          %mul3A_1307 = arith.mulf %sub3A_1306, %sub3A_1306 : vector<16xf32>
          %add3A_1308 = arith.addf %add3A_1302, %mul3A_1307 : vector<16xf32>
          %get3A_1309 = arith.index_cast %add3A_1225 : i32 to index
          %get3A_1310 = arith.constant 224 : index
          %get3A_1311 = tpu.vector_load %arg10[%get3A_1309, %get3A_1310] {strides = array<i32>} : memref<48x512xf32, #tpu.memory_space<vmem>>, vector<16xf32>,
          %sub3A_1312 = arith.subf %get3A_1311, %mul3A_775 : vector<16xf32>
          %mul3A_1313 = arith.mulf %sub3A_1312, %sub3A_1312 : vector<16xf32>
          %add3A_1314 = arith.addf %add3A_1308, %mul3A_1313 : vector<16xf32>
          %get3A_1315 = arith.index_cast %add3A_1225 : i32 to index
          %get3A_1316 = arith.constant 240 : index
          %get3A_1317 = tpu.vector_load %arg10[%get3A_1315, %get3A_1316] {strides = array<i32>} : memref<48x512xf32, #tpu.memory_space<vmem>>, vector<16xf32>,
          %sub3A_1318 = arith.subf %get3A_1317, %mul3A_782 : vector<16xf32>
          %mul3A_1319 = arith.mulf %sub3A_1318, %sub3A_1318 : vector<16xf32>
          %add3A_1320 = arith.addf %add3A_1314, %mul3A_1319 : vector<16xf32>
          %get3A_1321 = arith.index_cast %add3A_1225 : i32 to index
          %get3A_1322 = arith.constant 256 : index
          %get3A_1323 = tpu.vector_load %arg10[%get3A_1321, %get3A_1322] {strides = array<i32>} : memref<48x512xf32, #tpu.memory_space<vmem>>, vector<16xf32>,
          %sub3A_1324 = arith.subf %get3A_1323, %mul3A_789 : vector<16xf32>
          %mul3A_1325 = arith.mulf %sub3A_1324, %sub3A_1324 : vector<16xf32>
          %add3A_1326 = arith.addf %add3A_1320, %mul3A_1325 : vector<16xf32>
          %get3A_1327 = arith.index_cast %add3A_1225 : i32 to index
          %get3A_1328 = arith.constant 272 : index
          %get3A_1329 = tpu.vector_load %arg10[%get3A_1327, %get3A_1328] {strides = array<i32>} : memref<48x512xf32, #tpu.memory_space<vmem>>, vector<16xf32>,
          %sub3A_1330 = arith.subf %get3A_1329, %mul3A_796 : vector<16xf32>
          %mul3A_1331 = arith.mulf %sub3A_1330, %sub3A_1330 : vector<16xf32>
          %add3A_1332 = arith.addf %add3A_1326, %mul3A_1331 : vector<16xf32>
          %get3A_1333 = arith.index_cast %add3A_1225 : i32 to index
          %get3A_1334 = arith.constant 288 : index
          %get3A_1335 = tpu.vector_load %arg10[%get3A_1333, %get3A_1334] {strides = array<i32>} : memref<48x512xf32, #tpu.memory_space<vmem>>, vector<16xf32>,
          %sub3A_1336 = arith.subf %get3A_1335, %mul3A_803 : vector<16xf32>
          %mul3A_1337 = arith.mulf %sub3A_1336, %sub3A_1336 : vector<16xf32>
          %add3A_1338 = arith.addf %add3A_1332, %mul3A_1337 : vector<16xf32>
          %get3A_1339 = arith.index_cast %add3A_1225 : i32 to index
          %get3A_1340 = arith.constant 304 : index
          %get3A_1341 = tpu.vector_load %arg10[%get3A_1339, %get3A_1340] {strides = array<i32>} : memref<48x512xf32, #tpu.memory_space<vmem>>, vector<16xf32>,
          %sub3A_1342 = arith.subf %get3A_1341, %mul3A_810 : vector<16xf32>
          %mul3A_1343 = arith.mulf %sub3A_1342, %sub3A_1342 : vector<16xf32>
          %add3A_1344 = arith.addf %add3A_1338, %mul3A_1343 : vector<16xf32>
          %get3A_1345 = arith.index_cast %add3A_1225 : i32 to index
          %get3A_1346 = arith.constant 320 : index
          %get3A_1347 = tpu.vector_load %arg10[%get3A_1345, %get3A_1346] {strides = array<i32>} : memref<48x512xf32, #tpu.memory_space<vmem>>, vector<16xf32>,
          %sub3A_1348 = arith.subf %get3A_1347, %mul3A_817 : vector<16xf32>
          %mul3A_1349 = arith.mulf %sub3A_1348, %sub3A_1348 : vector<16xf32>
          %add3A_1350 = arith.addf %add3A_1344, %mul3A_1349 : vector<16xf32>
          %get3A_1351 = arith.index_cast %add3A_1225 : i32 to index
          %get3A_1352 = arith.constant 336 : index
          %get3A_1353 = tpu.vector_load %arg10[%get3A_1351, %get3A_1352] {strides = array<i32>} : memref<48x512xf32, #tpu.memory_space<vmem>>, vector<16xf32>,
          %sub3A_1354 = arith.subf %get3A_1353, %mul3A_824 : vector<16xf32>
          %mul3A_1355 = arith.mulf %sub3A_1354, %sub3A_1354 : vector<16xf32>
          %add3A_1356 = arith.addf %add3A_1350, %mul3A_1355 : vector<16xf32>
          %get3A_1357 = arith.index_cast %add3A_1225 : i32 to index
          %get3A_1358 = arith.constant 352 : index
          %get3A_1359 = tpu.vector_load %arg10[%get3A_1357, %get3A_1358] {strides = array<i32>} : memref<48x512xf32, #tpu.memory_space<vmem>>, vector<16xf32>,
          %sub3A_1360 = arith.subf %get3A_1359, %mul3A_831 : vector<16xf32>
          %mul3A_1361 = arith.mulf %sub3A_1360, %sub3A_1360 : vector<16xf32>
          %add3A_1362 = arith.addf %add3A_1356, %mul3A_1361 : vector<16xf32>
          %get3A_1363 = arith.index_cast %add3A_1225 : i32 to index
          %get3A_1364 = arith.constant 368 : index
          %get3A_1365 = tpu.vector_load %arg10[%get3A_1363, %get3A_1364] {strides = array<i32>} : memref<48x512xf32, #tpu.memory_space<vmem>>, vector<16xf32>,
          %sub3A_1366 = arith.subf %get3A_1365, %mul3A_838 : vector<16xf32>
          %mul3A_1367 = arith.mulf %sub3A_1366, %sub3A_1366 : vector<16xf32>
          %add3A_1368 = arith.addf %add3A_1362, %mul3A_1367 : vector<16xf32>
          %get3A_1369 = arith.index_cast %add3A_1225 : i32 to index
          %get3A_1370 = arith.constant 384 : index
          %get3A_1371 = tpu.vector_load %arg10[%get3A_1369, %get3A_1370] {strides = array<i32>} : memref<48x512xf32, #tpu.memory_space<vmem>>, vector<16xf32>,
          %sub3A_1372 = arith.subf %get3A_1371, %mul3A_845 : vector<16xf32>
          %mul3A_1373 = arith.mulf %sub3A_1372, %sub3A_1372 : vector<16xf32>
          %add3A_1374 = arith.addf %add3A_1368, %mul3A_1373 : vector<16xf32>
          %get3A_1375 = arith.index_cast %add3A_1225 : i32 to index
          %get3A_1376 = arith.constant 400 : index
          %get3A_1377 = tpu.vector_load %arg10[%get3A_1375, %get3A_1376] {strides = array<i32>} : memref<48x512xf32, #tpu.memory_space<vmem>>, vector<16xf32>,
          %sub3A_1378 = arith.subf %get3A_1377, %mul3A_852 : vector<16xf32>
          %mul3A_1379 = arith.mulf %sub3A_1378, %sub3A_1378 : vector<16xf32>
          %add3A_1380 = arith.addf %add3A_1374, %mul3A_1379 : vector<16xf32>
          %get3A_1381 = arith.index_cast %add3A_1225 : i32 to index
          %get3A_1382 = arith.constant 416 : index
          %get3A_1383 = tpu.vector_load %arg10[%get3A_1381, %get3A_1382] {strides = array<i32>} : memref<48x512xf32, #tpu.memory_space<vmem>>, vector<16xf32>,
          %sub3A_1384 = arith.subf %get3A_1383, %mul3A_859 : vector<16xf32>
          %mul3A_1385 = arith.mulf %sub3A_1384, %sub3A_1384 : vector<16xf32>
          %add3A_1386 = arith.addf %add3A_1380, %mul3A_1385 : vector<16xf32>
          %get3A_1387 = arith.index_cast %add3A_1225 : i32 to index
          %get3A_1388 = arith.constant 432 : index
          %get3A_1389 = tpu.vector_load %arg10[%get3A_1387, %get3A_1388] {strides = array<i32>} : memref<48x512xf32, #tpu.memory_space<vmem>>, vector<16xf32>,
          %sub3A_1390 = arith.subf %get3A_1389, %mul3A_866 : vector<16xf32>
          %mul3A_1391 = arith.mulf %sub3A_1390, %sub3A_1390 : vector<16xf32>
          %add3A_1392 = arith.addf %add3A_1386, %mul3A_1391 : vector<16xf32>
          %get3A_1393 = arith.index_cast %add3A_1225 : i32 to index
          %get3A_1394 = arith.constant 448 : index
          %get3A_1395 = tpu.vector_load %arg10[%get3A_1393, %get3A_1394] {strides = array<i32>} : memref<48x512xf32, #tpu.memory_space<vmem>>, vector<16xf32>,
          %sub3A_1396 = arith.subf %get3A_1395, %mul3A_873 : vector<16xf32>
          %mul3A_1397 = arith.mulf %sub3A_1396, %sub3A_1396 : vector<16xf32>
          %add3A_1398 = arith.addf %add3A_1392, %mul3A_1397 : vector<16xf32>
          %get3A_1399 = arith.index_cast %add3A_1225 : i32 to index
          %get3A_1400 = arith.constant 464 : index
          %get3A_1401 = tpu.vector_load %arg10[%get3A_1399, %get3A_1400] {strides = array<i32>} : memref<48x512xf32, #tpu.memory_space<vmem>>, vector<16xf32>,
          %sub3A_1402 = arith.subf %get3A_1401, %mul3A_880 : vector<16xf32>
          %mul3A_1403 = arith.mulf %sub3A_1402, %sub3A_1402 : vector<16xf32>
          %add3A_1404 = arith.addf %add3A_1398, %mul3A_1403 : vector<16xf32>
          %get3A_1405 = arith.index_cast %add3A_1225 : i32 to index
          %get3A_1406 = arith.constant 480 : index
          %get3A_1407 = tpu.vector_load %arg10[%get3A_1405, %get3A_1406] {strides = array<i32>} : memref<48x512xf32, #tpu.memory_space<vmem>>, vector<16xf32>,
          %sub3A_1408 = arith.subf %get3A_1407, %mul3A_887 : vector<16xf32>
          %mul3A_1409 = arith.mulf %sub3A_1408, %sub3A_1408 : vector<16xf32>
          %add3A_1410 = arith.addf %add3A_1404, %mul3A_1409 : vector<16xf32>
          %get3A_1411 = arith.index_cast %add3A_1225 : i32 to index
          %get3A_1412 = arith.constant 496 : index
          %get3A_1413 = tpu.vector_load %arg10[%get3A_1411, %get3A_1412] {strides = array<i32>} : memref<48x512xf32, #tpu.memory_space<vmem>>, vector<16xf32>,
          %sub3A_1414 = arith.subf %get3A_1413, %mul3A_894 : vector<16xf32>
          %mul3A_1415 = arith.mulf %sub3A_1414, %sub3A_1414 : vector<16xf32>
          %add3A_1416 = arith.addf %add3A_1410, %mul3A_1415 : vector<16xf32>
          %swap3A_1417 = arith.index_cast %add3A_1222 : i32 to index
          %swap3A_1418 = arith.constant 0 : index
          %swap3A_1419 = tpu.vector_load %arg12[%swap3A_1417, %swap3A_1418] {strides = array<i32>} : memref<16x16xf32, #tpu.memory_space<vmem>>, vector<16xf32>,
          tpu.vector_store %arg12[%swap3A_1417, %swap3A_1418], %add3A_1416 {strides = array<i32>} : memref<16x16xf32, #tpu.memory_space<vmem>>, vector<16xf32>,
          %mul3A_1420 = arith.constant 4 : i32
          %mul3A_1421 = arith.muli %scan3A_1018, %mul3A_1420 : i32
          %add3A_1422 = arith.constant 2 : i32
          %add3A_1423 = arith.addi %mul3A_1421, %add3A_1422 : i32
          %mul3A_1424 = arith.constant 16 : i32
          %mul3A_1425 = arith.muli %scan3A_948, %mul3A_1424 : i32
          %add3A_1426 = arith.addi %mul3A_1425, %add3A_1423 : i32
          %get3A_1427 = arith.index_cast %add3A_1426 : i32 to index
          %get3A_1428 = arith.constant 0 : index
          %get3A_1429 = tpu.vector_load %arg10[%get3A_1427, %get3A_1428] {strides = array<i32>} : memref<48x512xf32, #tpu.memory_space<vmem>>, vector<16xf32>,
          %sub3A_1430 = arith.subf %get3A_1429, %mul3A_677 : vector<16xf32>
          %mul3A_1431 = arith.mulf %sub3A_1430, %sub3A_1430 : vector<16xf32>
          %get3A_1432 = arith.index_cast %add3A_1426 : i32 to index
          %get3A_1433 = arith.constant 16 : index
          %get3A_1434 = tpu.vector_load %arg10[%get3A_1432, %get3A_1433] {strides = array<i32>} : memref<48x512xf32, #tpu.memory_space<vmem>>, vector<16xf32>,
          %sub3A_1435 = arith.subf %get3A_1434, %mul3A_684 : vector<16xf32>
          %mul3A_1436 = arith.mulf %sub3A_1435, %sub3A_1435 : vector<16xf32>
          %add3A_1437 = arith.addf %mul3A_1431, %mul3A_1436 : vector<16xf32>
          %get3A_1438 = arith.index_cast %add3A_1426 : i32 to index
          %get3A_1439 = arith.constant 32 : index
          %get3A_1440 = tpu.vector_load %arg10[%get3A_1438, %get3A_1439] {strides = array<i32>} : memref<48x512xf32, #tpu.memory_space<vmem>>, vector<16xf32>,
          %sub3A_1441 = arith.subf %get3A_1440, %mul3A_691 : vector<16xf32>
          %mul3A_1442 = arith.mulf %sub3A_1441, %sub3A_1441 : vector<16xf32>
          %add3A_1443 = arith.addf %add3A_1437, %mul3A_1442 : vector<16xf32>
          %get3A_1444 = arith.index_cast %add3A_1426 : i32 to index
          %get3A_1445 = arith.constant 48 : index
          %get3A_1446 = tpu.vector_load %arg10[%get3A_1444, %get3A_1445] {strides = array<i32>} : memref<48x512xf32, #tpu.memory_space<vmem>>, vector<16xf32>,
          %sub3A_1447 = arith.subf %get3A_1446, %mul3A_698 : vector<16xf32>
          %mul3A_1448 = arith.mulf %sub3A_1447, %sub3A_1447 : vector<16xf32>
          %add3A_1449 = arith.addf %add3A_1443, %mul3A_1448 : vector<16xf32>
          %get3A_1450 = arith.index_cast %add3A_1426 : i32 to index
          %get3A_1451 = arith.constant 64 : index
          %get3A_1452 = tpu.vector_load %arg10[%get3A_1450, %get3A_1451] {strides = array<i32>} : memref<48x512xf32, #tpu.memory_space<vmem>>, vector<16xf32>,
          %sub3A_1453 = arith.subf %get3A_1452, %mul3A_705 : vector<16xf32>
          %mul3A_1454 = arith.mulf %sub3A_1453, %sub3A_1453 : vector<16xf32>
          %add3A_1455 = arith.addf %add3A_1449, %mul3A_1454 : vector<16xf32>
          %get3A_1456 = arith.index_cast %add3A_1426 : i32 to index
          %get3A_1457 = arith.constant 80 : index
          %get3A_1458 = tpu.vector_load %arg10[%get3A_1456, %get3A_1457] {strides = array<i32>} : memref<48x512xf32, #tpu.memory_space<vmem>>, vector<16xf32>,
          %sub3A_1459 = arith.subf %get3A_1458, %mul3A_712 : vector<16xf32>
          %mul3A_1460 = arith.mulf %sub3A_1459, %sub3A_1459 : vector<16xf32>
          %add3A_1461 = arith.addf %add3A_1455, %mul3A_1460 : vector<16xf32>
          %get3A_1462 = arith.index_cast %add3A_1426 : i32 to index
          %get3A_1463 = arith.constant 96 : index
          %get3A_1464 = tpu.vector_load %arg10[%get3A_1462, %get3A_1463] {strides = array<i32>} : memref<48x512xf32, #tpu.memory_space<vmem>>, vector<16xf32>,
          %sub3A_1465 = arith.subf %get3A_1464, %mul3A_719 : vector<16xf32>
          %mul3A_1466 = arith.mulf %sub3A_1465, %sub3A_1465 : vector<16xf32>
          %add3A_1467 = arith.addf %add3A_1461, %mul3A_1466 : vector<16xf32>
          %get3A_1468 = arith.index_cast %add3A_1426 : i32 to index
          %get3A_1469 = arith.constant 112 : index
          %get3A_1470 = tpu.vector_load %arg10[%get3A_1468, %get3A_1469] {strides = array<i32>} : memref<48x512xf32, #tpu.memory_space<vmem>>, vector<16xf32>,
          %sub3A_1471 = arith.subf %get3A_1470, %mul3A_726 : vector<16xf32>
          %mul3A_1472 = arith.mulf %sub3A_1471, %sub3A_1471 : vector<16xf32>
          %add3A_1473 = arith.addf %add3A_1467, %mul3A_1472 : vector<16xf32>
          %get3A_1474 = arith.index_cast %add3A_1426 : i32 to index
          %get3A_1475 = arith.constant 128 : index
          %get3A_1476 = tpu.vector_load %arg10[%get3A_1474, %get3A_1475] {strides = array<i32>} : memref<48x512xf32, #tpu.memory_space<vmem>>, vector<16xf32>,
          %sub3A_1477 = arith.subf %get3A_1476, %mul3A_733 : vector<16xf32>
          %mul3A_1478 = arith.mulf %sub3A_1477, %sub3A_1477 : vector<16xf32>
          %add3A_1479 = arith.addf %add3A_1473, %mul3A_1478 : vector<16xf32>
          %get3A_1480 = arith.index_cast %add3A_1426 : i32 to index
          %get3A_1481 = arith.constant 144 : index
          %get3A_1482 = tpu.vector_load %arg10[%get3A_1480, %get3A_1481] {strides = array<i32>} : memref<48x512xf32, #tpu.memory_space<vmem>>, vector<16xf32>,
          %sub3A_1483 = arith.subf %get3A_1482, %mul3A_740 : vector<16xf32>
          %mul3A_1484 = arith.mulf %sub3A_1483, %sub3A_1483 : vector<16xf32>
          %add3A_1485 = arith.addf %add3A_1479, %mul3A_1484 : vector<16xf32>
          %get3A_1486 = arith.index_cast %add3A_1426 : i32 to index
          %get3A_1487 = arith.constant 160 : index
          %get3A_1488 = tpu.vector_load %arg10[%get3A_1486, %get3A_1487] {strides = array<i32>} : memref<48x512xf32, #tpu.memory_space<vmem>>, vector<16xf32>,
          %sub3A_1489 = arith.subf %get3A_1488, %mul3A_747 : vector<16xf32>
          %mul3A_1490 = arith.mulf %sub3A_1489, %sub3A_1489 : vector<16xf32>
          %add3A_1491 = arith.addf %add3A_1485, %mul3A_1490 : vector<16xf32>
          %get3A_1492 = arith.index_cast %add3A_1426 : i32 to index
          %get3A_1493 = arith.constant 176 : index
          %get3A_1494 = tpu.vector_load %arg10[%get3A_1492, %get3A_1493] {strides = array<i32>} : memref<48x512xf32, #tpu.memory_space<vmem>>, vector<16xf32>,
          %sub3A_1495 = arith.subf %get3A_1494, %mul3A_754 : vector<16xf32>
          %mul3A_1496 = arith.mulf %sub3A_1495, %sub3A_1495 : vector<16xf32>
          %add3A_1497 = arith.addf %add3A_1491, %mul3A_1496 : vector<16xf32>
          %get3A_1498 = arith.index_cast %add3A_1426 : i32 to index
          %get3A_1499 = arith.constant 192 : index
          %get3A_1500 = tpu.vector_load %arg10[%get3A_1498, %get3A_1499] {strides = array<i32>} : memref<48x512xf32, #tpu.memory_space<vmem>>, vector<16xf32>,
          %sub3A_1501 = arith.subf %get3A_1500, %mul3A_761 : vector<16xf32>
          %mul3A_1502 = arith.mulf %sub3A_1501, %sub3A_1501 : vector<16xf32>
          %add3A_1503 = arith.addf %add3A_1497, %mul3A_1502 : vector<16xf32>
          %get3A_1504 = arith.index_cast %add3A_1426 : i32 to index
          %get3A_1505 = arith.constant 208 : index
          %get3A_1506 = tpu.vector_load %arg10[%get3A_1504, %get3A_1505] {strides = array<i32>} : memref<48x512xf32, #tpu.memory_space<vmem>>, vector<16xf32>,
          %sub3A_1507 = arith.subf %get3A_1506, %mul3A_768 : vector<16xf32>
          %mul3A_1508 = arith.mulf %sub3A_1507, %sub3A_1507 : vector<16xf32>
          %add3A_1509 = arith.addf %add3A_1503, %mul3A_1508 : vector<16xf32>
          %get3A_1510 = arith.index_cast %add3A_1426 : i32 to index
          %get3A_1511 = arith.constant 224 : index
          %get3A_1512 = tpu.vector_load %arg10[%get3A_1510, %get3A_1511] {strides = array<i32>} : memref<48x512xf32, #tpu.memory_space<vmem>>, vector<16xf32>,
          %sub3A_1513 = arith.subf %get3A_1512, %mul3A_775 : vector<16xf32>
          %mul3A_1514 = arith.mulf %sub3A_1513, %sub3A_1513 : vector<16xf32>
          %add3A_1515 = arith.addf %add3A_1509, %mul3A_1514 : vector<16xf32>
          %get3A_1516 = arith.index_cast %add3A_1426 : i32 to index
          %get3A_1517 = arith.constant 240 : index
          %get3A_1518 = tpu.vector_load %arg10[%get3A_1516, %get3A_1517] {strides = array<i32>} : memref<48x512xf32, #tpu.memory_space<vmem>>, vector<16xf32>,
          %sub3A_1519 = arith.subf %get3A_1518, %mul3A_782 : vector<16xf32>
          %mul3A_1520 = arith.mulf %sub3A_1519, %sub3A_1519 : vector<16xf32>
          %add3A_1521 = arith.addf %add3A_1515, %mul3A_1520 : vector<16xf32>
          %get3A_1522 = arith.index_cast %add3A_1426 : i32 to index
          %get3A_1523 = arith.constant 256 : index
          %get3A_1524 = tpu.vector_load %arg10[%get3A_1522, %get3A_1523] {strides = array<i32>} : memref<48x512xf32, #tpu.memory_space<vmem>>, vector<16xf32>,
          %sub3A_1525 = arith.subf %get3A_1524, %mul3A_789 : vector<16xf32>
          %mul3A_1526 = arith.mulf %sub3A_1525, %sub3A_1525 : vector<16xf32>
          %add3A_1527 = arith.addf %add3A_1521, %mul3A_1526 : vector<16xf32>
          %get3A_1528 = arith.index_cast %add3A_1426 : i32 to index
          %get3A_1529 = arith.constant 272 : index
          %get3A_1530 = tpu.vector_load %arg10[%get3A_1528, %get3A_1529] {strides = array<i32>} : memref<48x512xf32, #tpu.memory_space<vmem>>, vector<16xf32>,
          %sub3A_1531 = arith.subf %get3A_1530, %mul3A_796 : vector<16xf32>
          %mul3A_1532 = arith.mulf %sub3A_1531, %sub3A_1531 : vector<16xf32>
          %add3A_1533 = arith.addf %add3A_1527, %mul3A_1532 : vector<16xf32>
          %get3A_1534 = arith.index_cast %add3A_1426 : i32 to index
          %get3A_1535 = arith.constant 288 : index
          %get3A_1536 = tpu.vector_load %arg10[%get3A_1534, %get3A_1535] {strides = array<i32>} : memref<48x512xf32, #tpu.memory_space<vmem>>, vector<16xf32>,
          %sub3A_1537 = arith.subf %get3A_1536, %mul3A_803 : vector<16xf32>
          %mul3A_1538 = arith.mulf %sub3A_1537, %sub3A_1537 : vector<16xf32>
          %add3A_1539 = arith.addf %add3A_1533, %mul3A_1538 : vector<16xf32>
          %get3A_1540 = arith.index_cast %add3A_1426 : i32 to index
          %get3A_1541 = arith.constant 304 : index
          %get3A_1542 = tpu.vector_load %arg10[%get3A_1540, %get3A_1541] {strides = array<i32>} : memref<48x512xf32, #tpu.memory_space<vmem>>, vector<16xf32>,
          %sub3A_1543 = arith.subf %get3A_1542, %mul3A_810 : vector<16xf32>
          %mul3A_1544 = arith.mulf %sub3A_1543, %sub3A_1543 : vector<16xf32>
          %add3A_1545 = arith.addf %add3A_1539, %mul3A_1544 : vector<16xf32>
          %get3A_1546 = arith.index_cast %add3A_1426 : i32 to index
          %get3A_1547 = arith.constant 320 : index
          %get3A_1548 = tpu.vector_load %arg10[%get3A_1546, %get3A_1547] {strides = array<i32>} : memref<48x512xf32, #tpu.memory_space<vmem>>, vector<16xf32>,
          %sub3A_1549 = arith.subf %get3A_1548, %mul3A_817 : vector<16xf32>
          %mul3A_1550 = arith.mulf %sub3A_1549, %sub3A_1549 : vector<16xf32>
          %add3A_1551 = arith.addf %add3A_1545, %mul3A_1550 : vector<16xf32>
          %get3A_1552 = arith.index_cast %add3A_1426 : i32 to index
          %get3A_1553 = arith.constant 336 : index
          %get3A_1554 = tpu.vector_load %arg10[%get3A_1552, %get3A_1553] {strides = array<i32>} : memref<48x512xf32, #tpu.memory_space<vmem>>, vector<16xf32>,
          %sub3A_1555 = arith.subf %get3A_1554, %mul3A_824 : vector<16xf32>
          %mul3A_1556 = arith.mulf %sub3A_1555, %sub3A_1555 : vector<16xf32>
          %add3A_1557 = arith.addf %add3A_1551, %mul3A_1556 : vector<16xf32>
          %get3A_1558 = arith.index_cast %add3A_1426 : i32 to index
          %get3A_1559 = arith.constant 352 : index
          %get3A_1560 = tpu.vector_load %arg10[%get3A_1558, %get3A_1559] {strides = array<i32>} : memref<48x512xf32, #tpu.memory_space<vmem>>, vector<16xf32>,
          %sub3A_1561 = arith.subf %get3A_1560, %mul3A_831 : vector<16xf32>
          %mul3A_1562 = arith.mulf %sub3A_1561, %sub3A_1561 : vector<16xf32>
          %add3A_1563 = arith.addf %add3A_1557, %mul3A_1562 : vector<16xf32>
          %get3A_1564 = arith.index_cast %add3A_1426 : i32 to index
          %get3A_1565 = arith.constant 368 : index
          %get3A_1566 = tpu.vector_load %arg10[%get3A_1564, %get3A_1565] {strides = array<i32>} : memref<48x512xf32, #tpu.memory_space<vmem>>, vector<16xf32>,
          %sub3A_1567 = arith.subf %get3A_1566, %mul3A_838 : vector<16xf32>
          %mul3A_1568 = arith.mulf %sub3A_1567, %sub3A_1567 : vector<16xf32>
          %add3A_1569 = arith.addf %add3A_1563, %mul3A_1568 : vector<16xf32>
          %get3A_1570 = arith.index_cast %add3A_1426 : i32 to index
          %get3A_1571 = arith.constant 384 : index
          %get3A_1572 = tpu.vector_load %arg10[%get3A_1570, %get3A_1571] {strides = array<i32>} : memref<48x512xf32, #tpu.memory_space<vmem>>, vector<16xf32>,
          %sub3A_1573 = arith.subf %get3A_1572, %mul3A_845 : vector<16xf32>
          %mul3A_1574 = arith.mulf %sub3A_1573, %sub3A_1573 : vector<16xf32>
          %add3A_1575 = arith.addf %add3A_1569, %mul3A_1574 : vector<16xf32>
          %get3A_1576 = arith.index_cast %add3A_1426 : i32 to index
          %get3A_1577 = arith.constant 400 : index
          %get3A_1578 = tpu.vector_load %arg10[%get3A_1576, %get3A_1577] {strides = array<i32>} : memref<48x512xf32, #tpu.memory_space<vmem>>, vector<16xf32>,
          %sub3A_1579 = arith.subf %get3A_1578, %mul3A_852 : vector<16xf32>
          %mul3A_1580 = arith.mulf %sub3A_1579, %sub3A_1579 : vector<16xf32>
          %add3A_1581 = arith.addf %add3A_1575, %mul3A_1580 : vector<16xf32>
          %get3A_1582 = arith.index_cast %add3A_1426 : i32 to index
          %get3A_1583 = arith.constant 416 : index
          %get3A_1584 = tpu.vector_load %arg10[%get3A_1582, %get3A_1583] {strides = array<i32>} : memref<48x512xf32, #tpu.memory_space<vmem>>, vector<16xf32>,
          %sub3A_1585 = arith.subf %get3A_1584, %mul3A_859 : vector<16xf32>
          %mul3A_1586 = arith.mulf %sub3A_1585, %sub3A_1585 : vector<16xf32>
          %add3A_1587 = arith.addf %add3A_1581, %mul3A_1586 : vector<16xf32>
          %get3A_1588 = arith.index_cast %add3A_1426 : i32 to index
          %get3A_1589 = arith.constant 432 : index
          %get3A_1590 = tpu.vector_load %arg10[%get3A_1588, %get3A_1589] {strides = array<i32>} : memref<48x512xf32, #tpu.memory_space<vmem>>, vector<16xf32>,
          %sub3A_1591 = arith.subf %get3A_1590, %mul3A_866 : vector<16xf32>
          %mul3A_1592 = arith.mulf %sub3A_1591, %sub3A_1591 : vector<16xf32>
          %add3A_1593 = arith.addf %add3A_1587, %mul3A_1592 : vector<16xf32>
          %get3A_1594 = arith.index_cast %add3A_1426 : i32 to index
          %get3A_1595 = arith.constant 448 : index
          %get3A_1596 = tpu.vector_load %arg10[%get3A_1594, %get3A_1595] {strides = array<i32>} : memref<48x512xf32, #tpu.memory_space<vmem>>, vector<16xf32>,
          %sub3A_1597 = arith.subf %get3A_1596, %mul3A_873 : vector<16xf32>
          %mul3A_1598 = arith.mulf %sub3A_1597, %sub3A_1597 : vector<16xf32>
          %add3A_1599 = arith.addf %add3A_1593, %mul3A_1598 : vector<16xf32>
          %get3A_1600 = arith.index_cast %add3A_1426 : i32 to index
          %get3A_1601 = arith.constant 464 : index
          %get3A_1602 = tpu.vector_load %arg10[%get3A_1600, %get3A_1601] {strides = array<i32>} : memref<48x512xf32, #tpu.memory_space<vmem>>, vector<16xf32>,
          %sub3A_1603 = arith.subf %get3A_1602, %mul3A_880 : vector<16xf32>
          %mul3A_1604 = arith.mulf %sub3A_1603, %sub3A_1603 : vector<16xf32>
          %add3A_1605 = arith.addf %add3A_1599, %mul3A_1604 : vector<16xf32>
          %get3A_1606 = arith.index_cast %add3A_1426 : i32 to index
          %get3A_1607 = arith.constant 480 : index
          %get3A_1608 = tpu.vector_load %arg10[%get3A_1606, %get3A_1607] {strides = array<i32>} : memref<48x512xf32, #tpu.memory_space<vmem>>, vector<16xf32>,
          %sub3A_1609 = arith.subf %get3A_1608, %mul3A_887 : vector<16xf32>
          %mul3A_1610 = arith.mulf %sub3A_1609, %sub3A_1609 : vector<16xf32>
          %add3A_1611 = arith.addf %add3A_1605, %mul3A_1610 : vector<16xf32>
          %get3A_1612 = arith.index_cast %add3A_1426 : i32 to index
          %get3A_1613 = arith.constant 496 : index
          %get3A_1614 = tpu.vector_load %arg10[%get3A_1612, %get3A_1613] {strides = array<i32>} : memref<48x512xf32, #tpu.memory_space<vmem>>, vector<16xf32>,
          %sub3A_1615 = arith.subf %get3A_1614, %mul3A_894 : vector<16xf32>
          %mul3A_1616 = arith.mulf %sub3A_1615, %sub3A_1615 : vector<16xf32>
          %add3A_1617 = arith.addf %add3A_1611, %mul3A_1616 : vector<16xf32>
          %swap3A_1618 = arith.index_cast %add3A_1423 : i32 to index
          %swap3A_1619 = arith.constant 0 : index
          %swap3A_1620 = tpu.vector_load %arg12[%swap3A_1618, %swap3A_1619] {strides = array<i32>} : memref<16x16xf32, #tpu.memory_space<vmem>>, vector<16xf32>,
          tpu.vector_store %arg12[%swap3A_1618, %swap3A_1619], %add3A_1617 {strides = array<i32>} : memref<16x16xf32, #tpu.memory_space<vmem>>, vector<16xf32>,
          %mul3A_1621 = arith.constant 4 : i32
          %mul3A_1622 = arith.muli %scan3A_1018, %mul3A_1621 : i32
          %add3A_1623 = arith.constant 3 : i32
          %add3A_1624 = arith.addi %mul3A_1622, %add3A_1623 : i32
          %mul3A_1625 = arith.constant 16 : i32
          %mul3A_1626 = arith.muli %scan3A_948, %mul3A_1625 : i32
          %add3A_1627 = arith.addi %mul3A_1626, %add3A_1624 : i32
          %get3A_1628 = arith.index_cast %add3A_1627 : i32 to index
          %get3A_1629 = arith.constant 0 : index
          %get3A_1630 = tpu.vector_load %arg10[%get3A_1628, %get3A_1629] {strides = array<i32>} : memref<48x512xf32, #tpu.memory_space<vmem>>, vector<16xf32>,
          %sub3A_1631 = arith.subf %get3A_1630, %mul3A_677 : vector<16xf32>
          %mul3A_1632 = arith.mulf %sub3A_1631, %sub3A_1631 : vector<16xf32>
          %get3A_1633 = arith.index_cast %add3A_1627 : i32 to index
          %get3A_1634 = arith.constant 16 : index
          %get3A_1635 = tpu.vector_load %arg10[%get3A_1633, %get3A_1634] {strides = array<i32>} : memref<48x512xf32, #tpu.memory_space<vmem>>, vector<16xf32>,
          %sub3A_1636 = arith.subf %get3A_1635, %mul3A_684 : vector<16xf32>
          %mul3A_1637 = arith.mulf %sub3A_1636, %sub3A_1636 : vector<16xf32>
          %add3A_1638 = arith.addf %mul3A_1632, %mul3A_1637 : vector<16xf32>
          %get3A_1639 = arith.index_cast %add3A_1627 : i32 to index
          %get3A_1640 = arith.constant 32 : index
          %get3A_1641 = tpu.vector_load %arg10[%get3A_1639, %get3A_1640] {strides = array<i32>} : memref<48x512xf32, #tpu.memory_space<vmem>>, vector<16xf32>,
          %sub3A_1642 = arith.subf %get3A_1641, %mul3A_691 : vector<16xf32>
          %mul3A_1643 = arith.mulf %sub3A_1642, %sub3A_1642 : vector<16xf32>
          %add3A_1644 = arith.addf %add3A_1638, %mul3A_1643 : vector<16xf32>
          %get3A_1645 = arith.index_cast %add3A_1627 : i32 to index
          %get3A_1646 = arith.constant 48 : index
          %get3A_1647 = tpu.vector_load %arg10[%get3A_1645, %get3A_1646] {strides = array<i32>} : memref<48x512xf32, #tpu.memory_space<vmem>>, vector<16xf32>,
          %sub3A_1648 = arith.subf %get3A_1647, %mul3A_698 : vector<16xf32>
          %mul3A_1649 = arith.mulf %sub3A_1648, %sub3A_1648 : vector<16xf32>
          %add3A_1650 = arith.addf %add3A_1644, %mul3A_1649 : vector<16xf32>
          %get3A_1651 = arith.index_cast %add3A_1627 : i32 to index
          %get3A_1652 = arith.constant 64 : index
          %get3A_1653 = tpu.vector_load %arg10[%get3A_1651, %get3A_1652] {strides = array<i32>} : memref<48x512xf32, #tpu.memory_space<vmem>>, vector<16xf32>,
          %sub3A_1654 = arith.subf %get3A_1653, %mul3A_705 : vector<16xf32>
          %mul3A_1655 = arith.mulf %sub3A_1654, %sub3A_1654 : vector<16xf32>
          %add3A_1656 = arith.addf %add3A_1650, %mul3A_1655 : vector<16xf32>
          %get3A_1657 = arith.index_cast %add3A_1627 : i32 to index
          %get3A_1658 = arith.constant 80 : index
          %get3A_1659 = tpu.vector_load %arg10[%get3A_1657, %get3A_1658] {strides = array<i32>} : memref<48x512xf32, #tpu.memory_space<vmem>>, vector<16xf32>,
          %sub3A_1660 = arith.subf %get3A_1659, %mul3A_712 : vector<16xf32>
          %mul3A_1661 = arith.mulf %sub3A_1660, %sub3A_1660 : vector<16xf32>
          %add3A_1662 = arith.addf %add3A_1656, %mul3A_1661 : vector<16xf32>
          %get3A_1663 = arith.index_cast %add3A_1627 : i32 to index
          %get3A_1664 = arith.constant 96 : index
          %get3A_1665 = tpu.vector_load %arg10[%get3A_1663, %get3A_1664] {strides = array<i32>} : memref<48x512xf32, #tpu.memory_space<vmem>>, vector<16xf32>,
          %sub3A_1666 = arith.subf %get3A_1665, %mul3A_719 : vector<16xf32>
          %mul3A_1667 = arith.mulf %sub3A_1666, %sub3A_1666 : vector<16xf32>
          %add3A_1668 = arith.addf %add3A_1662, %mul3A_1667 : vector<16xf32>
          %get3A_1669 = arith.index_cast %add3A_1627 : i32 to index
          %get3A_1670 = arith.constant 112 : index
          %get3A_1671 = tpu.vector_load %arg10[%get3A_1669, %get3A_1670] {strides = array<i32>} : memref<48x512xf32, #tpu.memory_space<vmem>>, vector<16xf32>,
          %sub3A_1672 = arith.subf %get3A_1671, %mul3A_726 : vector<16xf32>
          %mul3A_1673 = arith.mulf %sub3A_1672, %sub3A_1672 : vector<16xf32>
          %add3A_1674 = arith.addf %add3A_1668, %mul3A_1673 : vector<16xf32>
          %get3A_1675 = arith.index_cast %add3A_1627 : i32 to index
          %get3A_1676 = arith.constant 128 : index
          %get3A_1677 = tpu.vector_load %arg10[%get3A_1675, %get3A_1676] {strides = array<i32>} : memref<48x512xf32, #tpu.memory_space<vmem>>, vector<16xf32>,
          %sub3A_1678 = arith.subf %get3A_1677, %mul3A_733 : vector<16xf32>
          %mul3A_1679 = arith.mulf %sub3A_1678, %sub3A_1678 : vector<16xf32>
          %add3A_1680 = arith.addf %add3A_1674, %mul3A_1679 : vector<16xf32>
          %get3A_1681 = arith.index_cast %add3A_1627 : i32 to index
          %get3A_1682 = arith.constant 144 : index
          %get3A_1683 = tpu.vector_load %arg10[%get3A_1681, %get3A_1682] {strides = array<i32>} : memref<48x512xf32, #tpu.memory_space<vmem>>, vector<16xf32>,
          %sub3A_1684 = arith.subf %get3A_1683, %mul3A_740 : vector<16xf32>
          %mul3A_1685 = arith.mulf %sub3A_1684, %sub3A_1684 : vector<16xf32>
          %add3A_1686 = arith.addf %add3A_1680, %mul3A_1685 : vector<16xf32>
          %get3A_1687 = arith.index_cast %add3A_1627 : i32 to index
          %get3A_1688 = arith.constant 160 : index
          %get3A_1689 = tpu.vector_load %arg10[%get3A_1687, %get3A_1688] {strides = array<i32>} : memref<48x512xf32, #tpu.memory_space<vmem>>, vector<16xf32>,
          %sub3A_1690 = arith.subf %get3A_1689, %mul3A_747 : vector<16xf32>
          %mul3A_1691 = arith.mulf %sub3A_1690, %sub3A_1690 : vector<16xf32>
          %add3A_1692 = arith.addf %add3A_1686, %mul3A_1691 : vector<16xf32>
          %get3A_1693 = arith.index_cast %add3A_1627 : i32 to index
          %get3A_1694 = arith.constant 176 : index
          %get3A_1695 = tpu.vector_load %arg10[%get3A_1693, %get3A_1694] {strides = array<i32>} : memref<48x512xf32, #tpu.memory_space<vmem>>, vector<16xf32>,
          %sub3A_1696 = arith.subf %get3A_1695, %mul3A_754 : vector<16xf32>
          %mul3A_1697 = arith.mulf %sub3A_1696, %sub3A_1696 : vector<16xf32>
          %add3A_1698 = arith.addf %add3A_1692, %mul3A_1697 : vector<16xf32>
          %get3A_1699 = arith.index_cast %add3A_1627 : i32 to index
          %get3A_1700 = arith.constant 192 : index
          %get3A_1701 = tpu.vector_load %arg10[%get3A_1699, %get3A_1700] {strides = array<i32>} : memref<48x512xf32, #tpu.memory_space<vmem>>, vector<16xf32>,
          %sub3A_1702 = arith.subf %get3A_1701, %mul3A_761 : vector<16xf32>
          %mul3A_1703 = arith.mulf %sub3A_1702, %sub3A_1702 : vector<16xf32>
          %add3A_1704 = arith.addf %add3A_1698, %mul3A_1703 : vector<16xf32>
          %get3A_1705 = arith.index_cast %add3A_1627 : i32 to index
          %get3A_1706 = arith.constant 208 : index
          %get3A_1707 = tpu.vector_load %arg10[%get3A_1705, %get3A_1706] {strides = array<i32>} : memref<48x512xf32, #tpu.memory_space<vmem>>, vector<16xf32>,
          %sub3A_1708 = arith.subf %get3A_1707, %mul3A_768 : vector<16xf32>
          %mul3A_1709 = arith.mulf %sub3A_1708, %sub3A_1708 : vector<16xf32>
          %add3A_1710 = arith.addf %add3A_1704, %mul3A_1709 : vector<16xf32>
          %get3A_1711 = arith.index_cast %add3A_1627 : i32 to index
          %get3A_1712 = arith.constant 224 : index
          %get3A_1713 = tpu.vector_load %arg10[%get3A_1711, %get3A_1712] {strides = array<i32>} : memref<48x512xf32, #tpu.memory_space<vmem>>, vector<16xf32>,
          %sub3A_1714 = arith.subf %get3A_1713, %mul3A_775 : vector<16xf32>
          %mul3A_1715 = arith.mulf %sub3A_1714, %sub3A_1714 : vector<16xf32>
          %add3A_1716 = arith.addf %add3A_1710, %mul3A_1715 : vector<16xf32>
          %get3A_1717 = arith.index_cast %add3A_1627 : i32 to index
          %get3A_1718 = arith.constant 240 : index
          %get3A_1719 = tpu.vector_load %arg10[%get3A_1717, %get3A_1718] {strides = array<i32>} : memref<48x512xf32, #tpu.memory_space<vmem>>, vector<16xf32>,
          %sub3A_1720 = arith.subf %get3A_1719, %mul3A_782 : vector<16xf32>
          %mul3A_1721 = arith.mulf %sub3A_1720, %sub3A_1720 : vector<16xf32>
          %add3A_1722 = arith.addf %add3A_1716, %mul3A_1721 : vector<16xf32>
          %get3A_1723 = arith.index_cast %add3A_1627 : i32 to index
          %get3A_1724 = arith.constant 256 : index
          %get3A_1725 = tpu.vector_load %arg10[%get3A_1723, %get3A_1724] {strides = array<i32>} : memref<48x512xf32, #tpu.memory_space<vmem>>, vector<16xf32>,
          %sub3A_1726 = arith.subf %get3A_1725, %mul3A_789 : vector<16xf32>
          %mul3A_1727 = arith.mulf %sub3A_1726, %sub3A_1726 : vector<16xf32>
          %add3A_1728 = arith.addf %add3A_1722, %mul3A_1727 : vector<16xf32>
          %get3A_1729 = arith.index_cast %add3A_1627 : i32 to index
          %get3A_1730 = arith.constant 272 : index
          %get3A_1731 = tpu.vector_load %arg10[%get3A_1729, %get3A_1730] {strides = array<i32>} : memref<48x512xf32, #tpu.memory_space<vmem>>, vector<16xf32>,
          %sub3A_1732 = arith.subf %get3A_1731, %mul3A_796 : vector<16xf32>
          %mul3A_1733 = arith.mulf %sub3A_1732, %sub3A_1732 : vector<16xf32>
          %add3A_1734 = arith.addf %add3A_1728, %mul3A_1733 : vector<16xf32>
          %get3A_1735 = arith.index_cast %add3A_1627 : i32 to index
          %get3A_1736 = arith.constant 288 : index
          %get3A_1737 = tpu.vector_load %arg10[%get3A_1735, %get3A_1736] {strides = array<i32>} : memref<48x512xf32, #tpu.memory_space<vmem>>, vector<16xf32>,
          %sub3A_1738 = arith.subf %get3A_1737, %mul3A_803 : vector<16xf32>
          %mul3A_1739 = arith.mulf %sub3A_1738, %sub3A_1738 : vector<16xf32>
          %add3A_1740 = arith.addf %add3A_1734, %mul3A_1739 : vector<16xf32>
          %get3A_1741 = arith.index_cast %add3A_1627 : i32 to index
          %get3A_1742 = arith.constant 304 : index
          %get3A_1743 = tpu.vector_load %arg10[%get3A_1741, %get3A_1742] {strides = array<i32>} : memref<48x512xf32, #tpu.memory_space<vmem>>, vector<16xf32>,
          %sub3A_1744 = arith.subf %get3A_1743, %mul3A_810 : vector<16xf32>
          %mul3A_1745 = arith.mulf %sub3A_1744, %sub3A_1744 : vector<16xf32>
          %add3A_1746 = arith.addf %add3A_1740, %mul3A_1745 : vector<16xf32>
          %get3A_1747 = arith.index_cast %add3A_1627 : i32 to index
          %get3A_1748 = arith.constant 320 : index
          %get3A_1749 = tpu.vector_load %arg10[%get3A_1747, %get3A_1748] {strides = array<i32>} : memref<48x512xf32, #tpu.memory_space<vmem>>, vector<16xf32>,
          %sub3A_1750 = arith.subf %get3A_1749, %mul3A_817 : vector<16xf32>
          %mul3A_1751 = arith.mulf %sub3A_1750, %sub3A_1750 : vector<16xf32>
          %add3A_1752 = arith.addf %add3A_1746, %mul3A_1751 : vector<16xf32>
          %get3A_1753 = arith.index_cast %add3A_1627 : i32 to index
          %get3A_1754 = arith.constant 336 : index
          %get3A_1755 = tpu.vector_load %arg10[%get3A_1753, %get3A_1754] {strides = array<i32>} : memref<48x512xf32, #tpu.memory_space<vmem>>, vector<16xf32>,
          %sub3A_1756 = arith.subf %get3A_1755, %mul3A_824 : vector<16xf32>
          %mul3A_1757 = arith.mulf %sub3A_1756, %sub3A_1756 : vector<16xf32>
          %add3A_1758 = arith.addf %add3A_1752, %mul3A_1757 : vector<16xf32>
          %get3A_1759 = arith.index_cast %add3A_1627 : i32 to index
          %get3A_1760 = arith.constant 352 : index
          %get3A_1761 = tpu.vector_load %arg10[%get3A_1759, %get3A_1760] {strides = array<i32>} : memref<48x512xf32, #tpu.memory_space<vmem>>, vector<16xf32>,
          %sub3A_1762 = arith.subf %get3A_1761, %mul3A_831 : vector<16xf32>
          %mul3A_1763 = arith.mulf %sub3A_1762, %sub3A_1762 : vector<16xf32>
          %add3A_1764 = arith.addf %add3A_1758, %mul3A_1763 : vector<16xf32>
          %get3A_1765 = arith.index_cast %add3A_1627 : i32 to index
          %get3A_1766 = arith.constant 368 : index
          %get3A_1767 = tpu.vector_load %arg10[%get3A_1765, %get3A_1766] {strides = array<i32>} : memref<48x512xf32, #tpu.memory_space<vmem>>, vector<16xf32>,
          %sub3A_1768 = arith.subf %get3A_1767, %mul3A_838 : vector<16xf32>
          %mul3A_1769 = arith.mulf %sub3A_1768, %sub3A_1768 : vector<16xf32>
          %add3A_1770 = arith.addf %add3A_1764, %mul3A_1769 : vector<16xf32>
          %get3A_1771 = arith.index_cast %add3A_1627 : i32 to index
          %get3A_1772 = arith.constant 384 : index
          %get3A_1773 = tpu.vector_load %arg10[%get3A_1771, %get3A_1772] {strides = array<i32>} : memref<48x512xf32, #tpu.memory_space<vmem>>, vector<16xf32>,
          %sub3A_1774 = arith.subf %get3A_1773, %mul3A_845 : vector<16xf32>
          %mul3A_1775 = arith.mulf %sub3A_1774, %sub3A_1774 : vector<16xf32>
          %add3A_1776 = arith.addf %add3A_1770, %mul3A_1775 : vector<16xf32>
          %get3A_1777 = arith.index_cast %add3A_1627 : i32 to index
          %get3A_1778 = arith.constant 400 : index
          %get3A_1779 = tpu.vector_load %arg10[%get3A_1777, %get3A_1778] {strides = array<i32>} : memref<48x512xf32, #tpu.memory_space<vmem>>, vector<16xf32>,
          %sub3A_1780 = arith.subf %get3A_1779, %mul3A_852 : vector<16xf32>
          %mul3A_1781 = arith.mulf %sub3A_1780, %sub3A_1780 : vector<16xf32>
          %add3A_1782 = arith.addf %add3A_1776, %mul3A_1781 : vector<16xf32>
          %get3A_1783 = arith.index_cast %add3A_1627 : i32 to index
          %get3A_1784 = arith.constant 416 : index
          %get3A_1785 = tpu.vector_load %arg10[%get3A_1783, %get3A_1784] {strides = array<i32>} : memref<48x512xf32, #tpu.memory_space<vmem>>, vector<16xf32>,
          %sub3A_1786 = arith.subf %get3A_1785, %mul3A_859 : vector<16xf32>
          %mul3A_1787 = arith.mulf %sub3A_1786, %sub3A_1786 : vector<16xf32>
          %add3A_1788 = arith.addf %add3A_1782, %mul3A_1787 : vector<16xf32>
          %get3A_1789 = arith.index_cast %add3A_1627 : i32 to index
          %get3A_1790 = arith.constant 432 : index
          %get3A_1791 = tpu.vector_load %arg10[%get3A_1789, %get3A_1790] {strides = array<i32>} : memref<48x512xf32, #tpu.memory_space<vmem>>, vector<16xf32>,
          %sub3A_1792 = arith.subf %get3A_1791, %mul3A_866 : vector<16xf32>
          %mul3A_1793 = arith.mulf %sub3A_1792, %sub3A_1792 : vector<16xf32>
          %add3A_1794 = arith.addf %add3A_1788, %mul3A_1793 : vector<16xf32>
          %get3A_1795 = arith.index_cast %add3A_1627 : i32 to index
          %get3A_1796 = arith.constant 448 : index
          %get3A_1797 = tpu.vector_load %arg10[%get3A_1795, %get3A_1796] {strides = array<i32>} : memref<48x512xf32, #tpu.memory_space<vmem>>, vector<16xf32>,
          %sub3A_1798 = arith.subf %get3A_1797, %mul3A_873 : vector<16xf32>
          %mul3A_1799 = arith.mulf %sub3A_1798, %sub3A_1798 : vector<16xf32>
          %add3A_1800 = arith.addf %add3A_1794, %mul3A_1799 : vector<16xf32>
          %get3A_1801 = arith.index_cast %add3A_1627 : i32 to index
          %get3A_1802 = arith.constant 464 : index
          %get3A_1803 = tpu.vector_load %arg10[%get3A_1801, %get3A_1802] {strides = array<i32>} : memref<48x512xf32, #tpu.memory_space<vmem>>, vector<16xf32>,
          %sub3A_1804 = arith.subf %get3A_1803, %mul3A_880 : vector<16xf32>
          %mul3A_1805 = arith.mulf %sub3A_1804, %sub3A_1804 : vector<16xf32>
          %add3A_1806 = arith.addf %add3A_1800, %mul3A_1805 : vector<16xf32>
          %get3A_1807 = arith.index_cast %add3A_1627 : i32 to index
          %get3A_1808 = arith.constant 480 : index
          %get3A_1809 = tpu.vector_load %arg10[%get3A_1807, %get3A_1808] {strides = array<i32>} : memref<48x512xf32, #tpu.memory_space<vmem>>, vector<16xf32>,
          %sub3A_1810 = arith.subf %get3A_1809, %mul3A_887 : vector<16xf32>
          %mul3A_1811 = arith.mulf %sub3A_1810, %sub3A_1810 : vector<16xf32>
          %add3A_1812 = arith.addf %add3A_1806, %mul3A_1811 : vector<16xf32>
          %get3A_1813 = arith.index_cast %add3A_1627 : i32 to index
          %get3A_1814 = arith.constant 496 : index
          %get3A_1815 = tpu.vector_load %arg10[%get3A_1813, %get3A_1814] {strides = array<i32>} : memref<48x512xf32, #tpu.memory_space<vmem>>, vector<16xf32>,
          %sub3A_1816 = arith.subf %get3A_1815, %mul3A_894 : vector<16xf32>
          %mul3A_1817 = arith.mulf %sub3A_1816, %sub3A_1816 : vector<16xf32>
          %add3A_1818 = arith.addf %add3A_1812, %mul3A_1817 : vector<16xf32>
          %swap3A_1819 = arith.index_cast %add3A_1624 : i32 to index
          %swap3A_1820 = arith.constant 0 : index
          %swap3A_1821 = tpu.vector_load %arg12[%swap3A_1819, %swap3A_1820] {strides = array<i32>} : memref<16x16xf32, #tpu.memory_space<vmem>>, vector<16xf32>,
          tpu.vector_store %arg12[%swap3A_1819, %swap3A_1820], %add3A_1818 {strides = array<i32>} : memref<16x16xf32, #tpu.memory_space<vmem>>, vector<16xf32>,
        }
        %scan3A_955 = arith.constant 4 : i32
        %broadcast_in_dim3A_956 = arith.constant 0 : i32
        %broadcast_in_dim3A_957 = vector.broadcast %broadcast_in_dim3A_956 : i32 to vector<16xi32>
        %gather3A = tpu.vector_load_idx %arg12[%iota3A, %broadcast_in_dim3A_957] : memref<16x16xf32, #tpu.memory_space<vmem>>[vector<16xi32>, vector<16xi32>], vector<16xf32>,
        %broadcast_in_dim3A_958 = arith.constant 1 : i32
        %broadcast_in_dim3A_959 = vector.broadcast %broadcast_in_dim3A_958 : i32 to vector<16xi32>
        %gather3A_960 = tpu.vector_load_idx %arg12[%iota3A, %broadcast_in_dim3A_959] : memref<16x16xf32, #tpu.memory_space<vmem>>[vector<16xi32>, vector<16xi32>], vector<16xf32>,
        %add3A_961 = arith.addf %gather3A, %gather3A_960 : vector<16xf32>
        %broadcast_in_dim3A_962 = arith.constant 2 : i32
        %broadcast_in_dim3A_963 = vector.broadcast %broadcast_in_dim3A_962 : i32 to vector<16xi32>
        %gather3A_964 = tpu.vector_load_idx %arg12[%iota3A, %broadcast_in_dim3A_963] : memref<16x16xf32, #tpu.memory_space<vmem>>[vector<16xi32>, vector<16xi32>], vector<16xf32>,
        %add3A_965 = arith.addf %add3A_961, %gather3A_964 : vector<16xf32>
        %broadcast_in_dim3A_966 = arith.constant 3 : i32
        %broadcast_in_dim3A_967 = vector.broadcast %broadcast_in_dim3A_966 : i32 to vector<16xi32>
        %gather3A_968 = tpu.vector_load_idx %arg12[%iota3A, %broadcast_in_dim3A_967] : memref<16x16xf32, #tpu.memory_space<vmem>>[vector<16xi32>, vector<16xi32>], vector<16xf32>,
        %add3A_969 = arith.addf %add3A_965, %gather3A_968 : vector<16xf32>
        %broadcast_in_dim3A_970 = arith.constant 4 : i32
        %broadcast_in_dim3A_971 = vector.broadcast %broadcast_in_dim3A_970 : i32 to vector<16xi32>
        %gather3A_972 = tpu.vector_load_idx %arg12[%iota3A, %broadcast_in_dim3A_971] : memref<16x16xf32, #tpu.memory_space<vmem>>[vector<16xi32>, vector<16xi32>], vector<16xf32>,
        %add3A_973 = arith.addf %add3A_969, %gather3A_972 : vector<16xf32>
        %broadcast_in_dim3A_974 = arith.constant 5 : i32
        %broadcast_in_dim3A_975 = vector.broadcast %broadcast_in_dim3A_974 : i32 to vector<16xi32>
        %gather3A_976 = tpu.vector_load_idx %arg12[%iota3A, %broadcast_in_dim3A_975] : memref<16x16xf32, #tpu.memory_space<vmem>>[vector<16xi32>, vector<16xi32>], vector<16xf32>,
        %add3A_977 = arith.addf %add3A_973, %gather3A_976 : vector<16xf32>
        %broadcast_in_dim3A_978 = arith.constant 6 : i32
        %broadcast_in_dim3A_979 = vector.broadcast %broadcast_in_dim3A_978 : i32 to vector<16xi32>
        %gather3A_980 = tpu.vector_load_idx %arg12[%iota3A, %broadcast_in_dim3A_979] : memref<16x16xf32, #tpu.memory_space<vmem>>[vector<16xi32>, vector<16xi32>], vector<16xf32>,
        %add3A_981 = arith.addf %add3A_977, %gather3A_980 : vector<16xf32>
        %broadcast_in_dim3A_982 = arith.constant 7 : i32
        %broadcast_in_dim3A_983 = vector.broadcast %broadcast_in_dim3A_982 : i32 to vector<16xi32>
        %gather3A_984 = tpu.vector_load_idx %arg12[%iota3A, %broadcast_in_dim3A_983] : memref<16x16xf32, #tpu.memory_space<vmem>>[vector<16xi32>, vector<16xi32>], vector<16xf32>,
        %add3A_985 = arith.addf %add3A_981, %gather3A_984 : vector<16xf32>
        %broadcast_in_dim3A_986 = arith.constant 8 : i32
        %broadcast_in_dim3A_987 = vector.broadcast %broadcast_in_dim3A_986 : i32 to vector<16xi32>
        %gather3A_988 = tpu.vector_load_idx %arg12[%iota3A, %broadcast_in_dim3A_987] : memref<16x16xf32, #tpu.memory_space<vmem>>[vector<16xi32>, vector<16xi32>], vector<16xf32>,
        %add3A_989 = arith.addf %add3A_985, %gather3A_988 : vector<16xf32>
        %broadcast_in_dim3A_990 = arith.constant 9 : i32
        %broadcast_in_dim3A_991 = vector.broadcast %broadcast_in_dim3A_990 : i32 to vector<16xi32>
        %gather3A_992 = tpu.vector_load_idx %arg12[%iota3A, %broadcast_in_dim3A_991] : memref<16x16xf32, #tpu.memory_space<vmem>>[vector<16xi32>, vector<16xi32>], vector<16xf32>,
        %add3A_993 = arith.addf %add3A_989, %gather3A_992 : vector<16xf32>
        %broadcast_in_dim3A_994 = arith.constant 10 : i32
        %broadcast_in_dim3A_995 = vector.broadcast %broadcast_in_dim3A_994 : i32 to vector<16xi32>
        %gather3A_996 = tpu.vector_load_idx %arg12[%iota3A, %broadcast_in_dim3A_995] : memref<16x16xf32, #tpu.memory_space<vmem>>[vector<16xi32>, vector<16xi32>], vector<16xf32>,
        %add3A_997 = arith.addf %add3A_993, %gather3A_996 : vector<16xf32>
        %broadcast_in_dim3A_998 = arith.constant 11 : i32
        %broadcast_in_dim3A_999 = vector.broadcast %broadcast_in_dim3A_998 : i32 to vector<16xi32>
        %gather3A_1000 = tpu.vector_load_idx %arg12[%iota3A, %broadcast_in_dim3A_999] : memref<16x16xf32, #tpu.memory_space<vmem>>[vector<16xi32>, vector<16xi32>], vector<16xf32>,
        %add3A_1001 = arith.addf %add3A_997, %gather3A_1000 : vector<16xf32>
        %broadcast_in_dim3A_1002 = arith.constant 12 : i32
        %broadcast_in_dim3A_1003 = vector.broadcast %broadcast_in_dim3A_1002 : i32 to vector<16xi32>
        %gather3A_1004 = tpu.vector_load_idx %arg12[%iota3A, %broadcast_in_dim3A_1003] : memref<16x16xf32, #tpu.memory_space<vmem>>[vector<16xi32>, vector<16xi32>], vector<16xf32>,
        %add3A_1005 = arith.addf %add3A_1001, %gather3A_1004 : vector<16xf32>
        %broadcast_in_dim3A_1006 = arith.constant 13 : i32
        %broadcast_in_dim3A_1007 = vector.broadcast %broadcast_in_dim3A_1006 : i32 to vector<16xi32>
        %gather3A_1008 = tpu.vector_load_idx %arg12[%iota3A, %broadcast_in_dim3A_1007] : memref<16x16xf32, #tpu.memory_space<vmem>>[vector<16xi32>, vector<16xi32>], vector<16xf32>,
        %add3A_1009 = arith.addf %add3A_1005, %gather3A_1008 : vector<16xf32>
        %broadcast_in_dim3A_1010 = arith.constant 14 : i32
        %broadcast_in_dim3A_1011 = vector.broadcast %broadcast_in_dim3A_1010 : i32 to vector<16xi32>
        %gather3A_1012 = tpu.vector_load_idx %arg12[%iota3A, %broadcast_in_dim3A_1011] : memref<16x16xf32, #tpu.memory_space<vmem>>[vector<16xi32>, vector<16xi32>], vector<16xf32>,
        %add3A_1013 = arith.addf %add3A_1009, %gather3A_1012 : vector<16xf32>
        %broadcast_in_dim3A_1014 = arith.constant 15 : i32
        %broadcast_in_dim3A_1015 = vector.broadcast %broadcast_in_dim3A_1014 : i32 to vector<16xi32>
        %gather3A_1016 = tpu.vector_load_idx %arg12[%iota3A, %broadcast_in_dim3A_1015] : memref<16x16xf32, #tpu.memory_space<vmem>>[vector<16xi32>, vector<16xi32>], vector<16xf32>,
        %add3A_1017 = arith.addf %add3A_1013, %gather3A_1016 : vector<16xf32>
        %min3A = arith.minimumf %scan3A_949, %add3A_1017 : vector<16xf32>
        scf.yield %min3A : vector<16xf32>
      }
      %scan3A_920 = arith.constant 3 : i32
      %add3A_921 = arith.constant 2 : i32
      %add3A_922 = arith.addi %add3A_910, %add3A_921 : i32
      %lt3A = arith.constant 16 : i32
      %lt3A_923 = arith.cmpi slt, %add3A_922, %lt3A : i32
      %convert_element_type3A_924 = arith.extui %lt3A_923 : i1 to i32
      %cond3A_925 = arith.constant 0 : i32
      %cond3A_926 = arith.cmpi ne, %convert_element_type3A_924, %cond3A_925 : i32
      scf.if %cond3A_926 {
        %add3A_948 = arith.constant 2 : i32
        %add3A_949 = arith.addi %add3A_910, %add3A_948 : i32
        %mul3A_950 = arith.constant 48 : i32
        %mul3A_951 = arith.muli %add3A_949, %mul3A_950 : i32
        %add3A_952 = arith.addi %mul3A_2, %mul3A_951 : i32
        %multiple_of3A_953 = tpu.assume_multiple %add3A_952, 8 : i32
        %dma_start3A_954 = arith.constant 0 : i32
        %dma_start3A_955 = tpu.memref_slice %arg2[%multiple_of3A_953, %dma_start3A_954] : memref<100000x512xf32, #tpu.memory_space<hbm>> -> memref<48x512xf32, #tpu.memory_space<hbm>>
        %dma_start3A_956 = arith.constant 0 : i32
        %dma_start3A_957 = tpu.memref_slice %arg2[%multiple_of3A_953, %dma_start3A_956] : memref<100000x512xf32, #tpu.memory_space<hbm>> -> memref<48x512xf32, #tpu.memory_space<hbm>>
        tpu.enqueue_dma source(%dma_start3A_957 : memref<48x512xf32, #tpu.memory_space<hbm>>) target(%arg10 : memref<48x512xf32, #tpu.memory_space<vmem>>) target_semaphore(%arg15 : memref<!tpu.dma_semaphore, #tpu.memory_space<semaphore_mem>>)
      } else {
      }
      %mul3A_927 = arith.constant 2 : i32
      %mul3A_928 = arith.muli %scan3A_905, %mul3A_927 : i32
      %add3A_929 = arith.constant 1 : i32
      %add3A_930 = arith.addi %mul3A_928, %add3A_929 : i32
      %dma_wait3A_931 = arith.constant 0 : i32
      %dma_wait3A_932 = tpu.memref_slice %arg2[%mul3A_2, %dma_wait3A_931] : memref<100000x512xf32, #tpu.memory_space<hbm>> -> memref<48x512xf32, #tpu.memory_space<hbm>>
      %dma_wait3A_933 = arith.constant 0 : i32
      %dma_wait3A_934 = tpu.memref_slice %arg2[%mul3A_2, %dma_wait3A_933] : memref<100000x512xf32, #tpu.memory_space<hbm>> -> memref<48x512xf32, #tpu.memory_space<hbm>>
      tpu.wait_dma2 semaphore(%arg16 : memref<!tpu.dma_semaphore, #tpu.memory_space<semaphore_mem>>) src(%dma_wait3A_934 : memref<48x512xf32, #tpu.memory_space<hbm>>) dst(%arg11 : memref<48x512xf32, #tpu.memory_space<vmem>>)
      %scan3A_935 = arith.constant 0 : i32
      %scan3A_936 = arith.constant 3 : i32
      %scan3A_937 = arith.addi %scan3A_935, %scan3A_936 : i32
      %scan3A_938 = arith.constant 1 : i32
      %scan3A_939 = scf.for %scan3A_948 = %scan3A_935 to %scan3A_937 step %scan3A_938 iter_args(%scan3A_949 = %scan3A_919) -> (vector<16xf32>)  : i32 {
        %scan3A_950 = arith.constant 0 : i32
        %scan3A_951 = arith.constant 0 : i32
        %scan3A_952 = arith.constant 4 : i32
        %scan3A_953 = arith.addi %scan3A_951, %scan3A_952 : i32
        %scan3A_954 = arith.constant 1 : i32
        scf.for %scan3A_1018 = %scan3A_951 to %scan3A_953 step %scan3A_954  : i32 {
          %mul3A_1019 = arith.constant 4 : i32
          %mul3A_1020 = arith.muli %scan3A_1018, %mul3A_1019 : i32
          %add3A_1021 = arith.constant 0 : i32
          %add3A_1022 = arith.addi %mul3A_1020, %add3A_1021 : i32
          %mul3A_1023 = arith.constant 16 : i32
          %mul3A_1024 = arith.muli %scan3A_948, %mul3A_1023 : i32
          %add3A_1025 = arith.addi %mul3A_1024, %add3A_1022 : i32
          %get3A_1026 = arith.index_cast %add3A_1025 : i32 to index
          %get3A_1027 = arith.constant 0 : index
          %get3A_1028 = tpu.vector_load %arg11[%get3A_1026, %get3A_1027] {strides = array<i32>} : memref<48x512xf32, #tpu.memory_space<vmem>>, vector<16xf32>,
          %sub3A = arith.subf %get3A_1028, %mul3A_677 : vector<16xf32>
          %mul3A_1029 = arith.mulf %sub3A, %sub3A : vector<16xf32>
          %get3A_1030 = arith.index_cast %add3A_1025 : i32 to index
          %get3A_1031 = arith.constant 16 : index
          %get3A_1032 = tpu.vector_load %arg11[%get3A_1030, %get3A_1031] {strides = array<i32>} : memref<48x512xf32, #tpu.memory_space<vmem>>, vector<16xf32>,
          %sub3A_1033 = arith.subf %get3A_1032, %mul3A_684 : vector<16xf32>
          %mul3A_1034 = arith.mulf %sub3A_1033, %sub3A_1033 : vector<16xf32>
          %add3A_1035 = arith.addf %mul3A_1029, %mul3A_1034 : vector<16xf32>
          %get3A_1036 = arith.index_cast %add3A_1025 : i32 to index
          %get3A_1037 = arith.constant 32 : index
          %get3A_1038 = tpu.vector_load %arg11[%get3A_1036, %get3A_1037] {strides = array<i32>} : memref<48x512xf32, #tpu.memory_space<vmem>>, vector<16xf32>,
          %sub3A_1039 = arith.subf %get3A_1038, %mul3A_691 : vector<16xf32>
          %mul3A_1040 = arith.mulf %sub3A_1039, %sub3A_1039 : vector<16xf32>
          %add3A_1041 = arith.addf %add3A_1035, %mul3A_1040 : vector<16xf32>
          %get3A_1042 = arith.index_cast %add3A_1025 : i32 to index
          %get3A_1043 = arith.constant 48 : index
          %get3A_1044 = tpu.vector_load %arg11[%get3A_1042, %get3A_1043] {strides = array<i32>} : memref<48x512xf32, #tpu.memory_space<vmem>>, vector<16xf32>,
          %sub3A_1045 = arith.subf %get3A_1044, %mul3A_698 : vector<16xf32>
          %mul3A_1046 = arith.mulf %sub3A_1045, %sub3A_1045 : vector<16xf32>
          %add3A_1047 = arith.addf %add3A_1041, %mul3A_1046 : vector<16xf32>
          %get3A_1048 = arith.index_cast %add3A_1025 : i32 to index
          %get3A_1049 = arith.constant 64 : index
          %get3A_1050 = tpu.vector_load %arg11[%get3A_1048, %get3A_1049] {strides = array<i32>} : memref<48x512xf32, #tpu.memory_space<vmem>>, vector<16xf32>,
          %sub3A_1051 = arith.subf %get3A_1050, %mul3A_705 : vector<16xf32>
          %mul3A_1052 = arith.mulf %sub3A_1051, %sub3A_1051 : vector<16xf32>
          %add3A_1053 = arith.addf %add3A_1047, %mul3A_1052 : vector<16xf32>
          %get3A_1054 = arith.index_cast %add3A_1025 : i32 to index
          %get3A_1055 = arith.constant 80 : index
          %get3A_1056 = tpu.vector_load %arg11[%get3A_1054, %get3A_1055] {strides = array<i32>} : memref<48x512xf32, #tpu.memory_space<vmem>>, vector<16xf32>,
          %sub3A_1057 = arith.subf %get3A_1056, %mul3A_712 : vector<16xf32>
          %mul3A_1058 = arith.mulf %sub3A_1057, %sub3A_1057 : vector<16xf32>
          %add3A_1059 = arith.addf %add3A_1053, %mul3A_1058 : vector<16xf32>
          %get3A_1060 = arith.index_cast %add3A_1025 : i32 to index
          %get3A_1061 = arith.constant 96 : index
          %get3A_1062 = tpu.vector_load %arg11[%get3A_1060, %get3A_1061] {strides = array<i32>} : memref<48x512xf32, #tpu.memory_space<vmem>>, vector<16xf32>,
          %sub3A_1063 = arith.subf %get3A_1062, %mul3A_719 : vector<16xf32>
          %mul3A_1064 = arith.mulf %sub3A_1063, %sub3A_1063 : vector<16xf32>
          %add3A_1065 = arith.addf %add3A_1059, %mul3A_1064 : vector<16xf32>
          %get3A_1066 = arith.index_cast %add3A_1025 : i32 to index
          %get3A_1067 = arith.constant 112 : index
          %get3A_1068 = tpu.vector_load %arg11[%get3A_1066, %get3A_1067] {strides = array<i32>} : memref<48x512xf32, #tpu.memory_space<vmem>>, vector<16xf32>,
          %sub3A_1069 = arith.subf %get3A_1068, %mul3A_726 : vector<16xf32>
          %mul3A_1070 = arith.mulf %sub3A_1069, %sub3A_1069 : vector<16xf32>
          %add3A_1071 = arith.addf %add3A_1065, %mul3A_1070 : vector<16xf32>
          %get3A_1072 = arith.index_cast %add3A_1025 : i32 to index
          %get3A_1073 = arith.constant 128 : index
          %get3A_1074 = tpu.vector_load %arg11[%get3A_1072, %get3A_1073] {strides = array<i32>} : memref<48x512xf32, #tpu.memory_space<vmem>>, vector<16xf32>,
          %sub3A_1075 = arith.subf %get3A_1074, %mul3A_733 : vector<16xf32>
          %mul3A_1076 = arith.mulf %sub3A_1075, %sub3A_1075 : vector<16xf32>
          %add3A_1077 = arith.addf %add3A_1071, %mul3A_1076 : vector<16xf32>
          %get3A_1078 = arith.index_cast %add3A_1025 : i32 to index
          %get3A_1079 = arith.constant 144 : index
          %get3A_1080 = tpu.vector_load %arg11[%get3A_1078, %get3A_1079] {strides = array<i32>} : memref<48x512xf32, #tpu.memory_space<vmem>>, vector<16xf32>,
          %sub3A_1081 = arith.subf %get3A_1080, %mul3A_740 : vector<16xf32>
          %mul3A_1082 = arith.mulf %sub3A_1081, %sub3A_1081 : vector<16xf32>
          %add3A_1083 = arith.addf %add3A_1077, %mul3A_1082 : vector<16xf32>
          %get3A_1084 = arith.index_cast %add3A_1025 : i32 to index
          %get3A_1085 = arith.constant 160 : index
          %get3A_1086 = tpu.vector_load %arg11[%get3A_1084, %get3A_1085] {strides = array<i32>} : memref<48x512xf32, #tpu.memory_space<vmem>>, vector<16xf32>,
          %sub3A_1087 = arith.subf %get3A_1086, %mul3A_747 : vector<16xf32>
          %mul3A_1088 = arith.mulf %sub3A_1087, %sub3A_1087 : vector<16xf32>
          %add3A_1089 = arith.addf %add3A_1083, %mul3A_1088 : vector<16xf32>
          %get3A_1090 = arith.index_cast %add3A_1025 : i32 to index
          %get3A_1091 = arith.constant 176 : index
          %get3A_1092 = tpu.vector_load %arg11[%get3A_1090, %get3A_1091] {strides = array<i32>} : memref<48x512xf32, #tpu.memory_space<vmem>>, vector<16xf32>,
          %sub3A_1093 = arith.subf %get3A_1092, %mul3A_754 : vector<16xf32>
          %mul3A_1094 = arith.mulf %sub3A_1093, %sub3A_1093 : vector<16xf32>
          %add3A_1095 = arith.addf %add3A_1089, %mul3A_1094 : vector<16xf32>
          %get3A_1096 = arith.index_cast %add3A_1025 : i32 to index
          %get3A_1097 = arith.constant 192 : index
          %get3A_1098 = tpu.vector_load %arg11[%get3A_1096, %get3A_1097] {strides = array<i32>} : memref<48x512xf32, #tpu.memory_space<vmem>>, vector<16xf32>,
          %sub3A_1099 = arith.subf %get3A_1098, %mul3A_761 : vector<16xf32>
          %mul3A_1100 = arith.mulf %sub3A_1099, %sub3A_1099 : vector<16xf32>
          %add3A_1101 = arith.addf %add3A_1095, %mul3A_1100 : vector<16xf32>
          %get3A_1102 = arith.index_cast %add3A_1025 : i32 to index
          %get3A_1103 = arith.constant 208 : index
          %get3A_1104 = tpu.vector_load %arg11[%get3A_1102, %get3A_1103] {strides = array<i32>} : memref<48x512xf32, #tpu.memory_space<vmem>>, vector<16xf32>,
          %sub3A_1105 = arith.subf %get3A_1104, %mul3A_768 : vector<16xf32>
          %mul3A_1106 = arith.mulf %sub3A_1105, %sub3A_1105 : vector<16xf32>
          %add3A_1107 = arith.addf %add3A_1101, %mul3A_1106 : vector<16xf32>
          %get3A_1108 = arith.index_cast %add3A_1025 : i32 to index
          %get3A_1109 = arith.constant 224 : index
          %get3A_1110 = tpu.vector_load %arg11[%get3A_1108, %get3A_1109] {strides = array<i32>} : memref<48x512xf32, #tpu.memory_space<vmem>>, vector<16xf32>,
          %sub3A_1111 = arith.subf %get3A_1110, %mul3A_775 : vector<16xf32>
          %mul3A_1112 = arith.mulf %sub3A_1111, %sub3A_1111 : vector<16xf32>
          %add3A_1113 = arith.addf %add3A_1107, %mul3A_1112 : vector<16xf32>
          %get3A_1114 = arith.index_cast %add3A_1025 : i32 to index
          %get3A_1115 = arith.constant 240 : index
          %get3A_1116 = tpu.vector_load %arg11[%get3A_1114, %get3A_1115] {strides = array<i32>} : memref<48x512xf32, #tpu.memory_space<vmem>>, vector<16xf32>,
          %sub3A_1117 = arith.subf %get3A_1116, %mul3A_782 : vector<16xf32>
          %mul3A_1118 = arith.mulf %sub3A_1117, %sub3A_1117 : vector<16xf32>
          %add3A_1119 = arith.addf %add3A_1113, %mul3A_1118 : vector<16xf32>
          %get3A_1120 = arith.index_cast %add3A_1025 : i32 to index
          %get3A_1121 = arith.constant 256 : index
          %get3A_1122 = tpu.vector_load %arg11[%get3A_1120, %get3A_1121] {strides = array<i32>} : memref<48x512xf32, #tpu.memory_space<vmem>>, vector<16xf32>,
          %sub3A_1123 = arith.subf %get3A_1122, %mul3A_789 : vector<16xf32>
          %mul3A_1124 = arith.mulf %sub3A_1123, %sub3A_1123 : vector<16xf32>
          %add3A_1125 = arith.addf %add3A_1119, %mul3A_1124 : vector<16xf32>
          %get3A_1126 = arith.index_cast %add3A_1025 : i32 to index
          %get3A_1127 = arith.constant 272 : index
          %get3A_1128 = tpu.vector_load %arg11[%get3A_1126, %get3A_1127] {strides = array<i32>} : memref<48x512xf32, #tpu.memory_space<vmem>>, vector<16xf32>,
          %sub3A_1129 = arith.subf %get3A_1128, %mul3A_796 : vector<16xf32>
          %mul3A_1130 = arith.mulf %sub3A_1129, %sub3A_1129 : vector<16xf32>
          %add3A_1131 = arith.addf %add3A_1125, %mul3A_1130 : vector<16xf32>
          %get3A_1132 = arith.index_cast %add3A_1025 : i32 to index
          %get3A_1133 = arith.constant 288 : index
          %get3A_1134 = tpu.vector_load %arg11[%get3A_1132, %get3A_1133] {strides = array<i32>} : memref<48x512xf32, #tpu.memory_space<vmem>>, vector<16xf32>,
          %sub3A_1135 = arith.subf %get3A_1134, %mul3A_803 : vector<16xf32>
          %mul3A_1136 = arith.mulf %sub3A_1135, %sub3A_1135 : vector<16xf32>
          %add3A_1137 = arith.addf %add3A_1131, %mul3A_1136 : vector<16xf32>
          %get3A_1138 = arith.index_cast %add3A_1025 : i32 to index
          %get3A_1139 = arith.constant 304 : index
          %get3A_1140 = tpu.vector_load %arg11[%get3A_1138, %get3A_1139] {strides = array<i32>} : memref<48x512xf32, #tpu.memory_space<vmem>>, vector<16xf32>,
          %sub3A_1141 = arith.subf %get3A_1140, %mul3A_810 : vector<16xf32>
          %mul3A_1142 = arith.mulf %sub3A_1141, %sub3A_1141 : vector<16xf32>
          %add3A_1143 = arith.addf %add3A_1137, %mul3A_1142 : vector<16xf32>
          %get3A_1144 = arith.index_cast %add3A_1025 : i32 to index
          %get3A_1145 = arith.constant 320 : index
          %get3A_1146 = tpu.vector_load %arg11[%get3A_1144, %get3A_1145] {strides = array<i32>} : memref<48x512xf32, #tpu.memory_space<vmem>>, vector<16xf32>,
          %sub3A_1147 = arith.subf %get3A_1146, %mul3A_817 : vector<16xf32>
          %mul3A_1148 = arith.mulf %sub3A_1147, %sub3A_1147 : vector<16xf32>
          %add3A_1149 = arith.addf %add3A_1143, %mul3A_1148 : vector<16xf32>
          %get3A_1150 = arith.index_cast %add3A_1025 : i32 to index
          %get3A_1151 = arith.constant 336 : index
          %get3A_1152 = tpu.vector_load %arg11[%get3A_1150, %get3A_1151] {strides = array<i32>} : memref<48x512xf32, #tpu.memory_space<vmem>>, vector<16xf32>,
          %sub3A_1153 = arith.subf %get3A_1152, %mul3A_824 : vector<16xf32>
          %mul3A_1154 = arith.mulf %sub3A_1153, %sub3A_1153 : vector<16xf32>
          %add3A_1155 = arith.addf %add3A_1149, %mul3A_1154 : vector<16xf32>
          %get3A_1156 = arith.index_cast %add3A_1025 : i32 to index
          %get3A_1157 = arith.constant 352 : index
          %get3A_1158 = tpu.vector_load %arg11[%get3A_1156, %get3A_1157] {strides = array<i32>} : memref<48x512xf32, #tpu.memory_space<vmem>>, vector<16xf32>,
          %sub3A_1159 = arith.subf %get3A_1158, %mul3A_831 : vector<16xf32>
          %mul3A_1160 = arith.mulf %sub3A_1159, %sub3A_1159 : vector<16xf32>
          %add3A_1161 = arith.addf %add3A_1155, %mul3A_1160 : vector<16xf32>
          %get3A_1162 = arith.index_cast %add3A_1025 : i32 to index
          %get3A_1163 = arith.constant 368 : index
          %get3A_1164 = tpu.vector_load %arg11[%get3A_1162, %get3A_1163] {strides = array<i32>} : memref<48x512xf32, #tpu.memory_space<vmem>>, vector<16xf32>,
          %sub3A_1165 = arith.subf %get3A_1164, %mul3A_838 : vector<16xf32>
          %mul3A_1166 = arith.mulf %sub3A_1165, %sub3A_1165 : vector<16xf32>
          %add3A_1167 = arith.addf %add3A_1161, %mul3A_1166 : vector<16xf32>
          %get3A_1168 = arith.index_cast %add3A_1025 : i32 to index
          %get3A_1169 = arith.constant 384 : index
          %get3A_1170 = tpu.vector_load %arg11[%get3A_1168, %get3A_1169] {strides = array<i32>} : memref<48x512xf32, #tpu.memory_space<vmem>>, vector<16xf32>,
          %sub3A_1171 = arith.subf %get3A_1170, %mul3A_845 : vector<16xf32>
          %mul3A_1172 = arith.mulf %sub3A_1171, %sub3A_1171 : vector<16xf32>
          %add3A_1173 = arith.addf %add3A_1167, %mul3A_1172 : vector<16xf32>
          %get3A_1174 = arith.index_cast %add3A_1025 : i32 to index
          %get3A_1175 = arith.constant 400 : index
          %get3A_1176 = tpu.vector_load %arg11[%get3A_1174, %get3A_1175] {strides = array<i32>} : memref<48x512xf32, #tpu.memory_space<vmem>>, vector<16xf32>,
          %sub3A_1177 = arith.subf %get3A_1176, %mul3A_852 : vector<16xf32>
          %mul3A_1178 = arith.mulf %sub3A_1177, %sub3A_1177 : vector<16xf32>
          %add3A_1179 = arith.addf %add3A_1173, %mul3A_1178 : vector<16xf32>
          %get3A_1180 = arith.index_cast %add3A_1025 : i32 to index
          %get3A_1181 = arith.constant 416 : index
          %get3A_1182 = tpu.vector_load %arg11[%get3A_1180, %get3A_1181] {strides = array<i32>} : memref<48x512xf32, #tpu.memory_space<vmem>>, vector<16xf32>,
          %sub3A_1183 = arith.subf %get3A_1182, %mul3A_859 : vector<16xf32>
          %mul3A_1184 = arith.mulf %sub3A_1183, %sub3A_1183 : vector<16xf32>
          %add3A_1185 = arith.addf %add3A_1179, %mul3A_1184 : vector<16xf32>
          %get3A_1186 = arith.index_cast %add3A_1025 : i32 to index
          %get3A_1187 = arith.constant 432 : index
          %get3A_1188 = tpu.vector_load %arg11[%get3A_1186, %get3A_1187] {strides = array<i32>} : memref<48x512xf32, #tpu.memory_space<vmem>>, vector<16xf32>,
          %sub3A_1189 = arith.subf %get3A_1188, %mul3A_866 : vector<16xf32>
          %mul3A_1190 = arith.mulf %sub3A_1189, %sub3A_1189 : vector<16xf32>
          %add3A_1191 = arith.addf %add3A_1185, %mul3A_1190 : vector<16xf32>
          %get3A_1192 = arith.index_cast %add3A_1025 : i32 to index
          %get3A_1193 = arith.constant 448 : index
          %get3A_1194 = tpu.vector_load %arg11[%get3A_1192, %get3A_1193] {strides = array<i32>} : memref<48x512xf32, #tpu.memory_space<vmem>>, vector<16xf32>,
          %sub3A_1195 = arith.subf %get3A_1194, %mul3A_873 : vector<16xf32>
          %mul3A_1196 = arith.mulf %sub3A_1195, %sub3A_1195 : vector<16xf32>
          %add3A_1197 = arith.addf %add3A_1191, %mul3A_1196 : vector<16xf32>
          %get3A_1198 = arith.index_cast %add3A_1025 : i32 to index
          %get3A_1199 = arith.constant 464 : index
          %get3A_1200 = tpu.vector_load %arg11[%get3A_1198, %get3A_1199] {strides = array<i32>} : memref<48x512xf32, #tpu.memory_space<vmem>>, vector<16xf32>,
          %sub3A_1201 = arith.subf %get3A_1200, %mul3A_880 : vector<16xf32>
          %mul3A_1202 = arith.mulf %sub3A_1201, %sub3A_1201 : vector<16xf32>
          %add3A_1203 = arith.addf %add3A_1197, %mul3A_1202 : vector<16xf32>
          %get3A_1204 = arith.index_cast %add3A_1025 : i32 to index
          %get3A_1205 = arith.constant 480 : index
          %get3A_1206 = tpu.vector_load %arg11[%get3A_1204, %get3A_1205] {strides = array<i32>} : memref<48x512xf32, #tpu.memory_space<vmem>>, vector<16xf32>,
          %sub3A_1207 = arith.subf %get3A_1206, %mul3A_887 : vector<16xf32>
          %mul3A_1208 = arith.mulf %sub3A_1207, %sub3A_1207 : vector<16xf32>
          %add3A_1209 = arith.addf %add3A_1203, %mul3A_1208 : vector<16xf32>
          %get3A_1210 = arith.index_cast %add3A_1025 : i32 to index
          %get3A_1211 = arith.constant 496 : index
          %get3A_1212 = tpu.vector_load %arg11[%get3A_1210, %get3A_1211] {strides = array<i32>} : memref<48x512xf32, #tpu.memory_space<vmem>>, vector<16xf32>,
          %sub3A_1213 = arith.subf %get3A_1212, %mul3A_894 : vector<16xf32>
          %mul3A_1214 = arith.mulf %sub3A_1213, %sub3A_1213 : vector<16xf32>
          %add3A_1215 = arith.addf %add3A_1209, %mul3A_1214 : vector<16xf32>
          %swap3A_1216 = arith.index_cast %add3A_1022 : i32 to index
          %swap3A_1217 = arith.constant 0 : index
          %swap3A_1218 = tpu.vector_load %arg12[%swap3A_1216, %swap3A_1217] {strides = array<i32>} : memref<16x16xf32, #tpu.memory_space<vmem>>, vector<16xf32>,
          tpu.vector_store %arg12[%swap3A_1216, %swap3A_1217], %add3A_1215 {strides = array<i32>} : memref<16x16xf32, #tpu.memory_space<vmem>>, vector<16xf32>,
          %mul3A_1219 = arith.constant 4 : i32
          %mul3A_1220 = arith.muli %scan3A_1018, %mul3A_1219 : i32
          %add3A_1221 = arith.constant 1 : i32
          %add3A_1222 = arith.addi %mul3A_1220, %add3A_1221 : i32
          %mul3A_1223 = arith.constant 16 : i32
          %mul3A_1224 = arith.muli %scan3A_948, %mul3A_1223 : i32
          %add3A_1225 = arith.addi %mul3A_1224, %add3A_1222 : i32
          %get3A_1226 = arith.index_cast %add3A_1225 : i32 to index
          %get3A_1227 = arith.constant 0 : index
          %get3A_1228 = tpu.vector_load %arg11[%get3A_1226, %get3A_1227] {strides = array<i32>} : memref<48x512xf32, #tpu.memory_space<vmem>>, vector<16xf32>,
          %sub3A_1229 = arith.subf %get3A_1228, %mul3A_677 : vector<16xf32>
          %mul3A_1230 = arith.mulf %sub3A_1229, %sub3A_1229 : vector<16xf32>
          %get3A_1231 = arith.index_cast %add3A_1225 : i32 to index
          %get3A_1232 = arith.constant 16 : index
          %get3A_1233 = tpu.vector_load %arg11[%get3A_1231, %get3A_1232] {strides = array<i32>} : memref<48x512xf32, #tpu.memory_space<vmem>>, vector<16xf32>,
          %sub3A_1234 = arith.subf %get3A_1233, %mul3A_684 : vector<16xf32>
          %mul3A_1235 = arith.mulf %sub3A_1234, %sub3A_1234 : vector<16xf32>
          %add3A_1236 = arith.addf %mul3A_1230, %mul3A_1235 : vector<16xf32>
          %get3A_1237 = arith.index_cast %add3A_1225 : i32 to index
          %get3A_1238 = arith.constant 32 : index
          %get3A_1239 = tpu.vector_load %arg11[%get3A_1237, %get3A_1238] {strides = array<i32>} : memref<48x512xf32, #tpu.memory_space<vmem>>, vector<16xf32>,
          %sub3A_1240 = arith.subf %get3A_1239, %mul3A_691 : vector<16xf32>
          %mul3A_1241 = arith.mulf %sub3A_1240, %sub3A_1240 : vector<16xf32>
          %add3A_1242 = arith.addf %add3A_1236, %mul3A_1241 : vector<16xf32>
          %get3A_1243 = arith.index_cast %add3A_1225 : i32 to index
          %get3A_1244 = arith.constant 48 : index
          %get3A_1245 = tpu.vector_load %arg11[%get3A_1243, %get3A_1244] {strides = array<i32>} : memref<48x512xf32, #tpu.memory_space<vmem>>, vector<16xf32>,
          %sub3A_1246 = arith.subf %get3A_1245, %mul3A_698 : vector<16xf32>
          %mul3A_1247 = arith.mulf %sub3A_1246, %sub3A_1246 : vector<16xf32>
          %add3A_1248 = arith.addf %add3A_1242, %mul3A_1247 : vector<16xf32>
          %get3A_1249 = arith.index_cast %add3A_1225 : i32 to index
          %get3A_1250 = arith.constant 64 : index
          %get3A_1251 = tpu.vector_load %arg11[%get3A_1249, %get3A_1250] {strides = array<i32>} : memref<48x512xf32, #tpu.memory_space<vmem>>, vector<16xf32>,
          %sub3A_1252 = arith.subf %get3A_1251, %mul3A_705 : vector<16xf32>
          %mul3A_1253 = arith.mulf %sub3A_1252, %sub3A_1252 : vector<16xf32>
          %add3A_1254 = arith.addf %add3A_1248, %mul3A_1253 : vector<16xf32>
          %get3A_1255 = arith.index_cast %add3A_1225 : i32 to index
          %get3A_1256 = arith.constant 80 : index
          %get3A_1257 = tpu.vector_load %arg11[%get3A_1255, %get3A_1256] {strides = array<i32>} : memref<48x512xf32, #tpu.memory_space<vmem>>, vector<16xf32>,
          %sub3A_1258 = arith.subf %get3A_1257, %mul3A_712 : vector<16xf32>
          %mul3A_1259 = arith.mulf %sub3A_1258, %sub3A_1258 : vector<16xf32>
          %add3A_1260 = arith.addf %add3A_1254, %mul3A_1259 : vector<16xf32>
          %get3A_1261 = arith.index_cast %add3A_1225 : i32 to index
          %get3A_1262 = arith.constant 96 : index
          %get3A_1263 = tpu.vector_load %arg11[%get3A_1261, %get3A_1262] {strides = array<i32>} : memref<48x512xf32, #tpu.memory_space<vmem>>, vector<16xf32>,
          %sub3A_1264 = arith.subf %get3A_1263, %mul3A_719 : vector<16xf32>
          %mul3A_1265 = arith.mulf %sub3A_1264, %sub3A_1264 : vector<16xf32>
          %add3A_1266 = arith.addf %add3A_1260, %mul3A_1265 : vector<16xf32>
          %get3A_1267 = arith.index_cast %add3A_1225 : i32 to index
          %get3A_1268 = arith.constant 112 : index
          %get3A_1269 = tpu.vector_load %arg11[%get3A_1267, %get3A_1268] {strides = array<i32>} : memref<48x512xf32, #tpu.memory_space<vmem>>, vector<16xf32>,
          %sub3A_1270 = arith.subf %get3A_1269, %mul3A_726 : vector<16xf32>
          %mul3A_1271 = arith.mulf %sub3A_1270, %sub3A_1270 : vector<16xf32>
          %add3A_1272 = arith.addf %add3A_1266, %mul3A_1271 : vector<16xf32>
          %get3A_1273 = arith.index_cast %add3A_1225 : i32 to index
          %get3A_1274 = arith.constant 128 : index
          %get3A_1275 = tpu.vector_load %arg11[%get3A_1273, %get3A_1274] {strides = array<i32>} : memref<48x512xf32, #tpu.memory_space<vmem>>, vector<16xf32>,
          %sub3A_1276 = arith.subf %get3A_1275, %mul3A_733 : vector<16xf32>
          %mul3A_1277 = arith.mulf %sub3A_1276, %sub3A_1276 : vector<16xf32>
          %add3A_1278 = arith.addf %add3A_1272, %mul3A_1277 : vector<16xf32>
          %get3A_1279 = arith.index_cast %add3A_1225 : i32 to index
          %get3A_1280 = arith.constant 144 : index
          %get3A_1281 = tpu.vector_load %arg11[%get3A_1279, %get3A_1280] {strides = array<i32>} : memref<48x512xf32, #tpu.memory_space<vmem>>, vector<16xf32>,
          %sub3A_1282 = arith.subf %get3A_1281, %mul3A_740 : vector<16xf32>
          %mul3A_1283 = arith.mulf %sub3A_1282, %sub3A_1282 : vector<16xf32>
          %add3A_1284 = arith.addf %add3A_1278, %mul3A_1283 : vector<16xf32>
          %get3A_1285 = arith.index_cast %add3A_1225 : i32 to index
          %get3A_1286 = arith.constant 160 : index
          %get3A_1287 = tpu.vector_load %arg11[%get3A_1285, %get3A_1286] {strides = array<i32>} : memref<48x512xf32, #tpu.memory_space<vmem>>, vector<16xf32>,
          %sub3A_1288 = arith.subf %get3A_1287, %mul3A_747 : vector<16xf32>
          %mul3A_1289 = arith.mulf %sub3A_1288, %sub3A_1288 : vector<16xf32>
          %add3A_1290 = arith.addf %add3A_1284, %mul3A_1289 : vector<16xf32>
          %get3A_1291 = arith.index_cast %add3A_1225 : i32 to index
          %get3A_1292 = arith.constant 176 : index
          %get3A_1293 = tpu.vector_load %arg11[%get3A_1291, %get3A_1292] {strides = array<i32>} : memref<48x512xf32, #tpu.memory_space<vmem>>, vector<16xf32>,
          %sub3A_1294 = arith.subf %get3A_1293, %mul3A_754 : vector<16xf32>
          %mul3A_1295 = arith.mulf %sub3A_1294, %sub3A_1294 : vector<16xf32>
          %add3A_1296 = arith.addf %add3A_1290, %mul3A_1295 : vector<16xf32>
          %get3A_1297 = arith.index_cast %add3A_1225 : i32 to index
          %get3A_1298 = arith.constant 192 : index
          %get3A_1299 = tpu.vector_load %arg11[%get3A_1297, %get3A_1298] {strides = array<i32>} : memref<48x512xf32, #tpu.memory_space<vmem>>, vector<16xf32>,
          %sub3A_1300 = arith.subf %get3A_1299, %mul3A_761 : vector<16xf32>
          %mul3A_1301 = arith.mulf %sub3A_1300, %sub3A_1300 : vector<16xf32>
          %add3A_1302 = arith.addf %add3A_1296, %mul3A_1301 : vector<16xf32>
          %get3A_1303 = arith.index_cast %add3A_1225 : i32 to index
          %get3A_1304 = arith.constant 208 : index
          %get3A_1305 = tpu.vector_load %arg11[%get3A_1303, %get3A_1304] {strides = array<i32>} : memref<48x512xf32, #tpu.memory_space<vmem>>, vector<16xf32>,
          %sub3A_1306 = arith.subf %get3A_1305, %mul3A_768 : vector<16xf32>
          %mul3A_1307 = arith.mulf %sub3A_1306, %sub3A_1306 : vector<16xf32>
          %add3A_1308 = arith.addf %add3A_1302, %mul3A_1307 : vector<16xf32>
          %get3A_1309 = arith.index_cast %add3A_1225 : i32 to index
          %get3A_1310 = arith.constant 224 : index
          %get3A_1311 = tpu.vector_load %arg11[%get3A_1309, %get3A_1310] {strides = array<i32>} : memref<48x512xf32, #tpu.memory_space<vmem>>, vector<16xf32>,
          %sub3A_1312 = arith.subf %get3A_1311, %mul3A_775 : vector<16xf32>
          %mul3A_1313 = arith.mulf %sub3A_1312, %sub3A_1312 : vector<16xf32>
          %add3A_1314 = arith.addf %add3A_1308, %mul3A_1313 : vector<16xf32>
          %get3A_1315 = arith.index_cast %add3A_1225 : i32 to index
          %get3A_1316 = arith.constant 240 : index
          %get3A_1317 = tpu.vector_load %arg11[%get3A_1315, %get3A_1316] {strides = array<i32>} : memref<48x512xf32, #tpu.memory_space<vmem>>, vector<16xf32>,
          %sub3A_1318 = arith.subf %get3A_1317, %mul3A_782 : vector<16xf32>
          %mul3A_1319 = arith.mulf %sub3A_1318, %sub3A_1318 : vector<16xf32>
          %add3A_1320 = arith.addf %add3A_1314, %mul3A_1319 : vector<16xf32>
          %get3A_1321 = arith.index_cast %add3A_1225 : i32 to index
          %get3A_1322 = arith.constant 256 : index
          %get3A_1323 = tpu.vector_load %arg11[%get3A_1321, %get3A_1322] {strides = array<i32>} : memref<48x512xf32, #tpu.memory_space<vmem>>, vector<16xf32>,
          %sub3A_1324 = arith.subf %get3A_1323, %mul3A_789 : vector<16xf32>
          %mul3A_1325 = arith.mulf %sub3A_1324, %sub3A_1324 : vector<16xf32>
          %add3A_1326 = arith.addf %add3A_1320, %mul3A_1325 : vector<16xf32>
          %get3A_1327 = arith.index_cast %add3A_1225 : i32 to index
          %get3A_1328 = arith.constant 272 : index
          %get3A_1329 = tpu.vector_load %arg11[%get3A_1327, %get3A_1328] {strides = array<i32>} : memref<48x512xf32, #tpu.memory_space<vmem>>, vector<16xf32>,
          %sub3A_1330 = arith.subf %get3A_1329, %mul3A_796 : vector<16xf32>
          %mul3A_1331 = arith.mulf %sub3A_1330, %sub3A_1330 : vector<16xf32>
          %add3A_1332 = arith.addf %add3A_1326, %mul3A_1331 : vector<16xf32>
          %get3A_1333 = arith.index_cast %add3A_1225 : i32 to index
          %get3A_1334 = arith.constant 288 : index
          %get3A_1335 = tpu.vector_load %arg11[%get3A_1333, %get3A_1334] {strides = array<i32>} : memref<48x512xf32, #tpu.memory_space<vmem>>, vector<16xf32>,
          %sub3A_1336 = arith.subf %get3A_1335, %mul3A_803 : vector<16xf32>
          %mul3A_1337 = arith.mulf %sub3A_1336, %sub3A_1336 : vector<16xf32>
          %add3A_1338 = arith.addf %add3A_1332, %mul3A_1337 : vector<16xf32>
          %get3A_1339 = arith.index_cast %add3A_1225 : i32 to index
          %get3A_1340 = arith.constant 304 : index
          %get3A_1341 = tpu.vector_load %arg11[%get3A_1339, %get3A_1340] {strides = array<i32>} : memref<48x512xf32, #tpu.memory_space<vmem>>, vector<16xf32>,
          %sub3A_1342 = arith.subf %get3A_1341, %mul3A_810 : vector<16xf32>
          %mul3A_1343 = arith.mulf %sub3A_1342, %sub3A_1342 : vector<16xf32>
          %add3A_1344 = arith.addf %add3A_1338, %mul3A_1343 : vector<16xf32>
          %get3A_1345 = arith.index_cast %add3A_1225 : i32 to index
          %get3A_1346 = arith.constant 320 : index
          %get3A_1347 = tpu.vector_load %arg11[%get3A_1345, %get3A_1346] {strides = array<i32>} : memref<48x512xf32, #tpu.memory_space<vmem>>, vector<16xf32>,
          %sub3A_1348 = arith.subf %get3A_1347, %mul3A_817 : vector<16xf32>
          %mul3A_1349 = arith.mulf %sub3A_1348, %sub3A_1348 : vector<16xf32>
          %add3A_1350 = arith.addf %add3A_1344, %mul3A_1349 : vector<16xf32>
          %get3A_1351 = arith.index_cast %add3A_1225 : i32 to index
          %get3A_1352 = arith.constant 336 : index
          %get3A_1353 = tpu.vector_load %arg11[%get3A_1351, %get3A_1352] {strides = array<i32>} : memref<48x512xf32, #tpu.memory_space<vmem>>, vector<16xf32>,
          %sub3A_1354 = arith.subf %get3A_1353, %mul3A_824 : vector<16xf32>
          %mul3A_1355 = arith.mulf %sub3A_1354, %sub3A_1354 : vector<16xf32>
          %add3A_1356 = arith.addf %add3A_1350, %mul3A_1355 : vector<16xf32>
          %get3A_1357 = arith.index_cast %add3A_1225 : i32 to index
          %get3A_1358 = arith.constant 352 : index
          %get3A_1359 = tpu.vector_load %arg11[%get3A_1357, %get3A_1358] {strides = array<i32>} : memref<48x512xf32, #tpu.memory_space<vmem>>, vector<16xf32>,
          %sub3A_1360 = arith.subf %get3A_1359, %mul3A_831 : vector<16xf32>
          %mul3A_1361 = arith.mulf %sub3A_1360, %sub3A_1360 : vector<16xf32>
          %add3A_1362 = arith.addf %add3A_1356, %mul3A_1361 : vector<16xf32>
          %get3A_1363 = arith.index_cast %add3A_1225 : i32 to index
          %get3A_1364 = arith.constant 368 : index
          %get3A_1365 = tpu.vector_load %arg11[%get3A_1363, %get3A_1364] {strides = array<i32>} : memref<48x512xf32, #tpu.memory_space<vmem>>, vector<16xf32>,
          %sub3A_1366 = arith.subf %get3A_1365, %mul3A_838 : vector<16xf32>
          %mul3A_1367 = arith.mulf %sub3A_1366, %sub3A_1366 : vector<16xf32>
          %add3A_1368 = arith.addf %add3A_1362, %mul3A_1367 : vector<16xf32>
          %get3A_1369 = arith.index_cast %add3A_1225 : i32 to index
          %get3A_1370 = arith.constant 384 : index
          %get3A_1371 = tpu.vector_load %arg11[%get3A_1369, %get3A_1370] {strides = array<i32>} : memref<48x512xf32, #tpu.memory_space<vmem>>, vector<16xf32>,
          %sub3A_1372 = arith.subf %get3A_1371, %mul3A_845 : vector<16xf32>
          %mul3A_1373 = arith.mulf %sub3A_1372, %sub3A_1372 : vector<16xf32>
          %add3A_1374 = arith.addf %add3A_1368, %mul3A_1373 : vector<16xf32>
          %get3A_1375 = arith.index_cast %add3A_1225 : i32 to index
          %get3A_1376 = arith.constant 400 : index
          %get3A_1377 = tpu.vector_load %arg11[%get3A_1375, %get3A_1376] {strides = array<i32>} : memref<48x512xf32, #tpu.memory_space<vmem>>, vector<16xf32>,
          %sub3A_1378 = arith.subf %get3A_1377, %mul3A_852 : vector<16xf32>
          %mul3A_1379 = arith.mulf %sub3A_1378, %sub3A_1378 : vector<16xf32>
          %add3A_1380 = arith.addf %add3A_1374, %mul3A_1379 : vector<16xf32>
          %get3A_1381 = arith.index_cast %add3A_1225 : i32 to index
          %get3A_1382 = arith.constant 416 : index
          %get3A_1383 = tpu.vector_load %arg11[%get3A_1381, %get3A_1382] {strides = array<i32>} : memref<48x512xf32, #tpu.memory_space<vmem>>, vector<16xf32>,
          %sub3A_1384 = arith.subf %get3A_1383, %mul3A_859 : vector<16xf32>
          %mul3A_1385 = arith.mulf %sub3A_1384, %sub3A_1384 : vector<16xf32>
          %add3A_1386 = arith.addf %add3A_1380, %mul3A_1385 : vector<16xf32>
          %get3A_1387 = arith.index_cast %add3A_1225 : i32 to index
          %get3A_1388 = arith.constant 432 : index
          %get3A_1389 = tpu.vector_load %arg11[%get3A_1387, %get3A_1388] {strides = array<i32>} : memref<48x512xf32, #tpu.memory_space<vmem>>, vector<16xf32>,
          %sub3A_1390 = arith.subf %get3A_1389, %mul3A_866 : vector<16xf32>
          %mul3A_1391 = arith.mulf %sub3A_1390, %sub3A_1390 : vector<16xf32>
          %add3A_1392 = arith.addf %add3A_1386, %mul3A_1391 : vector<16xf32>
          %get3A_1393 = arith.index_cast %add3A_1225 : i32 to index
          %get3A_1394 = arith.constant 448 : index
          %get3A_1395 = tpu.vector_load %arg11[%get3A_1393, %get3A_1394] {strides = array<i32>} : memref<48x512xf32, #tpu.memory_space<vmem>>, vector<16xf32>,
          %sub3A_1396 = arith.subf %get3A_1395, %mul3A_873 : vector<16xf32>
          %mul3A_1397 = arith.mulf %sub3A_1396, %sub3A_1396 : vector<16xf32>
          %add3A_1398 = arith.addf %add3A_1392, %mul3A_1397 : vector<16xf32>
          %get3A_1399 = arith.index_cast %add3A_1225 : i32 to index
          %get3A_1400 = arith.constant 464 : index
          %get3A_1401 = tpu.vector_load %arg11[%get3A_1399, %get3A_1400] {strides = array<i32>} : memref<48x512xf32, #tpu.memory_space<vmem>>, vector<16xf32>,
          %sub3A_1402 = arith.subf %get3A_1401, %mul3A_880 : vector<16xf32>
          %mul3A_1403 = arith.mulf %sub3A_1402, %sub3A_1402 : vector<16xf32>
          %add3A_1404 = arith.addf %add3A_1398, %mul3A_1403 : vector<16xf32>
          %get3A_1405 = arith.index_cast %add3A_1225 : i32 to index
          %get3A_1406 = arith.constant 480 : index
          %get3A_1407 = tpu.vector_load %arg11[%get3A_1405, %get3A_1406] {strides = array<i32>} : memref<48x512xf32, #tpu.memory_space<vmem>>, vector<16xf32>,
          %sub3A_1408 = arith.subf %get3A_1407, %mul3A_887 : vector<16xf32>
          %mul3A_1409 = arith.mulf %sub3A_1408, %sub3A_1408 : vector<16xf32>
          %add3A_1410 = arith.addf %add3A_1404, %mul3A_1409 : vector<16xf32>
          %get3A_1411 = arith.index_cast %add3A_1225 : i32 to index
          %get3A_1412 = arith.constant 496 : index
          %get3A_1413 = tpu.vector_load %arg11[%get3A_1411, %get3A_1412] {strides = array<i32>} : memref<48x512xf32, #tpu.memory_space<vmem>>, vector<16xf32>,
          %sub3A_1414 = arith.subf %get3A_1413, %mul3A_894 : vector<16xf32>
          %mul3A_1415 = arith.mulf %sub3A_1414, %sub3A_1414 : vector<16xf32>
          %add3A_1416 = arith.addf %add3A_1410, %mul3A_1415 : vector<16xf32>
          %swap3A_1417 = arith.index_cast %add3A_1222 : i32 to index
          %swap3A_1418 = arith.constant 0 : index
          %swap3A_1419 = tpu.vector_load %arg12[%swap3A_1417, %swap3A_1418] {strides = array<i32>} : memref<16x16xf32, #tpu.memory_space<vmem>>, vector<16xf32>,
          tpu.vector_store %arg12[%swap3A_1417, %swap3A_1418], %add3A_1416 {strides = array<i32>} : memref<16x16xf32, #tpu.memory_space<vmem>>, vector<16xf32>,
          %mul3A_1420 = arith.constant 4 : i32
          %mul3A_1421 = arith.muli %scan3A_1018, %mul3A_1420 : i32
          %add3A_1422 = arith.constant 2 : i32
          %add3A_1423 = arith.addi %mul3A_1421, %add3A_1422 : i32
          %mul3A_1424 = arith.constant 16 : i32
          %mul3A_1425 = arith.muli %scan3A_948, %mul3A_1424 : i32
          %add3A_1426 = arith.addi %mul3A_1425, %add3A_1423 : i32
          %get3A_1427 = arith.index_cast %add3A_1426 : i32 to index
          %get3A_1428 = arith.constant 0 : index
          %get3A_1429 = tpu.vector_load %arg11[%get3A_1427, %get3A_1428] {strides = array<i32>} : memref<48x512xf32, #tpu.memory_space<vmem>>, vector<16xf32>,
          %sub3A_1430 = arith.subf %get3A_1429, %mul3A_677 : vector<16xf32>
          %mul3A_1431 = arith.mulf %sub3A_1430, %sub3A_1430 : vector<16xf32>
          %get3A_1432 = arith.index_cast %add3A_1426 : i32 to index
          %get3A_1433 = arith.constant 16 : index
          %get3A_1434 = tpu.vector_load %arg11[%get3A_1432, %get3A_1433] {strides = array<i32>} : memref<48x512xf32, #tpu.memory_space<vmem>>, vector<16xf32>,
          %sub3A_1435 = arith.subf %get3A_1434, %mul3A_684 : vector<16xf32>
          %mul3A_1436 = arith.mulf %sub3A_1435, %sub3A_1435 : vector<16xf32>
          %add3A_1437 = arith.addf %mul3A_1431, %mul3A_1436 : vector<16xf32>
          %get3A_1438 = arith.index_cast %add3A_1426 : i32 to index
          %get3A_1439 = arith.constant 32 : index
          %get3A_1440 = tpu.vector_load %arg11[%get3A_1438, %get3A_1439] {strides = array<i32>} : memref<48x512xf32, #tpu.memory_space<vmem>>, vector<16xf32>,
          %sub3A_1441 = arith.subf %get3A_1440, %mul3A_691 : vector<16xf32>
          %mul3A_1442 = arith.mulf %sub3A_1441, %sub3A_1441 : vector<16xf32>
          %add3A_1443 = arith.addf %add3A_1437, %mul3A_1442 : vector<16xf32>
          %get3A_1444 = arith.index_cast %add3A_1426 : i32 to index
          %get3A_1445 = arith.constant 48 : index
          %get3A_1446 = tpu.vector_load %arg11[%get3A_1444, %get3A_1445] {strides = array<i32>} : memref<48x512xf32, #tpu.memory_space<vmem>>, vector<16xf32>,
          %sub3A_1447 = arith.subf %get3A_1446, %mul3A_698 : vector<16xf32>
          %mul3A_1448 = arith.mulf %sub3A_1447, %sub3A_1447 : vector<16xf32>
          %add3A_1449 = arith.addf %add3A_1443, %mul3A_1448 : vector<16xf32>
          %get3A_1450 = arith.index_cast %add3A_1426 : i32 to index
          %get3A_1451 = arith.constant 64 : index
          %get3A_1452 = tpu.vector_load %arg11[%get3A_1450, %get3A_1451] {strides = array<i32>} : memref<48x512xf32, #tpu.memory_space<vmem>>, vector<16xf32>,
          %sub3A_1453 = arith.subf %get3A_1452, %mul3A_705 : vector<16xf32>
          %mul3A_1454 = arith.mulf %sub3A_1453, %sub3A_1453 : vector<16xf32>
          %add3A_1455 = arith.addf %add3A_1449, %mul3A_1454 : vector<16xf32>
          %get3A_1456 = arith.index_cast %add3A_1426 : i32 to index
          %get3A_1457 = arith.constant 80 : index
          %get3A_1458 = tpu.vector_load %arg11[%get3A_1456, %get3A_1457] {strides = array<i32>} : memref<48x512xf32, #tpu.memory_space<vmem>>, vector<16xf32>,
          %sub3A_1459 = arith.subf %get3A_1458, %mul3A_712 : vector<16xf32>
          %mul3A_1460 = arith.mulf %sub3A_1459, %sub3A_1459 : vector<16xf32>
          %add3A_1461 = arith.addf %add3A_1455, %mul3A_1460 : vector<16xf32>
          %get3A_1462 = arith.index_cast %add3A_1426 : i32 to index
          %get3A_1463 = arith.constant 96 : index
          %get3A_1464 = tpu.vector_load %arg11[%get3A_1462, %get3A_1463] {strides = array<i32>} : memref<48x512xf32, #tpu.memory_space<vmem>>, vector<16xf32>,
          %sub3A_1465 = arith.subf %get3A_1464, %mul3A_719 : vector<16xf32>
          %mul3A_1466 = arith.mulf %sub3A_1465, %sub3A_1465 : vector<16xf32>
          %add3A_1467 = arith.addf %add3A_1461, %mul3A_1466 : vector<16xf32>
          %get3A_1468 = arith.index_cast %add3A_1426 : i32 to index
          %get3A_1469 = arith.constant 112 : index
          %get3A_1470 = tpu.vector_load %arg11[%get3A_1468, %get3A_1469] {strides = array<i32>} : memref<48x512xf32, #tpu.memory_space<vmem>>, vector<16xf32>,
          %sub3A_1471 = arith.subf %get3A_1470, %mul3A_726 : vector<16xf32>
          %mul3A_1472 = arith.mulf %sub3A_1471, %sub3A_1471 : vector<16xf32>
          %add3A_1473 = arith.addf %add3A_1467, %mul3A_1472 : vector<16xf32>
          %get3A_1474 = arith.index_cast %add3A_1426 : i32 to index
          %get3A_1475 = arith.constant 128 : index
          %get3A_1476 = tpu.vector_load %arg11[%get3A_1474, %get3A_1475] {strides = array<i32>} : memref<48x512xf32, #tpu.memory_space<vmem>>, vector<16xf32>,
          %sub3A_1477 = arith.subf %get3A_1476, %mul3A_733 : vector<16xf32>
          %mul3A_1478 = arith.mulf %sub3A_1477, %sub3A_1477 : vector<16xf32>
          %add3A_1479 = arith.addf %add3A_1473, %mul3A_1478 : vector<16xf32>
          %get3A_1480 = arith.index_cast %add3A_1426 : i32 to index
          %get3A_1481 = arith.constant 144 : index
          %get3A_1482 = tpu.vector_load %arg11[%get3A_1480, %get3A_1481] {strides = array<i32>} : memref<48x512xf32, #tpu.memory_space<vmem>>, vector<16xf32>,
          %sub3A_1483 = arith.subf %get3A_1482, %mul3A_740 : vector<16xf32>
          %mul3A_1484 = arith.mulf %sub3A_1483, %sub3A_1483 : vector<16xf32>
          %add3A_1485 = arith.addf %add3A_1479, %mul3A_1484 : vector<16xf32>
          %get3A_1486 = arith.index_cast %add3A_1426 : i32 to index
          %get3A_1487 = arith.constant 160 : index
          %get3A_1488 = tpu.vector_load %arg11[%get3A_1486, %get3A_1487] {strides = array<i32>} : memref<48x512xf32, #tpu.memory_space<vmem>>, vector<16xf32>,
          %sub3A_1489 = arith.subf %get3A_1488, %mul3A_747 : vector<16xf32>
          %mul3A_1490 = arith.mulf %sub3A_1489, %sub3A_1489 : vector<16xf32>
          %add3A_1491 = arith.addf %add3A_1485, %mul3A_1490 : vector<16xf32>
          %get3A_1492 = arith.index_cast %add3A_1426 : i32 to index
          %get3A_1493 = arith.constant 176 : index
          %get3A_1494 = tpu.vector_load %arg11[%get3A_1492, %get3A_1493] {strides = array<i32>} : memref<48x512xf32, #tpu.memory_space<vmem>>, vector<16xf32>,
          %sub3A_1495 = arith.subf %get3A_1494, %mul3A_754 : vector<16xf32>
          %mul3A_1496 = arith.mulf %sub3A_1495, %sub3A_1495 : vector<16xf32>
          %add3A_1497 = arith.addf %add3A_1491, %mul3A_1496 : vector<16xf32>
          %get3A_1498 = arith.index_cast %add3A_1426 : i32 to index
          %get3A_1499 = arith.constant 192 : index
          %get3A_1500 = tpu.vector_load %arg11[%get3A_1498, %get3A_1499] {strides = array<i32>} : memref<48x512xf32, #tpu.memory_space<vmem>>, vector<16xf32>,
          %sub3A_1501 = arith.subf %get3A_1500, %mul3A_761 : vector<16xf32>
          %mul3A_1502 = arith.mulf %sub3A_1501, %sub3A_1501 : vector<16xf32>
          %add3A_1503 = arith.addf %add3A_1497, %mul3A_1502 : vector<16xf32>
          %get3A_1504 = arith.index_cast %add3A_1426 : i32 to index
          %get3A_1505 = arith.constant 208 : index
          %get3A_1506 = tpu.vector_load %arg11[%get3A_1504, %get3A_1505] {strides = array<i32>} : memref<48x512xf32, #tpu.memory_space<vmem>>, vector<16xf32>,
          %sub3A_1507 = arith.subf %get3A_1506, %mul3A_768 : vector<16xf32>
          %mul3A_1508 = arith.mulf %sub3A_1507, %sub3A_1507 : vector<16xf32>
          %add3A_1509 = arith.addf %add3A_1503, %mul3A_1508 : vector<16xf32>
          %get3A_1510 = arith.index_cast %add3A_1426 : i32 to index
          %get3A_1511 = arith.constant 224 : index
          %get3A_1512 = tpu.vector_load %arg11[%get3A_1510, %get3A_1511] {strides = array<i32>} : memref<48x512xf32, #tpu.memory_space<vmem>>, vector<16xf32>,
          %sub3A_1513 = arith.subf %get3A_1512, %mul3A_775 : vector<16xf32>
          %mul3A_1514 = arith.mulf %sub3A_1513, %sub3A_1513 : vector<16xf32>
          %add3A_1515 = arith.addf %add3A_1509, %mul3A_1514 : vector<16xf32>
          %get3A_1516 = arith.index_cast %add3A_1426 : i32 to index
          %get3A_1517 = arith.constant 240 : index
          %get3A_1518 = tpu.vector_load %arg11[%get3A_1516, %get3A_1517] {strides = array<i32>} : memref<48x512xf32, #tpu.memory_space<vmem>>, vector<16xf32>,
          %sub3A_1519 = arith.subf %get3A_1518, %mul3A_782 : vector<16xf32>
          %mul3A_1520 = arith.mulf %sub3A_1519, %sub3A_1519 : vector<16xf32>
          %add3A_1521 = arith.addf %add3A_1515, %mul3A_1520 : vector<16xf32>
          %get3A_1522 = arith.index_cast %add3A_1426 : i32 to index
          %get3A_1523 = arith.constant 256 : index
          %get3A_1524 = tpu.vector_load %arg11[%get3A_1522, %get3A_1523] {strides = array<i32>} : memref<48x512xf32, #tpu.memory_space<vmem>>, vector<16xf32>,
          %sub3A_1525 = arith.subf %get3A_1524, %mul3A_789 : vector<16xf32>
          %mul3A_1526 = arith.mulf %sub3A_1525, %sub3A_1525 : vector<16xf32>
          %add3A_1527 = arith.addf %add3A_1521, %mul3A_1526 : vector<16xf32>
          %get3A_1528 = arith.index_cast %add3A_1426 : i32 to index
          %get3A_1529 = arith.constant 272 : index
          %get3A_1530 = tpu.vector_load %arg11[%get3A_1528, %get3A_1529] {strides = array<i32>} : memref<48x512xf32, #tpu.memory_space<vmem>>, vector<16xf32>,
          %sub3A_1531 = arith.subf %get3A_1530, %mul3A_796 : vector<16xf32>
          %mul3A_1532 = arith.mulf %sub3A_1531, %sub3A_1531 : vector<16xf32>
          %add3A_1533 = arith.addf %add3A_1527, %mul3A_1532 : vector<16xf32>
          %get3A_1534 = arith.index_cast %add3A_1426 : i32 to index
          %get3A_1535 = arith.constant 288 : index
          %get3A_1536 = tpu.vector_load %arg11[%get3A_1534, %get3A_1535] {strides = array<i32>} : memref<48x512xf32, #tpu.memory_space<vmem>>, vector<16xf32>,
          %sub3A_1537 = arith.subf %get3A_1536, %mul3A_803 : vector<16xf32>
          %mul3A_1538 = arith.mulf %sub3A_1537, %sub3A_1537 : vector<16xf32>
          %add3A_1539 = arith.addf %add3A_1533, %mul3A_1538 : vector<16xf32>
          %get3A_1540 = arith.index_cast %add3A_1426 : i32 to index
          %get3A_1541 = arith.constant 304 : index
          %get3A_1542 = tpu.vector_load %arg11[%get3A_1540, %get3A_1541] {strides = array<i32>} : memref<48x512xf32, #tpu.memory_space<vmem>>, vector<16xf32>,
          %sub3A_1543 = arith.subf %get3A_1542, %mul3A_810 : vector<16xf32>
          %mul3A_1544 = arith.mulf %sub3A_1543, %sub3A_1543 : vector<16xf32>
          %add3A_1545 = arith.addf %add3A_1539, %mul3A_1544 : vector<16xf32>
          %get3A_1546 = arith.index_cast %add3A_1426 : i32 to index
          %get3A_1547 = arith.constant 320 : index
          %get3A_1548 = tpu.vector_load %arg11[%get3A_1546, %get3A_1547] {strides = array<i32>} : memref<48x512xf32, #tpu.memory_space<vmem>>, vector<16xf32>,
          %sub3A_1549 = arith.subf %get3A_1548, %mul3A_817 : vector<16xf32>
          %mul3A_1550 = arith.mulf %sub3A_1549, %sub3A_1549 : vector<16xf32>
          %add3A_1551 = arith.addf %add3A_1545, %mul3A_1550 : vector<16xf32>
          %get3A_1552 = arith.index_cast %add3A_1426 : i32 to index
          %get3A_1553 = arith.constant 336 : index
          %get3A_1554 = tpu.vector_load %arg11[%get3A_1552, %get3A_1553] {strides = array<i32>} : memref<48x512xf32, #tpu.memory_space<vmem>>, vector<16xf32>,
          %sub3A_1555 = arith.subf %get3A_1554, %mul3A_824 : vector<16xf32>
          %mul3A_1556 = arith.mulf %sub3A_1555, %sub3A_1555 : vector<16xf32>
          %add3A_1557 = arith.addf %add3A_1551, %mul3A_1556 : vector<16xf32>
          %get3A_1558 = arith.index_cast %add3A_1426 : i32 to index
          %get3A_1559 = arith.constant 352 : index
          %get3A_1560 = tpu.vector_load %arg11[%get3A_1558, %get3A_1559] {strides = array<i32>} : memref<48x512xf32, #tpu.memory_space<vmem>>, vector<16xf32>,
          %sub3A_1561 = arith.subf %get3A_1560, %mul3A_831 : vector<16xf32>
          %mul3A_1562 = arith.mulf %sub3A_1561, %sub3A_1561 : vector<16xf32>
          %add3A_1563 = arith.addf %add3A_1557, %mul3A_1562 : vector<16xf32>
          %get3A_1564 = arith.index_cast %add3A_1426 : i32 to index
          %get3A_1565 = arith.constant 368 : index
          %get3A_1566 = tpu.vector_load %arg11[%get3A_1564, %get3A_1565] {strides = array<i32>} : memref<48x512xf32, #tpu.memory_space<vmem>>, vector<16xf32>,
          %sub3A_1567 = arith.subf %get3A_1566, %mul3A_838 : vector<16xf32>
          %mul3A_1568 = arith.mulf %sub3A_1567, %sub3A_1567 : vector<16xf32>
          %add3A_1569 = arith.addf %add3A_1563, %mul3A_1568 : vector<16xf32>
          %get3A_1570 = arith.index_cast %add3A_1426 : i32 to index
          %get3A_1571 = arith.constant 384 : index
          %get3A_1572 = tpu.vector_load %arg11[%get3A_1570, %get3A_1571] {strides = array<i32>} : memref<48x512xf32, #tpu.memory_space<vmem>>, vector<16xf32>,
          %sub3A_1573 = arith.subf %get3A_1572, %mul3A_845 : vector<16xf32>
          %mul3A_1574 = arith.mulf %sub3A_1573, %sub3A_1573 : vector<16xf32>
          %add3A_1575 = arith.addf %add3A_1569, %mul3A_1574 : vector<16xf32>
          %get3A_1576 = arith.index_cast %add3A_1426 : i32 to index
          %get3A_1577 = arith.constant 400 : index
          %get3A_1578 = tpu.vector_load %arg11[%get3A_1576, %get3A_1577] {strides = array<i32>} : memref<48x512xf32, #tpu.memory_space<vmem>>, vector<16xf32>,
          %sub3A_1579 = arith.subf %get3A_1578, %mul3A_852 : vector<16xf32>
          %mul3A_1580 = arith.mulf %sub3A_1579, %sub3A_1579 : vector<16xf32>
          %add3A_1581 = arith.addf %add3A_1575, %mul3A_1580 : vector<16xf32>
          %get3A_1582 = arith.index_cast %add3A_1426 : i32 to index
          %get3A_1583 = arith.constant 416 : index
          %get3A_1584 = tpu.vector_load %arg11[%get3A_1582, %get3A_1583] {strides = array<i32>} : memref<48x512xf32, #tpu.memory_space<vmem>>, vector<16xf32>,
          %sub3A_1585 = arith.subf %get3A_1584, %mul3A_859 : vector<16xf32>
          %mul3A_1586 = arith.mulf %sub3A_1585, %sub3A_1585 : vector<16xf32>
          %add3A_1587 = arith.addf %add3A_1581, %mul3A_1586 : vector<16xf32>
          %get3A_1588 = arith.index_cast %add3A_1426 : i32 to index
          %get3A_1589 = arith.constant 432 : index
          %get3A_1590 = tpu.vector_load %arg11[%get3A_1588, %get3A_1589] {strides = array<i32>} : memref<48x512xf32, #tpu.memory_space<vmem>>, vector<16xf32>,
          %sub3A_1591 = arith.subf %get3A_1590, %mul3A_866 : vector<16xf32>
          %mul3A_1592 = arith.mulf %sub3A_1591, %sub3A_1591 : vector<16xf32>
          %add3A_1593 = arith.addf %add3A_1587, %mul3A_1592 : vector<16xf32>
          %get3A_1594 = arith.index_cast %add3A_1426 : i32 to index
          %get3A_1595 = arith.constant 448 : index
          %get3A_1596 = tpu.vector_load %arg11[%get3A_1594, %get3A_1595] {strides = array<i32>} : memref<48x512xf32, #tpu.memory_space<vmem>>, vector<16xf32>,
          %sub3A_1597 = arith.subf %get3A_1596, %mul3A_873 : vector<16xf32>
          %mul3A_1598 = arith.mulf %sub3A_1597, %sub3A_1597 : vector<16xf32>
          %add3A_1599 = arith.addf %add3A_1593, %mul3A_1598 : vector<16xf32>
          %get3A_1600 = arith.index_cast %add3A_1426 : i32 to index
          %get3A_1601 = arith.constant 464 : index
          %get3A_1602 = tpu.vector_load %arg11[%get3A_1600, %get3A_1601] {strides = array<i32>} : memref<48x512xf32, #tpu.memory_space<vmem>>, vector<16xf32>,
          %sub3A_1603 = arith.subf %get3A_1602, %mul3A_880 : vector<16xf32>
          %mul3A_1604 = arith.mulf %sub3A_1603, %sub3A_1603 : vector<16xf32>
          %add3A_1605 = arith.addf %add3A_1599, %mul3A_1604 : vector<16xf32>
          %get3A_1606 = arith.index_cast %add3A_1426 : i32 to index
          %get3A_1607 = arith.constant 480 : index
          %get3A_1608 = tpu.vector_load %arg11[%get3A_1606, %get3A_1607] {strides = array<i32>} : memref<48x512xf32, #tpu.memory_space<vmem>>, vector<16xf32>,
          %sub3A_1609 = arith.subf %get3A_1608, %mul3A_887 : vector<16xf32>
          %mul3A_1610 = arith.mulf %sub3A_1609, %sub3A_1609 : vector<16xf32>
          %add3A_1611 = arith.addf %add3A_1605, %mul3A_1610 : vector<16xf32>
          %get3A_1612 = arith.index_cast %add3A_1426 : i32 to index
          %get3A_1613 = arith.constant 496 : index
          %get3A_1614 = tpu.vector_load %arg11[%get3A_1612, %get3A_1613] {strides = array<i32>} : memref<48x512xf32, #tpu.memory_space<vmem>>, vector<16xf32>,
          %sub3A_1615 = arith.subf %get3A_1614, %mul3A_894 : vector<16xf32>
          %mul3A_1616 = arith.mulf %sub3A_1615, %sub3A_1615 : vector<16xf32>
          %add3A_1617 = arith.addf %add3A_1611, %mul3A_1616 : vector<16xf32>
          %swap3A_1618 = arith.index_cast %add3A_1423 : i32 to index
          %swap3A_1619 = arith.constant 0 : index
          %swap3A_1620 = tpu.vector_load %arg12[%swap3A_1618, %swap3A_1619] {strides = array<i32>} : memref<16x16xf32, #tpu.memory_space<vmem>>, vector<16xf32>,
          tpu.vector_store %arg12[%swap3A_1618, %swap3A_1619], %add3A_1617 {strides = array<i32>} : memref<16x16xf32, #tpu.memory_space<vmem>>, vector<16xf32>,
          %mul3A_1621 = arith.constant 4 : i32
          %mul3A_1622 = arith.muli %scan3A_1018, %mul3A_1621 : i32
          %add3A_1623 = arith.constant 3 : i32
          %add3A_1624 = arith.addi %mul3A_1622, %add3A_1623 : i32
          %mul3A_1625 = arith.constant 16 : i32
          %mul3A_1626 = arith.muli %scan3A_948, %mul3A_1625 : i32
          %add3A_1627 = arith.addi %mul3A_1626, %add3A_1624 : i32
          %get3A_1628 = arith.index_cast %add3A_1627 : i32 to index
          %get3A_1629 = arith.constant 0 : index
          %get3A_1630 = tpu.vector_load %arg11[%get3A_1628, %get3A_1629] {strides = array<i32>} : memref<48x512xf32, #tpu.memory_space<vmem>>, vector<16xf32>,
          %sub3A_1631 = arith.subf %get3A_1630, %mul3A_677 : vector<16xf32>
          %mul3A_1632 = arith.mulf %sub3A_1631, %sub3A_1631 : vector<16xf32>
          %get3A_1633 = arith.index_cast %add3A_1627 : i32 to index
          %get3A_1634 = arith.constant 16 : index
          %get3A_1635 = tpu.vector_load %arg11[%get3A_1633, %get3A_1634] {strides = array<i32>} : memref<48x512xf32, #tpu.memory_space<vmem>>, vector<16xf32>,
          %sub3A_1636 = arith.subf %get3A_1635, %mul3A_684 : vector<16xf32>
          %mul3A_1637 = arith.mulf %sub3A_1636, %sub3A_1636 : vector<16xf32>
          %add3A_1638 = arith.addf %mul3A_1632, %mul3A_1637 : vector<16xf32>
          %get3A_1639 = arith.index_cast %add3A_1627 : i32 to index
          %get3A_1640 = arith.constant 32 : index
          %get3A_1641 = tpu.vector_load %arg11[%get3A_1639, %get3A_1640] {strides = array<i32>} : memref<48x512xf32, #tpu.memory_space<vmem>>, vector<16xf32>,
          %sub3A_1642 = arith.subf %get3A_1641, %mul3A_691 : vector<16xf32>
          %mul3A_1643 = arith.mulf %sub3A_1642, %sub3A_1642 : vector<16xf32>
          %add3A_1644 = arith.addf %add3A_1638, %mul3A_1643 : vector<16xf32>
          %get3A_1645 = arith.index_cast %add3A_1627 : i32 to index
          %get3A_1646 = arith.constant 48 : index
          %get3A_1647 = tpu.vector_load %arg11[%get3A_1645, %get3A_1646] {strides = array<i32>} : memref<48x512xf32, #tpu.memory_space<vmem>>, vector<16xf32>,
          %sub3A_1648 = arith.subf %get3A_1647, %mul3A_698 : vector<16xf32>
          %mul3A_1649 = arith.mulf %sub3A_1648, %sub3A_1648 : vector<16xf32>
          %add3A_1650 = arith.addf %add3A_1644, %mul3A_1649 : vector<16xf32>
          %get3A_1651 = arith.index_cast %add3A_1627 : i32 to index
          %get3A_1652 = arith.constant 64 : index
          %get3A_1653 = tpu.vector_load %arg11[%get3A_1651, %get3A_1652] {strides = array<i32>} : memref<48x512xf32, #tpu.memory_space<vmem>>, vector<16xf32>,
          %sub3A_1654 = arith.subf %get3A_1653, %mul3A_705 : vector<16xf32>
          %mul3A_1655 = arith.mulf %sub3A_1654, %sub3A_1654 : vector<16xf32>
          %add3A_1656 = arith.addf %add3A_1650, %mul3A_1655 : vector<16xf32>
          %get3A_1657 = arith.index_cast %add3A_1627 : i32 to index
          %get3A_1658 = arith.constant 80 : index
          %get3A_1659 = tpu.vector_load %arg11[%get3A_1657, %get3A_1658] {strides = array<i32>} : memref<48x512xf32, #tpu.memory_space<vmem>>, vector<16xf32>,
          %sub3A_1660 = arith.subf %get3A_1659, %mul3A_712 : vector<16xf32>
          %mul3A_1661 = arith.mulf %sub3A_1660, %sub3A_1660 : vector<16xf32>
          %add3A_1662 = arith.addf %add3A_1656, %mul3A_1661 : vector<16xf32>
          %get3A_1663 = arith.index_cast %add3A_1627 : i32 to index
          %get3A_1664 = arith.constant 96 : index
          %get3A_1665 = tpu.vector_load %arg11[%get3A_1663, %get3A_1664] {strides = array<i32>} : memref<48x512xf32, #tpu.memory_space<vmem>>, vector<16xf32>,
          %sub3A_1666 = arith.subf %get3A_1665, %mul3A_719 : vector<16xf32>
          %mul3A_1667 = arith.mulf %sub3A_1666, %sub3A_1666 : vector<16xf32>
          %add3A_1668 = arith.addf %add3A_1662, %mul3A_1667 : vector<16xf32>
          %get3A_1669 = arith.index_cast %add3A_1627 : i32 to index
          %get3A_1670 = arith.constant 112 : index
          %get3A_1671 = tpu.vector_load %arg11[%get3A_1669, %get3A_1670] {strides = array<i32>} : memref<48x512xf32, #tpu.memory_space<vmem>>, vector<16xf32>,
          %sub3A_1672 = arith.subf %get3A_1671, %mul3A_726 : vector<16xf32>
          %mul3A_1673 = arith.mulf %sub3A_1672, %sub3A_1672 : vector<16xf32>
          %add3A_1674 = arith.addf %add3A_1668, %mul3A_1673 : vector<16xf32>
          %get3A_1675 = arith.index_cast %add3A_1627 : i32 to index
          %get3A_1676 = arith.constant 128 : index
          %get3A_1677 = tpu.vector_load %arg11[%get3A_1675, %get3A_1676] {strides = array<i32>} : memref<48x512xf32, #tpu.memory_space<vmem>>, vector<16xf32>,
          %sub3A_1678 = arith.subf %get3A_1677, %mul3A_733 : vector<16xf32>
          %mul3A_1679 = arith.mulf %sub3A_1678, %sub3A_1678 : vector<16xf32>
          %add3A_1680 = arith.addf %add3A_1674, %mul3A_1679 : vector<16xf32>
          %get3A_1681 = arith.index_cast %add3A_1627 : i32 to index
          %get3A_1682 = arith.constant 144 : index
          %get3A_1683 = tpu.vector_load %arg11[%get3A_1681, %get3A_1682] {strides = array<i32>} : memref<48x512xf32, #tpu.memory_space<vmem>>, vector<16xf32>,
          %sub3A_1684 = arith.subf %get3A_1683, %mul3A_740 : vector<16xf32>
          %mul3A_1685 = arith.mulf %sub3A_1684, %sub3A_1684 : vector<16xf32>
          %add3A_1686 = arith.addf %add3A_1680, %mul3A_1685 : vector<16xf32>
          %get3A_1687 = arith.index_cast %add3A_1627 : i32 to index
          %get3A_1688 = arith.constant 160 : index
          %get3A_1689 = tpu.vector_load %arg11[%get3A_1687, %get3A_1688] {strides = array<i32>} : memref<48x512xf32, #tpu.memory_space<vmem>>, vector<16xf32>,
          %sub3A_1690 = arith.subf %get3A_1689, %mul3A_747 : vector<16xf32>
          %mul3A_1691 = arith.mulf %sub3A_1690, %sub3A_1690 : vector<16xf32>
          %add3A_1692 = arith.addf %add3A_1686, %mul3A_1691 : vector<16xf32>
          %get3A_1693 = arith.index_cast %add3A_1627 : i32 to index
          %get3A_1694 = arith.constant 176 : index
          %get3A_1695 = tpu.vector_load %arg11[%get3A_1693, %get3A_1694] {strides = array<i32>} : memref<48x512xf32, #tpu.memory_space<vmem>>, vector<16xf32>,
          %sub3A_1696 = arith.subf %get3A_1695, %mul3A_754 : vector<16xf32>
          %mul3A_1697 = arith.mulf %sub3A_1696, %sub3A_1696 : vector<16xf32>
          %add3A_1698 = arith.addf %add3A_1692, %mul3A_1697 : vector<16xf32>
          %get3A_1699 = arith.index_cast %add3A_1627 : i32 to index
          %get3A_1700 = arith.constant 192 : index
          %get3A_1701 = tpu.vector_load %arg11[%get3A_1699, %get3A_1700] {strides = array<i32>} : memref<48x512xf32, #tpu.memory_space<vmem>>, vector<16xf32>,
          %sub3A_1702 = arith.subf %get3A_1701, %mul3A_761 : vector<16xf32>
          %mul3A_1703 = arith.mulf %sub3A_1702, %sub3A_1702 : vector<16xf32>
          %add3A_1704 = arith.addf %add3A_1698, %mul3A_1703 : vector<16xf32>
          %get3A_1705 = arith.index_cast %add3A_1627 : i32 to index
          %get3A_1706 = arith.constant 208 : index
          %get3A_1707 = tpu.vector_load %arg11[%get3A_1705, %get3A_1706] {strides = array<i32>} : memref<48x512xf32, #tpu.memory_space<vmem>>, vector<16xf32>,
          %sub3A_1708 = arith.subf %get3A_1707, %mul3A_768 : vector<16xf32>
          %mul3A_1709 = arith.mulf %sub3A_1708, %sub3A_1708 : vector<16xf32>
          %add3A_1710 = arith.addf %add3A_1704, %mul3A_1709 : vector<16xf32>
          %get3A_1711 = arith.index_cast %add3A_1627 : i32 to index
          %get3A_1712 = arith.constant 224 : index
          %get3A_1713 = tpu.vector_load %arg11[%get3A_1711, %get3A_1712] {strides = array<i32>} : memref<48x512xf32, #tpu.memory_space<vmem>>, vector<16xf32>,
          %sub3A_1714 = arith.subf %get3A_1713, %mul3A_775 : vector<16xf32>
          %mul3A_1715 = arith.mulf %sub3A_1714, %sub3A_1714 : vector<16xf32>
          %add3A_1716 = arith.addf %add3A_1710, %mul3A_1715 : vector<16xf32>
          %get3A_1717 = arith.index_cast %add3A_1627 : i32 to index
          %get3A_1718 = arith.constant 240 : index
          %get3A_1719 = tpu.vector_load %arg11[%get3A_1717, %get3A_1718] {strides = array<i32>} : memref<48x512xf32, #tpu.memory_space<vmem>>, vector<16xf32>,
          %sub3A_1720 = arith.subf %get3A_1719, %mul3A_782 : vector<16xf32>
          %mul3A_1721 = arith.mulf %sub3A_1720, %sub3A_1720 : vector<16xf32>
          %add3A_1722 = arith.addf %add3A_1716, %mul3A_1721 : vector<16xf32>
          %get3A_1723 = arith.index_cast %add3A_1627 : i32 to index
          %get3A_1724 = arith.constant 256 : index
          %get3A_1725 = tpu.vector_load %arg11[%get3A_1723, %get3A_1724] {strides = array<i32>} : memref<48x512xf32, #tpu.memory_space<vmem>>, vector<16xf32>,
          %sub3A_1726 = arith.subf %get3A_1725, %mul3A_789 : vector<16xf32>
          %mul3A_1727 = arith.mulf %sub3A_1726, %sub3A_1726 : vector<16xf32>
          %add3A_1728 = arith.addf %add3A_1722, %mul3A_1727 : vector<16xf32>
          %get3A_1729 = arith.index_cast %add3A_1627 : i32 to index
          %get3A_1730 = arith.constant 272 : index
          %get3A_1731 = tpu.vector_load %arg11[%get3A_1729, %get3A_1730] {strides = array<i32>} : memref<48x512xf32, #tpu.memory_space<vmem>>, vector<16xf32>,
          %sub3A_1732 = arith.subf %get3A_1731, %mul3A_796 : vector<16xf32>
          %mul3A_1733 = arith.mulf %sub3A_1732, %sub3A_1732 : vector<16xf32>
          %add3A_1734 = arith.addf %add3A_1728, %mul3A_1733 : vector<16xf32>
          %get3A_1735 = arith.index_cast %add3A_1627 : i32 to index
          %get3A_1736 = arith.constant 288 : index
          %get3A_1737 = tpu.vector_load %arg11[%get3A_1735, %get3A_1736] {strides = array<i32>} : memref<48x512xf32, #tpu.memory_space<vmem>>, vector<16xf32>,
          %sub3A_1738 = arith.subf %get3A_1737, %mul3A_803 : vector<16xf32>
          %mul3A_1739 = arith.mulf %sub3A_1738, %sub3A_1738 : vector<16xf32>
          %add3A_1740 = arith.addf %add3A_1734, %mul3A_1739 : vector<16xf32>
          %get3A_1741 = arith.index_cast %add3A_1627 : i32 to index
          %get3A_1742 = arith.constant 304 : index
          %get3A_1743 = tpu.vector_load %arg11[%get3A_1741, %get3A_1742] {strides = array<i32>} : memref<48x512xf32, #tpu.memory_space<vmem>>, vector<16xf32>,
          %sub3A_1744 = arith.subf %get3A_1743, %mul3A_810 : vector<16xf32>
          %mul3A_1745 = arith.mulf %sub3A_1744, %sub3A_1744 : vector<16xf32>
          %add3A_1746 = arith.addf %add3A_1740, %mul3A_1745 : vector<16xf32>
          %get3A_1747 = arith.index_cast %add3A_1627 : i32 to index
          %get3A_1748 = arith.constant 320 : index
          %get3A_1749 = tpu.vector_load %arg11[%get3A_1747, %get3A_1748] {strides = array<i32>} : memref<48x512xf32, #tpu.memory_space<vmem>>, vector<16xf32>,
          %sub3A_1750 = arith.subf %get3A_1749, %mul3A_817 : vector<16xf32>
          %mul3A_1751 = arith.mulf %sub3A_1750, %sub3A_1750 : vector<16xf32>
          %add3A_1752 = arith.addf %add3A_1746, %mul3A_1751 : vector<16xf32>
          %get3A_1753 = arith.index_cast %add3A_1627 : i32 to index
          %get3A_1754 = arith.constant 336 : index
          %get3A_1755 = tpu.vector_load %arg11[%get3A_1753, %get3A_1754] {strides = array<i32>} : memref<48x512xf32, #tpu.memory_space<vmem>>, vector<16xf32>,
          %sub3A_1756 = arith.subf %get3A_1755, %mul3A_824 : vector<16xf32>
          %mul3A_1757 = arith.mulf %sub3A_1756, %sub3A_1756 : vector<16xf32>
          %add3A_1758 = arith.addf %add3A_1752, %mul3A_1757 : vector<16xf32>
          %get3A_1759 = arith.index_cast %add3A_1627 : i32 to index
          %get3A_1760 = arith.constant 352 : index
          %get3A_1761 = tpu.vector_load %arg11[%get3A_1759, %get3A_1760] {strides = array<i32>} : memref<48x512xf32, #tpu.memory_space<vmem>>, vector<16xf32>,
          %sub3A_1762 = arith.subf %get3A_1761, %mul3A_831 : vector<16xf32>
          %mul3A_1763 = arith.mulf %sub3A_1762, %sub3A_1762 : vector<16xf32>
          %add3A_1764 = arith.addf %add3A_1758, %mul3A_1763 : vector<16xf32>
          %get3A_1765 = arith.index_cast %add3A_1627 : i32 to index
          %get3A_1766 = arith.constant 368 : index
          %get3A_1767 = tpu.vector_load %arg11[%get3A_1765, %get3A_1766] {strides = array<i32>} : memref<48x512xf32, #tpu.memory_space<vmem>>, vector<16xf32>,
          %sub3A_1768 = arith.subf %get3A_1767, %mul3A_838 : vector<16xf32>
          %mul3A_1769 = arith.mulf %sub3A_1768, %sub3A_1768 : vector<16xf32>
          %add3A_1770 = arith.addf %add3A_1764, %mul3A_1769 : vector<16xf32>
          %get3A_1771 = arith.index_cast %add3A_1627 : i32 to index
          %get3A_1772 = arith.constant 384 : index
          %get3A_1773 = tpu.vector_load %arg11[%get3A_1771, %get3A_1772] {strides = array<i32>} : memref<48x512xf32, #tpu.memory_space<vmem>>, vector<16xf32>,
          %sub3A_1774 = arith.subf %get3A_1773, %mul3A_845 : vector<16xf32>
          %mul3A_1775 = arith.mulf %sub3A_1774, %sub3A_1774 : vector<16xf32>
          %add3A_1776 = arith.addf %add3A_1770, %mul3A_1775 : vector<16xf32>
          %get3A_1777 = arith.index_cast %add3A_1627 : i32 to index
          %get3A_1778 = arith.constant 400 : index
          %get3A_1779 = tpu.vector_load %arg11[%get3A_1777, %get3A_1778] {strides = array<i32>} : memref<48x512xf32, #tpu.memory_space<vmem>>, vector<16xf32>,
          %sub3A_1780 = arith.subf %get3A_1779, %mul3A_852 : vector<16xf32>
          %mul3A_1781 = arith.mulf %sub3A_1780, %sub3A_1780 : vector<16xf32>
          %add3A_1782 = arith.addf %add3A_1776, %mul3A_1781 : vector<16xf32>
          %get3A_1783 = arith.index_cast %add3A_1627 : i32 to index
          %get3A_1784 = arith.constant 416 : index
          %get3A_1785 = tpu.vector_load %arg11[%get3A_1783, %get3A_1784] {strides = array<i32>} : memref<48x512xf32, #tpu.memory_space<vmem>>, vector<16xf32>,
          %sub3A_1786 = arith.subf %get3A_1785, %mul3A_859 : vector<16xf32>
          %mul3A_1787 = arith.mulf %sub3A_1786, %sub3A_1786 : vector<16xf32>
          %add3A_1788 = arith.addf %add3A_1782, %mul3A_1787 : vector<16xf32>
          %get3A_1789 = arith.index_cast %add3A_1627 : i32 to index
          %get3A_1790 = arith.constant 432 : index
          %get3A_1791 = tpu.vector_load %arg11[%get3A_1789, %get3A_1790] {strides = array<i32>} : memref<48x512xf32, #tpu.memory_space<vmem>>, vector<16xf32>,
          %sub3A_1792 = arith.subf %get3A_1791, %mul3A_866 : vector<16xf32>
          %mul3A_1793 = arith.mulf %sub3A_1792, %sub3A_1792 : vector<16xf32>
          %add3A_1794 = arith.addf %add3A_1788, %mul3A_1793 : vector<16xf32>
          %get3A_1795 = arith.index_cast %add3A_1627 : i32 to index
          %get3A_1796 = arith.constant 448 : index
          %get3A_1797 = tpu.vector_load %arg11[%get3A_1795, %get3A_1796] {strides = array<i32>} : memref<48x512xf32, #tpu.memory_space<vmem>>, vector<16xf32>,
          %sub3A_1798 = arith.subf %get3A_1797, %mul3A_873 : vector<16xf32>
          %mul3A_1799 = arith.mulf %sub3A_1798, %sub3A_1798 : vector<16xf32>
          %add3A_1800 = arith.addf %add3A_1794, %mul3A_1799 : vector<16xf32>
          %get3A_1801 = arith.index_cast %add3A_1627 : i32 to index
          %get3A_1802 = arith.constant 464 : index
          %get3A_1803 = tpu.vector_load %arg11[%get3A_1801, %get3A_1802] {strides = array<i32>} : memref<48x512xf32, #tpu.memory_space<vmem>>, vector<16xf32>,
          %sub3A_1804 = arith.subf %get3A_1803, %mul3A_880 : vector<16xf32>
          %mul3A_1805 = arith.mulf %sub3A_1804, %sub3A_1804 : vector<16xf32>
          %add3A_1806 = arith.addf %add3A_1800, %mul3A_1805 : vector<16xf32>
          %get3A_1807 = arith.index_cast %add3A_1627 : i32 to index
          %get3A_1808 = arith.constant 480 : index
          %get3A_1809 = tpu.vector_load %arg11[%get3A_1807, %get3A_1808] {strides = array<i32>} : memref<48x512xf32, #tpu.memory_space<vmem>>, vector<16xf32>,
          %sub3A_1810 = arith.subf %get3A_1809, %mul3A_887 : vector<16xf32>
          %mul3A_1811 = arith.mulf %sub3A_1810, %sub3A_1810 : vector<16xf32>
          %add3A_1812 = arith.addf %add3A_1806, %mul3A_1811 : vector<16xf32>
          %get3A_1813 = arith.index_cast %add3A_1627 : i32 to index
          %get3A_1814 = arith.constant 496 : index
          %get3A_1815 = tpu.vector_load %arg11[%get3A_1813, %get3A_1814] {strides = array<i32>} : memref<48x512xf32, #tpu.memory_space<vmem>>, vector<16xf32>,
          %sub3A_1816 = arith.subf %get3A_1815, %mul3A_894 : vector<16xf32>
          %mul3A_1817 = arith.mulf %sub3A_1816, %sub3A_1816 : vector<16xf32>
          %add3A_1818 = arith.addf %add3A_1812, %mul3A_1817 : vector<16xf32>
          %swap3A_1819 = arith.index_cast %add3A_1624 : i32 to index
          %swap3A_1820 = arith.constant 0 : index
          %swap3A_1821 = tpu.vector_load %arg12[%swap3A_1819, %swap3A_1820] {strides = array<i32>} : memref<16x16xf32, #tpu.memory_space<vmem>>, vector<16xf32>,
          tpu.vector_store %arg12[%swap3A_1819, %swap3A_1820], %add3A_1818 {strides = array<i32>} : memref<16x16xf32, #tpu.memory_space<vmem>>, vector<16xf32>,
        }
        %scan3A_955 = arith.constant 4 : i32
        %broadcast_in_dim3A_956 = arith.constant 0 : i32
        %broadcast_in_dim3A_957 = vector.broadcast %broadcast_in_dim3A_956 : i32 to vector<16xi32>
        %gather3A = tpu.vector_load_idx %arg12[%iota3A, %broadcast_in_dim3A_957] : memref<16x16xf32, #tpu.memory_space<vmem>>[vector<16xi32>, vector<16xi32>], vector<16xf32>,
        %broadcast_in_dim3A_958 = arith.constant 1 : i32
        %broadcast_in_dim3A_959 = vector.broadcast %broadcast_in_dim3A_958 : i32 to vector<16xi32>
        %gather3A_960 = tpu.vector_load_idx %arg12[%iota3A, %broadcast_in_dim3A_959] : memref<16x16xf32, #tpu.memory_space<vmem>>[vector<16xi32>, vector<16xi32>], vector<16xf32>,
        %add3A_961 = arith.addf %gather3A, %gather3A_960 : vector<16xf32>
        %broadcast_in_dim3A_962 = arith.constant 2 : i32
        %broadcast_in_dim3A_963 = vector.broadcast %broadcast_in_dim3A_962 : i32 to vector<16xi32>
        %gather3A_964 = tpu.vector_load_idx %arg12[%iota3A, %broadcast_in_dim3A_963] : memref<16x16xf32, #tpu.memory_space<vmem>>[vector<16xi32>, vector<16xi32>], vector<16xf32>,
        %add3A_965 = arith.addf %add3A_961, %gather3A_964 : vector<16xf32>
        %broadcast_in_dim3A_966 = arith.constant 3 : i32
        %broadcast_in_dim3A_967 = vector.broadcast %broadcast_in_dim3A_966 : i32 to vector<16xi32>
        %gather3A_968 = tpu.vector_load_idx %arg12[%iota3A, %broadcast_in_dim3A_967] : memref<16x16xf32, #tpu.memory_space<vmem>>[vector<16xi32>, vector<16xi32>], vector<16xf32>,
        %add3A_969 = arith.addf %add3A_965, %gather3A_968 : vector<16xf32>
        %broadcast_in_dim3A_970 = arith.constant 4 : i32
        %broadcast_in_dim3A_971 = vector.broadcast %broadcast_in_dim3A_970 : i32 to vector<16xi32>
        %gather3A_972 = tpu.vector_load_idx %arg12[%iota3A, %broadcast_in_dim3A_971] : memref<16x16xf32, #tpu.memory_space<vmem>>[vector<16xi32>, vector<16xi32>], vector<16xf32>,
        %add3A_973 = arith.addf %add3A_969, %gather3A_972 : vector<16xf32>
        %broadcast_in_dim3A_974 = arith.constant 5 : i32
        %broadcast_in_dim3A_975 = vector.broadcast %broadcast_in_dim3A_974 : i32 to vector<16xi32>
        %gather3A_976 = tpu.vector_load_idx %arg12[%iota3A, %broadcast_in_dim3A_975] : memref<16x16xf32, #tpu.memory_space<vmem>>[vector<16xi32>, vector<16xi32>], vector<16xf32>,
        %add3A_977 = arith.addf %add3A_973, %gather3A_976 : vector<16xf32>
        %broadcast_in_dim3A_978 = arith.constant 6 : i32
        %broadcast_in_dim3A_979 = vector.broadcast %broadcast_in_dim3A_978 : i32 to vector<16xi32>
        %gather3A_980 = tpu.vector_load_idx %arg12[%iota3A, %broadcast_in_dim3A_979] : memref<16x16xf32, #tpu.memory_space<vmem>>[vector<16xi32>, vector<16xi32>], vector<16xf32>,
        %add3A_981 = arith.addf %add3A_977, %gather3A_980 : vector<16xf32>
        %broadcast_in_dim3A_982 = arith.constant 7 : i32
        %broadcast_in_dim3A_983 = vector.broadcast %broadcast_in_dim3A_982 : i32 to vector<16xi32>
        %gather3A_984 = tpu.vector_load_idx %arg12[%iota3A, %broadcast_in_dim3A_983] : memref<16x16xf32, #tpu.memory_space<vmem>>[vector<16xi32>, vector<16xi32>], vector<16xf32>,
        %add3A_985 = arith.addf %add3A_981, %gather3A_984 : vector<16xf32>
        %broadcast_in_dim3A_986 = arith.constant 8 : i32
        %broadcast_in_dim3A_987 = vector.broadcast %broadcast_in_dim3A_986 : i32 to vector<16xi32>
        %gather3A_988 = tpu.vector_load_idx %arg12[%iota3A, %broadcast_in_dim3A_987] : memref<16x16xf32, #tpu.memory_space<vmem>>[vector<16xi32>, vector<16xi32>], vector<16xf32>,
        %add3A_989 = arith.addf %add3A_985, %gather3A_988 : vector<16xf32>
        %broadcast_in_dim3A_990 = arith.constant 9 : i32
        %broadcast_in_dim3A_991 = vector.broadcast %broadcast_in_dim3A_990 : i32 to vector<16xi32>
        %gather3A_992 = tpu.vector_load_idx %arg12[%iota3A, %broadcast_in_dim3A_991] : memref<16x16xf32, #tpu.memory_space<vmem>>[vector<16xi32>, vector<16xi32>], vector<16xf32>,
        %add3A_993 = arith.addf %add3A_989, %gather3A_992 : vector<16xf32>
        %broadcast_in_dim3A_994 = arith.constant 10 : i32
        %broadcast_in_dim3A_995 = vector.broadcast %broadcast_in_dim3A_994 : i32 to vector<16xi32>
        %gather3A_996 = tpu.vector_load_idx %arg12[%iota3A, %broadcast_in_dim3A_995] : memref<16x16xf32, #tpu.memory_space<vmem>>[vector<16xi32>, vector<16xi32>], vector<16xf32>,
        %add3A_997 = arith.addf %add3A_993, %gather3A_996 : vector<16xf32>
        %broadcast_in_dim3A_998 = arith.constant 11 : i32
        %broadcast_in_dim3A_999 = vector.broadcast %broadcast_in_dim3A_998 : i32 to vector<16xi32>
        %gather3A_1000 = tpu.vector_load_idx %arg12[%iota3A, %broadcast_in_dim3A_999] : memref<16x16xf32, #tpu.memory_space<vmem>>[vector<16xi32>, vector<16xi32>], vector<16xf32>,
        %add3A_1001 = arith.addf %add3A_997, %gather3A_1000 : vector<16xf32>
        %broadcast_in_dim3A_1002 = arith.constant 12 : i32
        %broadcast_in_dim3A_1003 = vector.broadcast %broadcast_in_dim3A_1002 : i32 to vector<16xi32>
        %gather3A_1004 = tpu.vector_load_idx %arg12[%iota3A, %broadcast_in_dim3A_1003] : memref<16x16xf32, #tpu.memory_space<vmem>>[vector<16xi32>, vector<16xi32>], vector<16xf32>,
        %add3A_1005 = arith.addf %add3A_1001, %gather3A_1004 : vector<16xf32>
        %broadcast_in_dim3A_1006 = arith.constant 13 : i32
        %broadcast_in_dim3A_1007 = vector.broadcast %broadcast_in_dim3A_1006 : i32 to vector<16xi32>
        %gather3A_1008 = tpu.vector_load_idx %arg12[%iota3A, %broadcast_in_dim3A_1007] : memref<16x16xf32, #tpu.memory_space<vmem>>[vector<16xi32>, vector<16xi32>], vector<16xf32>,
        %add3A_1009 = arith.addf %add3A_1005, %gather3A_1008 : vector<16xf32>
        %broadcast_in_dim3A_1010 = arith.constant 14 : i32
        %broadcast_in_dim3A_1011 = vector.broadcast %broadcast_in_dim3A_1010 : i32 to vector<16xi32>
        %gather3A_1012 = tpu.vector_load_idx %arg12[%iota3A, %broadcast_in_dim3A_1011] : memref<16x16xf32, #tpu.memory_space<vmem>>[vector<16xi32>, vector<16xi32>], vector<16xf32>,
        %add3A_1013 = arith.addf %add3A_1009, %gather3A_1012 : vector<16xf32>
        %broadcast_in_dim3A_1014 = arith.constant 15 : i32
        %broadcast_in_dim3A_1015 = vector.broadcast %broadcast_in_dim3A_1014 : i32 to vector<16xi32>
        %gather3A_1016 = tpu.vector_load_idx %arg12[%iota3A, %broadcast_in_dim3A_1015] : memref<16x16xf32, #tpu.memory_space<vmem>>[vector<16xi32>, vector<16xi32>], vector<16xf32>,
        %add3A_1017 = arith.addf %add3A_1013, %gather3A_1016 : vector<16xf32>
        %min3A = arith.minimumf %scan3A_949, %add3A_1017 : vector<16xf32>
        scf.yield %min3A : vector<16xf32>
      }
      %scan3A_940 = arith.constant 3 : i32
      %add3A_941 = arith.constant 2 : i32
      %add3A_942 = arith.addi %add3A_930, %add3A_941 : i32
      %lt3A_943 = arith.constant 16 : i32
      %lt3A_944 = arith.cmpi slt, %add3A_942, %lt3A_943 : i32
      %convert_element_type3A_945 = arith.extui %lt3A_944 : i1 to i32
      %cond3A_946 = arith.constant 0 : i32
      %cond3A_947 = arith.cmpi ne, %convert_element_type3A_945, %cond3A_946 : i32
      scf.if %cond3A_947 {
        %add3A_948 = arith.constant 2 : i32
        %add3A_949 = arith.addi %add3A_930, %add3A_948 : i32
        %mul3A_950 = arith.constant 48 : i32
        %mul3A_951 = arith.muli %add3A_949, %mul3A_950 : i32
        %add3A_952 = arith.addi %mul3A_2, %mul3A_951 : i32
        %multiple_of3A_953 = tpu.assume_multiple %add3A_952, 8 : i32
        %dma_start3A_954 = arith.constant 0 : i32
        %dma_start3A_955 = tpu.memref_slice %arg2[%multiple_of3A_953, %dma_start3A_954] : memref<100000x512xf32, #tpu.memory_space<hbm>> -> memref<48x512xf32, #tpu.memory_space<hbm>>
        %dma_start3A_956 = arith.constant 0 : i32
        %dma_start3A_957 = tpu.memref_slice %arg2[%multiple_of3A_953, %dma_start3A_956] : memref<100000x512xf32, #tpu.memory_space<hbm>> -> memref<48x512xf32, #tpu.memory_space<hbm>>
        tpu.enqueue_dma source(%dma_start3A_957 : memref<48x512xf32, #tpu.memory_space<hbm>>) target(%arg11 : memref<48x512xf32, #tpu.memory_space<vmem>>) target_semaphore(%arg16 : memref<!tpu.dma_semaphore, #tpu.memory_space<semaphore_mem>>)
      } else {
      }
      scf.yield %scan3A_939 : vector<16xf32>
    }
    %scan3A_902 = arith.constant 8 : i32
    %swap3A_903 = arith.constant 0 : index
    %swap3A_904 = tpu.vector_load %arg13[%swap3A_903] {strides = array<i32>} : memref<16xf32, #tpu.memory_space<vmem>>, vector<16xf32>,
    tpu.vector_store %arg13[%swap3A_903], %scan3A_901 {strides = array<i32>} : memref<16xf32, #tpu.memory_space<vmem>>, vector<16xf32>,
    "tpu.region"() ({
      %run_scoped3A = tpu.sem_alloc : memref<!tpu.dma_semaphore, #tpu.memory_space<semaphore_mem>>
      %dma_start3A_905 = arith.constant 0 : i32
      %dma_start3A_906 = tpu.memref_slice %arg4[%add3A, %dma_start3A_905] : memref<32x16xf32, #tpu.memory_space<hbm>> -> memref<1x16xf32, #tpu.memory_space<hbm>>
      %dma_start3A_907 = tpu.memref_squeeze %dma_start3A_906 : memref<1x16xf32, #tpu.memory_space<hbm>> -> memref<16xf32, #tpu.memory_space<hbm>>
      %dma_start3A_908 = arith.constant 0 : i32
      %dma_start3A_909 = tpu.memref_slice %arg4[%add3A, %dma_start3A_908] : memref<32x16xf32, #tpu.memory_space<hbm>> -> memref<1x16xf32, #tpu.memory_space<hbm>>
      %dma_start3A_910 = tpu.memref_squeeze %dma_start3A_909 : memref<1x16xf32, #tpu.memory_space<hbm>> -> memref<16xf32, #tpu.memory_space<hbm>>
      tpu.enqueue_dma source(%arg13 : memref<16xf32, #tpu.memory_space<vmem>>) target(%dma_start3A_910 : memref<16xf32, #tpu.memory_space<hbm>>) target_semaphore(%run_scoped3A : memref<!tpu.dma_semaphore, #tpu.memory_space<semaphore_mem>>)
      %dma_wait3A_911 = arith.constant 0 : i32
      %dma_wait3A_912 = tpu.memref_slice %arg4[%add3A, %dma_wait3A_911] : memref<32x16xf32, #tpu.memory_space<hbm>> -> memref<1x16xf32, #tpu.memory_space<hbm>>
      %dma_wait3A_913 = tpu.memref_squeeze %dma_wait3A_912 : memref<1x16xf32, #tpu.memory_space<hbm>> -> memref<16xf32, #tpu.memory_space<hbm>>
      %dma_wait3A_914 = arith.constant 0 : i32
      %dma_wait3A_915 = tpu.memref_slice %arg4[%add3A, %dma_wait3A_914] : memref<32x16xf32, #tpu.memory_space<hbm>> -> memref<1x16xf32, #tpu.memory_space<hbm>>
      %dma_wait3A_916 = tpu.memref_squeeze %dma_wait3A_915 : memref<1x16xf32, #tpu.memory_space<hbm>> -> memref<16xf32, #tpu.memory_space<hbm>>
      tpu.wait_dma2 semaphore(%run_scoped3A : memref<!tpu.dma_semaphore, #tpu.memory_space<semaphore_mem>>) src(%arg13 : memref<16xf32, #tpu.memory_space<vmem>>) dst(%dma_wait3A_916 : memref<16xf32, #tpu.memory_space<hbm>>)
      tpu.yield
    }) : () -> ()
    return
  }
}

module attributes {stable_mosaic.version = 14 : i64} {
  func.func @_combine_body(%arg0: memref<32x16xf32, #tpu.memory_space<vmem>>, %arg1: memref<1xf32, #tpu.memory_space<smem>>, %arg2: memref<1xf32, #tpu.memory_space<smem>>, %arg3: memref<1xf32, #tpu.memory_space<smem>>) attributes {dimension_semantics = [], scalar_prefetch = 0 : i64, scratch_operands = 0 : i64, tpu.core_type = #tpu.core_type<tc>} {
    %get3A = arith.constant 0 : index
    %get3A_0 = arith.constant 0 : index
    %get3A_1 = vector.load %arg0[%get3A, %get3A_0] : memref<32x16xf32, #tpu.memory_space<vmem>>, vector<32x16xf32>
    %reduce_min3A = vector.shape_cast %get3A_1 : vector<32x16xf32> to vector<1x32x16xf32>
    %reduce_min3A_2 = arith.constant dense<0x7F800000> : vector<1xf32>
    %reduce_min3A_3 = vector.multi_reduction <minimumf>, %reduce_min3A, %reduce_min3A_2 [1, 2] : vector<1x32x16xf32> to vector<1xf32>
    %reduce_min3A_4 = vector.shape_cast %reduce_min3A_3 : vector<1xf32> to vector<1x1x1xf32>
    %reduce_min3A_5 = vector.extract %reduce_min3A_4[0, 0, 0] : f32 from vector<1x1x1xf32>
    %get3A_6 = arith.constant 0 : index
    %get3A_7 = memref.load %arg1[%get3A_6] : memref<1xf32, #tpu.memory_space<smem>>
    %min3A = arith.minimumf %reduce_min3A_5, %get3A_7 : f32
    %get3A_8 = arith.constant 0 : index
    %get3A_9 = memref.load %arg2[%get3A_8] : memref<1xf32, #tpu.memory_space<smem>>
    %sqrt3A = math.sqrt %min3A : f32
    %neg3A = arith.constant 0.000000e+00 : f32
    %neg3A_10 = arith.subf %neg3A, %sqrt3A : f32
    %exp3A = math.exp %neg3A_10 : f32
    %mul3A = arith.constant 3.000000e-01 : f32
    %mul3A_11 = arith.mulf %mul3A, %exp3A : f32
    %add3A = arith.addf %get3A_9, %mul3A_11 : f32
    %swap3A = arith.constant 0 : index
    %swap3A_12 = memref.load %arg3[%swap3A] : memref<1xf32, #tpu.memory_space<smem>>
    memref.store %add3A, %arg3[%swap3A] : memref<1xf32, #tpu.memory_space<smem>>
    return
  }
}

module attributes {stable_mosaic.version = 14 : i64} {
  func.func @_tc_scan_body(%arg0: i32, %arg1: memref<1024x512xf32, #tpu.memory_space<vmem>>, %arg2: memref<4000x512xf32, #tpu.memory_space<vmem>>, %arg3: memref<1x512xf32, #tpu.memory_space<vmem>>, %arg4: memref<1x512xf32, #tpu.memory_space<vmem>>, %arg5: memref<512x1024xf32, #tpu.memory_space<vmem>>, %arg6: memref<1x512xf32, #tpu.memory_space<vmem>>, %arg7: memref<1x512xf32, #tpu.memory_space<vmem>>, %arg8: memref<1xf32, #tpu.memory_space<smem>>, %arg9: memref<1xf32, #tpu.memory_space<smem>>, %arg10: memref<1xf32, #tpu.memory_space<smem>>, %arg11: memref<1x512xf32, #tpu.memory_space<vmem>>) attributes {dimension_semantics = [#tpu.dimension_semantics<arbitrary>], iteration_bounds = array<i64: 19>, scalar_prefetch = 0 : i64, scratch_operands = 1 : i64, tpu.core_type = #tpu.core_type<tc>, window_params = [{pipeline_mode = #tpu.pipeline_mode<synchronous>, transform_indices = @transform_0, window_bounds = array<i64: 1024, 512>}, {transform_indices = @transform_1, window_bounds = array<i64: 4000, 512>}, {pipeline_mode = #tpu.pipeline_mode<synchronous>, transform_indices = @transform_2, window_bounds = array<i64: 1, 512>}, {pipeline_mode = #tpu.pipeline_mode<synchronous>, transform_indices = @transform_3, window_bounds = array<i64: 1, 512>}, {pipeline_mode = #tpu.pipeline_mode<synchronous>, transform_indices = @transform_4, window_bounds = array<i64: 512, 1024>}, {pipeline_mode = #tpu.pipeline_mode<synchronous>, transform_indices = @transform_5, window_bounds = array<i64: 1, 512>}, {pipeline_mode = #tpu.pipeline_mode<synchronous>, transform_indices = @transform_6, window_bounds = array<i64: 1, 512>}, {transform_indices = @transform_7, window_bounds = array<i64: 1>}, {transform_indices = @transform_8, window_bounds = array<i64: 1>}, {transform_indices = @transform_9, window_bounds = array<i64: 1>}]} {
    %eq3A = arith.constant 0 : i32
    %eq3A_0 = arith.cmpi eq, %arg0, %eq3A : i32
    %convert_element_type3A = arith.extui %eq3A_0 : i1 to i32
    %cond3A = arith.constant 0 : i32
    %cond3A_1 = arith.cmpi ne, %convert_element_type3A, %cond3A : i32
    scf.if %cond3A_1 {
      %get3A_16 = arith.constant 0 : index
      %get3A_17 = arith.constant 0 : index
      %get3A_18 = vector.load %arg1[%get3A_16, %get3A_17] : memref<1024x512xf32, #tpu.memory_space<vmem>>, vector<1024x512xf32>
      %reduce_sum3A_19 = arith.constant dense<0.000000e+00> : vector<512xf32>
      %reduce_sum3A_20 = vector.multi_reduction <add>, %get3A_18, %reduce_sum3A_19 [0] : vector<1024x512xf32> to vector<512xf32>
      %broadcast_in_dim3A = vector.shape_cast %reduce_sum3A_20 : vector<512xf32> to vector<1x512xf32>
      %div3A = arith.constant 1.024000e+03 : f32
      %div3A_21 = vector.broadcast %div3A : f32 to vector<1x512xf32>
      %div3A_22 = arith.divf %broadcast_in_dim3A, %div3A_21 : vector<1x512xf32>
      %swap3A_23 = arith.constant 0 : index
      %swap3A_24 = arith.constant 0 : index
      %swap3A_25 = vector.load %arg11[%swap3A_23, %swap3A_24] : memref<1x512xf32, #tpu.memory_space<vmem>>, vector<1x512xf32>
      tpu.vector_store %arg11[%swap3A_23, %swap3A_24], %div3A_22 {strides = array<i32>} : memref<1x512xf32, #tpu.memory_space<vmem>>, vector<1x512xf32>,
      %get3A_26 = arith.constant 0 : index
      %get3A_27 = arith.constant 0 : index
      %get3A_28 = vector.load %arg3[%get3A_26, %get3A_27] : memref<1x512xf32, #tpu.memory_space<vmem>>, vector<1x512xf32>
      %sub3A_29 = arith.subf %div3A_22, %get3A_28 : vector<1x512xf32>
      %get3A_30 = arith.constant 0 : index
      %get3A_31 = arith.constant 0 : index
      %get3A_32 = vector.load %arg4[%get3A_30, %get3A_31] : memref<1x512xf32, #tpu.memory_space<vmem>>, vector<1x512xf32>
      %sqrt3A = math.sqrt %get3A_32 : vector<1x512xf32>
      %add3A = arith.constant 9.99999997E-7 : f32
      %add3A_33 = vector.broadcast %add3A : f32 to vector<1x512xf32>
      %add3A_34 = arith.addf %sqrt3A, %add3A_33 : vector<1x512xf32>
      %div3A_35 = arith.divf %sub3A_29, %add3A_34 : vector<1x512xf32>
      %abs3A = math.absf %div3A_35 : vector<1x512xf32>
      %reduce_sum3A_36 = vector.shape_cast %abs3A : vector<1x512xf32> to vector<1x1x512xf32>
      %reduce_sum3A_37 = arith.constant dense<0.000000e+00> : vector<1xf32>
      %reduce_sum3A_38 = vector.multi_reduction <add>, %reduce_sum3A_36, %reduce_sum3A_37 [1, 2] : vector<1x1x512xf32> to vector<1xf32>
      %reduce_sum3A_39 = vector.shape_cast %reduce_sum3A_38 : vector<1xf32> to vector<1x1x1xf32>
      %reduce_sum3A_40 = vector.extract %reduce_sum3A_39[0, 0, 0] : f32 from vector<1x1x1xf32>
      %div3A_41 = arith.constant 5.120000e+02 : f32
      %div3A_42 = arith.divf %reduce_sum3A_40, %div3A_41 : f32
      %neg3A = arith.constant 0.000000e+00 : f32
      %neg3A_43 = arith.subf %neg3A, %div3A_42 : f32
      %mul3A_44 = arith.constant 5.000000e-01 : f32
      %mul3A_45 = arith.mulf %neg3A_43, %mul3A_44 : f32
      %exp3A = math.exp %mul3A_45 : f32
      %get3A_46 = arith.constant 0 : index
      %get3A_47 = arith.constant 0 : index
      %get3A_48 = vector.load %arg5[%get3A_46, %get3A_47] : memref<512x1024xf32, #tpu.memory_space<vmem>>, vector<512x512xf32>
      %dot_general3A = arith.constant dense<0.000000e+00> : vector<1x512xf32>
      %dot_general3A_49 = tpu.matmul %div3A_22, %get3A_48, %dot_general3A {dimension_numbers = #tpu.dot_dimension_numbers<[1], [1], [0], [0], [0, 0, 1, 0], [], []>, transpose_lhs_hint = false} : vector<1x512xf32>, vector<512x512xf32>, vector<1x512xf32> -> vector<1x512xf32>
      %get3A_50 = arith.constant 0 : index
      %get3A_51 = arith.constant 0 : index
      %get3A_52 = vector.load %arg3[%get3A_50, %get3A_51] : memref<1x512xf32, #tpu.memory_space<vmem>>, vector<1x512xf32>
      %get3A_53 = arith.constant 0 : index
      %get3A_54 = arith.constant 512 : index
      %get3A_55 = vector.load %arg5[%get3A_53, %get3A_54] : memref<512x1024xf32, #tpu.memory_space<vmem>>, vector<512x512xf32>
      %dot_general3A_56 = arith.constant dense<0.000000e+00> : vector<1x512xf32>
      %dot_general3A_57 = tpu.matmul %get3A_52, %get3A_55, %dot_general3A_56 {dimension_numbers = #tpu.dot_dimension_numbers<[1], [1], [0], [0], [0, 0, 1, 0], [], []>, transpose_lhs_hint = false} : vector<1x512xf32>, vector<512x512xf32>, vector<1x512xf32> -> vector<1x512xf32>
      %add3A_58 = arith.addf %dot_general3A_49, %dot_general3A_57 : vector<1x512xf32>
      %get3A_59 = arith.constant 0 : index
      %get3A_60 = arith.constant 0 : index
      %get3A_61 = vector.load %arg6[%get3A_59, %get3A_60] : memref<1x512xf32, #tpu.memory_space<vmem>>, vector<1x512xf32>
      %add3A_62 = arith.addf %add3A_58, %get3A_61 : vector<1x512xf32>
      %max3A = arith.constant 0.000000e+00 : f32
      %max3A_63 = vector.broadcast %max3A : f32 to vector<1x512xf32>
      %max3A_64 = arith.maximumf %add3A_62, %max3A_63 : vector<1x512xf32>
      %get3A_65 = arith.constant 0 : index
      %get3A_66 = arith.constant 0 : index
      %get3A_67 = vector.load %arg7[%get3A_65, %get3A_66] : memref<1x512xf32, #tpu.memory_space<vmem>>, vector<1x512xf32>
      %mul3A_68 = arith.mulf %max3A_64, %get3A_67 : vector<1x512xf32>
      %reduce_sum3A_69 = vector.shape_cast %mul3A_68 : vector<1x512xf32> to vector<1x1x512xf32>
      %reduce_sum3A_70 = arith.constant dense<0.000000e+00> : vector<1xf32>
      %reduce_sum3A_71 = vector.multi_reduction <add>, %reduce_sum3A_69, %reduce_sum3A_70 [1, 2] : vector<1x1x512xf32> to vector<1xf32>
      %reduce_sum3A_72 = vector.shape_cast %reduce_sum3A_71 : vector<1xf32> to vector<1x1x1xf32>
      %reduce_sum3A_73 = vector.extract %reduce_sum3A_72[0, 0, 0] : f32 from vector<1x1x1xf32>
      %get3A_74 = arith.constant 0 : index
      %get3A_75 = memref.load %arg8[%get3A_74] : memref<1xf32, #tpu.memory_space<smem>>
      %add3A_76 = arith.addf %reduce_sum3A_73, %get3A_75 : f32
      %logistic3A = arith.negf %add3A_76 : f32
      %logistic3A_77 = math.exp %logistic3A : f32
      %logistic3A_78 = arith.constant 1.000000e+00 : f32
      %logistic3A_79 = arith.addf %logistic3A_78, %logistic3A_77 : f32
      %logistic3A_80 = arith.divf %logistic3A_78, %logistic3A_79 : f32
      %mul3A_81 = arith.constant 4.000000e-01 : f32
      %mul3A_82 = arith.mulf %exp3A, %mul3A_81 : f32
      %mul3A_83 = arith.constant 3.000000e-01 : f32
      %mul3A_84 = arith.mulf %logistic3A_80, %mul3A_83 : f32
      %add3A_85 = arith.addf %mul3A_82, %mul3A_84 : f32
      %swap3A_86 = arith.constant 0 : index
      %swap3A_87 = memref.load %arg9[%swap3A_86] : memref<1xf32, #tpu.memory_space<smem>>
      memref.store %add3A_85, %arg9[%swap3A_86] : memref<1xf32, #tpu.memory_space<smem>>
      %swap3A_88 = arith.constant 0x7F800000 : f32
      %swap3A_89 = arith.constant 0 : index
      %swap3A_90 = memref.load %arg10[%swap3A_89] : memref<1xf32, #tpu.memory_space<smem>>
      memref.store %swap3A_88, %arg10[%swap3A_89] : memref<1xf32, #tpu.memory_space<smem>>
    } else {
    }
    %get3A = arith.constant 0 : index
    %get3A_2 = arith.constant 0 : index
    %get3A_3 = vector.load %arg2[%get3A, %get3A_2] : memref<4000x512xf32, #tpu.memory_space<vmem>>, vector<4000x512xf32>
    %get3A_4 = arith.constant 0 : index
    %get3A_5 = arith.constant 0 : index
    %get3A_6 = vector.load %arg11[%get3A_4, %get3A_5] : memref<1x512xf32, #tpu.memory_space<vmem>>, vector<1x512xf32>
    %sub3A = vector.broadcast %get3A_6 : vector<1x512xf32> to vector<4000x512xf32>
    %sub3A_7 = arith.subf %get3A_3, %sub3A : vector<4000x512xf32>
    %mul3A = arith.mulf %sub3A_7, %sub3A_7 : vector<4000x512xf32>
    %reduce_sum3A = arith.constant dense<0.000000e+00> : vector<4000xf32>
    %reduce_sum3A_8 = vector.multi_reduction <add>, %mul3A, %reduce_sum3A [1] : vector<4000x512xf32> to vector<4000xf32>
    %reduce_min3A = vector.shape_cast %reduce_sum3A_8 : vector<4000xf32> to vector<1x4000xf32>
    %reduce_min3A_9 = arith.constant dense<0x7F800000> : vector<1xf32>
    %reduce_min3A_10 = vector.multi_reduction <minimumf>, %reduce_min3A, %reduce_min3A_9 [1] : vector<1x4000xf32> to vector<1xf32>
    %reduce_min3A_11 = vector.shape_cast %reduce_min3A_10 : vector<1xf32> to vector<1x1xf32>
    %reduce_min3A_12 = vector.extract %reduce_min3A_11[0, 0] : f32 from vector<1x1xf32>
    %get3A_13 = arith.constant 0 : index
    %get3A_14 = memref.load %arg10[%get3A_13] : memref<1xf32, #tpu.memory_space<smem>>
    %min3A = arith.minimumf %get3A_14, %reduce_min3A_12 : f32
    %swap3A = arith.constant 0 : index
    %swap3A_15 = memref.load %arg10[%swap3A] : memref<1xf32, #tpu.memory_space<smem>>
    memref.store %min3A, %arg10[%swap3A] : memref<1xf32, #tpu.memory_space<smem>>
    return
  }
  func.func @transform_0(%arg0: i32) -> (i32, i32) {
    %c0_i32 = arith.constant 0 : i32
    %c0_i32_0 = arith.constant 0 : i32
    %c0_i32_1 = arith.constant 0 : i32
    return %c0_i32, %c0_i32_0 : i32, i32
  }
  func.func @transform_1(%arg0: i32) -> (i32, i32) {
    %add3A = arith.constant 6 : i32
    %add3A_0 = arith.addi %add3A, %arg0 : i32
    %c0_i32 = arith.constant 0 : i32
    %c0_i32_1 = arith.constant 0 : i32
    return %add3A_0, %c0_i32 : i32, i32
  }
  func.func @transform_2(%arg0: i32) -> (i32, i32) {
    %c0_i32 = arith.constant 0 : i32
    %c0_i32_0 = arith.constant 0 : i32
    %c0_i32_1 = arith.constant 0 : i32
    return %c0_i32, %c0_i32_0 : i32, i32
  }
  func.func @transform_3(%arg0: i32) -> (i32, i32) {
    %c0_i32 = arith.constant 0 : i32
    %c0_i32_0 = arith.constant 0 : i32
    %c0_i32_1 = arith.constant 0 : i32
    return %c0_i32, %c0_i32_0 : i32, i32
  }
  func.func @transform_4(%arg0: i32) -> (i32, i32) {
    %c0_i32 = arith.constant 0 : i32
    %c0_i32_0 = arith.constant 0 : i32
    %c0_i32_1 = arith.constant 0 : i32
    return %c0_i32, %c0_i32_0 : i32, i32
  }
  func.func @transform_5(%arg0: i32) -> (i32, i32) {
    %c0_i32 = arith.constant 0 : i32
    %c0_i32_0 = arith.constant 0 : i32
    %c0_i32_1 = arith.constant 0 : i32
    return %c0_i32, %c0_i32_0 : i32, i32
  }
  func.func @transform_6(%arg0: i32) -> (i32, i32) {
    %c0_i32 = arith.constant 0 : i32
    %c0_i32_0 = arith.constant 0 : i32
    %c0_i32_1 = arith.constant 0 : i32
    return %c0_i32, %c0_i32_0 : i32, i32
  }
  func.func @transform_7(%arg0: i32) -> i32 {
    %c0_i32 = arith.constant 0 : i32
    %c0_i32_0 = arith.constant 0 : i32
    return %c0_i32 : i32
  }
  func.func @transform_8(%arg0: i32) -> i32 {
    %c0_i32 = arith.constant 0 : i32
    %c0_i32_0 = arith.constant 0 : i32
    return %c0_i32 : i32
  }
  func.func @transform_9(%arg0: i32) -> i32 {
    %c0_i32 = arith.constant 0 : i32
    %c0_i32_0 = arith.constant 0 : i32
    return %c0_i32 : i32
  }
}

</mosaic_0001>

<sc_bundles>
// kernel: kernel.5.cloned.1.call-start
scs
__scs_entry_jumppad:
0x0: {  	(pc) =	sbr.rel $0x88, $3  }
0x1: {  	(tag) =	ssettag $0x0;
	lr =	simm.s32 $0x1  }
0x2: {  	[smem:$0x3F99] =	sst lr;
	_ =	strace $0xD0000000  }
0x3: {  	_ = 	snop  }
0x4: {  	_ = 	snop  }
0x5: {  	_ = 	snop  }
0x6: {  	_ = 	snop  }
0x7: {  	_ = 	snop  }
__scs_overlays_trampoline_lowered:
0x8: {  	[smem:$0x3FA8] =	sst s0  }
0x9: {  	[smem:$0x3FA9] =	sst s1  }
0xa: {  	[smem:$0x3FAA] =	sst s2  }
0xb: {  	[smem:$0x3FAB] =	sst s3  }
0xc: {  	[smem:$0x3FAC] =	sst s4  }
0xd: {  	[smem:$0x3FAD] =	sst s5  }
0xe: {  	[smem:$0x3FAE] =	sst s6  }
0xf: {  	[smem:$0x3FAF] =	sst s7  }
0x10: {  	[smem:$0x3FB0] =	sst s8  }
0x11: {  	[smem:$0x3FB1] =	sst s9;
	s0 =	simm.s32 @!p0 $0x0  }
0x12: {  	s1 =	sld [smem:$0x3F97];
	s0 =	simm.s32 @p0 $0x1  }
0x13: {  	[smem:$0x3FB2] =	sst s0;
	s0 =	simm.s32 @!p1 $0x0  }
0x14: {  	s2 =	sld [smem:$0x3F96];
	s0 =	simm.s32 @p1 $0x1  }
0x15: {  	[smem:$0x3FB3] =	sst s0;
	s0 =	simm.s32 @!p2 $0x0  }
0x16: {  	s3 =	sld [smem:$0x3FDB];
	s0 =	simm.s32 @p2 $0x1  }
0x17: {  	s4 =	simm.s32 $0x1BF5;
	[smem:$0x3FB5] =	sst s0  }
0x18: {  	s0 =	sld [smem:$0x3F98];
	_ =	swait.ge [sflag:s4], $0x0  }
0x19: {  	s7 =	sld [smem:$0x3F99]  }
0x1a: {  	s8 =	sadd.s32 $0xFFFFE003, lr  }
0x1b: {  	s9 =	sadd.s32 $0xFFFFFEF7, lr;
	s5 =	simm.s32 $0xFFFFFFFF;
	p2 =	slt.u32 s8, $0xFFFFF086  }
0x1c: {  	p1 =	slt.u32 s9, $0xF7A;
	s5 =	simm.s32 @!p2 $0x0  }
0x1d: {  	s5 =	simm.s32 @p1 $0x1;
	p0 =	seq.s32 s7, s2  }
0x1e: {  	s7 =	smul.u32 @!p0 $0xF7A, s2;
	p2 =	seq.s32 @!p0 s5, $0x0  }
0x1f: {  	s9 =	smul.u32 $0xF7A, s1;
	s8 =	simm.s32 @!p0 $0x1BF5;
	p2 =	por !p2, p0  }
0x20: {  	[sflag:s8] =	ssyncset.s32 @!p0 $0xFFFFF086;
	s6 =	sadd.s32 @!p0 s3, s7;
	s7 =	simm.s32 @!p0 $0x108  }
0x21: {  	s3 =	sadd.s32 s3, s9;
	s6 =	sadd.s32 @!p0 $0x88, s6;
	s7 =	simm.s32 @p2 $0x1082  }
0x22: {  	[simem:s7], [sflag:s8] =	dma.local @!p0 [hbm:s6], $0xF7A  }
0x23: {  	s9 =	sor.u32 $0xD0000000, s2;
	s6 =	simm.s32 $0x108;
	_ =	swait.ge @!p0 [sflag:s8], $0x0  }
0x24: {  	s3 =	sadd.s32 $0x88, s3;
	s6 =	simm.s32 @!p1 $0x1082;
	[sflag:s4] =	ssyncset.s32 $0xFFFFF086  }
0x25: {  	[simem:s6], [sflag:s4] =	dma.local [hbm:s3], $0xF7A  }
0x26: {  	[smem:$0x3F99] =	sst s1;
	(tag) =	ssettag s2;
	_ =	strace s9  }
0x27: {  	s1 =	sld [smem:$0x3FA9]  }
0x28: {  	s2 =	sld [smem:$0x3FAA]  }
0x29: {  	s4 =	sld [smem:$0x3FAC]  }
0x2a: {  	p0 =	seq.s32 s5, $0x0;
	s5 =	sld [smem:$0x3FAD]  }
0x2b: {  	s6 =	sld [smem:$0x3FAE]  }
0x2c: {  	s7 =	sld [smem:$0x3FAF]  }
0x2d: {  	s3 =	simm.s32 $0x108;
	s8 =	sld [smem:$0x3FB0]  }
0x2e: {  	s3 =	simm.s32 @!p0 $0x1082;
	s9 =	sld [smem:$0x3FB1]  }
0x2f: {  	lr =	sadd.s32 s0, s3;
	s0 =	sld [smem:$0x3FA8]  }
0x30: {  	s3 =	sld [smem:$0x3FAB]  }
0x31: {  	[smem:$0x3FB4] =	sst s10  }
0x32: {  	s10 =	sld [smem:$0x3FB2];
	_ =	sdelay $0x3  }
0x33: {  	p0 =	seq.s32 s10, $0x1;
	s10 =	sld [smem:$0x3FB4];
	_ =	sdelay $0x3  }
0x34: {  	[smem:$0x3FB4] =	sst s10  }
0x35: {  	s10 =	sld [smem:$0x3FB3];
	_ =	sdelay $0x3  }
0x36: {  	p1 =	seq.s32 s10, $0x1;
	s10 =	sld [smem:$0x3FB4];
	_ =	sdelay $0x3  }
0x37: {  	[smem:$0x3FB4] =	sst s10  }
0x38: {  	s10 =	sld [smem:$0x3FB5]  }
0x39: {  	_ = 	snop;
	(pc) =	sbr.ind lr, $3  }
0x3a: {  	_ = 	snop  }
0x3b: {  	_ = 	snop  }
0x3c: {  	p2 =	seq.s32 s10, $0x1;
	s10 =	sld [smem:$0x3FB4]  }
0x3d: {  	_ =	shalt  }
0x3e: {  	_ =	shalt  }
0x3f: {  	_ =	shalt  }
0x40: {  	_ =	shalt  }
0x41: {  	_ =	shalt  }
0x42: {  	_ =	shalt  }
0x43: {  	_ =	shalt  }
0x44: {  	_ =	shalt  }
0x45: {  	_ =	shalt  }
0x46: {  	_ =	shalt  }
0x47: {  	_ =	shalt  }
0x48: {  	_ =	shalt  }
0x49: {  	_ =	shalt  }
0x4a: {  	_ =	shalt  }
0x4b: {  	_ =	shalt  }
0x4c: {  	_ =	shalt  }
0x4d: {  	_ =	shalt  }
0x4e: {  	_ =	shalt  }
0x4f: {  	_ =	shalt  }
0x50: {  	_ =	shalt  }
0x51: {  	_ =	shalt  }
0x52: {  	_ =	shalt  }
0x53: {  	_ =	shalt  }
0x54: {  	_ =	shalt  }
0x55: {  	_ =	shalt  }
0x56: {  	_ =	shalt  }
0x57: {  	_ =	shalt  }
0x58: {  	_ =	shalt  }
0x59: {  	_ =	shalt  }
0x5a: {  	_ =	shalt  }
0x5b: {  	_ =	shalt  }
0x5c: {  	_ =	shalt  }
0x5d: {  	_ =	shalt  }
0x5e: {  	_ =	shalt  }
0x5f: {  	_ =	shalt  }
0x60: {  	_ =	shalt  }
0x61: {  	_ =	shalt  }
0x62: {  	_ =	shalt  }
0x63: {  	_ =	shalt  }
0x64: {  	_ =	shalt  }
0x65: {  	_ =	shalt  }
0x66: {  	_ =	shalt  }
0x67: {  	_ =	shalt  }
0x68: {  	_ =	shalt  }
0x69: {  	_ =	shalt  }
0x6a: {  	_ =	shalt  }
0x6b: {  	_ =	shalt  }
0x6c: {  	_ =	shalt  }
0x6d: {  	_ =	shalt  }
0x6e: {  	_ =	shalt  }
0x6f: {  	_ =	shalt  }
0x70: {  	_ =	shalt  }
0x71: {  	_ =	shalt  }
0x72: {  	_ =	shalt  }
0x73: {  	_ =	shalt  }
0x74: {  	_ =	shalt  }
0x75: {  	_ =	shalt  }
0x76: {  	_ =	shalt  }
0x77: {  	_ =	shalt  }
0x78: {  	_ =	shalt  }
0x79: {  	_ =	shalt  }
0x7a: {  	_ =	shalt  }
0x7b: {  	_ =	shalt  }
0x7c: {  	_ =	shalt  }
0x7d: {  	_ =	shalt  }
0x7e: {  	_ =	shalt  }
0x7f: {  	_ =	shalt  }
0x80: {  	_ =	shalt  }
0x81: {  	_ =	shalt  }
0x82: {  	_ =	shalt  }
0x83: {  	_ =	shalt  }
0x84: {  	_ =	shalt  }
0x85: {  	_ =	shalt  }
0x86: {  	_ =	shalt  }
0x87: {  	_ =	shalt  }
.Lfunc_end0:
.L_simem_size_0:
called_computation_lowered:
.L_overlay_start_0:
0x88: {  	s2 =	sld [smem:$0x3FD9]  }
0x89: {  	s3 =	sld [smem:$0x3FFE];
	_ =	sdelay $0x1  }
0x8a: {  	s1 =	srdreg.scid  }
0x8b: {  	s0 =	sand.u32 $0x1, s1  }
0x8c: {  	s17 =	sshll.u32 s0, $0xA;
	s2 =	sadd.s32 s3, s2  }
0x8d: {  	s2 =	sadd.s32 s2, s17  }
0x8e: {  	[smem:$0x3FC0] =	sst s2  }
0x8f: {  	_ = 	snop  }
0x90: {  	s2 =	sld [smem:$0x3FC9]  }
0x91: {  	s18 =	sld [smem:$0x3FC8];
	(tm) =	ssettm $0x1  }
0x92: {  	s4 =	sld [smem:$0x3FFB];
	_ =	sdelay $0x3  }
0x93: {  	_ =	strace s4  }
0x94: {  	s4 =	sld [smem:$0x3FFC];
	_ =	sdelay $0x3  }
0x95: {  	_ =	strace s4  }
0x96: {  	s4 =	sld [smem:$0x3FFD];
	_ =	sdelay $0x3  }
0x97: {  	_ =	strace s4  }
0x98: {  	_ =	strace $0x8FFFFFFF  }
0x99: {  	s19 =	sld [smem:$0x3FDB];
	_ =	sdelay $0x1  }
0x9a: {  	s5 =	simm.s32 $_scs_section_size  }
0x9b: {  	s6 =	simm.s32 $_size__tile_overlayer_lowered;
	s7 =	simm.s32 $_tile_overlayer_lowered  }
0x9c: {  	s22 =	simm.s32 $0x1BFF;
	s21 =	sshll.u32 s7, $0x1;
	s4 =	sadd.s32 s5, s19  }
0x9d: {  	s8 =	simm.s32 $0x0;
	s20 =	sshll.u32 s6, $0x1;
	s6 =	sadd.s32 s21, s4  }
0x9e: {  	[timem:s8], [sflag:s22] =	dma.local [hbm:s6], s20  }
0x9f: {  	_ =	swait.ge [sflag:s22], s20  }
0xa0: {  	s5 =	ssub.s32 $0x0, s20;
	[sflag:s22] =	ssyncset.done $0x0  }
0xa1: {  	[sflag:s22] =	ssyncadd.s32 s5;
	_ =	sdelay $0x1  }
0xa2: {  	s23 =	simm.s32 $0x1B8B  }
0xa3: {  	_ =	swait.ge [sflag:s23], $0x1  }
0xa4: {  	[sflag:s23] =	ssyncset.done $0x0  }
0xa5: {  	s25 =	simm.s32 $0x1B8E;
	s24 =	sld [smem:$0x3FFE];
	[sflag:s23] =	ssyncadd.s32 $0xFFFFFFFF  }
0xa6: {  	s26 =	simm.s32 $execute0_lowered;
	[smem:$0x3FD2] =	sst s25  }
0xa7: {  	s6 =	sshll.u32 s26, $0x1;
	_ =	strace $0x80000046;
	[dreg:$0x1] =	wrdreg $0xFFFFFFFF  }
0xa8: {  	s28 =	simm.s32 $_size_execute0_lowered;
	s4 =	sadd.s32 s4, s6;
	[dreg:$0x0] =	wrdreg $0x0  }
0xa9: {  	s6 =	sshll.u32 s28, $0x1;
	[dreg:$0x2] =	wrdreg s4  }
0xaa: {  	[dreg:$0x3] =	wrdreg s6  }
0xab: {  	[dreg:$0x4] =	wrdreg $0xC0  }
0xac: {  	_ =	task [dreg:s8], $0x5FFFF  }
0xad: {  	[dreg:$0x1] =	wrdreg $0xFFFFFFFF  }
0xae: {  	[dreg:$0x0] =	wrdreg $0x60  }
0xaf: {  	[dreg:$0x2] =	wrdreg s18  }
0xb0: {  	[dreg:$0x3] =	wrdreg s2  }
0xb1: {  	[dreg:$0x4] =	wrdreg s24  }
0xb2: {  	[dreg:$0x5] =	wrdreg $0x179000  }
0xb3: {  	[dreg:$0x6] =	wrdreg $0x9  }
0xb4: {  	_ =	task.clear_ibuf [dreg:s8], $0x7FFFF;
	_ =	strace $0x90000046  }
0xb5: {  	s29 =	simm.s32 $0x9;
	_ =	strace $0x80000048  }
0xb6: {  	_ =	swait.ge [sflag:s29], $0x1  }
0xb7: {  	[sflag:s29] =	ssyncadd.s32 $0xFFFFFFFF  }
0xb8: {  	_ =	strace $0x90000048  }
0xb9: {  	_ =	sfence  }
0xba: {  	s30 =	sld [smem:$0x0];
	_ =	sdelay $0x2  }
0xbb: {  	s31 =	sshll.u32 s1, $0xD;
	s1 =	sshrl.u32 s1, $0x2  }
0xbc: {  	s3 =	sand.u32 $0x4000, s31;
	s1 =	sadd.s32 s1, s30  }
0xbd: {  	s0 =	sor.u32 s3, s0;
	s1 =	sshll.u32 s1, $0x11  }
0xbe: {  	s0 =	sor.u32 s1, s0  }
0xbf: {  	s0 =	sadd.s32 $0x8F2B, s0  }
0xc0: {  	[sflag:s0] =	ssyncadd.remote.s32 $0x1  }
0xc1: {  	_ =	sfence.sel $0xFFFF  }
0xc2: {  	[dreg:$0x0] =	wrdreg $0xFFFFFFFF;
	(pc) =	sbr.abs _section_cstart, $3  }
0xc3: {  	[dreg:$0x1] =	wrdreg $0xFFFFFFFF  }
0xc4: {  	_ =	task.clear_ibuf [dreg:s8], $0x2FFFF;
	_ =	strace $0x9FFFFFFF  }
0xc5: {  	(tm) =	ssettm $0x7FFFFFFF  }
tec
execute0_lowered:
.L_overlay_start_1:
0x0: {  	(tag) =	ssettag $0x1  }
0x1: {  	s1 =	rddreg [dreg:$0x0]  }
0x2: {  	s0 =	rddreg [dreg:$0x1]  }
0x3: {  	s4 =	rddreg [dreg:$0x2]  }
0x4: {  	s2 =	rddreg [dreg:$0x3]  }
0x5: {  	s5 =	srdreg.scid;
	s6 =	stileid.u32;
	s3 =	simm.s32 $0x0  }
0x6: {  	s12 =	simm.s32 $0x11080;
	s19 =	simm.s32 $0x1;
	s20 =	simm.s32 $0x17080  }
0x7: {  	s21 =	simm.s32 $0x2;
	s23 =	simm.s32 $0x0;
	s5 =	sand.u32 $0x1, s5  }
0x8: {  	s7 =	sshll.u32 s6, $0x1;
	[smem:$0x7FF] =	sst s3;
	s29 =	sshll.u32 s6, $0xC  }
0x9: {  	s7 =	sor.u32 s5, s7;
	s5 =	ssub.s32 $0x2, s5;
	_ =	strace $0x80000047  }
0xa: {  	s0 =	sadd.s32 s0, s29;
	s8 =	sshll.u32 s7, $0x4;
	s9 =	smul.u32 $0xC000, s7  }
0xb: {  	s26 =	sshrl.u32 s5, $0x1;
	s11 =	smul.u32 $0x300, s7;
	[dreg:$0x7] =	wrdreg s0  }
.Ltmp0:
0xc: {  	s10 =	sadd.s32 s8, s4;
	s28 =	sadd.s32 s1, s9;
	(pc) =	sbr.rel .LBB2_1-.Ltmp0, $4  }
0xd: {  	s5 =	ssub.s32 s5, s26;
	s30 =	sadd.s32 $0x1400, s10;
	[dreg:$0x5] =	wrdreg s28  }
0xe: {  	v0 =	vlaneseq.u32;
	p0 =	sne.s32 s6, $0x0;
	s31 =	smax.u32 s5, $0x1;
	[dreg:$0x8] =	wrdreg s30  }
0xf: {  	v1 =	vor.u32 $0x10, v0;
	s7 =	sor.u32 $0x60, s11;
	s4 =	sadd.s32 $0xC00, s28;
	[dreg:$0x9] =	wrdreg s31  }
0x10: {  	[tilespmem:$0x1FFF0] =	vst v1;
	s8 =	sor.u32 $0x90, s11;
	s10 =	simm.s32 $0x4;
	[dreg:$0x6] =	wrdreg s4  }
.LBB2_76:
0x11: {  	[tilespmem:$0x17880] =	vst v35;
	s0 =	rddreg [dreg:$0x8];
	s2 =	simm.s32 $0x17880;
	s10 =	simm.s32 $0x4  }
0x12: {  	[hbm4b:s0+s3] =	stream.linear.scatter [tilespmem:s2], [sflag:$0x4], $0x80, $0x38;
	[tilespmem:$0x17920] =	vst v63  }
0x13: {  	_ =	swait.ge [sflag:s10], $0x80  }
0x14: {  	s23 =	sadd.s32 $0x1, s23;
	s31 =	rddreg [dreg:$0x9]  }
0x15: {  	p1 =	sne.s32 s23, s31  }
.Ltmp1:
0x16: {  	_ = 	snop;
	(pc) =	sbr.rel @!p1 .LBB2_77-.Ltmp1, $4  }
0x17: {  	_ = 	snop  }
0x18: {  	[sflag:s10] =	ssyncset.done $0x0  }
0x19: {  	[sflag:s10] =	ssyncadd.s32 $0xFFFFFF80  }
0x1a: {  	v0 =	vlaneseq.u32;
	s2 =	rddreg [dreg:$0x3]  }
.LBB2_1:
0x1b: {  	s0 =	rddreg [dreg:$0x5];
	s4 =	simm.s32 $0xB080  }
0x1c: {  	[tilespmem:s4], [sflag:$0x1] =	stream.linear.gather [hbm4b:s0+s3], $0x6000, $0x38;
	[tilespmem:$0x17920] =	vst v63  }
0x1d: {  	s29 =	rddreg [dreg:$0x6]  }
0x1e: {  	[tilespmem:s12], [sflag:$0x2] =	stream.linear.gather [hbm4b:s29+s3], $0x6000, $0x38;
	[tilespmem:$0x17920] =	vst v63  }
0x1f: {  	s30 =	rddreg [dreg:$0x7]  }
0x20: {  	v1 =	vimm.f32 $0.0e+00;
	[tilespmem:s3], [sflag:$0x3] =	stream.linear.gather [hbm4b:s30+s3], $0x8000, $0x38;
	[tilespmem:$0x17920] =	vst v63  }
0x21: {  	[tilespmem:$0x9000] =	vst v1  }
0x22: {  	[tilespmem:$0x9080] =	vst v1  }
0x23: {  	[tilespmem:$0x9100] =	vst v1  }
0x24: {  	[tilespmem:$0x9180] =	vst v1  }
0x25: {  	[tilespmem:$0x9200] =	vst v1  }
0x26: {  	[tilespmem:$0x9280] =	vst v1  }
0x27: {  	[tilespmem:$0x9300] =	vst v1  }
0x28: {  	[tilespmem:$0x9380] =	vst v1  }
0x29: {  	[tilespmem:$0x9400] =	vst v1  }
0x2a: {  	[tilespmem:$0x9480] =	vst v1  }
0x2b: {  	[tilespmem:$0x9500] =	vst v1  }
0x2c: {  	[tilespmem:$0x9580] =	vst v1  }
0x2d: {  	[tilespmem:$0x9600] =	vst v1  }
0x2e: {  	[tilespmem:$0x9680] =	vst v1  }
0x2f: {  	[tilespmem:$0x9700] =	vst v1  }
0x30: {  	[tilespmem:$0x9780] =	vst v1  }
0x31: {  	[tilespmem:$0x9800] =	vst v1  }
0x32: {  	[tilespmem:$0x9880] =	vst v1  }
0x33: {  	[tilespmem:$0x9900] =	vst v1  }
0x34: {  	[tilespmem:$0x9980] =	vst v1  }
0x35: {  	[tilespmem:$0x9A00] =	vst v1  }
0x36: {  	[tilespmem:$0x9A80] =	vst v1  }
0x37: {  	[tilespmem:$0x9B00] =	vst v1  }
0x38: {  	[tilespmem:$0x9B80] =	vst v1  }
0x39: {  	[tilespmem:$0x9C00] =	vst v1  }
0x3a: {  	[tilespmem:$0x9C80] =	vst v1  }
0x3b: {  	[tilespmem:$0x9D00] =	vst v1  }
0x3c: {  	[tilespmem:$0x9D80] =	vst v1  }
0x3d: {  	[tilespmem:$0x9E00] =	vst v1  }
0x3e: {  	[tilespmem:$0x9E80] =	vst v1  }
0x3f: {  	[tilespmem:$0x9F00] =	vst v1  }
0x40: {  	[tilespmem:$0x9F80] =	vst v1;
	v1 =	vld [tilespmem:$0x1FFF0];
	_ =	sdelay $0x3  }
0x41: {  	[tilespmem:$0xB000] =	vst v0  }
0x42: {  	s0 =	simm.s32 @!p0 $0x9000;
	[tilespmem:$0xB010] =	vst v1  }
0x43: {  	[spmem:s2] =	stream.linear.scatter @!p0 [tilespmem:s0], [sflag:$0x4], $0x1000, $0x38;
	[tilespmem:$0x17920] =	vst v63  }
0x44: {  	s0 =	simm.s32 @!p0 $0x4  }
0x45: {  	_ =	swait.ge @!p0 [sflag:s0], $0x1000  }
0x46: {  	[sflag:s0] =	ssyncset.done @!p0 $0x0  }
0x47: {  	s31 =	simm.s32 $0x3;
	[sflag:s0] =	ssyncadd.s32 @!p0 $0xFFFFF000  }
0x48: {  	_ =	swait.ge [sflag:s31], $0x8000  }
0x49: {  	[sflag:s31] =	ssyncset.done $0x0  }
0x4a: {  	s5 =	simm.s32 $0x200;
	s0 =	simm.s32 $0x80;
	[sflag:s31] =	ssyncadd.s32 $0xFFFF8000  }
0x4b: {  	s5 =	sand.u32 $0x7000, s5;
	s6 =	sand.u32 $0x380, s0;
	[bflag:$0x0] =	sbarrier.arrive $0xFFFF  }
0x4c: {  	s6 =	sor.u32 s6, s5;
	v3 =	vld [tilespmem:$0x0]  }
0x4d: {  	s5 =	simm.s32 $0x400;
	v4 =	vld [tilespmem:s6+$0x0]  }
.LBB2_2:
0x4e: {  	p1 =	sne.s32 s5, $0x7E00  }
.Ltmp2:
0x4f: {  	_ = 	snop;
	(pc) =	sbr.rel @p1 .LBB2_2-.Ltmp2, $4  }
0x50: {  	s0 =	sadd.s32 $0x80, s0  }
0x51: {  	s6 =	sand.u32 $0x7000, s5;
	s9 =	sand.u32 $0x380, s0  }
0x52: {  	s6 =	sor.u32 s9, s6  }
0x53: {  	s5 =	sadd.s32 $0x200, s5;
	v3 =	vadd.f32 v4, v3;
	v4 =	vld [tilespmem:s6+$0x0]  }
0x54: {  	_ =	sdelay $0x3  }
0x55: {  	s5 =	simm.s32 $0x200;
	s0 =	simm.s32 $0x80;
	v3 =	vadd.f32 v4, v3  }
0x56: {  	s5 =	sand.u32 $0x7000, s5;
	s6 =	sand.u32 $0x380, s0  }
0x57: {  	s6 =	sor.u32 s6, s5;
	[tilespmem:$0x8000] =	vst v3;
	v3 =	vld [tilespmem:$0x10]  }
0x58: {  	s5 =	simm.s32 $0x400;
	v4 =	vld [tilespmem:s6+$0x10]  }
.LBB2_4:
0x59: {  	p1 =	sne.s32 s5, $0x7E00  }
.Ltmp3:
0x5a: {  	_ = 	snop;
	(pc) =	sbr.rel @p1 .LBB2_4-.Ltmp3, $4  }
0x5b: {  	s0 =	sadd.s32 $0x80, s0  }
0x5c: {  	s6 =	sand.u32 $0x7000, s5;
	s9 =	sand.u32 $0x380, s0  }
0x5d: {  	s6 =	sor.u32 s9, s6  }
0x5e: {  	s5 =	sadd.s32 $0x200, s5;
	v3 =	vadd.f32 v4, v3;
	v4 =	vld [tilespmem:s6+$0x10]  }
0x5f: {  	_ =	sdelay $0x3  }
0x60: {  	s5 =	simm.s32 $0x200;
	s0 =	simm.s32 $0x80;
	v3 =	vadd.f32 v4, v3  }
0x61: {  	s5 =	sand.u32 $0x7000, s5;
	s6 =	sand.u32 $0x380, s0  }
0x62: {  	s6 =	sor.u32 s6, s5;
	[tilespmem:$0x8080] =	vst v3;
	v3 =	vld [tilespmem:$0x20]  }
0x63: {  	s5 =	simm.s32 $0x400;
	v4 =	vld [tilespmem:s6+$0x20]  }
.LBB2_6:
0x64: {  	p1 =	sne.s32 s5, $0x7E00  }
.Ltmp4:
0x65: {  	_ = 	snop;
	(pc) =	sbr.rel @p1 .LBB2_6-.Ltmp4, $4  }
0x66: {  	s0 =	sadd.s32 $0x80, s0  }
0x67: {  	s6 =	sand.u32 $0x7000, s5;
	s9 =	sand.u32 $0x380, s0  }
0x68: {  	s6 =	sor.u32 s9, s6  }
0x69: {  	s5 =	sadd.s32 $0x200, s5;
	v3 =	vadd.f32 v4, v3;
	v4 =	vld [tilespmem:s6+$0x20]  }
0x6a: {  	_ =	sdelay $0x3  }
0x6b: {  	s5 =	simm.s32 $0x200;
	s0 =	simm.s32 $0x80;
	v3 =	vadd.f32 v4, v3  }
0x6c: {  	s5 =	sand.u32 $0x7000, s5;
	s6 =	sand.u32 $0x380, s0  }
0x6d: {  	s6 =	sor.u32 s6, s5;
	[tilespmem:$0x8100] =	vst v3;
	v3 =	vld [tilespmem:$0x30]  }
0x6e: {  	s5 =	simm.s32 $0x400;
	v4 =	vld [tilespmem:s6+$0x30]  }
.LBB2_8:
0x6f: {  	p1 =	sne.s32 s5, $0x7E00  }
.Ltmp5:
0x70: {  	_ = 	snop;
	(pc) =	sbr.rel @p1 .LBB2_8-.Ltmp5, $4  }
0x71: {  	s0 =	sadd.s32 $0x80, s0  }
0x72: {  	s6 =	sand.u32 $0x7000, s5;
	s9 =	sand.u32 $0x380, s0  }
0x73: {  	s6 =	sor.u32 s9, s6  }
0x74: {  	s5 =	sadd.s32 $0x200, s5;
	v3 =	vadd.f32 v4, v3;
	v4 =	vld [tilespmem:s6+$0x30]  }
0x75: {  	_ =	sdelay $0x3  }
0x76: {  	s5 =	simm.s32 $0x200;
	s0 =	simm.s32 $0x80;
	v3 =	vadd.f32 v4, v3  }
0x77: {  	s5 =	sand.u32 $0x7000, s5;
	s6 =	sand.u32 $0x380, s0  }
0x78: {  	s6 =	sor.u32 s6, s5;
	[tilespmem:$0x8180] =	vst v3;
	v3 =	vld [tilespmem:$0x40]  }
0x79: {  	s5 =	simm.s32 $0x400;
	v4 =	vld [tilespmem:s6+$0x40]  }
.LBB2_10:
0x7a: {  	p1 =	sne.s32 s5, $0x7E00  }
.Ltmp6:
0x7b: {  	_ = 	snop;
	(pc) =	sbr.rel @p1 .LBB2_10-.Ltmp6, $4  }
0x7c: {  	s0 =	sadd.s32 $0x80, s0  }
0x7d: {  	s6 =	sand.u32 $0x7000, s5;
	s9 =	sand.u32 $0x380, s0  }
0x7e: {  	s6 =	sor.u32 s9, s6  }
0x7f: {  	s5 =	sadd.s32 $0x200, s5;
	v3 =	vadd.f32 v4, v3;
	v4 =	vld [tilespmem:s6+$0x40]  }
0x80: {  	_ =	sdelay $0x3  }
0x81: {  	s5 =	simm.s32 $0x200;
	s0 =	simm.s32 $0x80;
	v3 =	vadd.f32 v4, v3  }
0x82: {  	s5 =	sand.u32 $0x7000, s5;
	s6 =	sand.u32 $0x380, s0  }
0x83: {  	s6 =	sor.u32 s6, s5;
	[tilespmem:$0x8200] =	vst v3;
	v3 =	vld [tilespmem:$0x50]  }
0x84: {  	s5 =	simm.s32 $0x400;
	v4 =	vld [tilespmem:s6+$0x50]  }
.LBB2_12:
0x85: {  	p1 =	sne.s32 s5, $0x7E00  }
.Ltmp7:
0x86: {  	_ = 	snop;
	(pc) =	sbr.rel @p1 .LBB2_12-.Ltmp7, $4  }
0x87: {  	s0 =	sadd.s32 $0x80, s0  }
0x88: {  	s6 =	sand.u32 $0x7000, s5;
	s9 =	sand.u32 $0x380, s0  }
0x89: {  	s6 =	sor.u32 s9, s6  }
0x8a: {  	s5 =	sadd.s32 $0x200, s5;
	v3 =	vadd.f32 v4, v3;
	v4 =	vld [tilespmem:s6+$0x50]  }
0x8b: {  	_ =	sdelay $0x3  }
0x8c: {  	s5 =	simm.s32 $0x200;
	s0 =	simm.s32 $0x80;
	v3 =	vadd.f32 v4, v3  }
0x8d: {  	s5 =	sand.u32 $0x7000, s5;
	s6 =	sand.u32 $0x380, s0  }
0x8e: {  	s6 =	sor.u32 s6, s5;
	[tilespmem:$0x8280] =	vst v3;
	v3 =	vld [tilespmem:$0x60]  }
0x8f: {  	s5 =	simm.s32 $0x400;
	v4 =	vld [tilespmem:s6+$0x60]  }
.LBB2_14:
0x90: {  	p1 =	sne.s32 s5, $0x7E00  }
.Ltmp8:
0x91: {  	_ = 	snop;
	(pc) =	sbr.rel @p1 .LBB2_14-.Ltmp8, $4  }
0x92: {  	s0 =	sadd.s32 $0x80, s0  }
0x93: {  	s6 =	sand.u32 $0x7000, s5;
	s9 =	sand.u32 $0x380, s0  }
0x94: {  	s6 =	sor.u32 s9, s6  }
0x95: {  	s5 =	sadd.s32 $0x200, s5;
	v3 =	vadd.f32 v4, v3;
	v4 =	vld [tilespmem:s6+$0x60]  }
0x96: {  	_ =	sdelay $0x3  }
0x97: {  	s5 =	simm.s32 $0x200;
	s0 =	simm.s32 $0x80;
	v3 =	vadd.f32 v4, v3  }
0x98: {  	s5 =	sand.u32 $0x7000, s5;
	s6 =	sand.u32 $0x380, s0  }
0x99: {  	s6 =	sor.u32 s6, s5;
	[tilespmem:$0x8300] =	vst v3;
	v3 =	vld [tilespmem:$0x70]  }
0x9a: {  	s5 =	simm.s32 $0x400;
	v4 =	vld [tilespmem:s6+$0x70]  }
.LBB2_16:
0x9b: {  	p1 =	sne.s32 s5, $0x7E00  }
.Ltmp9:
0x9c: {  	_ = 	snop;
	(pc) =	sbr.rel @p1 .LBB2_16-.Ltmp9, $4  }
0x9d: {  	s0 =	sadd.s32 $0x80, s0  }
0x9e: {  	s6 =	sand.u32 $0x7000, s5;
	s9 =	sand.u32 $0x380, s0  }
0x9f: {  	s6 =	sor.u32 s9, s6  }
0xa0: {  	s5 =	sadd.s32 $0x200, s5;
	v3 =	vadd.f32 v4, v3;
	v4 =	vld [tilespmem:s6+$0x70]  }
0xa1: {  	_ =	sdelay $0x3  }
0xa2: {  	s5 =	simm.s32 $0x200;
	s0 =	simm.s32 $0x80;
	v3 =	vadd.f32 v4, v3  }
0xa3: {  	s5 =	sand.u32 $0x7000, s5;
	s6 =	sand.u32 $0x380, s0  }
0xa4: {  	s6 =	sor.u32 s6, s5;
	[tilespmem:$0x8380] =	vst v3;
	v3 =	vld [tilespmem:$0x400]  }
0xa5: {  	s5 =	simm.s32 $0x400;
	v4 =	vld [tilespmem:s6+$0x400]  }
.LBB2_18:
0xa6: {  	p1 =	sne.s32 s5, $0x7E00  }
.Ltmp10:
0xa7: {  	_ = 	snop;
	(pc) =	sbr.rel @p1 .LBB2_18-.Ltmp10, $4  }
0xa8: {  	s0 =	sadd.s32 $0x80, s0  }
0xa9: {  	s6 =	sand.u32 $0x7000, s5;
	s9 =	sand.u32 $0x380, s0  }
0xaa: {  	s6 =	sor.u32 s9, s6  }
0xab: {  	s5 =	sadd.s32 $0x200, s5;
	v3 =	vadd.f32 v4, v3;
	v4 =	vld [tilespmem:s6+$0x400]  }
0xac: {  	_ =	sdelay $0x3  }
0xad: {  	s5 =	simm.s32 $0x200;
	s0 =	simm.s32 $0x80;
	v3 =	vadd.f32 v4, v3  }
0xae: {  	s5 =	sand.u32 $0x7000, s5;
	s6 =	sand.u32 $0x380, s0  }
0xaf: {  	s6 =	sor.u32 s6, s5;
	[tilespmem:$0x8400] =	vst v3;
	v3 =	vld [tilespmem:$0x410]  }
0xb0: {  	s5 =	simm.s32 $0x400;
	v4 =	vld [tilespmem:s6+$0x410]  }
.LBB2_20:
0xb1: {  	p1 =	sne.s32 s5, $0x7E00  }
.Ltmp11:
0xb2: {  	_ = 	snop;
	(pc) =	sbr.rel @p1 .LBB2_20-.Ltmp11, $4  }
0xb3: {  	s0 =	sadd.s32 $0x80, s0  }
0xb4: {  	s6 =	sand.u32 $0x7000, s5;
	s9 =	sand.u32 $0x380, s0  }
0xb5: {  	s6 =	sor.u32 s9, s6  }
0xb6: {  	s5 =	sadd.s32 $0x200, s5;
	v3 =	vadd.f32 v4, v3;
	v4 =	vld [tilespmem:s6+$0x410]  }
0xb7: {  	_ =	sdelay $0x3  }
0xb8: {  	s5 =	simm.s32 $0x200;
	s0 =	simm.s32 $0x80;
	v3 =	vadd.f32 v4, v3  }
0xb9: {  	s5 =	sand.u32 $0x7000, s5;
	s6 =	sand.u32 $0x380, s0  }
0xba: {  	s6 =	sor.u32 s6, s5;
	[tilespmem:$0x8480] =	vst v3;
	v3 =	vld [tilespmem:$0x420]  }
0xbb: {  	s5 =	simm.s32 $0x400;
	v4 =	vld [tilespmem:s6+$0x420]  }
.LBB2_22:
0xbc: {  	p1 =	sne.s32 s5, $0x7E00  }
.Ltmp12:
0xbd: {  	_ = 	snop;
	(pc) =	sbr.rel @p1 .LBB2_22-.Ltmp12, $4  }
0xbe: {  	s0 =	sadd.s32 $0x80, s0  }
0xbf: {  	s6 =	sand.u32 $0x7000, s5;
	s9 =	sand.u32 $0x380, s0  }
0xc0: {  	s6 =	sor.u32 s9, s6  }
0xc1: {  	s5 =	sadd.s32 $0x200, s5;
	v3 =	vadd.f32 v4, v3;
	v4 =	vld [tilespmem:s6+$0x420]  }
0xc2: {  	_ =	sdelay $0x3  }
0xc3: {  	s5 =	simm.s32 $0x200;
	s0 =	simm.s32 $0x80;
	v3 =	vadd.f32 v4, v3  }
0xc4: {  	s5 =	sand.u32 $0x7000, s5;
	s6 =	sand.u32 $0x380, s0  }
0xc5: {  	s6 =	sor.u32 s6, s5;
	[tilespmem:$0x8500] =	vst v3;
	v3 =	vld [tilespmem:$0x430]  }
0xc6: {  	s5 =	simm.s32 $0x400;
	v4 =	vld [tilespmem:s6+$0x430]  }
.LBB2_24:
0xc7: {  	p1 =	sne.s32 s5, $0x7E00  }
.Ltmp13:
0xc8: {  	_ = 	snop;
	(pc) =	sbr.rel @p1 .LBB2_24-.Ltmp13, $4  }
0xc9: {  	s0 =	sadd.s32 $0x80, s0  }
0xca: {  	s6 =	sand.u32 $0x7000, s5;
	s9 =	sand.u32 $0x380, s0  }
0xcb: {  	s6 =	sor.u32 s9, s6  }
0xcc: {  	s5 =	sadd.s32 $0x200, s5;
	v3 =	vadd.f32 v4, v3;
	v4 =	vld [tilespmem:s6+$0x430]  }
0xcd: {  	_ =	sdelay $0x3  }
0xce: {  	s5 =	simm.s32 $0x200;
	s0 =	simm.s32 $0x80;
	v3 =	vadd.f32 v4, v3  }
0xcf: {  	s5 =	sand.u32 $0x7000, s5;
	s6 =	sand.u32 $0x380, s0  }
0xd0: {  	s6 =	sor.u32 s6, s5;
	[tilespmem:$0x8580] =	vst v3;
	v3 =	vld [tilespmem:$0x440]  }
0xd1: {  	s5 =	simm.s32 $0x400;
	v4 =	vld [tilespmem:s6+$0x440]  }
.LBB2_26:
0xd2: {  	p1 =	sne.s32 s5, $0x7E00  }
.Ltmp14:
0xd3: {  	_ = 	snop;
	(pc) =	sbr.rel @p1 .LBB2_26-.Ltmp14, $4  }
0xd4: {  	s0 =	sadd.s32 $0x80, s0  }
0xd5: {  	s6 =	sand.u32 $0x7000, s5;
	s9 =	sand.u32 $0x380, s0  }
0xd6: {  	s6 =	sor.u32 s9, s6  }
0xd7: {  	s5 =	sadd.s32 $0x200, s5;
	v3 =	vadd.f32 v4, v3;
	v4 =	vld [tilespmem:s6+$0x440]  }
0xd8: {  	_ =	sdelay $0x3  }
0xd9: {  	s5 =	simm.s32 $0x200;
	s0 =	simm.s32 $0x80;
	v3 =	vadd.f32 v4, v3  }
0xda: {  	s5 =	sand.u32 $0x7000, s5;
	s6 =	sand.u32 $0x380, s0  }
0xdb: {  	s6 =	sor.u32 s6, s5;
	[tilespmem:$0x8600] =	vst v3;
	v3 =	vld [tilespmem:$0x450]  }
0xdc: {  	s5 =	simm.s32 $0x400;
	v4 =	vld [tilespmem:s6+$0x450]  }
.LBB2_28:
0xdd: {  	p1 =	sne.s32 s5, $0x7E00  }
.Ltmp15:
0xde: {  	_ = 	snop;
	(pc) =	sbr.rel @p1 .LBB2_28-.Ltmp15, $4  }
0xdf: {  	s0 =	sadd.s32 $0x80, s0  }
0xe0: {  	s6 =	sand.u32 $0x7000, s5;
	s9 =	sand.u32 $0x380, s0  }
0xe1: {  	s6 =	sor.u32 s9, s6  }
0xe2: {  	s5 =	sadd.s32 $0x200, s5;
	v3 =	vadd.f32 v4, v3;
	v4 =	vld [tilespmem:s6+$0x450]  }
0xe3: {  	_ =	sdelay $0x3  }
0xe4: {  	s5 =	simm.s32 $0x200;
	s0 =	simm.s32 $0x80;
	v3 =	vadd.f32 v4, v3  }
0xe5: {  	s5 =	sand.u32 $0x7000, s5;
	s6 =	sand.u32 $0x380, s0  }
0xe6: {  	s6 =	sor.u32 s6, s5;
	[tilespmem:$0x8680] =	vst v3;
	v3 =	vld [tilespmem:$0x460]  }
0xe7: {  	s5 =	simm.s32 $0x400;
	v4 =	vld [tilespmem:s6+$0x460]  }
.LBB2_30:
0xe8: {  	p1 =	sne.s32 s5, $0x7E00  }
.Ltmp16:
0xe9: {  	_ = 	snop;
	(pc) =	sbr.rel @p1 .LBB2_30-.Ltmp16, $4  }
0xea: {  	s0 =	sadd.s32 $0x80, s0  }
0xeb: {  	s6 =	sand.u32 $0x7000, s5;
	s9 =	sand.u32 $0x380, s0  }
0xec: {  	s6 =	sor.u32 s9, s6  }
0xed: {  	s5 =	sadd.s32 $0x200, s5;
	v3 =	vadd.f32 v4, v3;
	v4 =	vld [tilespmem:s6+$0x460]  }
0xee: {  	_ =	sdelay $0x3  }
0xef: {  	s5 =	simm.s32 $0x200;
	s0 =	simm.s32 $0x80;
	v3 =	vadd.f32 v4, v3  }
0xf0: {  	s5 =	sand.u32 $0x7000, s5;
	s6 =	sand.u32 $0x380, s0  }
0xf1: {  	s6 =	sor.u32 s6, s5;
	[tilespmem:$0x8700] =	vst v3;
	v3 =	vld [tilespmem:$0x470]  }
0xf2: {  	s5 =	simm.s32 $0x400;
	v4 =	vld [tilespmem:s6+$0x470]  }
.LBB2_32:
0xf3: {  	p1 =	sne.s32 s5, $0x7E00  }
.Ltmp17:
0xf4: {  	_ = 	snop;
	(pc) =	sbr.rel @p1 .LBB2_32-.Ltmp17, $4  }
0xf5: {  	s0 =	sadd.s32 $0x80, s0  }
0xf6: {  	s6 =	sand.u32 $0x7000, s5;
	s9 =	sand.u32 $0x380, s0  }
0xf7: {  	s6 =	sor.u32 s9, s6  }
0xf8: {  	s5 =	sadd.s32 $0x200, s5;
	v3 =	vadd.f32 v4, v3;
	v4 =	vld [tilespmem:s6+$0x470]  }
0xf9: {  	_ =	sdelay $0x3  }
0xfa: {  	s5 =	simm.s32 $0x200;
	s0 =	simm.s32 $0x80;
	v3 =	vadd.f32 v4, v3  }
0xfb: {  	s5 =	sand.u32 $0x7000, s5;
	s6 =	sand.u32 $0x380, s0  }
0xfc: {  	s6 =	sor.u32 s6, s5;
	[tilespmem:$0x8780] =	vst v3;
	v3 =	vld [tilespmem:$0x800]  }
0xfd: {  	s5 =	simm.s32 $0x400;
	v4 =	vld [tilespmem:s6+$0x800]  }
.LBB2_34:
0xfe: {  	p1 =	sne.s32 s5, $0x7E00  }
.Ltmp18:
0xff: {  	_ = 	snop;
	(pc) =	sbr.rel @p1 .LBB2_34-.Ltmp18, $4  }
0x100: {  	s0 =	sadd.s32 $0x80, s0  }
0x101: {  	s6 =	sand.u32 $0x7000, s5;
	s9 =	sand.u32 $0x380, s0  }
0x102: {  	s6 =	sor.u32 s9, s6  }
0x103: {  	s5 =	sadd.s32 $0x200, s5;
	v3 =	vadd.f32 v4, v3;
	v4 =	vld [tilespmem:s6+$0x800]  }
0x104: {  	_ =	sdelay $0x3  }
0x105: {  	s5 =	simm.s32 $0x200;
	s0 =	simm.s32 $0x80;
	v3 =	vadd.f32 v4, v3  }
0x106: {  	s5 =	sand.u32 $0x7000, s5;
	s6 =	sand.u32 $0x380, s0  }
0x107: {  	s6 =	sor.u32 s6, s5;
	[tilespmem:$0x8800] =	vst v3;
	v3 =	vld [tilespmem:$0x810]  }
0x108: {  	s5 =	simm.s32 $0x400;
	v4 =	vld [tilespmem:s6+$0x810]  }
.LBB2_36:
0x109: {  	p1 =	sne.s32 s5, $0x7E00  }
.Ltmp19:
0x10a: {  	_ = 	snop;
	(pc) =	sbr.rel @p1 .LBB2_36-.Ltmp19, $4  }
0x10b: {  	s0 =	sadd.s32 $0x80, s0  }
0x10c: {  	s6 =	sand.u32 $0x7000, s5;
	s9 =	sand.u32 $0x380, s0  }
0x10d: {  	s6 =	sor.u32 s9, s6  }
0x10e: {  	s5 =	sadd.s32 $0x200, s5;
	v3 =	vadd.f32 v4, v3;
	v4 =	vld [tilespmem:s6+$0x810]  }
0x10f: {  	_ =	sdelay $0x3  }
0x110: {  	s5 =	simm.s32 $0x200;
	s0 =	simm.s32 $0x80;
	v3 =	vadd.f32 v4, v3  }
0x111: {  	s5 =	sand.u32 $0x7000, s5;
	s6 =	sand.u32 $0x380, s0  }
0x112: {  	s6 =	sor.u32 s6, s5;
	[tilespmem:$0x8880] =	vst v3;
	v3 =	vld [tilespmem:$0x820]  }
0x113: {  	s5 =	simm.s32 $0x400;
	v4 =	vld [tilespmem:s6+$0x820]  }
.LBB2_38:
0x114: {  	p1 =	sne.s32 s5, $0x7E00  }
.Ltmp20:
0x115: {  	_ = 	snop;
	(pc) =	sbr.rel @p1 .LBB2_38-.Ltmp20, $4  }
0x116: {  	s0 =	sadd.s32 $0x80, s0  }
0x117: {  	s6 =	sand.u32 $0x7000, s5;
	s9 =	sand.u32 $0x380, s0  }
0x118: {  	s6 =	sor.u32 s9, s6  }
0x119: {  	s5 =	sadd.s32 $0x200, s5;
	v3 =	vadd.f32 v4, v3;
	v4 =	vld [tilespmem:s6+$0x820]  }
0x11a: {  	_ =	sdelay $0x3  }
0x11b: {  	s5 =	simm.s32 $0x200;
	s0 =	simm.s32 $0x80;
	v3 =	vadd.f32 v4, v3  }
0x11c: {  	s5 =	sand.u32 $0x7000, s5;
	s6 =	sand.u32 $0x380, s0  }
0x11d: {  	s6 =	sor.u32 s6, s5;
	[tilespmem:$0x8900] =	vst v3;
	v3 =	vld [tilespmem:$0x830]  }
0x11e: {  	s5 =	simm.s32 $0x400;
	v4 =	vld [tilespmem:s6+$0x830]  }
.LBB2_40:
0x11f: {  	p1 =	sne.s32 s5, $0x7E00  }
.Ltmp21:
0x120: {  	_ = 	snop;
	(pc) =	sbr.rel @p1 .LBB2_40-.Ltmp21, $4  }
0x121: {  	s0 =	sadd.s32 $0x80, s0  }
0x122: {  	s6 =	sand.u32 $0x7000, s5;
	s9 =	sand.u32 $0x380, s0  }
0x123: {  	s6 =	sor.u32 s9, s6  }
0x124: {  	s5 =	sadd.s32 $0x200, s5;
	v3 =	vadd.f32 v4, v3;
	v4 =	vld [tilespmem:s6+$0x830]  }
0x125: {  	_ =	sdelay $0x3  }
0x126: {  	s5 =	simm.s32 $0x200;
	s0 =	simm.s32 $0x80;
	v3 =	vadd.f32 v4, v3  }
0x127: {  	s5 =	sand.u32 $0x7000, s5;
	s6 =	sand.u32 $0x380, s0  }
0x128: {  	s6 =	sor.u32 s6, s5;
	[tilespmem:$0x8980] =	vst v3;
	v3 =	vld [tilespmem:$0x840]  }
0x129: {  	s5 =	simm.s32 $0x400;
	v4 =	vld [tilespmem:s6+$0x840]  }
.LBB2_42:
0x12a: {  	p1 =	sne.s32 s5, $0x7E00  }
.Ltmp22:
0x12b: {  	_ = 	snop;
	(pc) =	sbr.rel @p1 .LBB2_42-.Ltmp22, $4  }
0x12c: {  	s0 =	sadd.s32 $0x80, s0  }
0x12d: {  	s6 =	sand.u32 $0x7000, s5;
	s9 =	sand.u32 $0x380, s0  }
0x12e: {  	s6 =	sor.u32 s9, s6  }
0x12f: {  	s5 =	sadd.s32 $0x200, s5;
	v3 =	vadd.f32 v4, v3;
	v4 =	vld [tilespmem:s6+$0x840]  }
0x130: {  	_ =	sdelay $0x3  }
0x131: {  	s5 =	simm.s32 $0x200;
	s0 =	simm.s32 $0x80;
	v3 =	vadd.f32 v4, v3  }
0x132: {  	s5 =	sand.u32 $0x7000, s5;
	s6 =	sand.u32 $0x380, s0  }
0x133: {  	s6 =	sor.u32 s6, s5;
	[tilespmem:$0x8A00] =	vst v3;
	v3 =	vld [tilespmem:$0x850]  }
0x134: {  	s5 =	simm.s32 $0x400;
	v4 =	vld [tilespmem:s6+$0x850]  }
.LBB2_44:
0x135: {  	p1 =	sne.s32 s5, $0x7E00  }
.Ltmp23:
0x136: {  	_ = 	snop;
	(pc) =	sbr.rel @p1 .LBB2_44-.Ltmp23, $4  }
0x137: {  	s0 =	sadd.s32 $0x80, s0  }
0x138: {  	s6 =	sand.u32 $0x7000, s5;
	s9 =	sand.u32 $0x380, s0  }
0x139: {  	s6 =	sor.u32 s9, s6  }
0x13a: {  	s5 =	sadd.s32 $0x200, s5;
	v3 =	vadd.f32 v4, v3;
	v4 =	vld [tilespmem:s6+$0x850]  }
0x13b: {  	_ =	sdelay $0x3  }
0x13c: {  	s5 =	simm.s32 $0x200;
	s0 =	simm.s32 $0x80;
	v3 =	vadd.f32 v4, v3  }
0x13d: {  	s5 =	sand.u32 $0x7000, s5;
	s6 =	sand.u32 $0x380, s0  }
0x13e: {  	s6 =	sor.u32 s6, s5;
	[tilespmem:$0x8A80] =	vst v3;
	v3 =	vld [tilespmem:$0x860]  }
0x13f: {  	s5 =	simm.s32 $0x400;
	v4 =	vld [tilespmem:s6+$0x860]  }
.LBB2_46:
0x140: {  	p1 =	sne.s32 s5, $0x7E00  }
.Ltmp24:
0x141: {  	_ = 	snop;
	(pc) =	sbr.rel @p1 .LBB2_46-.Ltmp24, $4  }
0x142: {  	s0 =	sadd.s32 $0x80, s0  }
0x143: {  	s6 =	sand.u32 $0x7000, s5;
	s9 =	sand.u32 $0x380, s0  }
0x144: {  	s6 =	sor.u32 s9, s6  }
0x145: {  	s5 =	sadd.s32 $0x200, s5;
	v3 =	vadd.f32 v4, v3;
	v4 =	vld [tilespmem:s6+$0x860]  }
0x146: {  	_ =	sdelay $0x3  }
0x147: {  	s5 =	simm.s32 $0x200;
	s0 =	simm.s32 $0x80;
	v3 =	vadd.f32 v4, v3  }
0x148: {  	s5 =	sand.u32 $0x7000, s5;
	s6 =	sand.u32 $0x380, s0  }
0x149: {  	s6 =	sor.u32 s6, s5;
	[tilespmem:$0x8B00] =	vst v3;
	v3 =	vld [tilespmem:$0x870]  }
0x14a: {  	s5 =	simm.s32 $0x400;
	v4 =	vld [tilespmem:s6+$0x870]  }
.LBB2_48:
0x14b: {  	p1 =	sne.s32 s5, $0x7E00  }
.Ltmp25:
0x14c: {  	_ = 	snop;
	(pc) =	sbr.rel @p1 .LBB2_48-.Ltmp25, $4  }
0x14d: {  	s0 =	sadd.s32 $0x80, s0  }
0x14e: {  	s6 =	sand.u32 $0x7000, s5;
	s9 =	sand.u32 $0x380, s0  }
0x14f: {  	s6 =	sor.u32 s9, s6  }
0x150: {  	s5 =	sadd.s32 $0x200, s5;
	v3 =	vadd.f32 v4, v3;
	v4 =	vld [tilespmem:s6+$0x870]  }
0x151: {  	_ =	sdelay $0x3  }
0x152: {  	s5 =	simm.s32 $0x200;
	s0 =	simm.s32 $0x80;
	v3 =	vadd.f32 v4, v3  }
0x153: {  	s5 =	sand.u32 $0x7000, s5;
	s6 =	sand.u32 $0x380, s0  }
0x154: {  	s6 =	sor.u32 s6, s5;
	[tilespmem:$0x8B80] =	vst v3;
	v3 =	vld [tilespmem:$0xC00]  }
0x155: {  	s5 =	simm.s32 $0x400;
	v4 =	vld [tilespmem:s6+$0xC00]  }
.LBB2_50:
0x156: {  	p1 =	sne.s32 s5, $0x7E00  }
.Ltmp26:
0x157: {  	_ = 	snop;
	(pc) =	sbr.rel @p1 .LBB2_50-.Ltmp26, $4  }
0x158: {  	s0 =	sadd.s32 $0x80, s0  }
0x159: {  	s6 =	sand.u32 $0x7000, s5;
	s9 =	sand.u32 $0x380, s0  }
0x15a: {  	s6 =	sor.u32 s9, s6  }
0x15b: {  	s5 =	sadd.s32 $0x200, s5;
	v3 =	vadd.f32 v4, v3;
	v4 =	vld [tilespmem:s6+$0xC00]  }
0x15c: {  	_ =	sdelay $0x3  }
0x15d: {  	s5 =	simm.s32 $0x200;
	s0 =	simm.s32 $0x80;
	v3 =	vadd.f32 v4, v3  }
0x15e: {  	s5 =	sand.u32 $0x7000, s5;
	s6 =	sand.u32 $0x380, s0  }
0x15f: {  	s6 =	sor.u32 s6, s5;
	[tilespmem:$0x8C00] =	vst v3;
	v3 =	vld [tilespmem:$0xC10]  }
0x160: {  	s5 =	simm.s32 $0x400;
	v4 =	vld [tilespmem:s6+$0xC10]  }
.LBB2_52:
0x161: {  	p1 =	sne.s32 s5, $0x7E00  }
.Ltmp27:
0x162: {  	_ = 	snop;
	(pc) =	sbr.rel @p1 .LBB2_52-.Ltmp27, $4  }
0x163: {  	s0 =	sadd.s32 $0x80, s0  }
0x164: {  	s6 =	sand.u32 $0x7000, s5;
	s9 =	sand.u32 $0x380, s0  }
0x165: {  	s6 =	sor.u32 s9, s6  }
0x166: {  	s5 =	sadd.s32 $0x200, s5;
	v3 =	vadd.f32 v4, v3;
	v4 =	vld [tilespmem:s6+$0xC10]  }
0x167: {  	_ =	sdelay $0x3  }
0x168: {  	s5 =	simm.s32 $0x200;
	s0 =	simm.s32 $0x80;
	v3 =	vadd.f32 v4, v3  }
0x169: {  	s5 =	sand.u32 $0x7000, s5;
	s6 =	sand.u32 $0x380, s0  }
0x16a: {  	s6 =	sor.u32 s6, s5;
	[tilespmem:$0x8C80] =	vst v3;
	v3 =	vld [tilespmem:$0xC20]  }
0x16b: {  	s5 =	simm.s32 $0x400;
	v4 =	vld [tilespmem:s6+$0xC20]  }
.LBB2_54:
0x16c: {  	p1 =	sne.s32 s5, $0x7E00  }
.Ltmp28:
0x16d: {  	_ = 	snop;
	(pc) =	sbr.rel @p1 .LBB2_54-.Ltmp28, $4  }
0x16e: {  	s0 =	sadd.s32 $0x80, s0  }
0x16f: {  	s6 =	sand.u32 $0x7000, s5;
	s9 =	sand.u32 $0x380, s0  }
0x170: {  	s6 =	sor.u32 s9, s6  }
0x171: {  	s5 =	sadd.s32 $0x200, s5;
	v3 =	vadd.f32 v4, v3;
	v4 =	vld [tilespmem:s6+$0xC20]  }
0x172: {  	_ =	sdelay $0x3  }
0x173: {  	s5 =	simm.s32 $0x200;
	s0 =	simm.s32 $0x80;
	v3 =	vadd.f32 v4, v3  }
0x174: {  	s5 =	sand.u32 $0x7000, s5;
	s6 =	sand.u32 $0x380, s0  }
0x175: {  	s6 =	sor.u32 s6, s5;
	[tilespmem:$0x8D00] =	vst v3;
	v3 =	vld [tilespmem:$0xC30]  }
0x176: {  	s5 =	simm.s32 $0x400;
	v4 =	vld [tilespmem:s6+$0xC30]  }
.LBB2_56:
0x177: {  	p1 =	sne.s32 s5, $0x7E00  }
.Ltmp29:
0x178: {  	_ = 	snop;
	(pc) =	sbr.rel @p1 .LBB2_56-.Ltmp29, $4  }
0x179: {  	s0 =	sadd.s32 $0x80, s0  }
0x17a: {  	s6 =	sand.u32 $0x7000, s5;
	s9 =	sand.u32 $0x380, s0  }
0x17b: {  	s6 =	sor.u32 s9, s6  }
0x17c: {  	s5 =	sadd.s32 $0x200, s5;
	v3 =	vadd.f32 v4, v3;
	v4 =	vld [tilespmem:s6+$0xC30]  }
0x17d: {  	_ =	sdelay $0x3  }
0x17e: {  	s5 =	simm.s32 $0x200;
	s0 =	simm.s32 $0x80;
	v3 =	vadd.f32 v4, v3  }
0x17f: {  	s5 =	sand.u32 $0x7000, s5;
	s6 =	sand.u32 $0x380, s0  }
0x180: {  	s6 =	sor.u32 s6, s5;
	[tilespmem:$0x8D80] =	vst v3;
	v3 =	vld [tilespmem:$0xC40]  }
0x181: {  	s5 =	simm.s32 $0x400;
	v4 =	vld [tilespmem:s6+$0xC40]  }
.LBB2_58:
0x182: {  	p1 =	sne.s32 s5, $0x7E00  }
.Ltmp30:
0x183: {  	_ = 	snop;
	(pc) =	sbr.rel @p1 .LBB2_58-.Ltmp30, $4  }
0x184: {  	s0 =	sadd.s32 $0x80, s0  }
0x185: {  	s6 =	sand.u32 $0x7000, s5;
	s9 =	sand.u32 $0x380, s0  }
0x186: {  	s6 =	sor.u32 s9, s6  }
0x187: {  	s5 =	sadd.s32 $0x200, s5;
	v3 =	vadd.f32 v4, v3;
	v4 =	vld [tilespmem:s6+$0xC40]  }
0x188: {  	_ =	sdelay $0x3  }
0x189: {  	s5 =	simm.s32 $0x200;
	s0 =	simm.s32 $0x80;
	v3 =	vadd.f32 v4, v3  }
0x18a: {  	s5 =	sand.u32 $0x7000, s5;
	s6 =	sand.u32 $0x380, s0  }
0x18b: {  	s6 =	sor.u32 s6, s5;
	[tilespmem:$0x8E00] =	vst v3;
	v3 =	vld [tilespmem:$0xC50]  }
0x18c: {  	s5 =	simm.s32 $0x400;
	v4 =	vld [tilespmem:s6+$0xC50]  }
.LBB2_60:
0x18d: {  	p1 =	sne.s32 s5, $0x7E00  }
.Ltmp31:
0x18e: {  	_ = 	snop;
	(pc) =	sbr.rel @p1 .LBB2_60-.Ltmp31, $4  }
0x18f: {  	s0 =	sadd.s32 $0x80, s0  }
0x190: {  	s6 =	sand.u32 $0x7000, s5;
	s9 =	sand.u32 $0x380, s0  }
0x191: {  	s6 =	sor.u32 s9, s6  }
0x192: {  	s5 =	sadd.s32 $0x200, s5;
	v3 =	vadd.f32 v4, v3;
	v4 =	vld [tilespmem:s6+$0xC50]  }
0x193: {  	_ =	sdelay $0x3  }
0x194: {  	s5 =	simm.s32 $0x200;
	s0 =	simm.s32 $0x80;
	v3 =	vadd.f32 v4, v3  }
0x195: {  	s5 =	sand.u32 $0x7000, s5;
	s6 =	sand.u32 $0x380, s0  }
0x196: {  	s6 =	sor.u32 s6, s5;
	[tilespmem:$0x8E80] =	vst v3;
	v3 =	vld [tilespmem:$0xC60]  }
0x197: {  	s5 =	simm.s32 $0x400;
	v4 =	vld [tilespmem:s6+$0xC60]  }
.LBB2_62:
0x198: {  	p1 =	sne.s32 s5, $0x7E00  }
.Ltmp32:
0x199: {  	_ = 	snop;
	(pc) =	sbr.rel @p1 .LBB2_62-.Ltmp32, $4  }
0x19a: {  	s0 =	sadd.s32 $0x80, s0  }
0x19b: {  	s6 =	sand.u32 $0x7000, s5;
	s9 =	sand.u32 $0x380, s0  }
0x19c: {  	s6 =	sor.u32 s9, s6  }
0x19d: {  	s5 =	sadd.s32 $0x200, s5;
	v3 =	vadd.f32 v4, v3;
	v4 =	vld [tilespmem:s6+$0xC60]  }
0x19e: {  	_ =	sdelay $0x3  }
0x19f: {  	s5 =	simm.s32 $0x200;
	s0 =	simm.s32 $0x80;
	v3 =	vadd.f32 v4, v3  }
0x1a0: {  	s5 =	sand.u32 $0x7000, s5;
	s6 =	sand.u32 $0x380, s0  }
0x1a1: {  	s6 =	sor.u32 s6, s5;
	[tilespmem:$0x8F00] =	vst v3;
	v3 =	vld [tilespmem:$0xC70]  }
0x1a2: {  	s5 =	simm.s32 $0x400;
	v4 =	vld [tilespmem:s6+$0xC70]  }
.LBB2_64:
0x1a3: {  	p1 =	sne.s32 s5, $0x7E00  }
.Ltmp33:
0x1a4: {  	_ = 	snop;
	(pc) =	sbr.rel @p1 .LBB2_64-.Ltmp33, $4  }
0x1a5: {  	s0 =	sadd.s32 $0x80, s0  }
0x1a6: {  	s6 =	sand.u32 $0x7000, s5;
	s9 =	sand.u32 $0x380, s0  }
0x1a7: {  	s6 =	sor.u32 s9, s6  }
0x1a8: {  	s5 =	sadd.s32 $0x200, s5;
	v3 =	vadd.f32 v4, v3;
	v4 =	vld [tilespmem:s6+$0xC70]  }
0x1a9: {  	_ =	sdelay $0x3  }
0x1aa: {  	v3 =	vadd.f32 v4, v3;
	_ =	sdelay $0x1  }
0x1ab: {  	s0 =	simm.s32 $0x20;
	s4 =	simm.s32 $0xB000;
	s5 =	simm.s32 $0x8000;
	[tilespmem:$0x8F80] =	vst v3  }
0x1ac: {  	[spmem:s2] =	stream.indirect.scatter.add.f32 [tilespmem:s5], [sflag:$0x4], $0x10, s4, s0, $0xb8;
	[tilespmem:$0x17920] =	vst v63  }
0x1ad: {  	_ =	swait.ge [sflag:s10], $0x200  }
0x1ae: {  	[sflag:s10] =	ssyncset.done $0x0  }
0x1af: {  	[sflag:s10] =	ssyncadd.s32 $0xFFFFFE00  }
0x1b0: {  	s31 =	simm.s32 $0xA000;
	[bflag:$0x0] =	sbarrier.arrive $0xFFFF  }
0x1b1: {  	[tilespmem:s31], [sflag:$0x4] =	stream.linear.gather [spmem:s2], $0x1000, $0x38;
	[tilespmem:$0x17920] =	vst v63  }
0x1b2: {  	_ =	swait.ge [sflag:s10], $0x1000  }
0x1b3: {  	[sflag:s10] =	ssyncset.done $0x0  }
0x1b4: {  	[sflag:s10] =	ssyncadd.s32 $0xFFFFF000  }
0x1b5: {  	v3 =	vld [tilespmem:$0xA000]  }
0x1b6: {  	v4 =	vld [tilespmem:$0xA080]  }
0x1b7: {  	v5 =	vld [tilespmem:$0xA100]  }
0x1b8: {  	v6 =	vld [tilespmem:$0xA180]  }
0x1b9: {  	v7 =	vld [tilespmem:$0xA200]  }
0x1ba: {  	v8 =	vld [tilespmem:$0xA280]  }
0x1bb: {  	v9 =	vld [tilespmem:$0xA300]  }
0x1bc: {  	v10 =	vld [tilespmem:$0xA380]  }
0x1bd: {  	v11 =	vld [tilespmem:$0xA400]  }
0x1be: {  	v12 =	vld [tilespmem:$0xA480]  }
0x1bf: {  	v13 =	vld [tilespmem:$0xA500]  }
0x1c0: {  	v14 =	vld [tilespmem:$0xA580]  }
0x1c1: {  	v15 =	vld [tilespmem:$0xA600]  }
0x1c2: {  	v16 =	vld [tilespmem:$0xA680]  }
0x1c3: {  	v17 =	vld [tilespmem:$0xA700]  }
0x1c4: {  	v18 =	vld [tilespmem:$0xA780]  }
0x1c5: {  	v19 =	vld [tilespmem:$0xA800]  }
0x1c6: {  	v20 =	vld [tilespmem:$0xA880]  }
0x1c7: {  	v21 =	vld [tilespmem:$0xA900]  }
0x1c8: {  	v22 =	vld [tilespmem:$0xA980]  }
0x1c9: {  	v23 =	vld [tilespmem:$0xAA00]  }
0x1ca: {  	v24 =	vld [tilespmem:$0xAA80];
	v3 =	vmul.f32 $9.765625000e-04, v3;
	v4 =	vmul.f32 $9.765625000e-04, v4  }
0x1cb: {  	v25 =	vld [tilespmem:$0xAB00];
	v5 =	vmul.f32 $9.765625000e-04, v5;
	v6 =	vmul.f32 $9.765625000e-04, v6  }
0x1cc: {  	v26 =	vld [tilespmem:$0xAB80];
	v7 =	vmul.f32 $9.765625000e-04, v7;
	v8 =	vmul.f32 $9.765625000e-04, v8  }
0x1cd: {  	v27 =	vld [tilespmem:$0xAC00];
	v9 =	vmul.f32 $9.765625000e-04, v9;
	v10 =	vmul.f32 $9.765625000e-04, v10  }
0x1ce: {  	v28 =	vld [tilespmem:$0xAC80];
	v11 =	vmul.f32 $9.765625000e-04, v11;
	v12 =	vmul.f32 $9.765625000e-04, v12  }
0x1cf: {  	v29 =	vld [tilespmem:$0xAD00];
	v13 =	vmul.f32 $9.765625000e-04, v13;
	v14 =	vmul.f32 $9.765625000e-04, v14  }
0x1d0: {  	v30 =	vld [tilespmem:$0xAD80];
	v15 =	vmul.f32 $9.765625000e-04, v15;
	v16 =	vmul.f32 $9.765625000e-04, v16  }
0x1d1: {  	v31 =	vld [tilespmem:$0xAE00];
	v17 =	vmul.f32 $9.765625000e-04, v17;
	v18 =	vmul.f32 $9.765625000e-04, v18  }
0x1d2: {  	v32 =	vld [tilespmem:$0xAE80];
	v19 =	vmul.f32 $9.765625000e-04, v19;
	v20 =	vmul.f32 $9.765625000e-04, v20  }
0x1d3: {  	v33 =	vld [tilespmem:$0xAF00];
	v21 =	vmul.f32 $9.765625000e-04, v21;
	v22 =	vmul.f32 $9.765625000e-04, v22  }
0x1d4: {  	v34 =	vld [tilespmem:$0xAF80];
	v23 =	vmul.f32 $9.765625000e-04, v23;
	v24 =	vmul.f32 $9.765625000e-04, v24  }
0x1d5: {  	v25 =	vmul.f32 $9.765625000e-04, v25;
	v26 =	vmul.f32 $9.765625000e-04, v26  }
0x1d6: {  	v27 =	vmul.f32 $9.765625000e-04, v27;
	v28 =	vmul.f32 $9.765625000e-04, v28  }
0x1d7: {  	v29 =	vmul.f32 $9.765625000e-04, v29;
	v30 =	vmul.f32 $9.765625000e-04, v30  }
0x1d8: {  	v31 =	vmul.f32 $9.765625000e-04, v31;
	v32 =	vmul.f32 $9.765625000e-04, v32  }
0x1d9: {  	s24 =	simm.s32 $0x0;
	v35 =	vimm.f32 $+Inf;
	v33 =	vmul.f32 $9.765625000e-04, v33;
	v34 =	vmul.f32 $9.765625000e-04, v34  }
.LBB2_66:
0x1da: {  	_ =	swait.ge [sflag:s19], $0x6000  }
0x1db: {  	[sflag:s19] =	ssyncset.done $0x0  }
0x1dc: {  	s25 =	simm.s32 $0x0;
	s26 =	simm.s32 $0x0;
	[sflag:s19] =	ssyncadd.s32 $0xFFFFA000  }
.LBB2_67:
0x1dd: {  	s11 =	sadd.s32 $0x0, s25  }
0x1de: {  	s28 =	simm.s32 $0x0;
	s0 =	sand.u32 $0x7000, s11  }
0x1df: {  	s5 =	sand.u32 $0x200, s28;
	s0 =	sadd.s32 $0xB080, s0  }
0x1e0: {  	s5 =	sor.u32 s5, s0  }
0x1e1: {  	v36 =	vld [tilespmem:s5+$0x0]  }
0x1e2: {  	v37 =	vld [tilespmem:s5+$0x10];
	_ =	sdelay $0x1  }
0x1e3: {  	v38 =	vld [tilespmem:s5+$0x20];
	_ =	sdelay $0x1  }
0x1e4: {  	v39 =	vld [tilespmem:s5+$0x30]  }
0x1e5: {  	v36 =	vsub.f32 v36, v3;
	v37 =	vsub.f32 v37, v4  }
0x1e6: {  	v40 =	vld [tilespmem:s5+$0x40]  }
0x1e7: {  	v38 =	vsub.f32 v38, v5;
	v36 =	vmul.f32 v36, v36;
	v37 =	vmul.f32 v37, v37  }
0x1e8: {  	v41 =	vld [tilespmem:s5+$0x50]  }
0x1e9: {  	v50 =	vsub.f32 v39, v6;
	v49 =	vmul.f32 v38, v38;
	v36 =	vadd.f32 v37, v36  }
0x1ea: {  	v51 =	vld [tilespmem:s5+$0x60]  }
0x1eb: {  	v53 =	vsub.f32 v40, v7;
	v52 =	vmul.f32 v50, v50;
	v36 =	vadd.f32 v49, v36  }
0x1ec: {  	v54 =	vld [tilespmem:s5+$0x70]  }
0x1ed: {  	v56 =	vsub.f32 v41, v8;
	v55 =	vmul.f32 v53, v53;
	v36 =	vadd.f32 v52, v36  }
0x1ee: {  	v57 =	vld [tilespmem:s5+$0x400]  }
0x1ef: {  	v59 =	vsub.f32 v51, v9;
	v58 =	vmul.f32 v56, v56;
	v36 =	vadd.f32 v55, v36  }
0x1f0: {  	v60 =	vld [tilespmem:s5+$0x410]  }
0x1f1: {  	v62 =	vsub.f32 v54, v10;
	v61 =	vmul.f32 v59, v59;
	v36 =	vadd.f32 v58, v36  }
0x1f2: {  	v63 =	vld [tilespmem:s5+$0x420]  }
0x1f3: {  	v45 =	vsub.f32 v57, v11;
	v44 =	vmul.f32 v62, v62;
	v36 =	vadd.f32 v61, v36  }
0x1f4: {  	v46 =	vld [tilespmem:s5+$0x430]  }
0x1f5: {  	v48 =	vsub.f32 v60, v12;
	v47 =	vmul.f32 v45, v45;
	v36 =	vadd.f32 v44, v36  }
0x1f6: {  	v49 =	vld [tilespmem:s5+$0x440]  }
0x1f7: {  	v51 =	vsub.f32 v63, v13;
	v50 =	vmul.f32 v48, v48;
	v36 =	vadd.f32 v47, v36  }
0x1f8: {  	v52 =	vld [tilespmem:s5+$0x450]  }
0x1f9: {  	p1 =	por $0x0, $0x0;
	s6 =	simm.s32 $0x1;
	v54 =	vsub.f32 v46, v14;
	v53 =	vmul.f32 v51, v51;
	v36 =	vadd.f32 v50, v36  }
0x1fa: {  	s6 =	simm.s32 @!p1 $0x0;
	v55 =	vld [tilespmem:s5+$0x460]  }
0x1fb: {  	s6 =	sshll.u32 s6, $0x9;
	v56 =	vmul.f32 v54, v54;
	v57 =	vsub.f32 v49, v15;
	v36 =	vadd.f32 v53, v36  }
0x1fc: {  	v58 =	vld [tilespmem:s5+$0x470];
	s5 =	sadd.s32 s6, s11  }
0x1fd: {  	v59 =	vmul.f32 v57, v57;
	v60 =	vsub.f32 v52, v16;
	s6 =	sor.u32 $0x800, s5;
	v36 =	vadd.f32 v56, v36  }
0x1fe: {  	v61 =	vld [tilespmem:s6+$0xB080]  }
0x1ff: {  	s18 =	sor.u32 $0x810, s5;
	v62 =	vmul.f32 v60, v60;
	v63 =	vsub.f32 v55, v17;
	v36 =	vadd.f32 v59, v36  }
0x200: {  	v44 =	vld [tilespmem:s18+$0xB080]  }
0x201: {  	s22 =	sor.u32 $0x820, s5;
	v45 =	vmul.f32 v63, v63;
	v46 =	vsub.f32 v58, v18;
	v36 =	vadd.f32 v62, v36  }
0x202: {  	v47 =	vld [tilespmem:s22+$0xB080]  }
0x203: {  	s31 =	sor.u32 $0x830, s5;
	v48 =	vmul.f32 v46, v46;
	v49 =	vsub.f32 v61, v19;
	v36 =	vadd.f32 v45, v36  }
0x204: {  	v50 =	vld [tilespmem:s31+$0xB080]  }
0x205: {  	s2 =	sor.u32 $0x840, s5;
	v51 =	vmul.f32 v49, v49;
	v52 =	vsub.f32 v44, v20;
	v36 =	vadd.f32 v48, v36  }
0x206: {  	v53 =	vld [tilespmem:s2+$0xB080]  }
0x207: {  	s4 =	sor.u32 $0x850, s5;
	v54 =	vmul.f32 v52, v52;
	v55 =	vsub.f32 v47, v21;
	v36 =	vadd.f32 v51, v36  }
0x208: {  	v56 =	vld [tilespmem:s4+$0xB080]  }
0x209: {  	s9 =	sor.u32 $0x860, s5;
	v57 =	vmul.f32 v55, v55;
	v58 =	vsub.f32 v50, v22;
	v36 =	vadd.f32 v54, v36  }
0x20a: {  	v59 =	vld [tilespmem:s9+$0xB080]  }
0x20b: {  	s10 =	sor.u32 $0x870, s5;
	v41 =	vsub.f32 v53, v23;
	v60 =	vmul.f32 v58, v58;
	v36 =	vadd.f32 v57, v36  }
0x20c: {  	v61 =	vld [tilespmem:s10+$0xB080]  }
0x20d: {  	s13 =	sor.u32 $0xC00, s5;
	v62 =	vmul.f32 v41, v41;
	v39 =	vsub.f32 v56, v24;
	v36 =	vadd.f32 v60, v36  }
0x20e: {  	v63 =	vld [tilespmem:s13+$0xB080]  }
0x20f: {  	s14 =	sor.u32 $0xC10, s5;
	v44 =	vmul.f32 v39, v39;
	v45 =	vsub.f32 v59, v25;
	v36 =	vadd.f32 v62, v36  }
0x210: {  	v46 =	vld [tilespmem:s14+$0xB080]  }
0x211: {  	s15 =	sor.u32 $0xC20, s5;
	v38 =	vsub.f32 v61, v26;
	v47 =	vmul.f32 v45, v45;
	v36 =	vadd.f32 v44, v36  }
0x212: {  	v48 =	vld [tilespmem:s15+$0xB080]  }
0x213: {  	s16 =	sor.u32 $0xC30, s5;
	v50 =	vsub.f32 v63, v27;
	v49 =	vmul.f32 v38, v38;
	v36 =	vadd.f32 v47, v36  }
0x214: {  	v51 =	vld [tilespmem:s16+$0xB080]  }
0x215: {  	s17 =	sor.u32 $0xC40, s5;
	v52 =	vmul.f32 v50, v50;
	v53 =	vsub.f32 v46, v28;
	v36 =	vadd.f32 v49, v36  }
0x216: {  	v54 =	vld [tilespmem:s17+$0xB080]  }
0x217: {  	s18 =	sor.u32 $0xC50, s5;
	v55 =	vmul.f32 v53, v53;
	v56 =	vsub.f32 v48, v29;
	v36 =	vadd.f32 v52, v36  }
0x218: {  	v57 =	vld [tilespmem:s18+$0xB080]  }
0x219: {  	s22 =	sor.u32 $0xC60, s5;
	v58 =	vmul.f32 v56, v56;
	v59 =	vsub.f32 v51, v30;
	v36 =	vadd.f32 v55, v36  }
0x21a: {  	v60 =	vld [tilespmem:s22+$0xB080]  }
0x21b: {  	s5 =	sor.u32 $0xC70, s5;
	v61 =	vmul.f32 v59, v59;
	v62 =	vsub.f32 v54, v31;
	v36 =	vadd.f32 v58, v36  }
0x21c: {  	v63 =	vld [tilespmem:s5+$0xB080]  }
0x21d: {  	v43 =	vmul.f32 v62, v62;
	v44 =	vsub.f32 v57, v32;
	v36 =	vadd.f32 v61, v36;
	_ =	sdelay $0x1  }
0x21e: {  	v46 =	vsub.f32 v60, v33;
	v45 =	vmul.f32 v44, v44;
	v36 =	vadd.f32 v43, v36;
	_ =	sdelay $0x1  }
0x21f: {  	v48 =	vsub.f32 v63, v34;
	v47 =	vmul.f32 v46, v46;
	v36 =	vadd.f32 v45, v36;
	_ =	sdelay $0x1  }
0x220: {  	v49 =	vmul.f32 v48, v48;
	v36 =	vadd.f32 v47, v36;
	_ =	sdelay $0x1  }
0x221: {  	s31 =	simm.s32 $0x80;
	v36 =	vadd.f32 v49, v36  }
0x222: {  	s29 =	simm.s32 $0x0;
	s5 =	sand.u32 $0x280, s31  }
0x223: {  	s14 =	sadd.s32 s5, s0;
	[tilespmem:s29+$0x17080] =	vst v36  }
0x224: {  	v36 =	vld [tilespmem:s14+$0x0]  }
0x225: {  	v50 =	vld [tilespmem:s14+$0x10];
	_ =	sdelay $0x1  }
0x226: {  	v51 =	vld [tilespmem:s14+$0x20];
	_ =	sdelay $0x1  }
0x227: {  	v52 =	vld [tilespmem:s14+$0x30]  }
0x228: {  	v36 =	vsub.f32 v36, v3;
	v37 =	vsub.f32 v50, v4  }
0x229: {  	v53 =	vld [tilespmem:s14+$0x40]  }
0x22a: {  	v38 =	vsub.f32 v51, v5;
	v36 =	vmul.f32 v36, v36;
	v37 =	vmul.f32 v37, v37  }
0x22b: {  	v54 =	vld [tilespmem:s14+$0x50]  }
0x22c: {  	v56 =	vsub.f32 v52, v6;
	v55 =	vmul.f32 v38, v38;
	v36 =	vadd.f32 v37, v36  }
0x22d: {  	v57 =	vld [tilespmem:s14+$0x60]  }
0x22e: {  	v59 =	vsub.f32 v53, v7;
	v58 =	vmul.f32 v56, v56;
	v36 =	vadd.f32 v55, v36  }
0x22f: {  	v60 =	vld [tilespmem:s14+$0x70]  }
0x230: {  	v62 =	vsub.f32 v54, v8;
	v61 =	vmul.f32 v59, v59;
	v36 =	vadd.f32 v58, v36  }
0x231: {  	v63 =	vld [tilespmem:s14+$0x400]  }
0x232: {  	v44 =	vsub.f32 v57, v9;
	v43 =	vmul.f32 v62, v62;
	v36 =	vadd.f32 v61, v36  }
0x233: {  	v45 =	vld [tilespmem:s14+$0x410]  }
0x234: {  	v47 =	vsub.f32 v60, v10;
	v46 =	vmul.f32 v44, v44;
	v36 =	vadd.f32 v43, v36  }
0x235: {  	v48 =	vld [tilespmem:s14+$0x420]  }
0x236: {  	v50 =	vsub.f32 v63, v11;
	v49 =	vmul.f32 v47, v47;
	v36 =	vadd.f32 v46, v36  }
0x237: {  	v51 =	vld [tilespmem:s14+$0x430]  }
0x238: {  	v53 =	vsub.f32 v45, v12;
	v52 =	vmul.f32 v50, v50;
	v36 =	vadd.f32 v49, v36  }
0x239: {  	v54 =	vld [tilespmem:s14+$0x440]  }
0x23a: {  	v56 =	vsub.f32 v48, v13;
	v55 =	vmul.f32 v53, v53;
	v36 =	vadd.f32 v52, v36  }
0x23b: {  	v57 =	vld [tilespmem:s14+$0x450]  }
0x23c: {  	v59 =	vsub.f32 v51, v14;
	v58 =	vmul.f32 v56, v56;
	v36 =	vadd.f32 v55, v36  }
0x23d: {  	v60 =	vld [tilespmem:s14+$0x460]  }
0x23e: {  	v62 =	vsub.f32 v54, v15;
	v61 =	vmul.f32 v59, v59;
	v36 =	vadd.f32 v58, v36  }
0x23f: {  	v63 =	vld [tilespmem:s14+$0x470]  }
0x240: {  	v45 =	vsub.f32 v57, v16;
	v44 =	vmul.f32 v62, v62;
	v36 =	vadd.f32 v61, v36  }
0x241: {  	v46 =	vld [tilespmem:s14+$0x800]  }
0x242: {  	v48 =	vsub.f32 v60, v17;
	v47 =	vmul.f32 v45, v45;
	v36 =	vadd.f32 v44, v36  }
0x243: {  	v49 =	vld [tilespmem:s14+$0x810]  }
0x244: {  	v51 =	vsub.f32 v63, v18;
	v50 =	vmul.f32 v48, v48;
	v36 =	vadd.f32 v47, v36  }
0x245: {  	v52 =	vld [tilespmem:s14+$0x820]  }
0x246: {  	v53 =	vmul.f32 v51, v51;
	v54 =	vsub.f32 v46, v19;
	v36 =	vadd.f32 v50, v36  }
0x247: {  	v55 =	vld [tilespmem:s14+$0x830]  }
0x248: {  	v56 =	vmul.f32 v54, v54;
	v57 =	vsub.f32 v49, v20;
	v36 =	vadd.f32 v53, v36  }
0x249: {  	v58 =	vld [tilespmem:s14+$0x840]  }
0x24a: {  	v59 =	vmul.f32 v57, v57;
	v60 =	vsub.f32 v52, v21;
	v36 =	vadd.f32 v56, v36  }
0x24b: {  	v61 =	vld [tilespmem:s14+$0x850]  }
0x24c: {  	v62 =	vmul.f32 v60, v60;
	v63 =	vsub.f32 v55, v22;
	v36 =	vadd.f32 v59, v36  }
0x24d: {  	v44 =	vld [tilespmem:s14+$0x860]  }
0x24e: {  	v45 =	vmul.f32 v63, v63;
	v46 =	vsub.f32 v58, v23;
	v36 =	vadd.f32 v62, v36  }
0x24f: {  	v47 =	vld [tilespmem:s14+$0x870]  }
0x250: {  	v48 =	vmul.f32 v46, v46;
	v49 =	vsub.f32 v61, v24;
	v36 =	vadd.f32 v45, v36  }
0x251: {  	v50 =	vld [tilespmem:s14+$0xC00]  }
0x252: {  	v51 =	vmul.f32 v49, v49;
	v52 =	vsub.f32 v44, v25;
	v36 =	vadd.f32 v48, v36  }
0x253: {  	v53 =	vld [tilespmem:s14+$0xC10]  }
0x254: {  	v54 =	vmul.f32 v52, v52;
	v55 =	vsub.f32 v47, v26;
	v36 =	vadd.f32 v51, v36  }
0x255: {  	v56 =	vld [tilespmem:s14+$0xC20]  }
0x256: {  	v57 =	vmul.f32 v55, v55;
	v58 =	vsub.f32 v50, v27;
	v36 =	vadd.f32 v54, v36  }
0x257: {  	v59 =	vld [tilespmem:s14+$0xC30]  }
0x258: {  	v60 =	vmul.f32 v58, v58;
	v61 =	vsub.f32 v53, v28;
	v36 =	vadd.f32 v57, v36  }
0x259: {  	v62 =	vld [tilespmem:s14+$0xC40]  }
0x25a: {  	v63 =	vmul.f32 v61, v61;
	v44 =	vsub.f32 v56, v29;
	v36 =	vadd.f32 v60, v36  }
0x25b: {  	v45 =	vld [tilespmem:s14+$0xC50]  }
0x25c: {  	v46 =	vmul.f32 v44, v44;
	v47 =	vsub.f32 v59, v30;
	v36 =	vadd.f32 v63, v36  }
0x25d: {  	v48 =	vld [tilespmem:s14+$0xC60]  }
0x25e: {  	v49 =	vmul.f32 v47, v47;
	v50 =	vsub.f32 v62, v31;
	v36 =	vadd.f32 v46, v36  }
0x25f: {  	v51 =	vld [tilespmem:s14+$0xC70]  }
0x260: {  	v52 =	vmul.f32 v50, v50;
	v53 =	vsub.f32 v45, v32;
	v36 =	vadd.f32 v49, v36;
	_ =	sdelay $0x1  }
0x261: {  	v54 =	vmul.f32 v53, v53;
	v55 =	vsub.f32 v48, v33;
	v36 =	vadd.f32 v52, v36;
	_ =	sdelay $0x1  }
0x262: {  	v56 =	vmul.f32 v55, v55;
	v57 =	vsub.f32 v51, v34;
	v36 =	vadd.f32 v54, v36;
	_ =	sdelay $0x1  }
0x263: {  	v58 =	vmul.f32 v57, v57;
	v36 =	vadd.f32 v56, v36;
	_ =	sdelay $0x1  }
0x264: {  	s2 =	sadd.s32 $0x400, s11;
	s4 =	simm.s32 $0x100;
	v36 =	vadd.f32 v58, v36  }
0x265: {  	s6 =	sand.u32 $0x300, s4;
	s5 =	sand.u32 $0x7000, s2  }
0x266: {  	s9 =	sor.u32 s6, s5;
	[tilespmem:s29+$0x17100] =	vst v36  }
0x267: {  	v36 =	vld [tilespmem:s9+$0xB080]  }
0x268: {  	v59 =	vld [tilespmem:s9+$0xB090];
	_ =	sdelay $0x1  }
0x269: {  	v60 =	vld [tilespmem:s9+$0xB0A0];
	_ =	sdelay $0x1  }
0x26a: {  	v61 =	vld [tilespmem:s9+$0xB0B0]  }
0x26b: {  	v36 =	vsub.f32 v36, v3;
	v37 =	vsub.f32 v59, v4  }
0x26c: {  	v62 =	vld [tilespmem:s9+$0xB0C0]  }
0x26d: {  	v38 =	vsub.f32 v60, v5;
	v36 =	vmul.f32 v36, v36;
	v37 =	vmul.f32 v37, v37  }
0x26e: {  	v63 =	vld [tilespmem:s9+$0xB0D0]  }
0x26f: {  	v43 =	vsub.f32 v61, v6;
	v42 =	vmul.f32 v38, v38;
	v36 =	vadd.f32 v37, v36  }
0x270: {  	v44 =	vld [tilespmem:s9+$0xB0E0]  }
0x271: {  	v46 =	vsub.f32 v62, v7;
	v45 =	vmul.f32 v43, v43;
	v36 =	vadd.f32 v42, v36  }
0x272: {  	v47 =	vld [tilespmem:s9+$0xB0F0]  }
0x273: {  	v49 =	vsub.f32 v63, v8;
	v48 =	vmul.f32 v46, v46;
	v36 =	vadd.f32 v45, v36  }
0x274: {  	v50 =	vld [tilespmem:s9+$0xB480]  }
0x275: {  	v52 =	vsub.f32 v44, v9;
	v51 =	vmul.f32 v49, v49;
	v36 =	vadd.f32 v48, v36  }
0x276: {  	v53 =	vld [tilespmem:s9+$0xB490]  }
0x277: {  	v55 =	vsub.f32 v47, v10;
	v54 =	vmul.f32 v52, v52;
	v36 =	vadd.f32 v51, v36  }
0x278: {  	v56 =	vld [tilespmem:s9+$0xB4A0]  }
0x279: {  	v58 =	vsub.f32 v50, v11;
	v57 =	vmul.f32 v55, v55;
	v36 =	vadd.f32 v54, v36  }
0x27a: {  	v59 =	vld [tilespmem:s9+$0xB4B0]  }
0x27b: {  	v61 =	vsub.f32 v53, v12;
	v60 =	vmul.f32 v58, v58;
	v36 =	vadd.f32 v57, v36  }
0x27c: {  	v62 =	vld [tilespmem:s9+$0xB4C0]  }
0x27d: {  	v44 =	vsub.f32 v56, v13;
	v63 =	vmul.f32 v61, v61;
	v36 =	vadd.f32 v60, v36  }
0x27e: {  	v45 =	vld [tilespmem:s9+$0xB4D0]  }
0x27f: {  	v46 =	vmul.f32 v44, v44;
	v47 =	vsub.f32 v59, v14;
	v36 =	vadd.f32 v63, v36  }
0x280: {  	v48 =	vld [tilespmem:s9+$0xB4E0]  }
0x281: {  	v50 =	vsub.f32 v62, v15;
	v49 =	vmul.f32 v47, v47;
	v36 =	vadd.f32 v46, v36  }
0x282: {  	v51 =	vld [tilespmem:s9+$0xB4F0]  }
0x283: {  	v52 =	vmul.f32 v50, v50;
	v53 =	vsub.f32 v45, v16;
	v36 =	vadd.f32 v49, v36  }
0x284: {  	v54 =	vld [tilespmem:s9+$0xB880]  }
0x285: {  	v55 =	vmul.f32 v53, v53;
	v56 =	vsub.f32 v48, v17;
	v36 =	vadd.f32 v52, v36  }
0x286: {  	v57 =	vld [tilespmem:s9+$0xB890]  }
0x287: {  	v58 =	vmul.f32 v56, v56;
	v59 =	vsub.f32 v51, v18;
	v36 =	vadd.f32 v55, v36  }
0x288: {  	v60 =	vld [tilespmem:s9+$0xB8A0]  }
0x289: {  	v61 =	vmul.f32 v59, v59;
	v62 =	vsub.f32 v54, v19;
	v36 =	vadd.f32 v58, v36  }
0x28a: {  	v63 =	vld [tilespmem:s9+$0xB8B0]  }
0x28b: {  	v44 =	vmul.f32 v62, v62;
	v45 =	vsub.f32 v57, v20;
	v36 =	vadd.f32 v61, v36  }
0x28c: {  	v46 =	vld [tilespmem:s9+$0xB8C0]  }
0x28d: {  	v47 =	vmul.f32 v45, v45;
	v48 =	vsub.f32 v60, v21;
	v36 =	vadd.f32 v44, v36  }
0x28e: {  	v49 =	vld [tilespmem:s9+$0xB8D0]  }
0x28f: {  	s10 =	sand.u32 $0x3, s28;
	v50 =	vmul.f32 v48, v48;
	v51 =	vsub.f32 v63, v22;
	v36 =	vadd.f32 v47, v36  }
0x290: {  	s5 =	sshll.u32 s10, $0x8;
	v52 =	vld [tilespmem:s9+$0xB8E0]  }
0x291: {  	s5 =	sadd.s32 s11, s5;
	v53 =	vmul.f32 v51, v51;
	v54 =	vsub.f32 v46, v23;
	v36 =	vadd.f32 v50, v36  }
0x292: {  	s5 =	sadd.s32 $0x500, s5;
	v55 =	vld [tilespmem:s9+$0xB8F0]  }
0x293: {  	s13 =	sor.u32 $0xC00, s5;
	v56 =	vmul.f32 v54, v54;
	v57 =	vsub.f32 v49, v24;
	v36 =	vadd.f32 v53, v36  }
0x294: {  	v58 =	vld [tilespmem:s13+$0xB080]  }
0x295: {  	s14 =	sor.u32 $0xC10, s5;
	v59 =	vmul.f32 v57, v57;
	v60 =	vsub.f32 v52, v25;
	v36 =	vadd.f32 v56, v36  }
0x296: {  	v61 =	vld [tilespmem:s14+$0xB080]  }
0x297: {  	s15 =	sor.u32 $0xC20, s5;
	v62 =	vmul.f32 v60, v60;
	v63 =	vsub.f32 v55, v26;
	v36 =	vadd.f32 v59, v36  }
0x298: {  	v44 =	vld [tilespmem:s15+$0xB080]  }
0x299: {  	s16 =	sor.u32 $0xC30, s5;
	v45 =	vmul.f32 v63, v63;
	v46 =	vsub.f32 v58, v27;
	v36 =	vadd.f32 v62, v36  }
0x29a: {  	v47 =	vld [tilespmem:s16+$0xB080]  }
0x29b: {  	s17 =	sor.u32 $0xC40, s5;
	v48 =	vmul.f32 v46, v46;
	v49 =	vsub.f32 v61, v28;
	v36 =	vadd.f32 v45, v36  }
0x29c: {  	v50 =	vld [tilespmem:s17+$0xB080]  }
0x29d: {  	s18 =	sor.u32 $0xC50, s5;
	v51 =	vmul.f32 v49, v49;
	v52 =	vsub.f32 v44, v29;
	v36 =	vadd.f32 v48, v36  }
0x29e: {  	v53 =	vld [tilespmem:s18+$0xB080]  }
0x29f: {  	s22 =	sor.u32 $0xC60, s5;
	v54 =	vmul.f32 v52, v52;
	v55 =	vsub.f32 v47, v30;
	v36 =	vadd.f32 v51, v36  }
0x2a0: {  	v56 =	vld [tilespmem:s22+$0xB080]  }
0x2a1: {  	s5 =	sor.u32 $0xC70, s5;
	v57 =	vmul.f32 v55, v55;
	v58 =	vsub.f32 v50, v31;
	v36 =	vadd.f32 v54, v36  }
0x2a2: {  	v59 =	vld [tilespmem:s5+$0xB080]  }
0x2a3: {  	v60 =	vmul.f32 v58, v58;
	v61 =	vsub.f32 v53, v32;
	v36 =	vadd.f32 v57, v36;
	_ =	sdelay $0x1  }
0x2a4: {  	v62 =	vmul.f32 v61, v61;
	v63 =	vsub.f32 v56, v33;
	v36 =	vadd.f32 v60, v36;
	_ =	sdelay $0x1  }
0x2a5: {  	v41 =	vmul.f32 v63, v63;
	v42 =	vsub.f32 v59, v34;
	v36 =	vadd.f32 v62, v36;
	_ =	sdelay $0x1  }
0x2a6: {  	v43 =	vmul.f32 v42, v42;
	v36 =	vadd.f32 v41, v36;
	_ =	sdelay $0x1  }
0x2a7: {  	s31 =	simm.s32 $0x180;
	v36 =	vadd.f32 v43, v36  }
0x2a8: {  	s5 =	sand.u32 $0x380, s31  }
0x2a9: {  	s0 =	sadd.s32 s5, s0;
	[tilespmem:s29+$0x17180] =	vst v36  }
0x2aa: {  	v36 =	vld [tilespmem:s0+$0x0]  }
0x2ab: {  	v44 =	vld [tilespmem:s0+$0x10];
	_ =	sdelay $0x1  }
0x2ac: {  	v45 =	vld [tilespmem:s0+$0x20];
	_ =	sdelay $0x1  }
0x2ad: {  	v46 =	vld [tilespmem:s0+$0x30]  }
0x2ae: {  	v36 =	vsub.f32 v36, v3;
	v37 =	vsub.f32 v44, v4  }
0x2af: {  	v47 =	vld [tilespmem:s0+$0x40]  }
0x2b0: {  	v38 =	vsub.f32 v45, v5;
	v36 =	vmul.f32 v36, v36;
	v37 =	vmul.f32 v37, v37  }
0x2b1: {  	v48 =	vld [tilespmem:s0+$0x50]  }
0x2b2: {  	v39 =	vsub.f32 v46, v6;
	v49 =	vmul.f32 v38, v38;
	v36 =	vadd.f32 v37, v36  }
0x2b3: {  	v50 =	vld [tilespmem:s0+$0x60]  }
0x2b4: {  	v40 =	vsub.f32 v47, v7;
	v51 =	vmul.f32 v39, v39;
	v36 =	vadd.f32 v49, v36  }
0x2b5: {  	v52 =	vld [tilespmem:s0+$0x70]  }
0x2b6: {  	v41 =	vsub.f32 v48, v8;
	v53 =	vmul.f32 v40, v40;
	v36 =	vadd.f32 v51, v36  }
0x2b7: {  	v54 =	vld [tilespmem:s0+$0x400]  }
0x2b8: {  	v55 =	vmul.f32 v41, v41;
	v38 =	vsub.f32 v50, v9;
	v36 =	vadd.f32 v53, v36  }
0x2b9: {  	v56 =	vld [tilespmem:s0+$0x410]  }
0x2ba: {  	v39 =	vsub.f32 v52, v10;
	v57 =	vmul.f32 v38, v38;
	v36 =	vadd.f32 v55, v36  }
0x2bb: {  	v58 =	vld [tilespmem:s0+$0x420]  }
0x2bc: {  	v40 =	vsub.f32 v54, v11;
	v59 =	vmul.f32 v39, v39;
	v36 =	vadd.f32 v57, v36  }
0x2bd: {  	v60 =	vld [tilespmem:s0+$0x430]  }
0x2be: {  	v41 =	vsub.f32 v56, v12;
	v61 =	vmul.f32 v40, v40;
	v36 =	vadd.f32 v59, v36  }
0x2bf: {  	v62 =	vld [tilespmem:s0+$0x440]  }
0x2c0: {  	v38 =	vsub.f32 v58, v13;
	v63 =	vmul.f32 v41, v41;
	v36 =	vadd.f32 v61, v36  }
0x2c1: {  	v44 =	vld [tilespmem:s0+$0x450]  }
0x2c2: {  	v39 =	vsub.f32 v60, v14;
	v45 =	vmul.f32 v38, v38;
	v36 =	vadd.f32 v63, v36  }
0x2c3: {  	v46 =	vld [tilespmem:s0+$0x460]  }
0x2c4: {  	v40 =	vsub.f32 v62, v15;
	v47 =	vmul.f32 v39, v39;
	v36 =	vadd.f32 v45, v36  }
0x2c5: {  	v48 =	vld [tilespmem:s0+$0x470]  }
0x2c6: {  	v41 =	vsub.f32 v44, v16;
	v49 =	vmul.f32 v40, v40;
	v36 =	vadd.f32 v47, v36  }
0x2c7: {  	v50 =	vld [tilespmem:s0+$0x800]  }
0x2c8: {  	v38 =	vsub.f32 v46, v17;
	v51 =	vmul.f32 v41, v41;
	v36 =	vadd.f32 v49, v36  }
0x2c9: {  	v52 =	vld [tilespmem:s0+$0x810]  }
0x2ca: {  	v39 =	vsub.f32 v48, v18;
	v53 =	vmul.f32 v38, v38;
	v36 =	vadd.f32 v51, v36  }
0x2cb: {  	v54 =	vld [tilespmem:s0+$0x820]  }
0x2cc: {  	v40 =	vsub.f32 v50, v19;
	v55 =	vmul.f32 v39, v39;
	v36 =	vadd.f32 v53, v36  }
0x2cd: {  	v56 =	vld [tilespmem:s0+$0x830]  }
0x2ce: {  	v41 =	vsub.f32 v52, v20;
	v57 =	vmul.f32 v40, v40;
	v36 =	vadd.f32 v55, v36  }
0x2cf: {  	v58 =	vld [tilespmem:s0+$0x840]  }
0x2d0: {  	v38 =	vsub.f32 v54, v21;
	v59 =	vmul.f32 v41, v41;
	v36 =	vadd.f32 v57, v36  }
0x2d1: {  	v60 =	vld [tilespmem:s0+$0x850]  }
0x2d2: {  	v39 =	vsub.f32 v56, v22;
	v61 =	vmul.f32 v38, v38;
	v36 =	vadd.f32 v59, v36  }
0x2d3: {  	v62 =	vld [tilespmem:s0+$0x860]  }
0x2d4: {  	v40 =	vsub.f32 v58, v23;
	v63 =	vmul.f32 v39, v39;
	v36 =	vadd.f32 v61, v36  }
0x2d5: {  	v44 =	vld [tilespmem:s0+$0x870]  }
0x2d6: {  	v41 =	vsub.f32 v60, v24;
	v45 =	vmul.f32 v40, v40;
	v36 =	vadd.f32 v63, v36  }
0x2d7: {  	v46 =	vld [tilespmem:s0+$0xC00]  }
0x2d8: {  	v38 =	vsub.f32 v62, v25;
	v47 =	vmul.f32 v41, v41;
	v36 =	vadd.f32 v45, v36  }
0x2d9: {  	v48 =	vld [tilespmem:s0+$0xC10]  }
0x2da: {  	v39 =	vsub.f32 v44, v26;
	v49 =	vmul.f32 v38, v38;
	v36 =	vadd.f32 v47, v36  }
0x2db: {  	v50 =	vld [tilespmem:s0+$0xC20]  }
0x2dc: {  	v40 =	vsub.f32 v46, v27;
	v51 =	vmul.f32 v39, v39;
	v36 =	vadd.f32 v49, v36  }
0x2dd: {  	v52 =	vld [tilespmem:s0+$0xC30]  }
0x2de: {  	v41 =	vsub.f32 v48, v28;
	v53 =	vmul.f32 v40, v40;
	v36 =	vadd.f32 v51, v36  }
0x2df: {  	v54 =	vld [tilespmem:s0+$0xC40]  }
0x2e0: {  	v38 =	vsub.f32 v50, v29;
	v55 =	vmul.f32 v41, v41;
	v36 =	vadd.f32 v53, v36  }
0x2e1: {  	v56 =	vld [tilespmem:s0+$0xC50]  }
0x2e2: {  	v39 =	vsub.f32 v52, v30;
	v57 =	vmul.f32 v38, v38;
	v36 =	vadd.f32 v55, v36  }
0x2e3: {  	v58 =	vld [tilespmem:s0+$0xC60]  }
0x2e4: {  	v40 =	vsub.f32 v54, v31;
	v59 =	vmul.f32 v39, v39;
	v36 =	vadd.f32 v57, v36  }
0x2e5: {  	v60 =	vld [tilespmem:s0+$0xC70]  }
0x2e6: {  	v41 =	vsub.f32 v56, v32;
	v61 =	vmul.f32 v40, v40;
	v36 =	vadd.f32 v59, v36;
	_ =	sdelay $0x1  }
0x2e7: {  	v62 =	vsub.f32 v58, v33;
	v63 =	vmul.f32 v41, v41;
	v36 =	vadd.f32 v61, v36;
	_ =	sdelay $0x1  }
0x2e8: {  	s30 =	simm.s32 $0x800;
	s0 =	simm.s32 $0x0;
	v37 =	vsub.f32 v60, v34;
	v39 =	vmul.f32 v62, v62;
	v38 =	vadd.f32 v63, v36  }
.LBB2_68:
0x2e9: {  	s28 =	sadd.s32 $0x200, s28  }
0x2ea: {  	p1 =	por !p1, !p1;
	s0 =	sadd.s32 $0x2, s0;
	s15 =	smov.u32 s30  }
0x2eb: {  	p2 =	sne.s32 s30, $0x1800;
	s30 =	sadd.s32 $0x800, s30;
	v37 =	vmul.f32 v37, v37;
	s14 =	sadd.s32 s15, s25;
	v36 =	vadd.f32 v39, v38  }
0x2ec: {  	s5 =	sand.u32 $0x7000, s14;
	s6 =	sadd.s32 $0x400, s14  }
0x2ed: {  	s9 =	sand.u32 $0x200, s28;
	s11 =	sadd.s32 $0xB080, s5;
	s31 =	sand.u32 $0x7000, s6;
	v36 =	vadd.f32 v37, v36  }
0x2ee: {  	s16 =	sor.u32 s9, s11  }
0x2ef: {  	[tilespmem:s29+$0x17200] =	vst v36  }
0x2f0: {  	v36 =	vld [tilespmem:s16+$0x0]  }
0x2f1: {  	v37 =	vld [tilespmem:s16+$0x10];
	_ =	sdelay $0x1  }
0x2f2: {  	v38 =	vld [tilespmem:s16+$0x20];
	_ =	sdelay $0x1  }
0x2f3: {  	v36 =	vsub.f32 v36, v3;
	v39 =	vld [tilespmem:s16+$0x30]  }
0x2f4: {  	v37 =	vsub.f32 v37, v4  }
0x2f5: {  	v40 =	vld [tilespmem:s16+$0x40]  }
0x2f6: {  	v36 =	vmul.f32 v36, v36;
	v37 =	vmul.f32 v37, v37;
	v38 =	vsub.f32 v38, v5  }
0x2f7: {  	v41 =	vld [tilespmem:s16+$0x50]  }
0x2f8: {  	v36 =	vadd.f32 v37, v36;
	v37 =	vmul.f32 v38, v38;
	v38 =	vsub.f32 v39, v6  }
0x2f9: {  	v39 =	vld [tilespmem:s16+$0x60]  }
0x2fa: {  	v36 =	vadd.f32 v37, v36;
	v37 =	vmul.f32 v38, v38;
	v38 =	vsub.f32 v40, v7  }
0x2fb: {  	v40 =	vld [tilespmem:s16+$0x70]  }
0x2fc: {  	v36 =	vadd.f32 v37, v36;
	v37 =	vmul.f32 v38, v38;
	v38 =	vsub.f32 v41, v8  }
0x2fd: {  	v41 =	vld [tilespmem:s16+$0x400]  }
0x2fe: {  	v36 =	vadd.f32 v37, v36;
	v37 =	vmul.f32 v38, v38;
	v38 =	vsub.f32 v39, v9  }
0x2ff: {  	v39 =	vld [tilespmem:s16+$0x410]  }
0x300: {  	v36 =	vadd.f32 v37, v36;
	v37 =	vmul.f32 v38, v38;
	v38 =	vsub.f32 v40, v10  }
0x301: {  	v40 =	vld [tilespmem:s16+$0x420]  }
0x302: {  	v36 =	vadd.f32 v37, v36;
	v37 =	vmul.f32 v38, v38;
	v38 =	vsub.f32 v41, v11  }
0x303: {  	v41 =	vld [tilespmem:s16+$0x430]  }
0x304: {  	v36 =	vadd.f32 v37, v36;
	v37 =	vmul.f32 v38, v38;
	v38 =	vsub.f32 v39, v12  }
0x305: {  	v39 =	vld [tilespmem:s16+$0x440]  }
0x306: {  	v36 =	vadd.f32 v37, v36;
	v37 =	vmul.f32 v38, v38;
	v38 =	vsub.f32 v40, v13  }
0x307: {  	v40 =	vld [tilespmem:s16+$0x450]  }
0x308: {  	s5 =	simm.s32 $0x1;
	v36 =	vadd.f32 v37, v36;
	v37 =	vmul.f32 v38, v38;
	v38 =	vsub.f32 v41, v14  }
0x309: {  	s5 =	simm.s32 @!p1 $0x0;
	v41 =	vld [tilespmem:s16+$0x460]  }
0x30a: {  	s5 =	sshll.u32 s5, $0x9;
	v36 =	vadd.f32 v37, v36;
	v37 =	vmul.f32 v38, v38;
	v38 =	vsub.f32 v39, v15  }
0x30b: {  	v39 =	vld [tilespmem:s16+$0x470];
	s16 =	sadd.s32 s5, s14  }
0x30c: {  	v36 =	vadd.f32 v37, v36;
	v37 =	vmul.f32 v38, v38;
	v38 =	vsub.f32 v40, v16;
	s5 =	sor.u32 $0x800, s16;
	s22 =	sor.u32 $0x830, s16;
	s9 =	sor.u32 $0xC10, s16  }
0x30d: {  	s6 =	sor.u32 $0xC20, s16;
	s29 =	sor.u32 $0xC50, s16;
	v40 =	vld [tilespmem:s5+$0xB080];
	s5 =	sor.u32 $0x840, s16  }
0x30e: {  	s18 =	sor.u32 $0x810, s16;
	s10 =	sor.u32 $0xC00, s16;
	v36 =	vadd.f32 v37, v36;
	v37 =	vmul.f32 v38, v38;
	v38 =	vsub.f32 v41, v17;
	v41 =	vld [tilespmem:s5+$0xB080];
	s5 =	sor.u32 $0xC40, s16  }
0x30f: {  	v42 =	vld [tilespmem:s18+$0xB080];
	s18 =	sor.u32 $0xC30, s16  }
0x310: {  	s4 =	sor.u32 $0x820, s16;
	v36 =	vadd.f32 v37, v36;
	v37 =	vmul.f32 v38, v38;
	v38 =	vsub.f32 v39, v18  }
0x311: {  	v39 =	vld [tilespmem:s4+$0xB080]  }
0x312: {  	v36 =	vadd.f32 v37, v36;
	v37 =	vmul.f32 v38, v38;
	v38 =	vsub.f32 v40, v19  }
0x313: {  	v40 =	vld [tilespmem:s22+$0xB080];
	v41 =	vsub.f32 v41, v23  }
0x314: {  	v36 =	vadd.f32 v37, v36;
	v37 =	vmul.f32 v38, v38;
	v38 =	vsub.f32 v42, v20;
	_ =	sdelay $0x1  }
0x315: {  	s4 =	sor.u32 $0x850, s16;
	v36 =	vadd.f32 v37, v36;
	v37 =	vmul.f32 v38, v38;
	v38 =	vsub.f32 v39, v21  }
0x316: {  	v39 =	vld [tilespmem:s4+$0xB080]  }
0x317: {  	s4 =	sor.u32 $0x860, s16;
	v36 =	vadd.f32 v37, v36;
	v37 =	vmul.f32 v38, v38;
	v38 =	vsub.f32 v40, v22  }
0x318: {  	v40 =	vld [tilespmem:s4+$0xB080]  }
0x319: {  	s4 =	sor.u32 $0x870, s16;
	v36 =	vadd.f32 v37, v36;
	v37 =	vmul.f32 v38, v38  }
0x31a: {  	v38 =	vld [tilespmem:s4+$0xB080]  }
0x31b: {  	v36 =	vadd.f32 v37, v36;
	v37 =	vmul.f32 v41, v41;
	v39 =	vsub.f32 v39, v24  }
0x31c: {  	v41 =	vld [tilespmem:s10+$0xB080]  }
0x31d: {  	v36 =	vadd.f32 v37, v36;
	v37 =	vmul.f32 v39, v39;
	v39 =	vsub.f32 v40, v25  }
0x31e: {  	v40 =	vld [tilespmem:s9+$0xB080]  }
0x31f: {  	v36 =	vadd.f32 v37, v36;
	v37 =	vmul.f32 v39, v39;
	v38 =	vsub.f32 v38, v26  }
0x320: {  	v39 =	vld [tilespmem:s6+$0xB080]  }
0x321: {  	v36 =	vadd.f32 v37, v36;
	v37 =	vmul.f32 v38, v38;
	v38 =	vsub.f32 v41, v27  }
0x322: {  	v41 =	vld [tilespmem:s18+$0xB080]  }
0x323: {  	v36 =	vadd.f32 v37, v36;
	v37 =	vmul.f32 v38, v38;
	v38 =	vsub.f32 v40, v28  }
0x324: {  	v40 =	vld [tilespmem:s5+$0xB080]  }
0x325: {  	v36 =	vadd.f32 v37, v36;
	v37 =	vmul.f32 v38, v38;
	v38 =	vsub.f32 v39, v29  }
0x326: {  	v39 =	vld [tilespmem:s29+$0xB080]  }
0x327: {  	s4 =	sor.u32 $0xC60, s16;
	v36 =	vadd.f32 v37, v36;
	v37 =	vmul.f32 v38, v38;
	v38 =	vsub.f32 v41, v30  }
0x328: {  	v41 =	vld [tilespmem:s4+$0xB080]  }
0x329: {  	s4 =	sor.u32 $0xC70, s16;
	v36 =	vadd.f32 v37, v36;
	v37 =	vmul.f32 v38, v38;
	v38 =	vsub.f32 v40, v31  }
0x32a: {  	v40 =	vld [tilespmem:s4+$0xB080]  }
0x32b: {  	v36 =	vadd.f32 v37, v36;
	v37 =	vmul.f32 v38, v38;
	v38 =	vsub.f32 v39, v32;
	_ =	sdelay $0x1  }
0x32c: {  	v36 =	vadd.f32 v37, v36;
	v37 =	vmul.f32 v38, v38;
	v38 =	vsub.f32 v41, v33;
	_ =	sdelay $0x1  }
0x32d: {  	v36 =	vadd.f32 v37, v36;
	v37 =	vmul.f32 v38, v38;
	v38 =	vsub.f32 v40, v34;
	_ =	sdelay $0x1  }
0x32e: {  	v36 =	vadd.f32 v37, v36;
	v37 =	vmul.f32 v38, v38;
	_ =	sdelay $0x1  }
0x32f: {  	s4 =	sadd.s32 $0x80, s28;
	v36 =	vadd.f32 v37, v36  }
0x330: {  	s29 =	sshra.s32 s15, $0x2;
	s4 =	sand.u32 $0x280, s4  }
0x331: {  	s15 =	sadd.s32 s4, s11;
	[tilespmem:s29+$0x17080] =	vst v36  }
0x332: {  	v36 =	vld [tilespmem:s15+$0x0]  }
0x333: {  	v37 =	vld [tilespmem:s15+$0x10];
	_ =	sdelay $0x1  }
0x334: {  	v38 =	vld [tilespmem:s15+$0x20];
	_ =	sdelay $0x1  }
0x335: {  	v36 =	vsub.f32 v36, v3;
	v39 =	vld [tilespmem:s15+$0x30]  }
0x336: {  	v37 =	vsub.f32 v37, v4  }
0x337: {  	v40 =	vld [tilespmem:s15+$0x40]  }
0x338: {  	v36 =	vmul.f32 v36, v36;
	v37 =	vmul.f32 v37, v37;
	v38 =	vsub.f32 v38, v5  }
0x339: {  	v41 =	vld [tilespmem:s15+$0x50]  }
0x33a: {  	v36 =	vadd.f32 v37, v36;
	v37 =	vmul.f32 v38, v38;
	v38 =	vsub.f32 v39, v6  }
0x33b: {  	v39 =	vld [tilespmem:s15+$0x60]  }
0x33c: {  	v36 =	vadd.f32 v37, v36;
	v37 =	vmul.f32 v38, v38;
	v38 =	vsub.f32 v40, v7  }
0x33d: {  	v40 =	vld [tilespmem:s15+$0x70]  }
0x33e: {  	v36 =	vadd.f32 v37, v36;
	v37 =	vmul.f32 v38, v38;
	v38 =	vsub.f32 v41, v8  }
0x33f: {  	v41 =	vld [tilespmem:s15+$0x400]  }
0x340: {  	v36 =	vadd.f32 v37, v36;
	v37 =	vmul.f32 v38, v38;
	v38 =	vsub.f32 v39, v9  }
0x341: {  	v39 =	vld [tilespmem:s15+$0x410]  }
0x342: {  	v36 =	vadd.f32 v37, v36;
	v37 =	vmul.f32 v38, v38;
	v38 =	vsub.f32 v40, v10  }
0x343: {  	v40 =	vld [tilespmem:s15+$0x420]  }
0x344: {  	v36 =	vadd.f32 v37, v36;
	v37 =	vmul.f32 v38, v38;
	v38 =	vsub.f32 v41, v11  }
0x345: {  	v41 =	vld [tilespmem:s15+$0x430]  }
0x346: {  	v36 =	vadd.f32 v37, v36;
	v37 =	vmul.f32 v38, v38;
	v38 =	vsub.f32 v39, v12  }
0x347: {  	v39 =	vld [tilespmem:s15+$0x440]  }
0x348: {  	v36 =	vadd.f32 v37, v36;
	v37 =	vmul.f32 v38, v38;
	v38 =	vsub.f32 v40, v13  }
0x349: {  	v40 =	vld [tilespmem:s15+$0x450]  }
0x34a: {  	v36 =	vadd.f32 v37, v36;
	v37 =	vmul.f32 v38, v38;
	v38 =	vsub.f32 v41, v14  }
0x34b: {  	v41 =	vld [tilespmem:s15+$0x460]  }
0x34c: {  	v36 =	vadd.f32 v37, v36;
	v37 =	vmul.f32 v38, v38;
	v38 =	vsub.f32 v39, v15  }
0x34d: {  	v39 =	vld [tilespmem:s15+$0x470]  }
0x34e: {  	v36 =	vadd.f32 v37, v36;
	v37 =	vmul.f32 v38, v38;
	v38 =	vsub.f32 v40, v16  }
0x34f: {  	v40 =	vld [tilespmem:s15+$0x800]  }
0x350: {  	v36 =	vadd.f32 v37, v36;
	v37 =	vmul.f32 v38, v38;
	v38 =	vsub.f32 v41, v17  }
0x351: {  	v41 =	vld [tilespmem:s15+$0x810]  }
0x352: {  	v36 =	vadd.f32 v37, v36;
	v37 =	vmul.f32 v38, v38;
	v38 =	vsub.f32 v39, v18  }
0x353: {  	v39 =	vld [tilespmem:s15+$0x820]  }
0x354: {  	v36 =	vadd.f32 v37, v36;
	v37 =	vmul.f32 v38, v38;
	v38 =	vsub.f32 v40, v19  }
0x355: {  	v40 =	vld [tilespmem:s15+$0x830]  }
0x356: {  	v36 =	vadd.f32 v37, v36;
	v37 =	vmul.f32 v38, v38;
	v38 =	vsub.f32 v41, v20  }
0x357: {  	v41 =	vld [tilespmem:s15+$0x840]  }
0x358: {  	v36 =	vadd.f32 v37, v36;
	v37 =	vmul.f32 v38, v38;
	v38 =	vsub.f32 v39, v21  }
0x359: {  	v39 =	vld [tilespmem:s15+$0x850]  }
0x35a: {  	v36 =	vadd.f32 v37, v36;
	v37 =	vmul.f32 v38, v38;
	v38 =	vsub.f32 v40, v22  }
0x35b: {  	v40 =	vld [tilespmem:s15+$0x860]  }
0x35c: {  	v36 =	vadd.f32 v37, v36;
	v37 =	vmul.f32 v38, v38;
	v38 =	vsub.f32 v41, v23  }
0x35d: {  	v41 =	vld [tilespmem:s15+$0x870]  }
0x35e: {  	v36 =	vadd.f32 v37, v36;
	v37 =	vmul.f32 v38, v38;
	v38 =	vsub.f32 v39, v24  }
0x35f: {  	v39 =	vld [tilespmem:s15+$0xC00]  }
0x360: {  	v36 =	vadd.f32 v37, v36;
	v37 =	vmul.f32 v38, v38;
	v38 =	vsub.f32 v40, v25  }
0x361: {  	v40 =	vld [tilespmem:s15+$0xC10]  }
0x362: {  	v36 =	vadd.f32 v37, v36;
	v37 =	vmul.f32 v38, v38;
	v38 =	vsub.f32 v41, v26  }
0x363: {  	v41 =	vld [tilespmem:s15+$0xC20]  }
0x364: {  	v36 =	vadd.f32 v37, v36;
	v37 =	vmul.f32 v38, v38;
	v38 =	vsub.f32 v39, v27  }
0x365: {  	v39 =	vld [tilespmem:s15+$0xC30]  }
0x366: {  	v36 =	vadd.f32 v37, v36;
	v37 =	vmul.f32 v38, v38;
	v38 =	vsub.f32 v40, v28  }
0x367: {  	v40 =	vld [tilespmem:s15+$0xC40]  }
0x368: {  	v36 =	vadd.f32 v37, v36;
	v37 =	vmul.f32 v38, v38;
	v38 =	vsub.f32 v41, v29  }
0x369: {  	v41 =	vld [tilespmem:s15+$0xC50]  }
0x36a: {  	v36 =	vadd.f32 v37, v36;
	v37 =	vmul.f32 v38, v38;
	v38 =	vsub.f32 v39, v30  }
0x36b: {  	v39 =	vld [tilespmem:s15+$0xC60]  }
0x36c: {  	v36 =	vadd.f32 v37, v36;
	v37 =	vmul.f32 v38, v38;
	v38 =	vsub.f32 v40, v31  }
0x36d: {  	v40 =	vld [tilespmem:s15+$0xC70]  }
0x36e: {  	v36 =	vadd.f32 v37, v36;
	v37 =	vmul.f32 v38, v38;
	v38 =	vsub.f32 v41, v32;
	_ =	sdelay $0x1  }
0x36f: {  	v36 =	vadd.f32 v37, v36;
	v37 =	vmul.f32 v38, v38;
	v38 =	vsub.f32 v39, v33;
	_ =	sdelay $0x1  }
0x370: {  	v36 =	vadd.f32 v37, v36;
	v37 =	vmul.f32 v38, v38;
	v38 =	vsub.f32 v40, v34;
	_ =	sdelay $0x1  }
0x371: {  	v36 =	vadd.f32 v37, v36;
	v37 =	vmul.f32 v38, v38;
	_ =	sdelay $0x1  }
0x372: {  	s4 =	sadd.s32 $0x100, s28;
	v36 =	vadd.f32 v37, v36  }
0x373: {  	s4 =	sand.u32 $0x300, s4  }
0x374: {  	s15 =	sor.u32 s4, s31;
	[tilespmem:s29+$0x17100] =	vst v36  }
0x375: {  	v36 =	vld [tilespmem:s15+$0xB080]  }
0x376: {  	v37 =	vld [tilespmem:s15+$0xB090];
	_ =	sdelay $0x1  }
0x377: {  	v38 =	vld [tilespmem:s15+$0xB0A0];
	_ =	sdelay $0x1  }
0x378: {  	v36 =	vsub.f32 v36, v3;
	v39 =	vld [tilespmem:s15+$0xB0B0]  }
0x379: {  	v37 =	vsub.f32 v37, v4  }
0x37a: {  	v36 =	vmul.f32 v36, v36;
	v40 =	vld [tilespmem:s15+$0xB0C0]  }
0x37b: {  	v37 =	vmul.f32 v37, v37;
	v38 =	vsub.f32 v38, v5  }
0x37c: {  	v41 =	vld [tilespmem:s15+$0xB0D0]  }
0x37d: {  	v36 =	vadd.f32 v37, v36;
	v37 =	vmul.f32 v38, v38;
	v38 =	vsub.f32 v39, v6  }
0x37e: {  	v39 =	vld [tilespmem:s15+$0xB0E0]  }
0x37f: {  	v36 =	vadd.f32 v37, v36;
	v37 =	vmul.f32 v38, v38;
	v38 =	vsub.f32 v40, v7  }
0x380: {  	v40 =	vld [tilespmem:s15+$0xB0F0]  }
0x381: {  	v36 =	vadd.f32 v37, v36;
	v37 =	vmul.f32 v38, v38;
	v38 =	vsub.f32 v41, v8  }
0x382: {  	v41 =	vld [tilespmem:s15+$0xB480]  }
0x383: {  	v36 =	vadd.f32 v37, v36;
	v37 =	vmul.f32 v38, v38;
	v38 =	vsub.f32 v39, v9  }
0x384: {  	v39 =	vld [tilespmem:s15+$0xB490]  }
0x385: {  	v36 =	vadd.f32 v37, v36;
	v37 =	vmul.f32 v38, v38;
	v38 =	vsub.f32 v40, v10  }
0x386: {  	v40 =	vld [tilespmem:s15+$0xB4A0]  }
0x387: {  	v36 =	vadd.f32 v37, v36;
	v37 =	vmul.f32 v38, v38;
	v38 =	vsub.f32 v41, v11  }
0x388: {  	v41 =	vld [tilespmem:s15+$0xB4B0]  }
0x389: {  	v36 =	vadd.f32 v37, v36;
	v37 =	vmul.f32 v38, v38;
	v38 =	vsub.f32 v39, v12  }
0x38a: {  	v39 =	vld [tilespmem:s15+$0xB4C0]  }
0x38b: {  	v36 =	vadd.f32 v37, v36;
	v37 =	vmul.f32 v38, v38;
	v38 =	vsub.f32 v40, v13  }
0x38c: {  	v40 =	vld [tilespmem:s15+$0xB4D0]  }
0x38d: {  	v36 =	vadd.f32 v37, v36;
	v37 =	vmul.f32 v38, v38;
	v38 =	vsub.f32 v41, v14  }
0x38e: {  	v41 =	vld [tilespmem:s15+$0xB4E0]  }
0x38f: {  	v36 =	vadd.f32 v37, v36;
	v37 =	vmul.f32 v38, v38;
	v38 =	vsub.f32 v39, v15  }
0x390: {  	v39 =	vld [tilespmem:s15+$0xB4F0]  }
0x391: {  	v36 =	vadd.f32 v37, v36;
	v37 =	vmul.f32 v38, v38;
	v38 =	vsub.f32 v40, v16  }
0x392: {  	v40 =	vld [tilespmem:s15+$0xB880]  }
0x393: {  	v36 =	vadd.f32 v37, v36;
	v37 =	vmul.f32 v38, v38;
	v38 =	vsub.f32 v41, v17  }
0x394: {  	v41 =	vld [tilespmem:s15+$0xB890]  }
0x395: {  	v36 =	vadd.f32 v37, v36;
	v37 =	vmul.f32 v38, v38;
	v38 =	vsub.f32 v39, v18  }
0x396: {  	v39 =	vld [tilespmem:s15+$0xB8A0]  }
0x397: {  	v36 =	vadd.f32 v37, v36;
	v37 =	vmul.f32 v38, v38;
	v38 =	vsub.f32 v40, v19  }
0x398: {  	v40 =	vld [tilespmem:s15+$0xB8B0]  }
0x399: {  	v36 =	vadd.f32 v37, v36;
	v37 =	vmul.f32 v38, v38;
	v38 =	vsub.f32 v41, v20  }
0x39a: {  	v41 =	vld [tilespmem:s15+$0xB8C0]  }
0x39b: {  	v36 =	vadd.f32 v37, v36;
	v37 =	vmul.f32 v38, v38;
	v38 =	vsub.f32 v39, v21  }
0x39c: {  	v39 =	vld [tilespmem:s15+$0xB8D0]  }
0x39d: {  	s4 =	sand.u32 $0x3, s0;
	v36 =	vadd.f32 v37, v36;
	v37 =	vmul.f32 v38, v38;
	v38 =	vsub.f32 v40, v22  }
0x39e: {  	s4 =	sshll.u32 s4, $0x8;
	v40 =	vld [tilespmem:s15+$0xB8E0]  }
0x39f: {  	s4 =	sadd.s32 s14, s4;
	v36 =	vadd.f32 v37, v36;
	v37 =	vmul.f32 v38, v38;
	v38 =	vsub.f32 v41, v23  }
0x3a0: {  	s4 =	sadd.s32 $0x500, s4;
	v41 =	vld [tilespmem:s15+$0xB8F0]  }
0x3a1: {  	s5 =	sor.u32 $0xC00, s4;
	v36 =	vadd.f32 v37, v36;
	v37 =	vmul.f32 v38, v38;
	v38 =	vsub.f32 v39, v24  }
0x3a2: {  	v39 =	vld [tilespmem:s5+$0xB080]  }
0x3a3: {  	s5 =	sor.u32 $0xC10, s4;
	v36 =	vadd.f32 v37, v36;
	v37 =	vmul.f32 v38, v38;
	v38 =	vsub.f32 v40, v25  }
0x3a4: {  	v40 =	vld [tilespmem:s5+$0xB080]  }
0x3a5: {  	s5 =	sor.u32 $0xC20, s4;
	v36 =	vadd.f32 v37, v36;
	v37 =	vmul.f32 v38, v38;
	v38 =	vsub.f32 v41, v26  }
0x3a6: {  	v41 =	vld [tilespmem:s5+$0xB080]  }
0x3a7: {  	s5 =	sor.u32 $0xC30, s4;
	v36 =	vadd.f32 v37, v36;
	v37 =	vmul.f32 v38, v38;
	v38 =	vsub.f32 v39, v27  }
0x3a8: {  	v39 =	vld [tilespmem:s5+$0xB080]  }
0x3a9: {  	s5 =	sor.u32 $0xC40, s4;
	v36 =	vadd.f32 v37, v36;
	v37 =	vmul.f32 v38, v38;
	v38 =	vsub.f32 v40, v28  }
0x3aa: {  	v40 =	vld [tilespmem:s5+$0xB080]  }
0x3ab: {  	s5 =	sor.u32 $0xC50, s4;
	v36 =	vadd.f32 v37, v36;
	v37 =	vmul.f32 v38, v38;
	v38 =	vsub.f32 v41, v29  }
0x3ac: {  	v41 =	vld [tilespmem:s5+$0xB080]  }
0x3ad: {  	s5 =	sor.u32 $0xC60, s4;
	v36 =	vadd.f32 v37, v36;
	v37 =	vmul.f32 v38, v38;
	v38 =	vsub.f32 v39, v30  }
0x3ae: {  	v39 =	vld [tilespmem:s5+$0xB080]  }
0x3af: {  	s4 =	sor.u32 $0xC70, s4;
	v36 =	vadd.f32 v37, v36;
	v37 =	vmul.f32 v38, v38;
	v38 =	vsub.f32 v40, v31  }
0x3b0: {  	v40 =	vld [tilespmem:s4+$0xB080]  }
0x3b1: {  	v36 =	vadd.f32 v37, v36;
	v37 =	vmul.f32 v38, v38;
	v38 =	vsub.f32 v41, v32;
	_ =	sdelay $0x1  }
0x3b2: {  	v36 =	vadd.f32 v37, v36;
	v37 =	vmul.f32 v38, v38;
	v38 =	vsub.f32 v39, v33;
	_ =	sdelay $0x1  }
0x3b3: {  	v36 =	vadd.f32 v37, v36;
	v37 =	vmul.f32 v38, v38;
	v38 =	vsub.f32 v40, v34;
	_ =	sdelay $0x1  }
0x3b4: {  	v36 =	vadd.f32 v37, v36;
	v37 =	vmul.f32 v38, v38;
	_ =	sdelay $0x1  }
0x3b5: {  	s4 =	sadd.s32 $0x180, s28;
	v36 =	vadd.f32 v37, v36  }
0x3b6: {  	s4 =	sand.u32 $0x380, s4  }
0x3b7: {  	s11 =	sadd.s32 s4, s11;
	[tilespmem:s29+$0x17180] =	vst v36  }
0x3b8: {  	v36 =	vld [tilespmem:s11+$0x0]  }
0x3b9: {  	v37 =	vld [tilespmem:s11+$0x10]  }
0x3ba: {  	v38 =	vld [tilespmem:s11+$0x20]  }
0x3bb: {  	v39 =	vld [tilespmem:s11+$0x30]  }
0x3bc: {  	v40 =	vld [tilespmem:s11+$0x40]  }
0x3bd: {  	v36 =	vsub.f32 v36, v3;
	v41 =	vld [tilespmem:s11+$0x50]  }
0x3be: {  	v37 =	vsub.f32 v37, v4;
	v42 =	vld [tilespmem:s11+$0x60]  }
0x3bf: {  	v36 =	vmul.f32 v36, v36;
	v38 =	vsub.f32 v38, v5;
	v43 =	vld [tilespmem:s11+$0x70]  }
0x3c0: {  	v37 =	vmul.f32 v37, v37;
	v39 =	vsub.f32 v39, v6;
	v44 =	vld [tilespmem:s11+$0x400]  }
0x3c1: {  	v40 =	vsub.f32 v40, v7;
	v45 =	vld [tilespmem:s11+$0x410]  }
0x3c2: {  	v36 =	vadd.f32 v37, v36;
	v37 =	vmul.f32 v38, v38;
	v38 =	vsub.f32 v41, v8;
	v41 =	vld [tilespmem:s11+$0x420]  }
0x3c3: {  	v46 =	vld [tilespmem:s11+$0x430]  }
0x3c4: {  	v36 =	vadd.f32 v37, v36;
	v37 =	vmul.f32 v39, v39;
	v39 =	vsub.f32 v43, v10;
	v43 =	vld [tilespmem:s11+$0x440]  }
0x3c5: {  	v44 =	vsub.f32 v44, v11;
	v47 =	vld [tilespmem:s11+$0x450]  }
0x3c6: {  	v36 =	vadd.f32 v37, v36;
	v37 =	vmul.f32 v40, v40;
	v40 =	vsub.f32 v45, v12;
	v45 =	vld [tilespmem:s11+$0x460]  }
0x3c7: {  	v41 =	vsub.f32 v41, v13;
	v48 =	vld [tilespmem:s11+$0x470]  }
0x3c8: {  	v36 =	vadd.f32 v37, v36;
	v37 =	vmul.f32 v38, v38;
	v38 =	vsub.f32 v42, v9;
	v42 =	vld [tilespmem:s11+$0x800]  }
0x3c9: {  	v46 =	vsub.f32 v46, v14;
	v43 =	vsub.f32 v43, v15;
	v49 =	vld [tilespmem:s11+$0x810]  }
0x3ca: {  	v36 =	vadd.f32 v37, v36;
	v37 =	vmul.f32 v38, v38;
	v38 =	vsub.f32 v47, v16;
	v47 =	vld [tilespmem:s11+$0x820]  }
0x3cb: {  	v45 =	vsub.f32 v45, v17;
	v50 =	vld [tilespmem:s11+$0x830]  }
0x3cc: {  	v36 =	vadd.f32 v37, v36;
	v37 =	vmul.f32 v39, v39;
	v39 =	vsub.f32 v48, v18;
	v48 =	vld [tilespmem:s11+$0x840]  }
0x3cd: {  	v42 =	vsub.f32 v42, v19;
	v51 =	vld [tilespmem:s11+$0x850]  }
0x3ce: {  	v36 =	vadd.f32 v37, v36;
	v37 =	vmul.f32 v44, v44;
	v44 =	vsub.f32 v49, v20;
	v49 =	vld [tilespmem:s11+$0x860]  }
0x3cf: {  	v47 =	vsub.f32 v47, v21;
	v52 =	vld [tilespmem:s11+$0x870]  }
0x3d0: {  	v36 =	vadd.f32 v37, v36;
	v37 =	vmul.f32 v40, v40;
	v40 =	vsub.f32 v50, v22;
	v50 =	vld [tilespmem:s11+$0xC00]  }
0x3d1: {  	v48 =	vsub.f32 v48, v23;
	v53 =	vld [tilespmem:s11+$0xC10]  }
0x3d2: {  	v36 =	vadd.f32 v37, v36;
	v37 =	vmul.f32 v41, v41;
	v41 =	vsub.f32 v51, v24;
	v51 =	vld [tilespmem:s11+$0xC20]  }
0x3d3: {  	v49 =	vsub.f32 v49, v25;
	v54 =	vld [tilespmem:s11+$0xC30]  }
0x3d4: {  	v36 =	vadd.f32 v37, v36;
	v37 =	vmul.f32 v46, v46;
	v46 =	vsub.f32 v52, v26;
	v52 =	vld [tilespmem:s11+$0xC40]  }
0x3d5: {  	v50 =	vsub.f32 v50, v27;
	v55 =	vld [tilespmem:s11+$0xC50]  }
0x3d6: {  	v36 =	vadd.f32 v37, v36;
	v37 =	vmul.f32 v43, v43;
	v43 =	vsub.f32 v53, v28;
	v53 =	vld [tilespmem:s11+$0xC60]  }
0x3d7: {  	v51 =	vsub.f32 v51, v29;
	v56 =	vld [tilespmem:s11+$0xC70]  }
0x3d8: {  	v36 =	vadd.f32 v37, v36;
	v37 =	vmul.f32 v38, v38;
	v38 =	vsub.f32 v54, v30  }
0x3d9: {  	v52 =	vsub.f32 v52, v31  }
0x3da: {  	v36 =	vadd.f32 v37, v36;
	v37 =	vmul.f32 v45, v45;
	v45 =	vsub.f32 v55, v32  }
0x3db: {  	v53 =	vsub.f32 v53, v33  }
0x3dc: {  	v39 =	vmul.f32 v39, v39;
	v36 =	vadd.f32 v37, v36;
	v37 =	vsub.f32 v56, v34;
	_ =	sdelay $0x1  }
0x3dd: {  	v36 =	vadd.f32 v39, v36;
	v39 =	vmul.f32 v42, v42;
	_ =	sdelay $0x1  }
0x3de: {  	v36 =	vadd.f32 v39, v36;
	v39 =	vmul.f32 v44, v44;
	_ =	sdelay $0x1  }
0x3df: {  	v36 =	vadd.f32 v39, v36;
	v39 =	vmul.f32 v47, v47;
	_ =	sdelay $0x1  }
0x3e0: {  	v36 =	vadd.f32 v39, v36;
	v39 =	vmul.f32 v40, v40;
	_ =	sdelay $0x1  }
0x3e1: {  	v36 =	vadd.f32 v39, v36;
	v39 =	vmul.f32 v48, v48;
	_ =	sdelay $0x1  }
0x3e2: {  	v36 =	vadd.f32 v39, v36;
	v39 =	vmul.f32 v41, v41;
	_ =	sdelay $0x1  }
0x3e3: {  	v36 =	vadd.f32 v39, v36;
	v39 =	vmul.f32 v49, v49;
	_ =	sdelay $0x1  }
0x3e4: {  	v36 =	vadd.f32 v39, v36;
	v39 =	vmul.f32 v46, v46;
	_ =	sdelay $0x1  }
0x3e5: {  	v36 =	vadd.f32 v39, v36;
	v39 =	vmul.f32 v50, v50;
	_ =	sdelay $0x1  }
0x3e6: {  	v36 =	vadd.f32 v39, v36;
	v39 =	vmul.f32 v43, v43;
	_ =	sdelay $0x1  }
0x3e7: {  	v36 =	vadd.f32 v39, v36;
	v39 =	vmul.f32 v51, v51;
	_ =	sdelay $0x1  }
0x3e8: {  	v38 =	vmul.f32 v38, v38;
	v36 =	vadd.f32 v39, v36;
	_ =	sdelay $0x1  }
.Ltmp34:
0x3e9: {  	v36 =	vadd.f32 v38, v36;
	v38 =	vmul.f32 v52, v52;
	(pc) =	sbr.rel @p2 .LBB2_68-.Ltmp34, $3  }
0x3ea: {  	_ = 	snop  }
0x3eb: {  	v36 =	vadd.f32 v38, v36;
	v38 =	vmul.f32 v45, v45;
	_ =	sdelay $0x1  }
0x3ec: {  	v39 =	vmul.f32 v53, v53;
	v38 =	vadd.f32 v38, v36  }
0x3ed: {  	v36 =	vmul.u32 $0x80, v0  }
0x3ee: {  	v61 =	vmul.f32 v37, v37;
	v38 =	vadd.f32 v39, v38  }
0x3ef: {  	v40 =	vor.u32 $0x1, v36  }
0x3f0: {  	v39 =	vadd.f32 v61, v38  }
0x3f1: {  	v38 =	vor.u32 $0x2, v36  }
0x3f2: {  	[tilespmem:s29+$0x17200] =	vst v39  }
0x3f3: {  	v39 =	vor.u32 $0x3, v36;
	v42 =	vld.idx.msk [tilespmem:v36+s20+$0x0], $0xffff  }
0x3f4: {  	v43 =	vld.idx.msk [tilespmem:v40+s20+$0x0], $0xffff  }
0x3f5: {  	v41 =	vor.u32 $0x4, v36  }
0x3f6: {  	v44 =	vld.idx.msk [tilespmem:v38+s20+$0x0], $0xffff  }
0x3f7: {  	v56 =	vor.u32 $0x5, v36  }
0x3f8: {  	v45 =	vld.idx.msk [tilespmem:v39+s20+$0x0], $0xffff  }
0x3f9: {  	v43 =	vadd.f32 v43, v42;
	v42 =	vor.u32 $0x6, v36  }
0x3fa: {  	v46 =	vld.idx.msk [tilespmem:v41+s20+$0x0], $0xffff  }
0x3fb: {  	v44 =	vadd.f32 v44, v43;
	v43 =	vor.u32 $0x7, v36  }
0x3fc: {  	v47 =	vld.idx.msk [tilespmem:v56+s20+$0x0], $0xffff  }
0x3fd: {  	v45 =	vadd.f32 v45, v44;
	v44 =	vor.u32 $0x8, v36  }
0x3fe: {  	v48 =	vld.idx.msk [tilespmem:v42+s20+$0x0], $0xffff  }
0x3ff: {  	v46 =	vadd.f32 v46, v45;
	v45 =	vor.u32 $0x9, v36  }
0x400: {  	v49 =	vld.idx.msk [tilespmem:v43+s20+$0x0], $0xffff  }
0x401: {  	v47 =	vadd.f32 v47, v46;
	v46 =	vor.u32 $0xA, v36  }
0x402: {  	v50 =	vld.idx.msk [tilespmem:v44+s20+$0x0], $0xffff  }
0x403: {  	v48 =	vadd.f32 v48, v47;
	v47 =	vor.u32 $0xB, v36  }
0x404: {  	v51 =	vld.idx.msk [tilespmem:v45+s20+$0x0], $0xffff  }
0x405: {  	v49 =	vadd.f32 v49, v48;
	v48 =	vor.u32 $0xC, v36  }
0x406: {  	v52 =	vld.idx.msk [tilespmem:v46+s20+$0x0], $0xffff  }
0x407: {  	v50 =	vadd.f32 v50, v49;
	v49 =	vor.u32 $0xD, v36  }
0x408: {  	v53 =	vld.idx.msk [tilespmem:v47+s20+$0x0], $0xffff  }
0x409: {  	v51 =	vadd.f32 v51, v50;
	v50 =	vor.u32 $0xE, v36  }
0x40a: {  	v54 =	vld.idx.msk [tilespmem:v48+s20+$0x0], $0xffff  }
0x40b: {  	v52 =	vadd.f32 v52, v51;
	v51 =	vor.u32 $0xF, v36  }
0x40c: {  	v55 =	vld.idx.msk [tilespmem:v49+s20+$0x0], $0xffff  }
0x40d: {  	v52 =	vadd.f32 v53, v52  }
0x40e: {  	v62 =	vld.idx.msk [tilespmem:v50+s20+$0x0], $0xffff  }
0x40f: {  	v52 =	vadd.f32 v54, v52  }
0x410: {  	v63 =	vld.idx.msk [tilespmem:v51+s20+$0x0], $0xffff  }
0x411: {  	s26 =	sadd.s32 $0x1, s26;
	v52 =	vadd.f32 v55, v52  }
0x412: {  	p1 =	sne.s32 s26, $0x3  }
.Ltmp35:
0x413: {  	v52 =	vadd.f32 v62, v52;
	(pc) =	sbr.rel @p1 .LBB2_67-.Ltmp35, $3  }
0x414: {  	_ = 	snop  }
0x415: {  	v52 =	vadd.f32 v63, v52;
	_ =	sdelay $0x1  }
0x416: {  	s25 =	sadd.s32 $0x2000, s25;
	v35 =	vmin.f32 v35, v52  }
0x417: {  	p1 =	seq.s32 s24, $0x7  }
0x418: {  	s0 =	smul.u32 @!p1 $0x60, s24;
	_ =	sdelay $0x1  }
0x419: {  	s0 =	sadd.s32 @!p1 s0, s7  }
0x41a: {  	s0 =	sshll.u32 @!p1 s0, $0x6  }
0x41b: {  	s4 =	simm.s32 @!p1 $0x0;
	s5 =	simm.s32 @!p1 $0xB080;
	s0 =	sadd.s32 @!p1 s1, s0  }
0x41c: {  	[tilespmem:s5], [sflag:$0x1] =	stream.linear.gather @!p1 [hbm4b:s0+s4], $0x6000, $0x38;
	[tilespmem:$0x17920] =	vst v63  }
0x41d: {  	_ =	swait.ge [sflag:s21], $0x6000  }
0x41e: {  	[tilespmem:$0x1FF90] =	vst v40  }
0x41f: {  	[tilespmem:$0x1FFA0] =	vst v38  }
0x420: {  	[tilespmem:$0x1FFB0] =	vst v39  }
0x421: {  	[tilespmem:$0x1FFC0] =	vst v41  }
0x422: {  	s25 =	simm.s32 $0x0;
	[sflag:s21] =	ssyncset.done $0x0;
	[tilespmem:$0x1FFD0] =	vst v56  }
0x423: {  	s26 =	simm.s32 $0x0;
	s28 =	simm.s32 $0x0;
	[tilespmem:$0x1FFE0] =	vst v42;
	[sflag:s21] =	ssyncadd.s32 $0xFFFFA000  }
.LBB2_71:
0x424: {  	s11 =	sadd.s32 $0x0, s26  }
0x425: {  	s0 =	sand.u32 $0x7000, s11  }
0x426: {  	s4 =	sand.u32 $0x200, s25;
	s0 =	sadd.s32 $0x11080, s0  }
0x427: {  	s4 =	sor.u32 s4, s0  }
0x428: {  	v52 =	vld [tilespmem:s4+$0x0]  }
0x429: {  	v53 =	vld [tilespmem:s4+$0x10];
	_ =	sdelay $0x1  }
0x42a: {  	v54 =	vld [tilespmem:s4+$0x20];
	_ =	sdelay $0x1  }
0x42b: {  	v55 =	vld [tilespmem:s4+$0x30]  }
0x42c: {  	v52 =	vsub.f32 v52, v3;
	v53 =	vsub.f32 v53, v4  }
0x42d: {  	v56 =	vld [tilespmem:s4+$0x40]  }
0x42e: {  	v54 =	vsub.f32 v54, v5;
	v52 =	vmul.f32 v52, v52;
	v53 =	vmul.f32 v53, v53  }
0x42f: {  	v57 =	vld [tilespmem:s4+$0x50]  }
0x430: {  	v39 =	vsub.f32 v55, v6;
	v38 =	vmul.f32 v54, v54;
	v52 =	vadd.f32 v53, v52  }
0x431: {  	v40 =	vld [tilespmem:s4+$0x60]  }
0x432: {  	v42 =	vsub.f32 v56, v7;
	v41 =	vmul.f32 v39, v39;
	v52 =	vadd.f32 v38, v52  }
0x433: {  	v60 =	vld [tilespmem:s4+$0x70]  }
0x434: {  	v62 =	vsub.f32 v57, v8;
	v61 =	vmul.f32 v42, v42;
	v52 =	vadd.f32 v41, v52  }
0x435: {  	v63 =	vld [tilespmem:s4+$0x400]  }
0x436: {  	v37 =	vmul.f32 v62, v62;
	v38 =	vsub.f32 v40, v9;
	v52 =	vadd.f32 v61, v52  }
0x437: {  	v39 =	vld [tilespmem:s4+$0x410]  }
0x438: {  	v40 =	vmul.f32 v38, v38;
	v41 =	vsub.f32 v60, v10;
	v52 =	vadd.f32 v37, v52  }
0x439: {  	v42 =	vld [tilespmem:s4+$0x420]  }
0x43a: {  	v60 =	vmul.f32 v41, v41;
	v61 =	vsub.f32 v63, v11;
	v52 =	vadd.f32 v40, v52  }
0x43b: {  	v62 =	vld [tilespmem:s4+$0x430]  }
0x43c: {  	v63 =	vmul.f32 v61, v61;
	v37 =	vsub.f32 v39, v12;
	v52 =	vadd.f32 v60, v52  }
0x43d: {  	v38 =	vld [tilespmem:s4+$0x440]  }
0x43e: {  	v39 =	vmul.f32 v37, v37;
	v40 =	vsub.f32 v42, v13;
	v52 =	vadd.f32 v63, v52  }
0x43f: {  	v41 =	vld [tilespmem:s4+$0x450]  }
0x440: {  	p2 =	por $0x0, $0x0;
	s5 =	simm.s32 $0x1;
	v42 =	vmul.f32 v40, v40;
	v60 =	vsub.f32 v62, v14;
	v52 =	vadd.f32 v39, v52  }
0x441: {  	s5 =	simm.s32 @!p2 $0x0;
	v61 =	vld [tilespmem:s4+$0x460]  }
0x442: {  	s5 =	sshll.u32 s5, $0x9;
	v62 =	vmul.f32 v60, v60;
	v63 =	vsub.f32 v38, v15;
	v52 =	vadd.f32 v42, v52  }
0x443: {  	s5 =	sadd.s32 s5, s11;
	v37 =	vld [tilespmem:s4+$0x470]  }
0x444: {  	s15 =	sor.u32 $0x800, s5;
	v38 =	vmul.f32 v63, v63;
	v39 =	vsub.f32 v41, v16;
	v52 =	vadd.f32 v62, v52  }
0x445: {  	v40 =	vld [tilespmem:s15+$0x11080]  }
0x446: {  	s16 =	sor.u32 $0x810, s5;
	v41 =	vmul.f32 v39, v39;
	v42 =	vsub.f32 v61, v17;
	v52 =	vadd.f32 v38, v52  }
0x447: {  	v60 =	vld [tilespmem:s16+$0x11080]  }
0x448: {  	s17 =	sor.u32 $0x820, s5;
	v61 =	vmul.f32 v42, v42;
	v62 =	vsub.f32 v37, v18;
	v52 =	vadd.f32 v41, v52  }
0x449: {  	v63 =	vld [tilespmem:s17+$0x11080]  }
0x44a: {  	s18 =	sor.u32 $0x830, s5;
	v37 =	vmul.f32 v62, v62;
	v38 =	vsub.f32 v40, v19;
	v52 =	vadd.f32 v61, v52  }
0x44b: {  	v39 =	vld [tilespmem:s18+$0x11080]  }
0x44c: {  	s22 =	sor.u32 $0x840, s5;
	v40 =	vmul.f32 v38, v38;
	v41 =	vsub.f32 v60, v20;
	v52 =	vadd.f32 v37, v52  }
0x44d: {  	v42 =	vld [tilespmem:s22+$0x11080]  }
0x44e: {  	s2 =	sor.u32 $0x850, s5;
	v60 =	vmul.f32 v41, v41;
	v61 =	vsub.f32 v63, v21;
	v52 =	vadd.f32 v40, v52  }
0x44f: {  	v62 =	vld [tilespmem:s2+$0x11080]  }
0x450: {  	s6 =	sor.u32 $0x860, s5;
	v63 =	vmul.f32 v61, v61;
	v37 =	vsub.f32 v39, v22;
	v52 =	vadd.f32 v60, v52  }
0x451: {  	v38 =	vld [tilespmem:s6+$0x11080]  }
0x452: {  	s9 =	sor.u32 $0x870, s5;
	v57 =	vsub.f32 v42, v23;
	v39 =	vmul.f32 v37, v37;
	v52 =	vadd.f32 v63, v52  }
0x453: {  	v40 =	vld [tilespmem:s9+$0x11080]  }
0x454: {  	s10 =	sor.u32 $0xC00, s5;
	v41 =	vmul.f32 v57, v57;
	v55 =	vsub.f32 v62, v24;
	v52 =	vadd.f32 v39, v52  }
0x455: {  	v42 =	vld [tilespmem:s10+$0x11080]  }
0x456: {  	s13 =	sor.u32 $0xC10, s5;
	v61 =	vsub.f32 v38, v25;
	v60 =	vmul.f32 v55, v55;
	v52 =	vadd.f32 v41, v52  }
0x457: {  	v62 =	vld [tilespmem:s13+$0x11080]  }
0x458: {  	s14 =	sor.u32 $0xC20, s5;
	v63 =	vmul.f32 v61, v61;
	v54 =	vsub.f32 v40, v26;
	v52 =	vadd.f32 v60, v52  }
0x459: {  	v37 =	vld [tilespmem:s14+$0x11080]  }
0x45a: {  	s15 =	sor.u32 $0xC30, s5;
	v39 =	vsub.f32 v42, v27;
	v38 =	vmul.f32 v54, v54;
	v52 =	vadd.f32 v63, v52  }
0x45b: {  	v40 =	vld [tilespmem:s15+$0x11080]  }
0x45c: {  	s16 =	sor.u32 $0xC40, s5;
	v42 =	vsub.f32 v62, v28;
	v41 =	vmul.f32 v39, v39;
	v52 =	vadd.f32 v38, v52  }
0x45d: {  	v60 =	vld [tilespmem:s16+$0x11080]  }
0x45e: {  	s17 =	sor.u32 $0xC50, s5;
	v62 =	vsub.f32 v37, v29;
	v61 =	vmul.f32 v42, v42;
	v52 =	vadd.f32 v41, v52  }
0x45f: {  	v63 =	vld [tilespmem:s17+$0x11080]  }
0x460: {  	s18 =	sor.u32 $0xC60, s5;
	v37 =	vmul.f32 v62, v62;
	v38 =	vsub.f32 v40, v30;
	v52 =	vadd.f32 v61, v52  }
0x461: {  	v39 =	vld [tilespmem:s18+$0x11080]  }
0x462: {  	s22 =	sor.u32 $0xC70, s5;
	v40 =	vmul.f32 v38, v38;
	v41 =	vsub.f32 v60, v31;
	v52 =	vadd.f32 v37, v52  }
0x463: {  	v42 =	vld [tilespmem:s22+$0x11080]  }
0x464: {  	v59 =	vsub.f32 v63, v32;
	v58 =	vmul.f32 v41, v41;
	v52 =	vadd.f32 v40, v52;
	_ =	sdelay $0x1  }
0x465: {  	v61 =	vsub.f32 v39, v33;
	v60 =	vmul.f32 v59, v59;
	v52 =	vadd.f32 v58, v52;
	_ =	sdelay $0x1  }
0x466: {  	v63 =	vsub.f32 v42, v34;
	v62 =	vmul.f32 v61, v61;
	v52 =	vadd.f32 v60, v52;
	_ =	sdelay $0x1  }
0x467: {  	v37 =	vmul.f32 v63, v63;
	v52 =	vadd.f32 v62, v52;
	_ =	sdelay $0x1  }
0x468: {  	s2 =	simm.s32 $0x80;
	v52 =	vadd.f32 v37, v52  }
0x469: {  	s29 =	simm.s32 $0x0;
	s4 =	sand.u32 $0x280, s2  }
0x46a: {  	s14 =	sadd.s32 s4, s0;
	[tilespmem:s29+$0x17080] =	vst v52  }
0x46b: {  	v52 =	vld [tilespmem:s14+$0x0]  }
0x46c: {  	v38 =	vld [tilespmem:s14+$0x10];
	_ =	sdelay $0x1  }
0x46d: {  	v39 =	vld [tilespmem:s14+$0x20];
	_ =	sdelay $0x1  }
0x46e: {  	v40 =	vld [tilespmem:s14+$0x30]  }
0x46f: {  	v52 =	vsub.f32 v52, v3;
	v53 =	vsub.f32 v38, v4  }
0x470: {  	v41 =	vld [tilespmem:s14+$0x40]  }
0x471: {  	v54 =	vsub.f32 v39, v5;
	v52 =	vmul.f32 v52, v52;
	v53 =	vmul.f32 v53, v53  }
0x472: {  	v42 =	vld [tilespmem:s14+$0x50]  }
0x473: {  	v59 =	vsub.f32 v40, v6;
	v58 =	vmul.f32 v54, v54;
	v52 =	vadd.f32 v53, v52  }
0x474: {  	v60 =	vld [tilespmem:s14+$0x60]  }
0x475: {  	v62 =	vsub.f32 v41, v7;
	v61 =	vmul.f32 v59, v59;
	v52 =	vadd.f32 v58, v52  }
0x476: {  	v63 =	vld [tilespmem:s14+$0x70]  }
0x477: {  	v38 =	vsub.f32 v42, v8;
	v37 =	vmul.f32 v62, v62;
	v52 =	vadd.f32 v61, v52  }
0x478: {  	v39 =	vld [tilespmem:s14+$0x400]  }
0x479: {  	v41 =	vsub.f32 v60, v9;
	v40 =	vmul.f32 v38, v38;
	v52 =	vadd.f32 v37, v52  }
0x47a: {  	v42 =	vld [tilespmem:s14+$0x410]  }
0x47b: {  	v60 =	vmul.f32 v41, v41;
	v61 =	vsub.f32 v63, v10;
	v52 =	vadd.f32 v40, v52  }
0x47c: {  	v62 =	vld [tilespmem:s14+$0x420]  }
0x47d: {  	v63 =	vmul.f32 v61, v61;
	v37 =	vsub.f32 v39, v11;
	v52 =	vadd.f32 v60, v52  }
0x47e: {  	v38 =	vld [tilespmem:s14+$0x430]  }
0x47f: {  	v39 =	vmul.f32 v37, v37;
	v40 =	vsub.f32 v42, v12;
	v52 =	vadd.f32 v63, v52  }
0x480: {  	v41 =	vld [tilespmem:s14+$0x440]  }
0x481: {  	v42 =	vmul.f32 v40, v40;
	v60 =	vsub.f32 v62, v13;
	v52 =	vadd.f32 v39, v52  }
0x482: {  	v61 =	vld [tilespmem:s14+$0x450]  }
0x483: {  	v62 =	vmul.f32 v60, v60;
	v63 =	vsub.f32 v38, v14;
	v52 =	vadd.f32 v42, v52  }
0x484: {  	v37 =	vld [tilespmem:s14+$0x460]  }
0x485: {  	v38 =	vmul.f32 v63, v63;
	v39 =	vsub.f32 v41, v15;
	v52 =	vadd.f32 v62, v52  }
0x486: {  	v40 =	vld [tilespmem:s14+$0x470]  }
0x487: {  	v41 =	vmul.f32 v39, v39;
	v42 =	vsub.f32 v61, v16;
	v52 =	vadd.f32 v38, v52  }
0x488: {  	v60 =	vld [tilespmem:s14+$0x800]  }
0x489: {  	v61 =	vmul.f32 v42, v42;
	v62 =	vsub.f32 v37, v17;
	v52 =	vadd.f32 v41, v52  }
0x48a: {  	v63 =	vld [tilespmem:s14+$0x810]  }
0x48b: {  	v37 =	vmul.f32 v62, v62;
	v38 =	vsub.f32 v40, v18;
	v52 =	vadd.f32 v61, v52  }
0x48c: {  	v39 =	vld [tilespmem:s14+$0x820]  }
0x48d: {  	v40 =	vmul.f32 v38, v38;
	v41 =	vsub.f32 v60, v19;
	v52 =	vadd.f32 v37, v52  }
0x48e: {  	v42 =	vld [tilespmem:s14+$0x830]  }
0x48f: {  	v60 =	vmul.f32 v41, v41;
	v61 =	vsub.f32 v63, v20;
	v52 =	vadd.f32 v40, v52  }
0x490: {  	v62 =	vld [tilespmem:s14+$0x840]  }
0x491: {  	v63 =	vmul.f32 v61, v61;
	v37 =	vsub.f32 v39, v21;
	v52 =	vadd.f32 v60, v52  }
0x492: {  	v38 =	vld [tilespmem:s14+$0x850]  }
0x493: {  	v39 =	vmul.f32 v37, v37;
	v40 =	vsub.f32 v42, v22;
	v52 =	vadd.f32 v63, v52  }
0x494: {  	v41 =	vld [tilespmem:s14+$0x860]  }
0x495: {  	v42 =	vmul.f32 v40, v40;
	v60 =	vsub.f32 v62, v23;
	v52 =	vadd.f32 v39, v52  }
0x496: {  	v61 =	vld [tilespmem:s14+$0x870]  }
0x497: {  	v62 =	vmul.f32 v60, v60;
	v63 =	vsub.f32 v38, v24;
	v52 =	vadd.f32 v42, v52  }
0x498: {  	v37 =	vld [tilespmem:s14+$0xC00]  }
0x499: {  	v38 =	vmul.f32 v63, v63;
	v39 =	vsub.f32 v41, v25;
	v52 =	vadd.f32 v62, v52  }
0x49a: {  	v40 =	vld [tilespmem:s14+$0xC10]  }
0x49b: {  	v41 =	vmul.f32 v39, v39;
	v42 =	vsub.f32 v61, v26;
	v52 =	vadd.f32 v38, v52  }
0x49c: {  	v60 =	vld [tilespmem:s14+$0xC20]  }
0x49d: {  	v61 =	vmul.f32 v42, v42;
	v62 =	vsub.f32 v37, v27;
	v52 =	vadd.f32 v41, v52  }
0x49e: {  	v63 =	vld [tilespmem:s14+$0xC30]  }
0x49f: {  	v37 =	vmul.f32 v62, v62;
	v38 =	vsub.f32 v40, v28;
	v52 =	vadd.f32 v61, v52  }
0x4a0: {  	v39 =	vld [tilespmem:s14+$0xC40]  }
0x4a1: {  	v40 =	vmul.f32 v38, v38;
	v41 =	vsub.f32 v60, v29;
	v52 =	vadd.f32 v37, v52  }
0x4a2: {  	v42 =	vld [tilespmem:s14+$0xC50]  }
0x4a3: {  	v60 =	vsub.f32 v63, v30;
	v59 =	vmul.f32 v41, v41;
	v52 =	vadd.f32 v40, v52  }
0x4a4: {  	v61 =	vld [tilespmem:s14+$0xC60]  }
0x4a5: {  	v63 =	vsub.f32 v39, v31;
	v62 =	vmul.f32 v60, v60;
	v52 =	vadd.f32 v59, v52  }
0x4a6: {  	v37 =	vld [tilespmem:s14+$0xC70]  }
0x4a7: {  	v39 =	vsub.f32 v42, v32;
	v38 =	vmul.f32 v63, v63;
	v52 =	vadd.f32 v62, v52;
	_ =	sdelay $0x1  }
0x4a8: {  	v40 =	vmul.f32 v39, v39;
	v41 =	vsub.f32 v61, v33;
	v52 =	vadd.f32 v38, v52;
	_ =	sdelay $0x1  }
0x4a9: {  	v42 =	vmul.f32 v41, v41;
	v57 =	vsub.f32 v37, v34;
	v52 =	vadd.f32 v40, v52;
	_ =	sdelay $0x1  }
0x4aa: {  	v58 =	vmul.f32 v57, v57;
	v52 =	vadd.f32 v42, v52;
	_ =	sdelay $0x1  }
0x4ab: {  	s5 =	sadd.s32 $0x400, s11;
	s6 =	simm.s32 $0x100;
	v52 =	vadd.f32 v58, v52  }
0x4ac: {  	s4 =	sand.u32 $0x7000, s5;
	s5 =	sand.u32 $0x300, s6  }
0x4ad: {  	s4 =	sor.u32 s5, s4;
	[tilespmem:s29+$0x17100] =	vst v52  }
0x4ae: {  	s9 =	sadd.s32 $0x11080, s4;
	v52 =	vld [tilespmem:s4+$0x11080]  }
0x4af: {  	v59 =	vld [tilespmem:s9+$0x10];
	_ =	sdelay $0x1  }
0x4b0: {  	v60 =	vld [tilespmem:s9+$0x20];
	_ =	sdelay $0x1  }
0x4b1: {  	v61 =	vld [tilespmem:s9+$0x30]  }
0x4b2: {  	v52 =	vsub.f32 v52, v3;
	v53 =	vsub.f32 v59, v4  }
0x4b3: {  	v62 =	vld [tilespmem:s9+$0x40]  }
0x4b4: {  	v54 =	vsub.f32 v60, v5;
	v52 =	vmul.f32 v52, v52;
	v53 =	vmul.f32 v53, v53  }
0x4b5: {  	v63 =	vld [tilespmem:s9+$0x50]  }
0x4b6: {  	v38 =	vsub.f32 v61, v6;
	v37 =	vmul.f32 v54, v54;
	v52 =	vadd.f32 v53, v52  }
0x4b7: {  	v39 =	vld [tilespmem:s9+$0x60]  }
0x4b8: {  	v41 =	vsub.f32 v62, v7;
	v40 =	vmul.f32 v38, v38;
	v52 =	vadd.f32 v37, v52  }
0x4b9: {  	v42 =	vld [tilespmem:s9+$0x70]  }
0x4ba: {  	v61 =	vsub.f32 v63, v8;
	v60 =	vmul.f32 v41, v41;
	v52 =	vadd.f32 v40, v52  }
0x4bb: {  	v62 =	vld [tilespmem:s9+$0x400]  }
0x4bc: {  	v63 =	vmul.f32 v61, v61;
	v37 =	vsub.f32 v39, v9;
	v52 =	vadd.f32 v60, v52  }
0x4bd: {  	v38 =	vld [tilespmem:s9+$0x410]  }
0x4be: {  	v39 =	vmul.f32 v37, v37;
	v40 =	vsub.f32 v42, v10;
	v52 =	vadd.f32 v63, v52  }
0x4bf: {  	v41 =	vld [tilespmem:s9+$0x420]  }
0x4c0: {  	v42 =	vmul.f32 v40, v40;
	v60 =	vsub.f32 v62, v11;
	v52 =	vadd.f32 v39, v52  }
0x4c1: {  	v61 =	vld [tilespmem:s9+$0x430]  }
0x4c2: {  	v62 =	vmul.f32 v60, v60;
	v63 =	vsub.f32 v38, v12;
	v52 =	vadd.f32 v42, v52  }
0x4c3: {  	v37 =	vld [tilespmem:s9+$0x440]  }
0x4c4: {  	v38 =	vmul.f32 v63, v63;
	v39 =	vsub.f32 v41, v13;
	v52 =	vadd.f32 v62, v52  }
0x4c5: {  	v40 =	vld [tilespmem:s9+$0x450]  }
0x4c6: {  	v41 =	vmul.f32 v39, v39;
	v42 =	vsub.f32 v61, v14;
	v52 =	vadd.f32 v38, v52  }
0x4c7: {  	v60 =	vld [tilespmem:s9+$0x460]  }
0x4c8: {  	v61 =	vmul.f32 v42, v42;
	v62 =	vsub.f32 v37, v15;
	v52 =	vadd.f32 v41, v52  }
0x4c9: {  	v63 =	vld [tilespmem:s9+$0x470]  }
0x4ca: {  	v37 =	vmul.f32 v62, v62;
	v38 =	vsub.f32 v40, v16;
	v52 =	vadd.f32 v61, v52  }
0x4cb: {  	v39 =	vld [tilespmem:s9+$0x800]  }
0x4cc: {  	v40 =	vmul.f32 v38, v38;
	v41 =	vsub.f32 v60, v17;
	v52 =	vadd.f32 v37, v52  }
0x4cd: {  	v42 =	vld [tilespmem:s9+$0x810]  }
0x4ce: {  	v59 =	vsub.f32 v63, v18;
	v58 =	vmul.f32 v41, v41;
	v52 =	vadd.f32 v40, v52  }
0x4cf: {  	v60 =	vld [tilespmem:s9+$0x820]  }
0x4d0: {  	v62 =	vsub.f32 v39, v19;
	v61 =	vmul.f32 v59, v59;
	v52 =	vadd.f32 v58, v52  }
0x4d1: {  	v63 =	vld [tilespmem:s9+$0x830]  }
0x4d2: {  	v38 =	vsub.f32 v42, v20;
	v37 =	vmul.f32 v62, v62;
	v52 =	vadd.f32 v61, v52  }
0x4d3: {  	v39 =	vld [tilespmem:s9+$0x840]  }
0x4d4: {  	v41 =	vsub.f32 v60, v21;
	v40 =	vmul.f32 v38, v38;
	v52 =	vadd.f32 v37, v52  }
0x4d5: {  	v42 =	vld [tilespmem:s9+$0x850]  }
0x4d6: {  	s10 =	sand.u32 $0x3, s25;
	v60 =	vmul.f32 v41, v41;
	v61 =	vsub.f32 v63, v22;
	v52 =	vadd.f32 v40, v52  }
0x4d7: {  	s4 =	sshll.u32 s10, $0x8;
	v62 =	vld [tilespmem:s9+$0x860]  }
0x4d8: {  	s4 =	sadd.s32 s11, s4;
	v63 =	vmul.f32 v61, v61;
	v37 =	vsub.f32 v39, v23;
	v52 =	vadd.f32 v60, v52  }
0x4d9: {  	s4 =	sadd.s32 $0x500, s4;
	v38 =	vld [tilespmem:s9+$0x870]  }
0x4da: {  	s11 =	sor.u32 $0xC00, s4;
	v39 =	vmul.f32 v37, v37;
	v40 =	vsub.f32 v42, v24;
	v52 =	vadd.f32 v63, v52  }
0x4db: {  	v41 =	vld [tilespmem:s11+$0x11080]  }
0x4dc: {  	s13 =	sor.u32 $0xC10, s4;
	v42 =	vmul.f32 v40, v40;
	v60 =	vsub.f32 v62, v25;
	v52 =	vadd.f32 v39, v52  }
0x4dd: {  	v61 =	vld [tilespmem:s13+$0x11080]  }
0x4de: {  	s14 =	sor.u32 $0xC20, s4;
	v62 =	vmul.f32 v60, v60;
	v63 =	vsub.f32 v38, v26;
	v52 =	vadd.f32 v42, v52  }
0x4df: {  	v37 =	vld [tilespmem:s14+$0x11080]  }
0x4e0: {  	s15 =	sor.u32 $0xC30, s4;
	v38 =	vmul.f32 v63, v63;
	v39 =	vsub.f32 v41, v27;
	v52 =	vadd.f32 v62, v52  }
0x4e1: {  	v40 =	vld [tilespmem:s15+$0x11080]  }
0x4e2: {  	s16 =	sor.u32 $0xC40, s4;
	v41 =	vmul.f32 v39, v39;
	v42 =	vsub.f32 v61, v28;
	v52 =	vadd.f32 v38, v52  }
0x4e3: {  	v60 =	vld [tilespmem:s16+$0x11080]  }
0x4e4: {  	s17 =	sor.u32 $0xC50, s4;
	v61 =	vmul.f32 v42, v42;
	v62 =	vsub.f32 v37, v29;
	v52 =	vadd.f32 v41, v52  }
0x4e5: {  	v63 =	vld [tilespmem:s17+$0x11080]  }
0x4e6: {  	s18 =	sor.u32 $0xC60, s4;
	v37 =	vmul.f32 v62, v62;
	v38 =	vsub.f32 v40, v30;
	v52 =	vadd.f32 v61, v52  }
0x4e7: {  	v39 =	vld [tilespmem:s18+$0x11080]  }
0x4e8: {  	s4 =	sor.u32 $0xC70, s4;
	v40 =	vmul.f32 v38, v38;
	v41 =	vsub.f32 v60, v31;
	v52 =	vadd.f32 v37, v52  }
0x4e9: {  	v42 =	vld [tilespmem:s4+$0x11080]  }
0x4ea: {  	v59 =	vsub.f32 v63, v32;
	v58 =	vmul.f32 v41, v41;
	v52 =	vadd.f32 v40, v52;
	_ =	sdelay $0x1  }
0x4eb: {  	v60 =	vmul.f32 v59, v59;
	v61 =	vsub.f32 v39, v33;
	v52 =	vadd.f32 v58, v52;
	_ =	sdelay $0x1  }
0x4ec: {  	v63 =	vsub.f32 v42, v34;
	v62 =	vmul.f32 v61, v61;
	v52 =	vadd.f32 v60, v52;
	_ =	sdelay $0x1  }
0x4ed: {  	v37 =	vmul.f32 v63, v63;
	v52 =	vadd.f32 v62, v52;
	_ =	sdelay $0x1  }
0x4ee: {  	s22 =	simm.s32 $0x180;
	v52 =	vadd.f32 v37, v52  }
0x4ef: {  	s4 =	sand.u32 $0x380, s22  }
0x4f0: {  	s0 =	sadd.s32 s4, s0;
	[tilespmem:s29+$0x17180] =	vst v52  }
0x4f1: {  	v52 =	vld [tilespmem:s0+$0x0]  }
0x4f2: {  	v38 =	vld [tilespmem:s0+$0x10];
	_ =	sdelay $0x1  }
0x4f3: {  	v39 =	vld [tilespmem:s0+$0x20];
	_ =	sdelay $0x1  }
0x4f4: {  	v40 =	vld [tilespmem:s0+$0x30]  }
0x4f5: {  	v52 =	vsub.f32 v52, v3;
	v53 =	vsub.f32 v38, v4  }
0x4f6: {  	v41 =	vld [tilespmem:s0+$0x40]  }
0x4f7: {  	v54 =	vsub.f32 v39, v5;
	v52 =	vmul.f32 v52, v52;
	v53 =	vmul.f32 v53, v53  }
0x4f8: {  	v42 =	vld [tilespmem:s0+$0x50]  }
0x4f9: {  	v55 =	vsub.f32 v40, v6;
	v60 =	vmul.f32 v54, v54;
	v52 =	vadd.f32 v53, v52  }
0x4fa: {  	v61 =	vld [tilespmem:s0+$0x60]  }
0x4fb: {  	v56 =	vsub.f32 v41, v7;
	v62 =	vmul.f32 v55, v55;
	v52 =	vadd.f32 v60, v52  }
0x4fc: {  	v63 =	vld [tilespmem:s0+$0x70]  }
0x4fd: {  	v57 =	vsub.f32 v42, v8;
	v37 =	vmul.f32 v56, v56;
	v52 =	vadd.f32 v62, v52  }
0x4fe: {  	v38 =	vld [tilespmem:s0+$0x400]  }
0x4ff: {  	v54 =	vsub.f32 v61, v9;
	v39 =	vmul.f32 v57, v57;
	v52 =	vadd.f32 v37, v52  }
0x500: {  	v40 =	vld [tilespmem:s0+$0x410]  }
0x501: {  	v55 =	vsub.f32 v63, v10;
	v41 =	vmul.f32 v54, v54;
	v52 =	vadd.f32 v39, v52  }
0x502: {  	v42 =	vld [tilespmem:s0+$0x420]  }
0x503: {  	v56 =	vsub.f32 v38, v11;
	v60 =	vmul.f32 v55, v55;
	v52 =	vadd.f32 v41, v52  }
0x504: {  	v61 =	vld [tilespmem:s0+$0x430]  }
0x505: {  	v57 =	vsub.f32 v40, v12;
	v62 =	vmul.f32 v56, v56;
	v52 =	vadd.f32 v60, v52  }
0x506: {  	v63 =	vld [tilespmem:s0+$0x440]  }
0x507: {  	v54 =	vsub.f32 v42, v13;
	v37 =	vmul.f32 v57, v57;
	v52 =	vadd.f32 v62, v52  }
0x508: {  	v38 =	vld [tilespmem:s0+$0x450]  }
0x509: {  	v55 =	vsub.f32 v61, v14;
	v39 =	vmul.f32 v54, v54;
	v52 =	vadd.f32 v37, v52  }
0x50a: {  	v40 =	vld [tilespmem:s0+$0x460]  }
0x50b: {  	v56 =	vsub.f32 v63, v15;
	v41 =	vmul.f32 v55, v55;
	v52 =	vadd.f32 v39, v52  }
0x50c: {  	v42 =	vld [tilespmem:s0+$0x470]  }
0x50d: {  	v57 =	vsub.f32 v38, v16;
	v60 =	vmul.f32 v56, v56;
	v52 =	vadd.f32 v41, v52  }
0x50e: {  	v61 =	vld [tilespmem:s0+$0x800]  }
0x50f: {  	v54 =	vsub.f32 v40, v17;
	v62 =	vmul.f32 v57, v57;
	v52 =	vadd.f32 v60, v52  }
0x510: {  	v63 =	vld [tilespmem:s0+$0x810]  }
0x511: {  	v55 =	vsub.f32 v42, v18;
	v37 =	vmul.f32 v54, v54;
	v52 =	vadd.f32 v62, v52  }
0x512: {  	v38 =	vld [tilespmem:s0+$0x820]  }
0x513: {  	v56 =	vsub.f32 v61, v19;
	v39 =	vmul.f32 v55, v55;
	v52 =	vadd.f32 v37, v52  }
0x514: {  	v40 =	vld [tilespmem:s0+$0x830]  }
0x515: {  	v57 =	vsub.f32 v63, v20;
	v41 =	vmul.f32 v56, v56;
	v52 =	vadd.f32 v39, v52  }
0x516: {  	v42 =	vld [tilespmem:s0+$0x840]  }
0x517: {  	v54 =	vsub.f32 v38, v21;
	v60 =	vmul.f32 v57, v57;
	v52 =	vadd.f32 v41, v52  }
0x518: {  	v61 =	vld [tilespmem:s0+$0x850]  }
0x519: {  	v55 =	vsub.f32 v40, v22;
	v62 =	vmul.f32 v54, v54;
	v52 =	vadd.f32 v60, v52  }
0x51a: {  	v63 =	vld [tilespmem:s0+$0x860]  }
0x51b: {  	v56 =	vsub.f32 v42, v23;
	v37 =	vmul.f32 v55, v55;
	v52 =	vadd.f32 v62, v52  }
0x51c: {  	v38 =	vld [tilespmem:s0+$0x870]  }
0x51d: {  	v57 =	vsub.f32 v61, v24;
	v39 =	vmul.f32 v56, v56;
	v52 =	vadd.f32 v37, v52  }
0x51e: {  	v40 =	vld [tilespmem:s0+$0xC00]  }
0x51f: {  	v54 =	vsub.f32 v63, v25;
	v41 =	vmul.f32 v57, v57;
	v52 =	vadd.f32 v39, v52  }
0x520: {  	v42 =	vld [tilespmem:s0+$0xC10]  }
0x521: {  	v55 =	vsub.f32 v38, v26;
	v60 =	vmul.f32 v54, v54;
	v52 =	vadd.f32 v41, v52  }
0x522: {  	v61 =	vld [tilespmem:s0+$0xC20]  }
0x523: {  	v56 =	vsub.f32 v40, v27;
	v62 =	vmul.f32 v55, v55;
	v52 =	vadd.f32 v60, v52  }
0x524: {  	v63 =	vld [tilespmem:s0+$0xC30]  }
0x525: {  	v57 =	vsub.f32 v42, v28;
	v37 =	vmul.f32 v56, v56;
	v52 =	vadd.f32 v62, v52  }
0x526: {  	v38 =	vld [tilespmem:s0+$0xC40]  }
0x527: {  	v54 =	vsub.f32 v61, v29;
	v39 =	vmul.f32 v57, v57;
	v52 =	vadd.f32 v37, v52  }
0x528: {  	v40 =	vld [tilespmem:s0+$0xC50]  }
0x529: {  	v55 =	vsub.f32 v63, v30;
	v41 =	vmul.f32 v54, v54;
	v52 =	vadd.f32 v39, v52  }
0x52a: {  	v42 =	vld [tilespmem:s0+$0xC60]  }
0x52b: {  	v56 =	vsub.f32 v38, v31;
	v60 =	vmul.f32 v55, v55;
	v52 =	vadd.f32 v41, v52  }
0x52c: {  	v61 =	vld [tilespmem:s0+$0xC70]  }
0x52d: {  	v57 =	vsub.f32 v40, v32;
	v62 =	vmul.f32 v56, v56;
	v52 =	vadd.f32 v60, v52;
	_ =	sdelay $0x1  }
0x52e: {  	v54 =	vsub.f32 v42, v33;
	v63 =	vmul.f32 v57, v57;
	v53 =	vadd.f32 v62, v52;
	_ =	sdelay $0x1  }
0x52f: {  	s30 =	simm.s32 $0x800;
	s31 =	simm.s32 $0x0;
	s0 =	simm.s32 $0x0;
	v54 =	vmul.f32 v54, v54;
	v52 =	vsub.f32 v61, v34;
	v53 =	vadd.f32 v63, v53  }
.LBB2_72:
0x530: {  	s31 =	sadd.s32 $0x200, s31  }
0x531: {  	p2 =	por !p2, !p2;
	s0 =	sadd.s32 $0x2, s0;
	s16 =	smov.u32 s30  }
0x532: {  	p3 =	sne.s32 s30, $0x1800;
	s30 =	sadd.s32 $0x800, s30;
	v52 =	vmul.f32 v52, v52;
	s14 =	sadd.s32 s16, s26;
	v53 =	vadd.f32 v54, v53  }
0x533: {  	s4 =	sand.u32 $0x7000, s14;
	s5 =	sadd.s32 $0x400, s14  }
0x534: {  	s6 =	sand.u32 $0x200, s31;
	s11 =	sadd.s32 $0x11080, s4;
	s15 =	sand.u32 $0x7000, s5;
	v52 =	vadd.f32 v52, v53  }
0x535: {  	s18 =	sor.u32 s6, s11  }
0x536: {  	[tilespmem:s29+$0x17200] =	vst v52  }
0x537: {  	v52 =	vld [tilespmem:s18+$0x0]  }
0x538: {  	v53 =	vld [tilespmem:s18+$0x10];
	_ =	sdelay $0x1  }
0x539: {  	v54 =	vld [tilespmem:s18+$0x20];
	_ =	sdelay $0x1  }
0x53a: {  	v52 =	vsub.f32 v52, v3;
	v55 =	vld [tilespmem:s18+$0x30]  }
0x53b: {  	v53 =	vsub.f32 v53, v4  }
0x53c: {  	v56 =	vld [tilespmem:s18+$0x40]  }
0x53d: {  	v52 =	vmul.f32 v52, v52;
	v53 =	vmul.f32 v53, v53;
	v54 =	vsub.f32 v54, v5  }
0x53e: {  	v57 =	vld [tilespmem:s18+$0x50]  }
0x53f: {  	v52 =	vadd.f32 v53, v52;
	v53 =	vmul.f32 v54, v54;
	v54 =	vsub.f32 v55, v6  }
0x540: {  	v55 =	vld [tilespmem:s18+$0x60]  }
0x541: {  	v52 =	vadd.f32 v53, v52;
	v53 =	vmul.f32 v54, v54;
	v54 =	vsub.f32 v56, v7  }
0x542: {  	v56 =	vld [tilespmem:s18+$0x70]  }
0x543: {  	v52 =	vadd.f32 v53, v52;
	v53 =	vmul.f32 v54, v54;
	v54 =	vsub.f32 v57, v8  }
0x544: {  	v57 =	vld [tilespmem:s18+$0x400]  }
0x545: {  	v52 =	vadd.f32 v53, v52;
	v53 =	vmul.f32 v54, v54;
	v54 =	vsub.f32 v55, v9  }
0x546: {  	v55 =	vld [tilespmem:s18+$0x410]  }
0x547: {  	v52 =	vadd.f32 v53, v52;
	v53 =	vmul.f32 v54, v54;
	v54 =	vsub.f32 v56, v10  }
0x548: {  	v56 =	vld [tilespmem:s18+$0x420]  }
0x549: {  	v52 =	vadd.f32 v53, v52;
	v53 =	vmul.f32 v54, v54;
	v54 =	vsub.f32 v57, v11  }
0x54a: {  	v57 =	vld [tilespmem:s18+$0x430]  }
0x54b: {  	v52 =	vadd.f32 v53, v52;
	v53 =	vmul.f32 v54, v54;
	v54 =	vsub.f32 v55, v12  }
0x54c: {  	v55 =	vld [tilespmem:s18+$0x440]  }
0x54d: {  	v52 =	vadd.f32 v53, v52;
	v53 =	vmul.f32 v54, v54;
	v54 =	vsub.f32 v56, v13  }
0x54e: {  	v56 =	vld [tilespmem:s18+$0x450]  }
0x54f: {  	s4 =	simm.s32 $0x1;
	v52 =	vadd.f32 v53, v52;
	v53 =	vmul.f32 v54, v54;
	v54 =	vsub.f32 v57, v14  }
0x550: {  	s4 =	simm.s32 @!p2 $0x0;
	v57 =	vld [tilespmem:s18+$0x460]  }
0x551: {  	s4 =	sshll.u32 s4, $0x9;
	v52 =	vadd.f32 v53, v52;
	v53 =	vmul.f32 v54, v54;
	v54 =	vsub.f32 v55, v15  }
0x552: {  	v55 =	vld [tilespmem:s18+$0x470];
	s18 =	sadd.s32 s4, s14  }
0x553: {  	v52 =	vadd.f32 v53, v52;
	v53 =	vmul.f32 v54, v54;
	v54 =	vsub.f32 v56, v16;
	s4 =	sor.u32 $0x800, s18;
	s10 =	sor.u32 $0x830, s18;
	s9 =	sor.u32 $0xC10, s18  }
0x554: {  	s22 =	sor.u32 $0xC40, s18;
	s29 =	sor.u32 $0xC70, s18;
	v56 =	vld [tilespmem:s4+$0x11080];
	s4 =	sor.u32 $0x840, s18  }
0x555: {  	s5 =	sor.u32 $0x810, s18;
	s2 =	sor.u32 $0xC00, s18;
	v52 =	vadd.f32 v53, v52;
	v53 =	vmul.f32 v54, v54;
	v54 =	vsub.f32 v57, v17;
	v57 =	vld [tilespmem:s4+$0x11080];
	s4 =	sor.u32 $0x860, s18  }
0x556: {  	s13 =	sor.u32 $0xC20, s18;
	s6 =	sor.u32 $0xC50, s18;
	v58 =	vld [tilespmem:s5+$0x11080];
	s5 =	sor.u32 $0xC60, s18  }
0x557: {  	s17 =	sor.u32 $0x820, s18;
	v52 =	vadd.f32 v53, v52;
	v53 =	vmul.f32 v54, v54;
	v54 =	vsub.f32 v55, v18  }
0x558: {  	v55 =	vld [tilespmem:s17+$0x11080]  }
0x559: {  	v52 =	vadd.f32 v53, v52;
	v53 =	vmul.f32 v54, v54;
	v54 =	vsub.f32 v56, v19  }
0x55a: {  	v56 =	vld [tilespmem:s10+$0x11080];
	v57 =	vsub.f32 v57, v23  }
0x55b: {  	v52 =	vadd.f32 v53, v52;
	v53 =	vmul.f32 v54, v54;
	v54 =	vsub.f32 v58, v20;
	_ =	sdelay $0x1  }
0x55c: {  	s10 =	sor.u32 $0x850, s18;
	v52 =	vadd.f32 v53, v52;
	v53 =	vmul.f32 v54, v54;
	v54 =	vsub.f32 v55, v21  }
0x55d: {  	v55 =	vld [tilespmem:s10+$0x11080]  }
0x55e: {  	v52 =	vadd.f32 v53, v52;
	v53 =	vmul.f32 v54, v54;
	v54 =	vsub.f32 v56, v22  }
0x55f: {  	v56 =	vld [tilespmem:s4+$0x11080]  }
0x560: {  	s4 =	sor.u32 $0x870, s18;
	v52 =	vadd.f32 v53, v52;
	v53 =	vmul.f32 v54, v54  }
0x561: {  	v54 =	vld [tilespmem:s4+$0x11080]  }
0x562: {  	v52 =	vadd.f32 v53, v52;
	v53 =	vmul.f32 v57, v57;
	v55 =	vsub.f32 v55, v24  }
0x563: {  	v57 =	vld [tilespmem:s2+$0x11080]  }
0x564: {  	v52 =	vadd.f32 v53, v52;
	v53 =	vmul.f32 v55, v55;
	v55 =	vsub.f32 v56, v25  }
0x565: {  	v56 =	vld [tilespmem:s9+$0x11080]  }
0x566: {  	v52 =	vadd.f32 v53, v52;
	v53 =	vmul.f32 v55, v55;
	v54 =	vsub.f32 v54, v26  }
0x567: {  	v55 =	vld [tilespmem:s13+$0x11080]  }
0x568: {  	s2 =	sor.u32 $0xC30, s18;
	v52 =	vadd.f32 v53, v52;
	v53 =	vmul.f32 v54, v54;
	v54 =	vsub.f32 v57, v27  }
0x569: {  	v57 =	vld [tilespmem:s2+$0x11080]  }
0x56a: {  	v52 =	vadd.f32 v53, v52;
	v53 =	vmul.f32 v54, v54;
	v54 =	vsub.f32 v56, v28  }
0x56b: {  	v56 =	vld [tilespmem:s22+$0x11080]  }
0x56c: {  	v52 =	vadd.f32 v53, v52;
	v53 =	vmul.f32 v54, v54;
	v54 =	vsub.f32 v55, v29  }
0x56d: {  	v55 =	vld [tilespmem:s6+$0x11080]  }
0x56e: {  	v52 =	vadd.f32 v53, v52;
	v53 =	vmul.f32 v54, v54;
	v54 =	vsub.f32 v57, v30  }
0x56f: {  	v57 =	vld [tilespmem:s5+$0x11080]  }
0x570: {  	v52 =	vadd.f32 v53, v52;
	v53 =	vmul.f32 v54, v54;
	v54 =	vsub.f32 v56, v31  }
0x571: {  	v56 =	vld [tilespmem:s29+$0x11080]  }
0x572: {  	v52 =	vadd.f32 v53, v52;
	v53 =	vmul.f32 v54, v54;
	v54 =	vsub.f32 v55, v32;
	_ =	sdelay $0x1  }
0x573: {  	v52 =	vadd.f32 v53, v52;
	v53 =	vmul.f32 v54, v54;
	v54 =	vsub.f32 v57, v33;
	_ =	sdelay $0x1  }
0x574: {  	v52 =	vadd.f32 v53, v52;
	v53 =	vmul.f32 v54, v54;
	v54 =	vsub.f32 v56, v34;
	_ =	sdelay $0x1  }
0x575: {  	v52 =	vadd.f32 v53, v52;
	v53 =	vmul.f32 v54, v54;
	_ =	sdelay $0x1  }
0x576: {  	s2 =	sadd.s32 $0x80, s31;
	v52 =	vadd.f32 v53, v52  }
0x577: {  	s2 =	sand.u32 $0x280, s2;
	s29 =	sshra.s32 s16, $0x2  }
0x578: {  	s16 =	sadd.s32 s2, s11;
	[tilespmem:s29+$0x17080] =	vst v52  }
0x579: {  	v52 =	vld [tilespmem:s16+$0x0]  }
0x57a: {  	v53 =	vld [tilespmem:s16+$0x10];
	_ =	sdelay $0x1  }
0x57b: {  	v54 =	vld [tilespmem:s16+$0x20];
	_ =	sdelay $0x1  }
0x57c: {  	v52 =	vsub.f32 v52, v3;
	v55 =	vld [tilespmem:s16+$0x30]  }
0x57d: {  	v53 =	vsub.f32 v53, v4  }
0x57e: {  	v56 =	vld [tilespmem:s16+$0x40]  }
0x57f: {  	v52 =	vmul.f32 v52, v52;
	v53 =	vmul.f32 v53, v53;
	v54 =	vsub.f32 v54, v5  }
0x580: {  	v57 =	vld [tilespmem:s16+$0x50]  }
0x581: {  	v52 =	vadd.f32 v53, v52;
	v53 =	vmul.f32 v54, v54;
	v54 =	vsub.f32 v55, v6  }
0x582: {  	v55 =	vld [tilespmem:s16+$0x60]  }
0x583: {  	v52 =	vadd.f32 v53, v52;
	v53 =	vmul.f32 v54, v54;
	v54 =	vsub.f32 v56, v7  }
0x584: {  	v56 =	vld [tilespmem:s16+$0x70]  }
0x585: {  	v52 =	vadd.f32 v53, v52;
	v53 =	vmul.f32 v54, v54;
	v54 =	vsub.f32 v57, v8  }
0x586: {  	v57 =	vld [tilespmem:s16+$0x400]  }
0x587: {  	v52 =	vadd.f32 v53, v52;
	v53 =	vmul.f32 v54, v54;
	v54 =	vsub.f32 v55, v9  }
0x588: {  	v55 =	vld [tilespmem:s16+$0x410]  }
0x589: {  	v52 =	vadd.f32 v53, v52;
	v53 =	vmul.f32 v54, v54;
	v54 =	vsub.f32 v56, v10  }
0x58a: {  	v56 =	vld [tilespmem:s16+$0x420]  }
0x58b: {  	v52 =	vadd.f32 v53, v52;
	v53 =	vmul.f32 v54, v54;
	v54 =	vsub.f32 v57, v11  }
0x58c: {  	v57 =	vld [tilespmem:s16+$0x430]  }
0x58d: {  	v52 =	vadd.f32 v53, v52;
	v53 =	vmul.f32 v54, v54;
	v54 =	vsub.f32 v55, v12  }
0x58e: {  	v55 =	vld [tilespmem:s16+$0x440]  }
0x58f: {  	v52 =	vadd.f32 v53, v52;
	v53 =	vmul.f32 v54, v54;
	v54 =	vsub.f32 v56, v13  }
0x590: {  	v56 =	vld [tilespmem:s16+$0x450]  }
0x591: {  	v52 =	vadd.f32 v53, v52;
	v53 =	vmul.f32 v54, v54;
	v54 =	vsub.f32 v57, v14  }
0x592: {  	v57 =	vld [tilespmem:s16+$0x460]  }
0x593: {  	v52 =	vadd.f32 v53, v52;
	v53 =	vmul.f32 v54, v54;
	v54 =	vsub.f32 v55, v15  }
0x594: {  	v55 =	vld [tilespmem:s16+$0x470]  }
0x595: {  	v52 =	vadd.f32 v53, v52;
	v53 =	vmul.f32 v54, v54;
	v54 =	vsub.f32 v56, v16  }
0x596: {  	v56 =	vld [tilespmem:s16+$0x800]  }
0x597: {  	v52 =	vadd.f32 v53, v52;
	v53 =	vmul.f32 v54, v54;
	v54 =	vsub.f32 v57, v17  }
0x598: {  	v57 =	vld [tilespmem:s16+$0x810]  }
0x599: {  	v52 =	vadd.f32 v53, v52;
	v53 =	vmul.f32 v54, v54;
	v54 =	vsub.f32 v55, v18  }
0x59a: {  	v55 =	vld [tilespmem:s16+$0x820]  }
0x59b: {  	v52 =	vadd.f32 v53, v52;
	v53 =	vmul.f32 v54, v54;
	v54 =	vsub.f32 v56, v19  }
0x59c: {  	v56 =	vld [tilespmem:s16+$0x830]  }
0x59d: {  	v52 =	vadd.f32 v53, v52;
	v53 =	vmul.f32 v54, v54;
	v54 =	vsub.f32 v57, v20  }
0x59e: {  	v57 =	vld [tilespmem:s16+$0x840]  }
0x59f: {  	v52 =	vadd.f32 v53, v52;
	v53 =	vmul.f32 v54, v54;
	v54 =	vsub.f32 v55, v21  }
0x5a0: {  	v55 =	vld [tilespmem:s16+$0x850]  }
0x5a1: {  	v52 =	vadd.f32 v53, v52;
	v53 =	vmul.f32 v54, v54;
	v54 =	vsub.f32 v56, v22  }
0x5a2: {  	v56 =	vld [tilespmem:s16+$0x860]  }
0x5a3: {  	v52 =	vadd.f32 v53, v52;
	v53 =	vmul.f32 v54, v54;
	v54 =	vsub.f32 v57, v23  }
0x5a4: {  	v57 =	vld [tilespmem:s16+$0x870]  }
0x5a5: {  	v52 =	vadd.f32 v53, v52;
	v53 =	vmul.f32 v54, v54;
	v54 =	vsub.f32 v55, v24  }
0x5a6: {  	v55 =	vld [tilespmem:s16+$0xC00]  }
0x5a7: {  	v52 =	vadd.f32 v53, v52;
	v53 =	vmul.f32 v54, v54;
	v54 =	vsub.f32 v56, v25  }
0x5a8: {  	v56 =	vld [tilespmem:s16+$0xC10]  }
0x5a9: {  	v52 =	vadd.f32 v53, v52;
	v53 =	vmul.f32 v54, v54;
	v54 =	vsub.f32 v57, v26  }
0x5aa: {  	v57 =	vld [tilespmem:s16+$0xC20]  }
0x5ab: {  	v52 =	vadd.f32 v53, v52;
	v53 =	vmul.f32 v54, v54;
	v54 =	vsub.f32 v55, v27  }
0x5ac: {  	v55 =	vld [tilespmem:s16+$0xC30]  }
0x5ad: {  	v52 =	vadd.f32 v53, v52;
	v53 =	vmul.f32 v54, v54;
	v54 =	vsub.f32 v56, v28  }
0x5ae: {  	v56 =	vld [tilespmem:s16+$0xC40]  }
0x5af: {  	v52 =	vadd.f32 v53, v52;
	v53 =	vmul.f32 v54, v54;
	v54 =	vsub.f32 v57, v29  }
0x5b0: {  	v57 =	vld [tilespmem:s16+$0xC50]  }
0x5b1: {  	v52 =	vadd.f32 v53, v52;
	v53 =	vmul.f32 v54, v54;
	v54 =	vsub.f32 v55, v30  }
0x5b2: {  	v55 =	vld [tilespmem:s16+$0xC60]  }
0x5b3: {  	v52 =	vadd.f32 v53, v52;
	v53 =	vmul.f32 v54, v54;
	v54 =	vsub.f32 v56, v31  }
0x5b4: {  	v56 =	vld [tilespmem:s16+$0xC70]  }
0x5b5: {  	v52 =	vadd.f32 v53, v52;
	v53 =	vmul.f32 v54, v54;
	v54 =	vsub.f32 v57, v32;
	_ =	sdelay $0x1  }
0x5b6: {  	v52 =	vadd.f32 v53, v52;
	v53 =	vmul.f32 v54, v54;
	v54 =	vsub.f32 v55, v33;
	_ =	sdelay $0x1  }
0x5b7: {  	v52 =	vadd.f32 v53, v52;
	v53 =	vmul.f32 v54, v54;
	v54 =	vsub.f32 v56, v34;
	_ =	sdelay $0x1  }
0x5b8: {  	v52 =	vadd.f32 v53, v52;
	v53 =	vmul.f32 v54, v54;
	_ =	sdelay $0x1  }
0x5b9: {  	s2 =	sadd.s32 $0x100, s31;
	v52 =	vadd.f32 v53, v52  }
0x5ba: {  	s2 =	sand.u32 $0x300, s2  }
0x5bb: {  	s2 =	sor.u32 s2, s15;
	[tilespmem:s29+$0x17100] =	vst v52  }
0x5bc: {  	s15 =	sadd.s32 $0x11080, s2;
	v52 =	vld [tilespmem:s2+$0x11080]  }
0x5bd: {  	v53 =	vld [tilespmem:s15+$0x10];
	_ =	sdelay $0x1  }
0x5be: {  	v54 =	vld [tilespmem:s15+$0x20];
	_ =	sdelay $0x1  }
0x5bf: {  	v52 =	vsub.f32 v52, v3;
	v55 =	vld [tilespmem:s15+$0x30]  }
0x5c0: {  	v53 =	vsub.f32 v53, v4  }
0x5c1: {  	v52 =	vmul.f32 v52, v52;
	v56 =	vld [tilespmem:s15+$0x40]  }
0x5c2: {  	v53 =	vmul.f32 v53, v53;
	v54 =	vsub.f32 v54, v5  }
0x5c3: {  	v57 =	vld [tilespmem:s15+$0x50]  }
0x5c4: {  	v52 =	vadd.f32 v53, v52;
	v53 =	vmul.f32 v54, v54;
	v54 =	vsub.f32 v55, v6  }
0x5c5: {  	v55 =	vld [tilespmem:s15+$0x60]  }
0x5c6: {  	v52 =	vadd.f32 v53, v52;
	v53 =	vmul.f32 v54, v54;
	v54 =	vsub.f32 v56, v7  }
0x5c7: {  	v56 =	vld [tilespmem:s15+$0x70]  }
0x5c8: {  	v52 =	vadd.f32 v53, v52;
	v53 =	vmul.f32 v54, v54;
	v54 =	vsub.f32 v57, v8  }
0x5c9: {  	v57 =	vld [tilespmem:s15+$0x400]  }
0x5ca: {  	v52 =	vadd.f32 v53, v52;
	v53 =	vmul.f32 v54, v54;
	v54 =	vsub.f32 v55, v9  }
0x5cb: {  	v55 =	vld [tilespmem:s15+$0x410]  }
0x5cc: {  	v52 =	vadd.f32 v53, v52;
	v53 =	vmul.f32 v54, v54;
	v54 =	vsub.f32 v56, v10  }
0x5cd: {  	v56 =	vld [tilespmem:s15+$0x420]  }
0x5ce: {  	v52 =	vadd.f32 v53, v52;
	v53 =	vmul.f32 v54, v54;
	v54 =	vsub.f32 v57, v11  }
0x5cf: {  	v57 =	vld [tilespmem:s15+$0x430]  }
0x5d0: {  	v52 =	vadd.f32 v53, v52;
	v53 =	vmul.f32 v54, v54;
	v54 =	vsub.f32 v55, v12  }
0x5d1: {  	v55 =	vld [tilespmem:s15+$0x440]  }
0x5d2: {  	v52 =	vadd.f32 v53, v52;
	v53 =	vmul.f32 v54, v54;
	v54 =	vsub.f32 v56, v13  }
0x5d3: {  	v56 =	vld [tilespmem:s15+$0x450]  }
0x5d4: {  	v52 =	vadd.f32 v53, v52;
	v53 =	vmul.f32 v54, v54;
	v54 =	vsub.f32 v57, v14  }
0x5d5: {  	v57 =	vld [tilespmem:s15+$0x460]  }
0x5d6: {  	v52 =	vadd.f32 v53, v52;
	v53 =	vmul.f32 v54, v54;
	v54 =	vsub.f32 v55, v15  }
0x5d7: {  	v55 =	vld [tilespmem:s15+$0x470]  }
0x5d8: {  	v52 =	vadd.f32 v53, v52;
	v53 =	vmul.f32 v54, v54;
	v54 =	vsub.f32 v56, v16  }
0x5d9: {  	v56 =	vld [tilespmem:s15+$0x800]  }
0x5da: {  	v52 =	vadd.f32 v53, v52;
	v53 =	vmul.f32 v54, v54;
	v54 =	vsub.f32 v57, v17  }
0x5db: {  	v57 =	vld [tilespmem:s15+$0x810]  }
0x5dc: {  	v52 =	vadd.f32 v53, v52;
	v53 =	vmul.f32 v54, v54;
	v54 =	vsub.f32 v55, v18  }
0x5dd: {  	v55 =	vld [tilespmem:s15+$0x820]  }
0x5de: {  	v52 =	vadd.f32 v53, v52;
	v53 =	vmul.f32 v54, v54;
	v54 =	vsub.f32 v56, v19  }
0x5df: {  	v56 =	vld [tilespmem:s15+$0x830]  }
0x5e0: {  	v52 =	vadd.f32 v53, v52;
	v53 =	vmul.f32 v54, v54;
	v54 =	vsub.f32 v57, v20  }
0x5e1: {  	v57 =	vld [tilespmem:s15+$0x840]  }
0x5e2: {  	v52 =	vadd.f32 v53, v52;
	v53 =	vmul.f32 v54, v54;
	v54 =	vsub.f32 v55, v21  }
0x5e3: {  	v55 =	vld [tilespmem:s15+$0x850]  }
0x5e4: {  	s2 =	sand.u32 $0x3, s0;
	v52 =	vadd.f32 v53, v52;
	v53 =	vmul.f32 v54, v54;
	v54 =	vsub.f32 v56, v22  }
0x5e5: {  	s2 =	sshll.u32 s2, $0x8;
	v56 =	vld [tilespmem:s15+$0x860]  }
0x5e6: {  	s2 =	sadd.s32 s14, s2;
	v52 =	vadd.f32 v53, v52;
	v53 =	vmul.f32 v54, v54;
	v54 =	vsub.f32 v57, v23  }
0x5e7: {  	s2 =	sadd.s32 $0x500, s2;
	v57 =	vld [tilespmem:s15+$0x870]  }
0x5e8: {  	s4 =	sor.u32 $0xC00, s2;
	v52 =	vadd.f32 v53, v52;
	v53 =	vmul.f32 v54, v54;
	v54 =	vsub.f32 v55, v24  }
0x5e9: {  	v55 =	vld [tilespmem:s4+$0x11080]  }
0x5ea: {  	s4 =	sor.u32 $0xC10, s2;
	v52 =	vadd.f32 v53, v52;
	v53 =	vmul.f32 v54, v54;
	v54 =	vsub.f32 v56, v25  }
0x5eb: {  	v56 =	vld [tilespmem:s4+$0x11080]  }
0x5ec: {  	s4 =	sor.u32 $0xC20, s2;
	v52 =	vadd.f32 v53, v52;
	v53 =	vmul.f32 v54, v54;
	v54 =	vsub.f32 v57, v26  }
0x5ed: {  	v57 =	vld [tilespmem:s4+$0x11080]  }
0x5ee: {  	s4 =	sor.u32 $0xC30, s2;
	v52 =	vadd.f32 v53, v52;
	v53 =	vmul.f32 v54, v54;
	v54 =	vsub.f32 v55, v27  }
0x5ef: {  	v55 =	vld [tilespmem:s4+$0x11080]  }
0x5f0: {  	s4 =	sor.u32 $0xC40, s2;
	v52 =	vadd.f32 v53, v52;
	v53 =	vmul.f32 v54, v54;
	v54 =	vsub.f32 v56, v28  }
0x5f1: {  	v56 =	vld [tilespmem:s4+$0x11080]  }
0x5f2: {  	s4 =	sor.u32 $0xC50, s2;
	v52 =	vadd.f32 v53, v52;
	v53 =	vmul.f32 v54, v54;
	v54 =	vsub.f32 v57, v29  }
0x5f3: {  	v57 =	vld [tilespmem:s4+$0x11080]  }
0x5f4: {  	s4 =	sor.u32 $0xC60, s2;
	v52 =	vadd.f32 v53, v52;
	v53 =	vmul.f32 v54, v54;
	v54 =	vsub.f32 v55, v30  }
0x5f5: {  	v55 =	vld [tilespmem:s4+$0x11080]  }
0x5f6: {  	s2 =	sor.u32 $0xC70, s2;
	v52 =	vadd.f32 v53, v52;
	v53 =	vmul.f32 v54, v54;
	v54 =	vsub.f32 v56, v31  }
0x5f7: {  	v56 =	vld [tilespmem:s2+$0x11080]  }
0x5f8: {  	v52 =	vadd.f32 v53, v52;
	v53 =	vmul.f32 v54, v54;
	v54 =	vsub.f32 v57, v32;
	_ =	sdelay $0x1  }
0x5f9: {  	v52 =	vadd.f32 v53, v52;
	v53 =	vmul.f32 v54, v54;
	v54 =	vsub.f32 v55, v33;
	_ =	sdelay $0x1  }
0x5fa: {  	v52 =	vadd.f32 v53, v52;
	v53 =	vmul.f32 v54, v54;
	v54 =	vsub.f32 v56, v34;
	_ =	sdelay $0x1  }
0x5fb: {  	v52 =	vadd.f32 v53, v52;
	v53 =	vmul.f32 v54, v54;
	_ =	sdelay $0x1  }
0x5fc: {  	s2 =	sadd.s32 $0x180, s31;
	v52 =	vadd.f32 v53, v52  }
0x5fd: {  	s2 =	sand.u32 $0x380, s2  }
0x5fe: {  	s11 =	sadd.s32 s2, s11;
	[tilespmem:s29+$0x17180] =	vst v52  }
0x5ff: {  	v52 =	vld [tilespmem:s11+$0x0]  }
0x600: {  	v53 =	vld [tilespmem:s11+$0x10]  }
0x601: {  	v54 =	vld [tilespmem:s11+$0x20]  }
0x602: {  	v55 =	vld [tilespmem:s11+$0x30]  }
0x603: {  	v56 =	vld [tilespmem:s11+$0x40]  }
0x604: {  	v52 =	vsub.f32 v52, v3;
	v57 =	vld [tilespmem:s11+$0x50]  }
0x605: {  	v53 =	vsub.f32 v53, v4;
	v58 =	vld [tilespmem:s11+$0x60]  }
0x606: {  	v52 =	vmul.f32 v52, v52;
	v54 =	vsub.f32 v54, v5;
	v59 =	vld [tilespmem:s11+$0x70]  }
0x607: {  	v53 =	vmul.f32 v53, v53;
	v55 =	vsub.f32 v55, v6;
	v60 =	vld [tilespmem:s11+$0x400]  }
0x608: {  	v56 =	vsub.f32 v56, v7;
	v61 =	vld [tilespmem:s11+$0x410]  }
0x609: {  	v52 =	vadd.f32 v53, v52;
	v53 =	vmul.f32 v54, v54;
	v54 =	vsub.f32 v57, v8;
	v57 =	vld [tilespmem:s11+$0x420]  }
0x60a: {  	v58 =	vsub.f32 v58, v9;
	v62 =	vld [tilespmem:s11+$0x430]  }
0x60b: {  	v52 =	vadd.f32 v53, v52;
	v53 =	vmul.f32 v55, v55;
	v55 =	vsub.f32 v59, v10;
	v59 =	vld [tilespmem:s11+$0x440]  }
0x60c: {  	v60 =	vsub.f32 v60, v11;
	v63 =	vld [tilespmem:s11+$0x450]  }
0x60d: {  	v52 =	vadd.f32 v53, v52;
	v53 =	vmul.f32 v56, v56;
	v56 =	vsub.f32 v61, v12;
	v61 =	vld [tilespmem:s11+$0x460]  }
0x60e: {  	v57 =	vsub.f32 v57, v13;
	v2 =	vld [tilespmem:s11+$0x470]  }
0x60f: {  	v52 =	vadd.f32 v53, v52;
	v53 =	vmul.f32 v54, v54;
	v54 =	vsub.f32 v62, v14;
	v62 =	vld [tilespmem:s11+$0x800]  }
0x610: {  	v59 =	vsub.f32 v59, v15;
	v1 =	vld [tilespmem:s11+$0x810]  }
0x611: {  	v52 =	vadd.f32 v53, v52;
	v53 =	vmul.f32 v58, v58;
	v58 =	vsub.f32 v63, v16;
	v63 =	vld [tilespmem:s11+$0x820]  }
0x612: {  	v61 =	vsub.f32 v61, v17;
	v0 =	vld [tilespmem:s11+$0x830]  }
0x613: {  	v52 =	vadd.f32 v53, v52;
	v53 =	vmul.f32 v55, v55;
	v2 =	vsub.f32 v2, v18;
	v55 =	vld [tilespmem:s11+$0x840]  }
0x614: {  	v62 =	vsub.f32 v62, v19;
	v37 =	vld [tilespmem:s11+$0x850]  }
0x615: {  	v52 =	vadd.f32 v53, v52;
	v53 =	vmul.f32 v60, v60;
	v1 =	vsub.f32 v1, v20;
	v60 =	vld [tilespmem:s11+$0x860]  }
0x616: {  	v63 =	vsub.f32 v63, v21;
	v38 =	vld [tilespmem:s11+$0x870]  }
0x617: {  	v52 =	vadd.f32 v53, v52;
	v53 =	vmul.f32 v56, v56;
	v0 =	vsub.f32 v0, v22;
	v56 =	vld [tilespmem:s11+$0xC00]  }
0x618: {  	v55 =	vsub.f32 v55, v23;
	v39 =	vld [tilespmem:s11+$0xC10]  }
0x619: {  	v52 =	vadd.f32 v53, v52;
	v53 =	vmul.f32 v57, v57;
	v37 =	vsub.f32 v37, v24;
	v57 =	vld [tilespmem:s11+$0xC20]  }
0x61a: {  	v60 =	vsub.f32 v60, v25;
	v40 =	vld [tilespmem:s11+$0xC30]  }
0x61b: {  	v52 =	vadd.f32 v53, v52;
	v53 =	vmul.f32 v54, v54;
	v38 =	vsub.f32 v38, v26;
	v54 =	vld [tilespmem:s11+$0xC40]  }
0x61c: {  	v56 =	vsub.f32 v56, v27;
	v41 =	vld [tilespmem:s11+$0xC50]  }
0x61d: {  	v52 =	vadd.f32 v53, v52;
	v53 =	vmul.f32 v59, v59;
	v39 =	vsub.f32 v39, v28;
	v59 =	vld [tilespmem:s11+$0xC60]  }
0x61e: {  	v57 =	vsub.f32 v57, v29;
	v42 =	vld [tilespmem:s11+$0xC70]  }
0x61f: {  	v52 =	vadd.f32 v53, v52;
	v53 =	vmul.f32 v58, v58;
	v40 =	vsub.f32 v40, v30  }
0x620: {  	v54 =	vsub.f32 v54, v31  }
0x621: {  	v52 =	vadd.f32 v53, v52;
	v53 =	vmul.f32 v61, v61;
	v41 =	vsub.f32 v41, v32  }
0x622: {  	v58 =	vsub.f32 v59, v33  }
0x623: {  	v2 =	vmul.f32 v2, v2;
	v53 =	vadd.f32 v53, v52;
	v52 =	vsub.f32 v42, v34;
	_ =	sdelay $0x1  }
0x624: {  	v42 =	vmul.f32 v62, v62;
	v2 =	vadd.f32 v2, v53;
	_ =	sdelay $0x1  }
0x625: {  	v1 =	vmul.f32 v1, v1;
	v2 =	vadd.f32 v42, v2;
	_ =	sdelay $0x1  }
0x626: {  	v1 =	vadd.f32 v1, v2;
	v2 =	vmul.f32 v63, v63;
	_ =	sdelay $0x1  }
0x627: {  	v0 =	vmul.f32 v0, v0;
	v1 =	vadd.f32 v2, v1;
	_ =	sdelay $0x1  }
0x628: {  	v0 =	vadd.f32 v0, v1;
	v1 =	vmul.f32 v55, v55;
	_ =	sdelay $0x1  }
0x629: {  	v0 =	vadd.f32 v1, v0;
	v1 =	vmul.f32 v37, v37;
	_ =	sdelay $0x1  }
0x62a: {  	v0 =	vadd.f32 v1, v0;
	v1 =	vmul.f32 v60, v60;
	_ =	sdelay $0x1  }
0x62b: {  	v0 =	vadd.f32 v1, v0;
	v1 =	vmul.f32 v38, v38;
	_ =	sdelay $0x1  }
0x62c: {  	v0 =	vadd.f32 v1, v0;
	v1 =	vmul.f32 v56, v56;
	_ =	sdelay $0x1  }
0x62d: {  	v0 =	vadd.f32 v1, v0;
	v1 =	vmul.f32 v39, v39;
	_ =	sdelay $0x1  }
0x62e: {  	v0 =	vadd.f32 v1, v0;
	v1 =	vmul.f32 v57, v57;
	_ =	sdelay $0x1  }
0x62f: {  	v0 =	vadd.f32 v1, v0;
	v1 =	vmul.f32 v40, v40;
	_ =	sdelay $0x1  }
.Ltmp36:
0x630: {  	v0 =	vadd.f32 v1, v0;
	v1 =	vmul.f32 v54, v54;
	(pc) =	sbr.rel @p3 .LBB2_72-.Ltmp36, $3  }
0x631: {  	_ = 	snop  }
0x632: {  	v0 =	vadd.f32 v1, v0;
	v1 =	vmul.f32 v41, v41;
	_ =	sdelay $0x1  }
0x633: {  	v54 =	vmul.f32 v58, v58;
	v53 =	vadd.f32 v1, v0  }
0x634: {  	v40 =	vld [tilespmem:$0x1FF90];
	_ =	sdelay $0x1  }
0x635: {  	v1 =	vmul.f32 v52, v52;
	v38 =	vld [tilespmem:$0x1FFA0];
	v0 =	vadd.f32 v54, v53;
	_ =	sdelay $0x1  }
0x636: {  	v39 =	vld [tilespmem:$0x1FFB0];
	v0 =	vadd.f32 v1, v0  }
0x637: {  	v41 =	vld [tilespmem:$0x1FFC0]  }
0x638: {  	v56 =	vld [tilespmem:$0x1FFD0];
	[tilespmem:s29+$0x17200] =	vst v0  }
0x639: {  	v0 =	vld.idx.msk [tilespmem:v36+s20+$0x0], $0xffff  }
0x63a: {  	v1 =	vld.idx.msk [tilespmem:v40+s20+$0x0], $0xffff  }
0x63b: {  	v42 =	vld [tilespmem:$0x1FFE0]  }
0x63c: {  	v2 =	vld.idx.msk [tilespmem:v38+s20+$0x0], $0xffff;
	_ =	sdelay $0x1  }
0x63d: {  	v37 =	vld.idx.msk [tilespmem:v39+s20+$0x0], $0xffff  }
0x63e: {  	v0 =	vadd.f32 v1, v0  }
0x63f: {  	v1 =	vld.idx.msk [tilespmem:v41+s20+$0x0], $0xffff  }
0x640: {  	v0 =	vadd.f32 v2, v0  }
0x641: {  	v2 =	vld.idx.msk [tilespmem:v56+s20+$0x0], $0xffff  }
0x642: {  	v0 =	vadd.f32 v37, v0  }
0x643: {  	v60 =	vld.idx.msk [tilespmem:v42+s20+$0x0], $0xffff  }
0x644: {  	v0 =	vadd.f32 v1, v0  }
0x645: {  	v1 =	vld.idx.msk [tilespmem:v43+s20+$0x0], $0xffff  }
0x646: {  	v0 =	vadd.f32 v2, v0  }
0x647: {  	v2 =	vld.idx.msk [tilespmem:v44+s20+$0x0], $0xffff  }
0x648: {  	v0 =	vadd.f32 v60, v0  }
0x649: {  	v61 =	vld.idx.msk [tilespmem:v45+s20+$0x0], $0xffff  }
0x64a: {  	v0 =	vadd.f32 v1, v0  }
0x64b: {  	v1 =	vld.idx.msk [tilespmem:v46+s20+$0x0], $0xffff  }
0x64c: {  	v0 =	vadd.f32 v2, v0  }
0x64d: {  	v2 =	vld.idx.msk [tilespmem:v47+s20+$0x0], $0xffff  }
0x64e: {  	v0 =	vadd.f32 v61, v0  }
0x64f: {  	v62 =	vld.idx.msk [tilespmem:v48+s20+$0x0], $0xffff  }
0x650: {  	v0 =	vadd.f32 v1, v0  }
0x651: {  	v1 =	vld.idx.msk [tilespmem:v49+s20+$0x0], $0xffff  }
0x652: {  	v0 =	vadd.f32 v2, v0  }
0x653: {  	v2 =	vld.idx.msk [tilespmem:v50+s20+$0x0], $0xffff  }
0x654: {  	v0 =	vadd.f32 v62, v0  }
0x655: {  	v63 =	vld.idx.msk [tilespmem:v51+s20+$0x0], $0xffff  }
0x656: {  	s28 =	sadd.s32 $0x1, s28;
	v0 =	vadd.f32 v1, v0  }
0x657: {  	p2 =	sne.s32 s28, $0x3  }
.Ltmp37:
0x658: {  	v0 =	vadd.f32 v2, v0;
	(pc) =	sbr.rel @p2 .LBB2_71-.Ltmp37, $3  }
0x659: {  	_ = 	snop  }
0x65a: {  	v0 =	vadd.f32 v63, v0;
	_ =	sdelay $0x1  }
0x65b: {  	s26 =	sadd.s32 $0x2000, s26;
	v35 =	vmin.f32 v35, v0  }
.Ltmp38:
0x65c: {  	(pc) =	sbr.rel @p1 .LBB2_76-.Ltmp38, $1  }
0x65d: {  	_ =	sdelay $0x3  }
0x65e: {  	s0 =	smul.u32 $0x60, s24  }
.Ltmp39:
0x65f: {  	_ = 	snop;
	(pc) =	sbr.rel .LBB2_66-.Ltmp39, $4  }
0x660: {  	s0 =	sadd.s32 s0, s8  }
0x661: {  	s0 =	sshll.u32 s0, $0x6  }
0x662: {  	s24 =	sadd.s32 $0x1, s24;
	s0 =	sadd.s32 s1, s0  }
0x663: {  	v0 =	vlaneseq.u32;
	[tilespmem:s12], [sflag:$0x2] =	stream.linear.gather [hbm4b:s0+s3], $0x6000, $0x38;
	[tilespmem:$0x17920] =	vst v63  }
.LBB2_77:
0x664: {  	_ =	sfence.sel $0x180000  }
0x665: {  	[bflag:$0x0] =	sbarrier.arrive $0xFFFF  }
0x666: {  	_ =	strace $0x90000047  }
0x667: {  	[bflag:$0x2] =	sbarrier.arrive $0xFFFF  }
0x668: {  	s0 =	rddreg [dreg:$0x4]  }
0x669: {  	s0 =	sadd.s32 @!p0 $0x100000, s0  }
0x66a: {  	[sflag:s0] =	ssyncadd.tile.s32 @!p0 $0x1;
	_ =	shalt  }
.Lfunc_end2:
_tile_overlayer_lowered:
.L_overlay_start_2:
0x66b: {  	(tag) =	ssettag $0x2  }
0x66c: {  	s0 =	rddreg [dreg:$0x0];
	s2 =	stileid.u32  }
0x66d: {  	s1 =	rddreg [dreg:$0x1];
	p0 =	sne.s32 s2, $0x0  }
0x66e: {  	s3 =	rddreg [dreg:$0x2];
	[bflag:$0x3] =	sbarrier.arrive $0xFFFF;
	s2 =	simm.s32 @!p0 $0x1C04  }
0x66f: {  	[timem:s3], [sflag:s2] =	dma.local @!p0 [hbm:s0], s1  }
0x670: {  	s0 =	simm.s32 @!p0 $0x4  }
0x671: {  	_ =	swait.ge @!p0 [sflag:s0], s1  }
0x672: {  	s1 =	ssub.s32 @!p0 $0x0, s1;
	[sflag:s0] =	ssyncset.done @!p0 $0x0  }
0x673: {  	[sflag:s0] =	ssyncadd.s32 @!p0 s1  }
0x674: {  	[bflag:$0x3] =	sbarrier.arrive $0xFFFF  }
0x675: {  	_ =	shalt  }

</sc_bundles>
